<compile_context>
chip_gen: v7x
topology: tpu7x:2x2x1
jax: 0.10.2.dev20260603
libtpu: 0.0.44.dev20260713+nightly
codegen_flags: <defaults>
</compile_context>

<pallas_src>
import functools

import jax
import jax.numpy as jnp
from jax import lax
from jax.experimental import pallas as pl
from jax.experimental.pallas import tpu as pltpu
from jax.experimental.pallas import tpu_sc as plsc

N_NODES = 10000
N_EDGES = 320000
D = 128

NC = 2
NS = 16
NW = NC * NS

EDGES_PER_W = N_EDGES // NW
CHUNK = 80
NCHUNK = EDGES_PER_W // CHUNK
SBC = 5
NSB = NCHUNK // SBC
NBUF = 3
LEAD = 2
ROWS_PER_TILE = 624
REM_ROW0 = NS * ROWS_PER_TILE
REM_ROWS = N_NODES - REM_ROW0


def _sc_aggregate(x, src, dst):
    mesh = plsc.VectorSubcoreMesh(core_axis_name="c", subcore_axis_name="s")

    @functools.partial(
        pl.kernel,
        mesh=mesh,
        out_type=jax.ShapeDtypeStruct((NC, N_NODES, D), jnp.float32),
        scratch_types=[
            pltpu.VMEM((3, SBC, CHUNK), jnp.int32),
            pltpu.VMEM((3, SBC, CHUNK), jnp.int32),
            pltpu.VMEM((NBUF, CHUNK, D), jnp.float32),
            pltpu.VMEM_SHARED((N_NODES, D), jnp.float32),
            pltpu.SemaphoreType.DMA,
            pltpu.SemaphoreType.DMA,
            pltpu.SemaphoreType.DMA((NBUF,)),
        ],
    )
    def agg_kernel(x_hbm, src_hbm, dst_hbm, out_hbm, src_v, dst_v, rows_v, acc,
                   sem, isem, ssem):
        cid = lax.axis_index("c")
        sid = lax.axis_index("s")
        wid = cid * NS + sid

        def issue_idx_load(s, buf):
            pltpu.async_copy(src_hbm.at[wid, s], src_v.at[buf], isem)
            pltpu.async_copy(dst_hbm.at[wid, s], dst_v.at[buf], isem)

        def wait_idx_load(s, buf):
            pltpu.make_async_copy(src_hbm.at[wid, s], src_v.at[buf], isem).wait()
            pltpu.make_async_copy(dst_hbm.at[wid, s], dst_v.at[buf], isem).wait()

        def issue_gather(sbuf, row, b):
            pltpu.async_copy(x_hbm.at[src_v.at[sbuf].at[row]], rows_v.at[b], sem)

        issue_idx_load(0, 0)
        issue_idx_load(1, 1)

        zeros16 = jnp.zeros((16,), jnp.float32)
        zbuf = rows_v.at[NBUF - 1]

        def zero_row(r, _):
            for c in range(D // 16):
                zbuf[r, pl.ds(c * 16, 16)] = zeros16
            return 0

        lax.fori_loop(0, CHUNK, zero_row, 0)

        wait_idx_load(0, 0)
        for i in range(LEAD):
            issue_gather(0, i, i)

        row0 = sid * ROWS_PER_TILE
        nfull, nrem = divmod(ROWS_PER_TILE, CHUNK)
        for k in range(nfull):
            pltpu.sync_copy(zbuf, acc.at[pl.ds(row0 + k * CHUNK, CHUNK)])
        if nrem:
            pltpu.sync_copy(zbuf.at[pl.ds(0, nrem)],
                            acc.at[pl.ds(row0 + nfull * CHUNK, nrem)])

        @pl.when(sid == NS - 1)
        def _zero_rem():
            pltpu.sync_copy(zbuf.at[pl.ds(0, REM_ROWS)],
                            acc.at[pl.ds(REM_ROW0, REM_ROWS)])

        plsc.subcore_barrier()

        def sb_body(s, _):
            bsb = lax.rem(s, 3)
            bsb_next = lax.rem(s + 1, 3)
            for jj in range(SBC):
                j = s * SBC + jj
                b = lax.rem(j, NBUF)
                pltpu.make_async_copy(x_hbm.at[src_v.at[bsb].at[jj]],
                                      rows_v.at[b], sem).wait()
                pltpu.async_copy(rows_v.at[b], acc.at[dst_v.at[bsb].at[jj]],
                                 ssem.at[b], add=True)

                if jj == SBC - LEAD:
                    @pl.when(s + 1 < NSB)
                    def _wait_next_idx():
                        wait_idx_load(s + 1, bsb_next)

                bnext = lax.rem(j + LEAD, NBUF)

                @pl.when(j + LEAD < NCHUNK)
                def _lookahead_gather():
                    @pl.when(j >= NBUF - LEAD)
                    def _free_buf():
                        pltpu.make_async_copy(
                            rows_v.at[bnext], acc.at[dst_v.at[bsb].at[jj]],
                            ssem.at[bnext]).wait()
                    if jj + LEAD < SBC:
                        issue_gather(bsb, jj + LEAD, bnext)
                    else:
                        issue_gather(bsb_next, jj + LEAD - SBC, bnext)

            @pl.when(s + 2 < NSB)
            def _prefetch_idx():
                issue_idx_load(s + 2, lax.rem(s + 2, 3))

            return 0

        lax.fori_loop(0, NSB, sb_body, 0)

        for b in range(NBUF):
            pltpu.make_async_copy(rows_v.at[b], acc.at[dst_v.at[0].at[0]],
                                  ssem.at[b]).wait()
        plsc.subcore_barrier()

        pltpu.sync_copy(acc.at[pl.ds(row0, ROWS_PER_TILE)],
                        out_hbm.at[cid, pl.ds(row0, ROWS_PER_TILE)])

        @pl.when(sid == NS - 1)
        def _write_rem():
            pltpu.sync_copy(acc.at[pl.ds(REM_ROW0, REM_ROWS)],
                            out_hbm.at[cid, pl.ds(REM_ROW0, REM_ROWS)])

    return agg_kernel(x, src, dst)


def _tc_mlp(x, parts, W, b, relu):
    d_out = W.shape[1]
    block = 5000
    grid = N_NODES // block

    def mlp_kernel(x_ref, p_ref, w_ref, b_ref, o_ref):
        h = x_ref[...] + p_ref[0] + p_ref[1]
        y = jnp.dot(h, w_ref[...], preferred_element_type=jnp.float32) + b_ref[...]
        if relu:
            y = jnp.maximum(y, 0.0)
        o_ref[...] = y

    return pl.pallas_call(
        mlp_kernel,
        grid=(grid,),
        in_specs=[
            pl.BlockSpec((block, D), lambda i: (i, 0)),
            pl.BlockSpec((NC, block, D), lambda i: (0, i, 0)),
            pl.BlockSpec((D, d_out), lambda i: (0, 0)),
            pl.BlockSpec((1, d_out), lambda i: (0, 0)),
        ],
        out_specs=pl.BlockSpec((block, d_out), lambda i: (i, 0)),
        out_shape=jax.ShapeDtypeStruct((N_NODES, d_out), jnp.float32),
    )(x, parts, W, b.reshape(1, d_out))


def kernel(x, edge_index, W1, b1, W2, b2):
    src = edge_index[0].astype(jnp.int32).reshape(NW, NSB, SBC, CHUNK)
    dst = edge_index[1].astype(jnp.int32).reshape(NW, NSB, SBC, CHUNK)

    parts1 = _sc_aggregate(x, src, dst)
    h = _tc_mlp(x, parts1, W1, b1, relu=True)
    parts2 = _sc_aggregate(h, src, dst)
    out = _tc_mlp(h, parts2, W2, b2, relu=False)
    return out

# --- scband reference (transcript-rebuilt; emitter-appended) ---
"""Pipeline reference for scband-gin-2layer-71949292143002 (READ-ONLY COPY).

The authoritative reference and input builder live on the scoring server;
editing this copy changes nothing except your own understanding.
"""

import jax, jax.numpy as jnp
import numpy as np

N_NODES = 10000
N_EDGES = 320000
D_IN = 128
D_HID = 128
D_OUT = 64

def setup_inputs(seed: int = 0) -> dict:
    key = jax.random.key(seed)
    k1, k2, k3, k4, k5, k6 = jax.random.split(key, 6)
    x = jax.random.normal(k1, (N_NODES, D_IN), dtype=jnp.float32)
    edge_index = jax.random.randint(k2, (2, N_EDGES), 0, N_NODES, dtype=jnp.int64)
    # Linear layer params (torch.nn.Linear default init ~ U(-1/sqrt(fan_in), 1/sqrt(fan_in)))
    lim1 = 1.0 / np.sqrt(D_IN)
    W1 = jax.random.uniform(k3, (D_IN, D_HID), minval=-lim1, maxval=lim1, dtype=jnp.float32)
    b1 = jax.random.uniform(k4, (D_HID,), minval=-lim1, maxval=lim1, dtype=jnp.float32)
    lim2 = 1.0 / np.sqrt(D_HID)
    W2 = jax.random.uniform(k5, (D_HID, D_OUT), minval=-lim2, maxval=lim2, dtype=jnp.float32)
    b2 = jax.random.uniform(k6, (D_OUT,), minval=-lim2, maxval=lim2, dtype=jnp.float32)
    return {"x": x, "edge_index": edge_index, "W1": W1, "b1": b1, "W2": W2, "b2": b2}

def _gin_conv(x, src, dst, W, b):
    # GINConv with default eps=0: out = Linear((1+eps)*x + sum_{j in N(i)} x_j)
    msgs = jnp.take(x, src, axis=0)
    agg = jax.ops.segment_sum(msgs, dst, num_segments=N_NODES)
    h = x + agg
    return h @ W + b

def reference(x, edge_index, W1, b1, W2, b2):
    src = edge_index[0]
    dst = edge_index[1]
    h = _gin_conv(x, src, dst, W1, b1)
    h = jax.nn.relu(h)
    out = _gin_conv(h, src, dst, W2, b2)
    return out

if __name__ == "__main__":
    import jax
    _d = setup_inputs()
    print(jax.jit(kernel)(*tuple(_d.values())))

</pallas_src>

<mosaic_0001>
#map = affine_map<(d0, d1) -> (0, 0)>
#map1 = affine_map<(d0, d1) -> (0, 0, 0, 0)>
#map2 = affine_map<(d0, d1) -> (0, 0, 0)>
module attributes {stable_mosaic.version = 14 : i64} {
  func.func @agg_kernel(%arg0: i32, %arg1: i32, %arg2: memref<10000x128xf32, #tpu.memory_space<hbm>>, %arg3: memref<32x25x5x80xi32, #tpu.memory_space<hbm>>, %arg4: memref<32x25x5x80xi32, #tpu.memory_space<hbm>>, %arg5: memref<2x10000x128xf32, #tpu.memory_space<hbm>>, %arg6: memref<3x5x80xi32, #tpu.memory_space<vmem>>, %arg7: memref<3x5x80xi32, #tpu.memory_space<vmem>>, %arg8: memref<3x80x128xf32, #tpu.memory_space<vmem>>, %arg9: memref<10000x128xf32, #tpu.memory_space<vmem_shared>>, %arg10: memref<!tpu.dma_semaphore, #tpu.memory_space<semaphore_mem>>, %arg11: memref<!tpu.dma_semaphore, #tpu.memory_space<semaphore_mem>>, %arg12: memref<3x!tpu.dma_semaphore, #tpu.memory_space<semaphore_mem>>) attributes {dimension_semantics = [#tpu.dimension_semantics<core_parallel>, #tpu.dimension_semantics<subcore_parallel>], iteration_bounds = array<i64: 2, 16>, scalar_prefetch = 0 : i64, scratch_operands = 7 : i64, tpu.core_type = #tpu.core_type<sc_vector_subcore>, window_params = [{transform_indices = #map}, {transform_indices = #map1}, {transform_indices = #map1}, {transform_indices = #map2}]} {
    %mul3A = arith.constant 16 : i32
    %mul3A_0 = arith.muli %arg0, %mul3A : i32
    %add3A = arith.addi %mul3A_0, %arg1 : i32
    %dma_start3A = arith.constant 0 : i32
    %dma_start3A_1 = arith.constant 0 : i32
    %dma_start3A_2 = arith.constant 0 : i32
    %dma_start3A_3 = arith.constant 0 : i32
    %dma_start3A_4 = tpu.memref_slice %arg6[%dma_start3A_1, %dma_start3A_2, %dma_start3A_3] : memref<3x5x80xi32, #tpu.memory_space<vmem>> -> memref<1x5x80xi32, #tpu.memory_space<vmem>>
    %dma_start3A_5 = tpu.memref_squeeze %dma_start3A_4 : memref<1x5x80xi32, #tpu.memory_space<vmem>> -> memref<5x80xi32, #tpu.memory_space<vmem>>
    %dma_start3A_6 = arith.constant 0 : i32
    %dma_start3A_7 = arith.constant 0 : i32
    %dma_start3A_8 = tpu.memref_slice %arg3[%add3A, %dma_start3A, %dma_start3A_6, %dma_start3A_7] : memref<32x25x5x80xi32, #tpu.memory_space<hbm>> -> memref<1x1x5x80xi32, #tpu.memory_space<hbm>>
    %dma_start3A_9 = tpu.memref_squeeze %dma_start3A_8 : memref<1x1x5x80xi32, #tpu.memory_space<hbm>> -> memref<5x80xi32, #tpu.memory_space<hbm>>
    %dma_start3A_10 = arith.constant 0 : i32
    %dma_start3A_11 = arith.constant 0 : i32
    %dma_start3A_12 = tpu.memref_slice %arg6[%dma_start3A_1, %dma_start3A_10, %dma_start3A_11] : memref<3x5x80xi32, #tpu.memory_space<vmem>> -> memref<1x5x80xi32, #tpu.memory_space<vmem>>
    %dma_start3A_13 = tpu.memref_squeeze %dma_start3A_12 : memref<1x5x80xi32, #tpu.memory_space<vmem>> -> memref<5x80xi32, #tpu.memory_space<vmem>>
    %dma_start3A_14 = arith.constant 0 : i32
    %dma_start3A_15 = arith.constant 0 : i32
    %dma_start3A_16 = tpu.memref_slice %arg3[%add3A, %dma_start3A, %dma_start3A_14, %dma_start3A_15] : memref<32x25x5x80xi32, #tpu.memory_space<hbm>> -> memref<1x1x5x80xi32, #tpu.memory_space<hbm>>
    %dma_start3A_17 = tpu.memref_squeeze %dma_start3A_16 : memref<1x1x5x80xi32, #tpu.memory_space<hbm>> -> memref<5x80xi32, #tpu.memory_space<hbm>>
    tpu.enqueue_dma source(%dma_start3A_17 : memref<5x80xi32, #tpu.memory_space<hbm>>) target(%dma_start3A_13 : memref<5x80xi32, #tpu.memory_space<vmem>>) target_semaphore(%arg11 : memref<!tpu.dma_semaphore, #tpu.memory_space<semaphore_mem>>)
    %dma_start3A_18 = arith.constant 0 : i32
    %dma_start3A_19 = arith.constant 0 : i32
    %dma_start3A_20 = arith.constant 0 : i32
    %dma_start3A_21 = arith.constant 0 : i32
    %dma_start3A_22 = tpu.memref_slice %arg7[%dma_start3A_19, %dma_start3A_20, %dma_start3A_21] : memref<3x5x80xi32, #tpu.memory_space<vmem>> -> memref<1x5x80xi32, #tpu.memory_space<vmem>>
    %dma_start3A_23 = tpu.memref_squeeze %dma_start3A_22 : memref<1x5x80xi32, #tpu.memory_space<vmem>> -> memref<5x80xi32, #tpu.memory_space<vmem>>
    %dma_start3A_24 = arith.constant 0 : i32
    %dma_start3A_25 = arith.constant 0 : i32
    %dma_start3A_26 = tpu.memref_slice %arg4[%add3A, %dma_start3A_18, %dma_start3A_24, %dma_start3A_25] : memref<32x25x5x80xi32, #tpu.memory_space<hbm>> -> memref<1x1x5x80xi32, #tpu.memory_space<hbm>>
    %dma_start3A_27 = tpu.memref_squeeze %dma_start3A_26 : memref<1x1x5x80xi32, #tpu.memory_space<hbm>> -> memref<5x80xi32, #tpu.memory_space<hbm>>
    %dma_start3A_28 = arith.constant 0 : i32
    %dma_start3A_29 = arith.constant 0 : i32
    %dma_start3A_30 = tpu.memref_slice %arg7[%dma_start3A_19, %dma_start3A_28, %dma_start3A_29] : memref<3x5x80xi32, #tpu.memory_space<vmem>> -> memref<1x5x80xi32, #tpu.memory_space<vmem>>
    %dma_start3A_31 = tpu.memref_squeeze %dma_start3A_30 : memref<1x5x80xi32, #tpu.memory_space<vmem>> -> memref<5x80xi32, #tpu.memory_space<vmem>>
    %dma_start3A_32 = arith.constant 0 : i32
    %dma_start3A_33 = arith.constant 0 : i32
    %dma_start3A_34 = tpu.memref_slice %arg4[%add3A, %dma_start3A_18, %dma_start3A_32, %dma_start3A_33] : memref<32x25x5x80xi32, #tpu.memory_space<hbm>> -> memref<1x1x5x80xi32, #tpu.memory_space<hbm>>
    %dma_start3A_35 = tpu.memref_squeeze %dma_start3A_34 : memref<1x1x5x80xi32, #tpu.memory_space<hbm>> -> memref<5x80xi32, #tpu.memory_space<hbm>>
    tpu.enqueue_dma source(%dma_start3A_35 : memref<5x80xi32, #tpu.memory_space<hbm>>) target(%dma_start3A_31 : memref<5x80xi32, #tpu.memory_space<vmem>>) target_semaphore(%arg11 : memref<!tpu.dma_semaphore, #tpu.memory_space<semaphore_mem>>)
    %dma_start3A_36 = arith.constant 1 : i32
    %dma_start3A_37 = arith.constant 1 : i32
    %dma_start3A_38 = arith.constant 0 : i32
    %dma_start3A_39 = arith.constant 0 : i32
    %dma_start3A_40 = tpu.memref_slice %arg6[%dma_start3A_37, %dma_start3A_38, %dma_start3A_39] : memref<3x5x80xi32, #tpu.memory_space<vmem>> -> memref<1x5x80xi32, #tpu.memory_space<vmem>>
    %dma_start3A_41 = tpu.memref_squeeze %dma_start3A_40 : memref<1x5x80xi32, #tpu.memory_space<vmem>> -> memref<5x80xi32, #tpu.memory_space<vmem>>
    %dma_start3A_42 = arith.constant 0 : i32
    %dma_start3A_43 = arith.constant 0 : i32
    %dma_start3A_44 = tpu.memref_slice %arg3[%add3A, %dma_start3A_36, %dma_start3A_42, %dma_start3A_43] : memref<32x25x5x80xi32, #tpu.memory_space<hbm>> -> memref<1x1x5x80xi32, #tpu.memory_space<hbm>>
    %dma_start3A_45 = tpu.memref_squeeze %dma_start3A_44 : memref<1x1x5x80xi32, #tpu.memory_space<hbm>> -> memref<5x80xi32, #tpu.memory_space<hbm>>
    %dma_start3A_46 = arith.constant 0 : i32
    %dma_start3A_47 = arith.constant 0 : i32
    %dma_start3A_48 = tpu.memref_slice %arg6[%dma_start3A_37, %dma_start3A_46, %dma_start3A_47] : memref<3x5x80xi32, #tpu.memory_space<vmem>> -> memref<1x5x80xi32, #tpu.memory_space<vmem>>
    %dma_start3A_49 = tpu.memref_squeeze %dma_start3A_48 : memref<1x5x80xi32, #tpu.memory_space<vmem>> -> memref<5x80xi32, #tpu.memory_space<vmem>>
    %dma_start3A_50 = arith.constant 0 : i32
    %dma_start3A_51 = arith.constant 0 : i32
    %dma_start3A_52 = tpu.memref_slice %arg3[%add3A, %dma_start3A_36, %dma_start3A_50, %dma_start3A_51] : memref<32x25x5x80xi32, #tpu.memory_space<hbm>> -> memref<1x1x5x80xi32, #tpu.memory_space<hbm>>
    %dma_start3A_53 = tpu.memref_squeeze %dma_start3A_52 : memref<1x1x5x80xi32, #tpu.memory_space<hbm>> -> memref<5x80xi32, #tpu.memory_space<hbm>>
    tpu.enqueue_dma source(%dma_start3A_53 : memref<5x80xi32, #tpu.memory_space<hbm>>) target(%dma_start3A_49 : memref<5x80xi32, #tpu.memory_space<vmem>>) target_semaphore(%arg11 : memref<!tpu.dma_semaphore, #tpu.memory_space<semaphore_mem>>)
    %dma_start3A_54 = arith.constant 1 : i32
    %dma_start3A_55 = arith.constant 1 : i32
    %dma_start3A_56 = arith.constant 0 : i32
    %dma_start3A_57 = arith.constant 0 : i32
    %dma_start3A_58 = tpu.memref_slice %arg7[%dma_start3A_55, %dma_start3A_56, %dma_start3A_57] : memref<3x5x80xi32, #tpu.memory_space<vmem>> -> memref<1x5x80xi32, #tpu.memory_space<vmem>>
    %dma_start3A_59 = tpu.memref_squeeze %dma_start3A_58 : memref<1x5x80xi32, #tpu.memory_space<vmem>> -> memref<5x80xi32, #tpu.memory_space<vmem>>
    %dma_start3A_60 = arith.constant 0 : i32
    %dma_start3A_61 = arith.constant 0 : i32
    %dma_start3A_62 = tpu.memref_slice %arg4[%add3A, %dma_start3A_54, %dma_start3A_60, %dma_start3A_61] : memref<32x25x5x80xi32, #tpu.memory_space<hbm>> -> memref<1x1x5x80xi32, #tpu.memory_space<hbm>>
    %dma_start3A_63 = tpu.memref_squeeze %dma_start3A_62 : memref<1x1x5x80xi32, #tpu.memory_space<hbm>> -> memref<5x80xi32, #tpu.memory_space<hbm>>
    %dma_start3A_64 = arith.constant 0 : i32
    %dma_start3A_65 = arith.constant 0 : i32
    %dma_start3A_66 = tpu.memref_slice %arg7[%dma_start3A_55, %dma_start3A_64, %dma_start3A_65] : memref<3x5x80xi32, #tpu.memory_space<vmem>> -> memref<1x5x80xi32, #tpu.memory_space<vmem>>
    %dma_start3A_67 = tpu.memref_squeeze %dma_start3A_66 : memref<1x5x80xi32, #tpu.memory_space<vmem>> -> memref<5x80xi32, #tpu.memory_space<vmem>>
    %dma_start3A_68 = arith.constant 0 : i32
    %dma_start3A_69 = arith.constant 0 : i32
    %dma_start3A_70 = tpu.memref_slice %arg4[%add3A, %dma_start3A_54, %dma_start3A_68, %dma_start3A_69] : memref<32x25x5x80xi32, #tpu.memory_space<hbm>> -> memref<1x1x5x80xi32, #tpu.memory_space<hbm>>
    %dma_start3A_71 = tpu.memref_squeeze %dma_start3A_70 : memref<1x1x5x80xi32, #tpu.memory_space<hbm>> -> memref<5x80xi32, #tpu.memory_space<hbm>>
    tpu.enqueue_dma source(%dma_start3A_71 : memref<5x80xi32, #tpu.memory_space<hbm>>) target(%dma_start3A_67 : memref<5x80xi32, #tpu.memory_space<vmem>>) target_semaphore(%arg11 : memref<!tpu.dma_semaphore, #tpu.memory_space<semaphore_mem>>)
    %broadcast_in_dim3A = arith.constant 0.000000e+00 : f32
    %broadcast_in_dim3A_72 = vector.broadcast %broadcast_in_dim3A : f32 to vector<16xf32>
    %scan3A = arith.constant 2 : i32
    %scan3A_73 = arith.constant 0 : i32
    %scan3A_74 = arith.constant 0 : i32
    %scan3A_75 = arith.constant 80 : i32
    %scan3A_76 = arith.addi %scan3A_74, %scan3A_75 : i32
    %scan3A_77 = arith.constant 1 : i32
    %scan3A_78 = scf.for %scan3A_250 = %scan3A_74 to %scan3A_76 step %scan3A_77 iter_args(%scan3A_251 = %scan3A_73) -> (i32)  : i32 {
      %swap3A = arith.constant 0 : i32
      %swap3A_252 = arith.constant 0 : i32
      %swap3A_253 = tpu.memref_slice %arg8[%scan3A, %swap3A, %swap3A_252] : memref<3x80x128xf32, #tpu.memory_space<vmem>> -> memref<1x80x128xf32, #tpu.memory_space<vmem>>
      %swap3A_254 = tpu.memref_squeeze %swap3A_253 : memref<1x80x128xf32, #tpu.memory_space<vmem>> -> memref<80x128xf32, #tpu.memory_space<vmem>>
      %swap3A_255 = arith.index_cast %scan3A_250 : i32 to index
      %swap3A_256 = arith.constant 0 : index
      %swap3A_257 = tpu.vector_load %swap3A_254[%swap3A_255, %swap3A_256] {strides = array<i32>} : memref<80x128xf32, #tpu.memory_space<vmem>>, vector<1x16xf32>,
      %swap3A_258 = vector.shape_cast %swap3A_257 : vector<1x16xf32> to vector<16xf32>
      %swap3A_259 = vector.shape_cast %broadcast_in_dim3A_72 : vector<16xf32> to vector<1x16xf32>
      tpu.vector_store %swap3A_254[%swap3A_255, %swap3A_256], %swap3A_259 {strides = array<i32>} : memref<80x128xf32, #tpu.memory_space<vmem>>, vector<1x16xf32>,
      %swap3A_260 = arith.constant 0 : i32
      %swap3A_261 = arith.constant 0 : i32
      %swap3A_262 = tpu.memref_slice %arg8[%scan3A, %swap3A_260, %swap3A_261] : memref<3x80x128xf32, #tpu.memory_space<vmem>> -> memref<1x80x128xf32, #tpu.memory_space<vmem>>
      %swap3A_263 = tpu.memref_squeeze %swap3A_262 : memref<1x80x128xf32, #tpu.memory_space<vmem>> -> memref<80x128xf32, #tpu.memory_space<vmem>>
      %swap3A_264 = arith.index_cast %scan3A_250 : i32 to index
      %swap3A_265 = arith.constant 16 : index
      %swap3A_266 = tpu.vector_load %swap3A_263[%swap3A_264, %swap3A_265] {strides = array<i32>} : memref<80x128xf32, #tpu.memory_space<vmem>>, vector<1x16xf32>,
      %swap3A_267 = vector.shape_cast %swap3A_266 : vector<1x16xf32> to vector<16xf32>
      %swap3A_268 = vector.shape_cast %broadcast_in_dim3A_72 : vector<16xf32> to vector<1x16xf32>
      tpu.vector_store %swap3A_263[%swap3A_264, %swap3A_265], %swap3A_268 {strides = array<i32>} : memref<80x128xf32, #tpu.memory_space<vmem>>, vector<1x16xf32>,
      %swap3A_269 = arith.constant 0 : i32
      %swap3A_270 = arith.constant 0 : i32
      %swap3A_271 = tpu.memref_slice %arg8[%scan3A, %swap3A_269, %swap3A_270] : memref<3x80x128xf32, #tpu.memory_space<vmem>> -> memref<1x80x128xf32, #tpu.memory_space<vmem>>
      %swap3A_272 = tpu.memref_squeeze %swap3A_271 : memref<1x80x128xf32, #tpu.memory_space<vmem>> -> memref<80x128xf32, #tpu.memory_space<vmem>>
      %swap3A_273 = arith.index_cast %scan3A_250 : i32 to index
      %swap3A_274 = arith.constant 32 : index
      %swap3A_275 = tpu.vector_load %swap3A_272[%swap3A_273, %swap3A_274] {strides = array<i32>} : memref<80x128xf32, #tpu.memory_space<vmem>>, vector<1x16xf32>,
      %swap3A_276 = vector.shape_cast %swap3A_275 : vector<1x16xf32> to vector<16xf32>
      %swap3A_277 = vector.shape_cast %broadcast_in_dim3A_72 : vector<16xf32> to vector<1x16xf32>
      tpu.vector_store %swap3A_272[%swap3A_273, %swap3A_274], %swap3A_277 {strides = array<i32>} : memref<80x128xf32, #tpu.memory_space<vmem>>, vector<1x16xf32>,
      %swap3A_278 = arith.constant 0 : i32
      %swap3A_279 = arith.constant 0 : i32
      %swap3A_280 = tpu.memref_slice %arg8[%scan3A, %swap3A_278, %swap3A_279] : memref<3x80x128xf32, #tpu.memory_space<vmem>> -> memref<1x80x128xf32, #tpu.memory_space<vmem>>
      %swap3A_281 = tpu.memref_squeeze %swap3A_280 : memref<1x80x128xf32, #tpu.memory_space<vmem>> -> memref<80x128xf32, #tpu.memory_space<vmem>>
      %swap3A_282 = arith.index_cast %scan3A_250 : i32 to index
      %swap3A_283 = arith.constant 48 : index
      %swap3A_284 = tpu.vector_load %swap3A_281[%swap3A_282, %swap3A_283] {strides = array<i32>} : memref<80x128xf32, #tpu.memory_space<vmem>>, vector<1x16xf32>,
      %swap3A_285 = vector.shape_cast %swap3A_284 : vector<1x16xf32> to vector<16xf32>
      %swap3A_286 = vector.shape_cast %broadcast_in_dim3A_72 : vector<16xf32> to vector<1x16xf32>
      tpu.vector_store %swap3A_281[%swap3A_282, %swap3A_283], %swap3A_286 {strides = array<i32>} : memref<80x128xf32, #tpu.memory_space<vmem>>, vector<1x16xf32>,
      %swap3A_287 = arith.constant 0 : i32
      %swap3A_288 = arith.constant 0 : i32
      %swap3A_289 = tpu.memref_slice %arg8[%scan3A, %swap3A_287, %swap3A_288] : memref<3x80x128xf32, #tpu.memory_space<vmem>> -> memref<1x80x128xf32, #tpu.memory_space<vmem>>
      %swap3A_290 = tpu.memref_squeeze %swap3A_289 : memref<1x80x128xf32, #tpu.memory_space<vmem>> -> memref<80x128xf32, #tpu.memory_space<vmem>>
      %swap3A_291 = arith.index_cast %scan3A_250 : i32 to index
      %swap3A_292 = arith.constant 64 : index
      %swap3A_293 = tpu.vector_load %swap3A_290[%swap3A_291, %swap3A_292] {strides = array<i32>} : memref<80x128xf32, #tpu.memory_space<vmem>>, vector<1x16xf32>,
      %swap3A_294 = vector.shape_cast %swap3A_293 : vector<1x16xf32> to vector<16xf32>
      %swap3A_295 = vector.shape_cast %broadcast_in_dim3A_72 : vector<16xf32> to vector<1x16xf32>
      tpu.vector_store %swap3A_290[%swap3A_291, %swap3A_292], %swap3A_295 {strides = array<i32>} : memref<80x128xf32, #tpu.memory_space<vmem>>, vector<1x16xf32>,
      %swap3A_296 = arith.constant 0 : i32
      %swap3A_297 = arith.constant 0 : i32
      %swap3A_298 = tpu.memref_slice %arg8[%scan3A, %swap3A_296, %swap3A_297] : memref<3x80x128xf32, #tpu.memory_space<vmem>> -> memref<1x80x128xf32, #tpu.memory_space<vmem>>
      %swap3A_299 = tpu.memref_squeeze %swap3A_298 : memref<1x80x128xf32, #tpu.memory_space<vmem>> -> memref<80x128xf32, #tpu.memory_space<vmem>>
      %swap3A_300 = arith.index_cast %scan3A_250 : i32 to index
      %swap3A_301 = arith.constant 80 : index
      %swap3A_302 = tpu.vector_load %swap3A_299[%swap3A_300, %swap3A_301] {strides = array<i32>} : memref<80x128xf32, #tpu.memory_space<vmem>>, vector<1x16xf32>,
      %swap3A_303 = vector.shape_cast %swap3A_302 : vector<1x16xf32> to vector<16xf32>
      %swap3A_304 = vector.shape_cast %broadcast_in_dim3A_72 : vector<16xf32> to vector<1x16xf32>
      tpu.vector_store %swap3A_299[%swap3A_300, %swap3A_301], %swap3A_304 {strides = array<i32>} : memref<80x128xf32, #tpu.memory_space<vmem>>, vector<1x16xf32>,
      %swap3A_305 = arith.constant 0 : i32
      %swap3A_306 = arith.constant 0 : i32
      %swap3A_307 = tpu.memref_slice %arg8[%scan3A, %swap3A_305, %swap3A_306] : memref<3x80x128xf32, #tpu.memory_space<vmem>> -> memref<1x80x128xf32, #tpu.memory_space<vmem>>
      %swap3A_308 = tpu.memref_squeeze %swap3A_307 : memref<1x80x128xf32, #tpu.memory_space<vmem>> -> memref<80x128xf32, #tpu.memory_space<vmem>>
      %swap3A_309 = arith.index_cast %scan3A_250 : i32 to index
      %swap3A_310 = arith.constant 96 : index
      %swap3A_311 = tpu.vector_load %swap3A_308[%swap3A_309, %swap3A_310] {strides = array<i32>} : memref<80x128xf32, #tpu.memory_space<vmem>>, vector<1x16xf32>,
      %swap3A_312 = vector.shape_cast %swap3A_311 : vector<1x16xf32> to vector<16xf32>
      %swap3A_313 = vector.shape_cast %broadcast_in_dim3A_72 : vector<16xf32> to vector<1x16xf32>
      tpu.vector_store %swap3A_308[%swap3A_309, %swap3A_310], %swap3A_313 {strides = array<i32>} : memref<80x128xf32, #tpu.memory_space<vmem>>, vector<1x16xf32>,
      %swap3A_314 = arith.constant 0 : i32
      %swap3A_315 = arith.constant 0 : i32
      %swap3A_316 = tpu.memref_slice %arg8[%scan3A, %swap3A_314, %swap3A_315] : memref<3x80x128xf32, #tpu.memory_space<vmem>> -> memref<1x80x128xf32, #tpu.memory_space<vmem>>
      %swap3A_317 = tpu.memref_squeeze %swap3A_316 : memref<1x80x128xf32, #tpu.memory_space<vmem>> -> memref<80x128xf32, #tpu.memory_space<vmem>>
      %swap3A_318 = arith.index_cast %scan3A_250 : i32 to index
      %swap3A_319 = arith.constant 112 : index
      %swap3A_320 = tpu.vector_load %swap3A_317[%swap3A_318, %swap3A_319] {strides = array<i32>} : memref<80x128xf32, #tpu.memory_space<vmem>>, vector<1x16xf32>,
      %swap3A_321 = vector.shape_cast %swap3A_320 : vector<1x16xf32> to vector<16xf32>
      %swap3A_322 = vector.shape_cast %broadcast_in_dim3A_72 : vector<16xf32> to vector<1x16xf32>
      tpu.vector_store %swap3A_317[%swap3A_318, %swap3A_319], %swap3A_322 {strides = array<i32>} : memref<80x128xf32, #tpu.memory_space<vmem>>, vector<1x16xf32>,
      %scan3A_323 = arith.constant 0 : i32
      scf.yield %scan3A_323 : i32
    }
    %scan3A_79 = arith.constant 80 : i32
    %dma_wait3A = arith.constant 0 : i32
    %dma_wait3A_80 = arith.constant 0 : i32
    %dma_wait3A_81 = arith.constant 0 : i32
    %dma_wait3A_82 = arith.constant 0 : i32
    %dma_wait3A_83 = tpu.memref_slice %arg6[%dma_wait3A_80, %dma_wait3A_81, %dma_wait3A_82] : memref<3x5x80xi32, #tpu.memory_space<vmem>> -> memref<1x5x80xi32, #tpu.memory_space<vmem>>
    %dma_wait3A_84 = tpu.memref_squeeze %dma_wait3A_83 : memref<1x5x80xi32, #tpu.memory_space<vmem>> -> memref<5x80xi32, #tpu.memory_space<vmem>>
    %dma_wait3A_85 = arith.constant 0 : i32
    %dma_wait3A_86 = arith.constant 0 : i32
    %dma_wait3A_87 = tpu.memref_slice %arg3[%add3A, %dma_wait3A, %dma_wait3A_85, %dma_wait3A_86] : memref<32x25x5x80xi32, #tpu.memory_space<hbm>> -> memref<1x1x5x80xi32, #tpu.memory_space<hbm>>
    %dma_wait3A_88 = tpu.memref_squeeze %dma_wait3A_87 : memref<1x1x5x80xi32, #tpu.memory_space<hbm>> -> memref<5x80xi32, #tpu.memory_space<hbm>>
    %dma_wait3A_89 = arith.constant 0 : i32
    %dma_wait3A_90 = arith.constant 0 : i32
    %dma_wait3A_91 = tpu.memref_slice %arg6[%dma_wait3A_80, %dma_wait3A_89, %dma_wait3A_90] : memref<3x5x80xi32, #tpu.memory_space<vmem>> -> memref<1x5x80xi32, #tpu.memory_space<vmem>>
    %dma_wait3A_92 = tpu.memref_squeeze %dma_wait3A_91 : memref<1x5x80xi32, #tpu.memory_space<vmem>> -> memref<5x80xi32, #tpu.memory_space<vmem>>
    %dma_wait3A_93 = arith.constant 0 : i32
    %dma_wait3A_94 = arith.constant 0 : i32
    %dma_wait3A_95 = tpu.memref_slice %arg3[%add3A, %dma_wait3A, %dma_wait3A_93, %dma_wait3A_94] : memref<32x25x5x80xi32, #tpu.memory_space<hbm>> -> memref<1x1x5x80xi32, #tpu.memory_space<hbm>>
    %dma_wait3A_96 = tpu.memref_squeeze %dma_wait3A_95 : memref<1x1x5x80xi32, #tpu.memory_space<hbm>> -> memref<5x80xi32, #tpu.memory_space<hbm>>
    tpu.wait_dma2 semaphore(%arg11 : memref<!tpu.dma_semaphore, #tpu.memory_space<semaphore_mem>>) src(%dma_wait3A_96 : memref<5x80xi32, #tpu.memory_space<hbm>>) dst(%dma_wait3A_92 : memref<5x80xi32, #tpu.memory_space<vmem>>)
    %dma_wait3A_97 = arith.constant 0 : i32
    %dma_wait3A_98 = arith.constant 0 : i32
    %dma_wait3A_99 = arith.constant 0 : i32
    %dma_wait3A_100 = arith.constant 0 : i32
    %dma_wait3A_101 = tpu.memref_slice %arg7[%dma_wait3A_98, %dma_wait3A_99, %dma_wait3A_100] : memref<3x5x80xi32, #tpu.memory_space<vmem>> -> memref<1x5x80xi32, #tpu.memory_space<vmem>>
    %dma_wait3A_102 = tpu.memref_squeeze %dma_wait3A_101 : memref<1x5x80xi32, #tpu.memory_space<vmem>> -> memref<5x80xi32, #tpu.memory_space<vmem>>
    %dma_wait3A_103 = arith.constant 0 : i32
    %dma_wait3A_104 = arith.constant 0 : i32
    %dma_wait3A_105 = tpu.memref_slice %arg4[%add3A, %dma_wait3A_97, %dma_wait3A_103, %dma_wait3A_104] : memref<32x25x5x80xi32, #tpu.memory_space<hbm>> -> memref<1x1x5x80xi32, #tpu.memory_space<hbm>>
    %dma_wait3A_106 = tpu.memref_squeeze %dma_wait3A_105 : memref<1x1x5x80xi32, #tpu.memory_space<hbm>> -> memref<5x80xi32, #tpu.memory_space<hbm>>
    %dma_wait3A_107 = arith.constant 0 : i32
    %dma_wait3A_108 = arith.constant 0 : i32
    %dma_wait3A_109 = tpu.memref_slice %arg7[%dma_wait3A_98, %dma_wait3A_107, %dma_wait3A_108] : memref<3x5x80xi32, #tpu.memory_space<vmem>> -> memref<1x5x80xi32, #tpu.memory_space<vmem>>
    %dma_wait3A_110 = tpu.memref_squeeze %dma_wait3A_109 : memref<1x5x80xi32, #tpu.memory_space<vmem>> -> memref<5x80xi32, #tpu.memory_space<vmem>>
    %dma_wait3A_111 = arith.constant 0 : i32
    %dma_wait3A_112 = arith.constant 0 : i32
    %dma_wait3A_113 = tpu.memref_slice %arg4[%add3A, %dma_wait3A_97, %dma_wait3A_111, %dma_wait3A_112] : memref<32x25x5x80xi32, #tpu.memory_space<hbm>> -> memref<1x1x5x80xi32, #tpu.memory_space<hbm>>
    %dma_wait3A_114 = tpu.memref_squeeze %dma_wait3A_113 : memref<1x1x5x80xi32, #tpu.memory_space<hbm>> -> memref<5x80xi32, #tpu.memory_space<hbm>>
    tpu.wait_dma2 semaphore(%arg11 : memref<!tpu.dma_semaphore, #tpu.memory_space<semaphore_mem>>) src(%dma_wait3A_114 : memref<5x80xi32, #tpu.memory_space<hbm>>) dst(%dma_wait3A_110 : memref<5x80xi32, #tpu.memory_space<vmem>>)
    %dma_start3A_115 = arith.constant 0 : i32
    %dma_start3A_116 = arith.constant 0 : i32
    %dma_start3A_117 = arith.constant 0 : i32
    %dma_start3A_118 = arith.constant 0 : i32
    %dma_start3A_119 = arith.constant 0 : i32
    %dma_start3A_120 = tpu.memref_slice %arg8[%dma_start3A_117, %dma_start3A_118, %dma_start3A_119] : memref<3x80x128xf32, #tpu.memory_space<vmem>> -> memref<1x80x128xf32, #tpu.memory_space<vmem>>
    %dma_start3A_121 = tpu.memref_squeeze %dma_start3A_120 : memref<1x80x128xf32, #tpu.memory_space<vmem>> -> memref<80x128xf32, #tpu.memory_space<vmem>>
    %dma_start3A_122 = arith.constant 0 : i32
    %dma_start3A_123 = arith.constant 0 : i32
    %dma_start3A_124 = tpu.memref_slice %arg6[%dma_start3A_115, %dma_start3A_122, %dma_start3A_123] : memref<3x5x80xi32, #tpu.memory_space<vmem>> -> memref<1x5x80xi32, #tpu.memory_space<vmem>>
    %dma_start3A_125 = tpu.memref_squeeze %dma_start3A_124 : memref<1x5x80xi32, #tpu.memory_space<vmem>> -> memref<5x80xi32, #tpu.memory_space<vmem>>
    %dma_start3A_126 = arith.constant 0 : i32
    %dma_start3A_127 = tpu.memref_slice %dma_start3A_125[%dma_start3A_116, %dma_start3A_126] : memref<5x80xi32, #tpu.memory_space<vmem>> -> memref<1x80xi32, #tpu.memory_space<vmem>>
    %dma_start3A_128 = tpu.memref_squeeze %dma_start3A_127 : memref<1x80xi32, #tpu.memory_space<vmem>> -> memref<80xi32, #tpu.memory_space<vmem>>
    %dma_start3A_129 = arith.constant 0 : i32
    %dma_start3A_130 = arith.constant 0 : i32
    %dma_start3A_131 = tpu.memref_slice %arg2[%dma_start3A_129, %dma_start3A_130] : memref<10000x128xf32, #tpu.memory_space<hbm>> -> memref<10000x128xf32, #tpu.memory_space<hbm>>
    tpu.enqueue_indirect_dma source(%dma_start3A_131 : memref<10000x128xf32, #tpu.memory_space<hbm>>) target(%dma_start3A_121 : memref<80x128xf32, #tpu.memory_space<vmem>>) offsets(%dma_start3A_128 : memref<80xi32, #tpu.memory_space<vmem>>) semaphore(%arg10 : memref<!tpu.dma_semaphore, #tpu.memory_space<semaphore_mem>>)
    %dma_start3A_132 = arith.constant 0 : i32
    %dma_start3A_133 = arith.constant 1 : i32
    %dma_start3A_134 = arith.constant 1 : i32
    %dma_start3A_135 = arith.constant 0 : i32
    %dma_start3A_136 = arith.constant 0 : i32
    %dma_start3A_137 = tpu.memref_slice %arg8[%dma_start3A_134, %dma_start3A_135, %dma_start3A_136] : memref<3x80x128xf32, #tpu.memory_space<vmem>> -> memref<1x80x128xf32, #tpu.memory_space<vmem>>
    %dma_start3A_138 = tpu.memref_squeeze %dma_start3A_137 : memref<1x80x128xf32, #tpu.memory_space<vmem>> -> memref<80x128xf32, #tpu.memory_space<vmem>>
    %dma_start3A_139 = arith.constant 0 : i32
    %dma_start3A_140 = arith.constant 0 : i32
    %dma_start3A_141 = tpu.memref_slice %arg6[%dma_start3A_132, %dma_start3A_139, %dma_start3A_140] : memref<3x5x80xi32, #tpu.memory_space<vmem>> -> memref<1x5x80xi32, #tpu.memory_space<vmem>>
    %dma_start3A_142 = tpu.memref_squeeze %dma_start3A_141 : memref<1x5x80xi32, #tpu.memory_space<vmem>> -> memref<5x80xi32, #tpu.memory_space<vmem>>
    %dma_start3A_143 = arith.constant 0 : i32
    %dma_start3A_144 = tpu.memref_slice %dma_start3A_142[%dma_start3A_133, %dma_start3A_143] : memref<5x80xi32, #tpu.memory_space<vmem>> -> memref<1x80xi32, #tpu.memory_space<vmem>>
    %dma_start3A_145 = tpu.memref_squeeze %dma_start3A_144 : memref<1x80xi32, #tpu.memory_space<vmem>> -> memref<80xi32, #tpu.memory_space<vmem>>
    %dma_start3A_146 = arith.constant 0 : i32
    %dma_start3A_147 = arith.constant 0 : i32
    %dma_start3A_148 = tpu.memref_slice %arg2[%dma_start3A_146, %dma_start3A_147] : memref<10000x128xf32, #tpu.memory_space<hbm>> -> memref<10000x128xf32, #tpu.memory_space<hbm>>
    tpu.enqueue_indirect_dma source(%dma_start3A_148 : memref<10000x128xf32, #tpu.memory_space<hbm>>) target(%dma_start3A_138 : memref<80x128xf32, #tpu.memory_space<vmem>>) offsets(%dma_start3A_145 : memref<80xi32, #tpu.memory_space<vmem>>) semaphore(%arg10 : memref<!tpu.dma_semaphore, #tpu.memory_space<semaphore_mem>>)
    %mul3A_149 = arith.constant 624 : i32
    %mul3A_150 = arith.muli %arg1, %mul3A_149 : i32
    %add3A_151 = arith.constant 0 : i32
    %add3A_152 = arith.addi %mul3A_150, %add3A_151 : i32
    %run_scoped3A = arith.constant 2 : i32
    "tpu.region"() ({
      %run_scoped3A_250 = tpu.sem_alloc : memref<!tpu.dma_semaphore, #tpu.memory_space<semaphore_mem>>
      %dma_start3A_251 = arith.constant 0 : i32
      %dma_start3A_252 = arith.constant 0 : i32
      %dma_start3A_253 = tpu.memref_slice %arg8[%run_scoped3A, %dma_start3A_251, %dma_start3A_252] : memref<3x80x128xf32, #tpu.memory_space<vmem>> -> memref<1x80x128xf32, #tpu.memory_space<vmem>>
      %dma_start3A_254 = tpu.memref_squeeze %dma_start3A_253 : memref<1x80x128xf32, #tpu.memory_space<vmem>> -> memref<80x128xf32, #tpu.memory_space<vmem>>
      %dma_start3A_255 = arith.constant 0 : i32
      %dma_start3A_256 = tpu.memref_slice %arg9[%add3A_152, %dma_start3A_255] : memref<10000x128xf32, #tpu.memory_space<vmem_shared>> -> memref<80x128xf32, #tpu.memory_space<vmem_shared>>
      %dma_start3A_257 = arith.constant 0 : i32
      %dma_start3A_258 = tpu.memref_slice %arg9[%add3A_152, %dma_start3A_257] : memref<10000x128xf32, #tpu.memory_space<vmem_shared>> -> memref<80x128xf32, #tpu.memory_space<vmem_shared>>
      %dma_start3A_259 = arith.constant 0 : i32
      %dma_start3A_260 = arith.constant 0 : i32
      %dma_start3A_261 = tpu.memref_slice %arg8[%run_scoped3A, %dma_start3A_259, %dma_start3A_260] : memref<3x80x128xf32, #tpu.memory_space<vmem>> -> memref<1x80x128xf32, #tpu.memory_space<vmem>>
      %dma_start3A_262 = tpu.memref_squeeze %dma_start3A_261 : memref<1x80x128xf32, #tpu.memory_space<vmem>> -> memref<80x128xf32, #tpu.memory_space<vmem>>
      tpu.enqueue_dma source(%dma_start3A_262 : memref<80x128xf32, #tpu.memory_space<vmem>>) target(%dma_start3A_258 : memref<80x128xf32, #tpu.memory_space<vmem_shared>>) target_semaphore(%run_scoped3A_250 : memref<!tpu.dma_semaphore, #tpu.memory_space<semaphore_mem>>)
      %dma_wait3A_263 = arith.constant 0 : i32
      %dma_wait3A_264 = arith.constant 0 : i32
      %dma_wait3A_265 = tpu.memref_slice %arg8[%run_scoped3A, %dma_wait3A_263, %dma_wait3A_264] : memref<3x80x128xf32, #tpu.memory_space<vmem>> -> memref<1x80x128xf32, #tpu.memory_space<vmem>>
      %dma_wait3A_266 = tpu.memref_squeeze %dma_wait3A_265 : memref<1x80x128xf32, #tpu.memory_space<vmem>> -> memref<80x128xf32, #tpu.memory_space<vmem>>
      %dma_wait3A_267 = arith.constant 0 : i32
      %dma_wait3A_268 = tpu.memref_slice %arg9[%add3A_152, %dma_wait3A_267] : memref<10000x128xf32, #tpu.memory_space<vmem_shared>> -> memref<80x128xf32, #tpu.memory_space<vmem_shared>>
      %dma_wait3A_269 = arith.constant 0 : i32
      %dma_wait3A_270 = tpu.memref_slice %arg9[%add3A_152, %dma_wait3A_269] : memref<10000x128xf32, #tpu.memory_space<vmem_shared>> -> memref<80x128xf32, #tpu.memory_space<vmem_shared>>
      %dma_wait3A_271 = arith.constant 0 : i32
      %dma_wait3A_272 = arith.constant 0 : i32
      %dma_wait3A_273 = tpu.memref_slice %arg8[%run_scoped3A, %dma_wait3A_271, %dma_wait3A_272] : memref<3x80x128xf32, #tpu.memory_space<vmem>> -> memref<1x80x128xf32, #tpu.memory_space<vmem>>
      %dma_wait3A_274 = tpu.memref_squeeze %dma_wait3A_273 : memref<1x80x128xf32, #tpu.memory_space<vmem>> -> memref<80x128xf32, #tpu.memory_space<vmem>>
      tpu.wait_dma2 semaphore(%run_scoped3A_250 : memref<!tpu.dma_semaphore, #tpu.memory_space<semaphore_mem>>) src(%dma_wait3A_274 : memref<80x128xf32, #tpu.memory_space<vmem>>) dst(%dma_wait3A_270 : memref<80x128xf32, #tpu.memory_space<vmem_shared>>)
      tpu.yield
    }) : () -> ()
    %add3A_153 = arith.constant 80 : i32
    %add3A_154 = arith.addi %mul3A_150, %add3A_153 : i32
    %run_scoped3A_155 = arith.constant 2 : i32
    "tpu.region"() ({
      %run_scoped3A_250 = tpu.sem_alloc : memref<!tpu.dma_semaphore, #tpu.memory_space<semaphore_mem>>
      %dma_start3A_251 = arith.constant 0 : i32
      %dma_start3A_252 = arith.constant 0 : i32
      %dma_start3A_253 = tpu.memref_slice %arg8[%run_scoped3A_155, %dma_start3A_251, %dma_start3A_252] : memref<3x80x128xf32, #tpu.memory_space<vmem>> -> memref<1x80x128xf32, #tpu.memory_space<vmem>>
      %dma_start3A_254 = tpu.memref_squeeze %dma_start3A_253 : memref<1x80x128xf32, #tpu.memory_space<vmem>> -> memref<80x128xf32, #tpu.memory_space<vmem>>
      %dma_start3A_255 = arith.constant 0 : i32
      %dma_start3A_256 = tpu.memref_slice %arg9[%add3A_154, %dma_start3A_255] : memref<10000x128xf32, #tpu.memory_space<vmem_shared>> -> memref<80x128xf32, #tpu.memory_space<vmem_shared>>
      %dma_start3A_257 = arith.constant 0 : i32
      %dma_start3A_258 = tpu.memref_slice %arg9[%add3A_154, %dma_start3A_257] : memref<10000x128xf32, #tpu.memory_space<vmem_shared>> -> memref<80x128xf32, #tpu.memory_space<vmem_shared>>
      %dma_start3A_259 = arith.constant 0 : i32
      %dma_start3A_260 = arith.constant 0 : i32
      %dma_start3A_261 = tpu.memref_slice %arg8[%run_scoped3A_155, %dma_start3A_259, %dma_start3A_260] : memref<3x80x128xf32, #tpu.memory_space<vmem>> -> memref<1x80x128xf32, #tpu.memory_space<vmem>>
      %dma_start3A_262 = tpu.memref_squeeze %dma_start3A_261 : memref<1x80x128xf32, #tpu.memory_space<vmem>> -> memref<80x128xf32, #tpu.memory_space<vmem>>
      tpu.enqueue_dma source(%dma_start3A_262 : memref<80x128xf32, #tpu.memory_space<vmem>>) target(%dma_start3A_258 : memref<80x128xf32, #tpu.memory_space<vmem_shared>>) target_semaphore(%run_scoped3A_250 : memref<!tpu.dma_semaphore, #tpu.memory_space<semaphore_mem>>)
      %dma_wait3A_263 = arith.constant 0 : i32
      %dma_wait3A_264 = arith.constant 0 : i32
      %dma_wait3A_265 = tpu.memref_slice %arg8[%run_scoped3A_155, %dma_wait3A_263, %dma_wait3A_264] : memref<3x80x128xf32, #tpu.memory_space<vmem>> -> memref<1x80x128xf32, #tpu.memory_space<vmem>>
      %dma_wait3A_266 = tpu.memref_squeeze %dma_wait3A_265 : memref<1x80x128xf32, #tpu.memory_space<vmem>> -> memref<80x128xf32, #tpu.memory_space<vmem>>
      %dma_wait3A_267 = arith.constant 0 : i32
      %dma_wait3A_268 = tpu.memref_slice %arg9[%add3A_154, %dma_wait3A_267] : memref<10000x128xf32, #tpu.memory_space<vmem_shared>> -> memref<80x128xf32, #tpu.memory_space<vmem_shared>>
      %dma_wait3A_269 = arith.constant 0 : i32
      %dma_wait3A_270 = tpu.memref_slice %arg9[%add3A_154, %dma_wait3A_269] : memref<10000x128xf32, #tpu.memory_space<vmem_shared>> -> memref<80x128xf32, #tpu.memory_space<vmem_shared>>
      %dma_wait3A_271 = arith.constant 0 : i32
      %dma_wait3A_272 = arith.constant 0 : i32
      %dma_wait3A_273 = tpu.memref_slice %arg8[%run_scoped3A_155, %dma_wait3A_271, %dma_wait3A_272] : memref<3x80x128xf32, #tpu.memory_space<vmem>> -> memref<1x80x128xf32, #tpu.memory_space<vmem>>
      %dma_wait3A_274 = tpu.memref_squeeze %dma_wait3A_273 : memref<1x80x128xf32, #tpu.memory_space<vmem>> -> memref<80x128xf32, #tpu.memory_space<vmem>>
      tpu.wait_dma2 semaphore(%run_scoped3A_250 : memref<!tpu.dma_semaphore, #tpu.memory_space<semaphore_mem>>) src(%dma_wait3A_274 : memref<80x128xf32, #tpu.memory_space<vmem>>) dst(%dma_wait3A_270 : memref<80x128xf32, #tpu.memory_space<vmem_shared>>)
      tpu.yield
    }) : () -> ()
    %add3A_156 = arith.constant 160 : i32
    %add3A_157 = arith.addi %mul3A_150, %add3A_156 : i32
    %run_scoped3A_158 = arith.constant 2 : i32
    "tpu.region"() ({
      %run_scoped3A_250 = tpu.sem_alloc : memref<!tpu.dma_semaphore, #tpu.memory_space<semaphore_mem>>
      %dma_start3A_251 = arith.constant 0 : i32
      %dma_start3A_252 = arith.constant 0 : i32
      %dma_start3A_253 = tpu.memref_slice %arg8[%run_scoped3A_158, %dma_start3A_251, %dma_start3A_252] : memref<3x80x128xf32, #tpu.memory_space<vmem>> -> memref<1x80x128xf32, #tpu.memory_space<vmem>>
      %dma_start3A_254 = tpu.memref_squeeze %dma_start3A_253 : memref<1x80x128xf32, #tpu.memory_space<vmem>> -> memref<80x128xf32, #tpu.memory_space<vmem>>
      %dma_start3A_255 = arith.constant 0 : i32
      %dma_start3A_256 = tpu.memref_slice %arg9[%add3A_157, %dma_start3A_255] : memref<10000x128xf32, #tpu.memory_space<vmem_shared>> -> memref<80x128xf32, #tpu.memory_space<vmem_shared>>
      %dma_start3A_257 = arith.constant 0 : i32
      %dma_start3A_258 = tpu.memref_slice %arg9[%add3A_157, %dma_start3A_257] : memref<10000x128xf32, #tpu.memory_space<vmem_shared>> -> memref<80x128xf32, #tpu.memory_space<vmem_shared>>
      %dma_start3A_259 = arith.constant 0 : i32
      %dma_start3A_260 = arith.constant 0 : i32
      %dma_start3A_261 = tpu.memref_slice %arg8[%run_scoped3A_158, %dma_start3A_259, %dma_start3A_260] : memref<3x80x128xf32, #tpu.memory_space<vmem>> -> memref<1x80x128xf32, #tpu.memory_space<vmem>>
      %dma_start3A_262 = tpu.memref_squeeze %dma_start3A_261 : memref<1x80x128xf32, #tpu.memory_space<vmem>> -> memref<80x128xf32, #tpu.memory_space<vmem>>
      tpu.enqueue_dma source(%dma_start3A_262 : memref<80x128xf32, #tpu.memory_space<vmem>>) target(%dma_start3A_258 : memref<80x128xf32, #tpu.memory_space<vmem_shared>>) target_semaphore(%run_scoped3A_250 : memref<!tpu.dma_semaphore, #tpu.memory_space<semaphore_mem>>)
      %dma_wait3A_263 = arith.constant 0 : i32
      %dma_wait3A_264 = arith.constant 0 : i32
      %dma_wait3A_265 = tpu.memref_slice %arg8[%run_scoped3A_158, %dma_wait3A_263, %dma_wait3A_264] : memref<3x80x128xf32, #tpu.memory_space<vmem>> -> memref<1x80x128xf32, #tpu.memory_space<vmem>>
      %dma_wait3A_266 = tpu.memref_squeeze %dma_wait3A_265 : memref<1x80x128xf32, #tpu.memory_space<vmem>> -> memref<80x128xf32, #tpu.memory_space<vmem>>
      %dma_wait3A_267 = arith.constant 0 : i32
      %dma_wait3A_268 = tpu.memref_slice %arg9[%add3A_157, %dma_wait3A_267] : memref<10000x128xf32, #tpu.memory_space<vmem_shared>> -> memref<80x128xf32, #tpu.memory_space<vmem_shared>>
      %dma_wait3A_269 = arith.constant 0 : i32
      %dma_wait3A_270 = tpu.memref_slice %arg9[%add3A_157, %dma_wait3A_269] : memref<10000x128xf32, #tpu.memory_space<vmem_shared>> -> memref<80x128xf32, #tpu.memory_space<vmem_shared>>
      %dma_wait3A_271 = arith.constant 0 : i32
      %dma_wait3A_272 = arith.constant 0 : i32
      %dma_wait3A_273 = tpu.memref_slice %arg8[%run_scoped3A_158, %dma_wait3A_271, %dma_wait3A_272] : memref<3x80x128xf32, #tpu.memory_space<vmem>> -> memref<1x80x128xf32, #tpu.memory_space<vmem>>
      %dma_wait3A_274 = tpu.memref_squeeze %dma_wait3A_273 : memref<1x80x128xf32, #tpu.memory_space<vmem>> -> memref<80x128xf32, #tpu.memory_space<vmem>>
      tpu.wait_dma2 semaphore(%run_scoped3A_250 : memref<!tpu.dma_semaphore, #tpu.memory_space<semaphore_mem>>) src(%dma_wait3A_274 : memref<80x128xf32, #tpu.memory_space<vmem>>) dst(%dma_wait3A_270 : memref<80x128xf32, #tpu.memory_space<vmem_shared>>)
      tpu.yield
    }) : () -> ()
    %add3A_159 = arith.constant 240 : i32
    %add3A_160 = arith.addi %mul3A_150, %add3A_159 : i32
    %run_scoped3A_161 = arith.constant 2 : i32
    "tpu.region"() ({
      %run_scoped3A_250 = tpu.sem_alloc : memref<!tpu.dma_semaphore, #tpu.memory_space<semaphore_mem>>
      %dma_start3A_251 = arith.constant 0 : i32
      %dma_start3A_252 = arith.constant 0 : i32
      %dma_start3A_253 = tpu.memref_slice %arg8[%run_scoped3A_161, %dma_start3A_251, %dma_start3A_252] : memref<3x80x128xf32, #tpu.memory_space<vmem>> -> memref<1x80x128xf32, #tpu.memory_space<vmem>>
      %dma_start3A_254 = tpu.memref_squeeze %dma_start3A_253 : memref<1x80x128xf32, #tpu.memory_space<vmem>> -> memref<80x128xf32, #tpu.memory_space<vmem>>
      %dma_start3A_255 = arith.constant 0 : i32
      %dma_start3A_256 = tpu.memref_slice %arg9[%add3A_160, %dma_start3A_255] : memref<10000x128xf32, #tpu.memory_space<vmem_shared>> -> memref<80x128xf32, #tpu.memory_space<vmem_shared>>
      %dma_start3A_257 = arith.constant 0 : i32
      %dma_start3A_258 = tpu.memref_slice %arg9[%add3A_160, %dma_start3A_257] : memref<10000x128xf32, #tpu.memory_space<vmem_shared>> -> memref<80x128xf32, #tpu.memory_space<vmem_shared>>
      %dma_start3A_259 = arith.constant 0 : i32
      %dma_start3A_260 = arith.constant 0 : i32
      %dma_start3A_261 = tpu.memref_slice %arg8[%run_scoped3A_161, %dma_start3A_259, %dma_start3A_260] : memref<3x80x128xf32, #tpu.memory_space<vmem>> -> memref<1x80x128xf32, #tpu.memory_space<vmem>>
      %dma_start3A_262 = tpu.memref_squeeze %dma_start3A_261 : memref<1x80x128xf32, #tpu.memory_space<vmem>> -> memref<80x128xf32, #tpu.memory_space<vmem>>
      tpu.enqueue_dma source(%dma_start3A_262 : memref<80x128xf32, #tpu.memory_space<vmem>>) target(%dma_start3A_258 : memref<80x128xf32, #tpu.memory_space<vmem_shared>>) target_semaphore(%run_scoped3A_250 : memref<!tpu.dma_semaphore, #tpu.memory_space<semaphore_mem>>)
      %dma_wait3A_263 = arith.constant 0 : i32
      %dma_wait3A_264 = arith.constant 0 : i32
      %dma_wait3A_265 = tpu.memref_slice %arg8[%run_scoped3A_161, %dma_wait3A_263, %dma_wait3A_264] : memref<3x80x128xf32, #tpu.memory_space<vmem>> -> memref<1x80x128xf32, #tpu.memory_space<vmem>>
      %dma_wait3A_266 = tpu.memref_squeeze %dma_wait3A_265 : memref<1x80x128xf32, #tpu.memory_space<vmem>> -> memref<80x128xf32, #tpu.memory_space<vmem>>
      %dma_wait3A_267 = arith.constant 0 : i32
      %dma_wait3A_268 = tpu.memref_slice %arg9[%add3A_160, %dma_wait3A_267] : memref<10000x128xf32, #tpu.memory_space<vmem_shared>> -> memref<80x128xf32, #tpu.memory_space<vmem_shared>>
      %dma_wait3A_269 = arith.constant 0 : i32
      %dma_wait3A_270 = tpu.memref_slice %arg9[%add3A_160, %dma_wait3A_269] : memref<10000x128xf32, #tpu.memory_space<vmem_shared>> -> memref<80x128xf32, #tpu.memory_space<vmem_shared>>
      %dma_wait3A_271 = arith.constant 0 : i32
      %dma_wait3A_272 = arith.constant 0 : i32
      %dma_wait3A_273 = tpu.memref_slice %arg8[%run_scoped3A_161, %dma_wait3A_271, %dma_wait3A_272] : memref<3x80x128xf32, #tpu.memory_space<vmem>> -> memref<1x80x128xf32, #tpu.memory_space<vmem>>
      %dma_wait3A_274 = tpu.memref_squeeze %dma_wait3A_273 : memref<1x80x128xf32, #tpu.memory_space<vmem>> -> memref<80x128xf32, #tpu.memory_space<vmem>>
      tpu.wait_dma2 semaphore(%run_scoped3A_250 : memref<!tpu.dma_semaphore, #tpu.memory_space<semaphore_mem>>) src(%dma_wait3A_274 : memref<80x128xf32, #tpu.memory_space<vmem>>) dst(%dma_wait3A_270 : memref<80x128xf32, #tpu.memory_space<vmem_shared>>)
      tpu.yield
    }) : () -> ()
    %add3A_162 = arith.constant 320 : i32
    %add3A_163 = arith.addi %mul3A_150, %add3A_162 : i32
    %run_scoped3A_164 = arith.constant 2 : i32
    "tpu.region"() ({
      %run_scoped3A_250 = tpu.sem_alloc : memref<!tpu.dma_semaphore, #tpu.memory_space<semaphore_mem>>
      %dma_start3A_251 = arith.constant 0 : i32
      %dma_start3A_252 = arith.constant 0 : i32
      %dma_start3A_253 = tpu.memref_slice %arg8[%run_scoped3A_164, %dma_start3A_251, %dma_start3A_252] : memref<3x80x128xf32, #tpu.memory_space<vmem>> -> memref<1x80x128xf32, #tpu.memory_space<vmem>>
      %dma_start3A_254 = tpu.memref_squeeze %dma_start3A_253 : memref<1x80x128xf32, #tpu.memory_space<vmem>> -> memref<80x128xf32, #tpu.memory_space<vmem>>
      %dma_start3A_255 = arith.constant 0 : i32
      %dma_start3A_256 = tpu.memref_slice %arg9[%add3A_163, %dma_start3A_255] : memref<10000x128xf32, #tpu.memory_space<vmem_shared>> -> memref<80x128xf32, #tpu.memory_space<vmem_shared>>
      %dma_start3A_257 = arith.constant 0 : i32
      %dma_start3A_258 = tpu.memref_slice %arg9[%add3A_163, %dma_start3A_257] : memref<10000x128xf32, #tpu.memory_space<vmem_shared>> -> memref<80x128xf32, #tpu.memory_space<vmem_shared>>
      %dma_start3A_259 = arith.constant 0 : i32
      %dma_start3A_260 = arith.constant 0 : i32
      %dma_start3A_261 = tpu.memref_slice %arg8[%run_scoped3A_164, %dma_start3A_259, %dma_start3A_260] : memref<3x80x128xf32, #tpu.memory_space<vmem>> -> memref<1x80x128xf32, #tpu.memory_space<vmem>>
      %dma_start3A_262 = tpu.memref_squeeze %dma_start3A_261 : memref<1x80x128xf32, #tpu.memory_space<vmem>> -> memref<80x128xf32, #tpu.memory_space<vmem>>
      tpu.enqueue_dma source(%dma_start3A_262 : memref<80x128xf32, #tpu.memory_space<vmem>>) target(%dma_start3A_258 : memref<80x128xf32, #tpu.memory_space<vmem_shared>>) target_semaphore(%run_scoped3A_250 : memref<!tpu.dma_semaphore, #tpu.memory_space<semaphore_mem>>)
      %dma_wait3A_263 = arith.constant 0 : i32
      %dma_wait3A_264 = arith.constant 0 : i32
      %dma_wait3A_265 = tpu.memref_slice %arg8[%run_scoped3A_164, %dma_wait3A_263, %dma_wait3A_264] : memref<3x80x128xf32, #tpu.memory_space<vmem>> -> memref<1x80x128xf32, #tpu.memory_space<vmem>>
      %dma_wait3A_266 = tpu.memref_squeeze %dma_wait3A_265 : memref<1x80x128xf32, #tpu.memory_space<vmem>> -> memref<80x128xf32, #tpu.memory_space<vmem>>
      %dma_wait3A_267 = arith.constant 0 : i32
      %dma_wait3A_268 = tpu.memref_slice %arg9[%add3A_163, %dma_wait3A_267] : memref<10000x128xf32, #tpu.memory_space<vmem_shared>> -> memref<80x128xf32, #tpu.memory_space<vmem_shared>>
      %dma_wait3A_269 = arith.constant 0 : i32
      %dma_wait3A_270 = tpu.memref_slice %arg9[%add3A_163, %dma_wait3A_269] : memref<10000x128xf32, #tpu.memory_space<vmem_shared>> -> memref<80x128xf32, #tpu.memory_space<vmem_shared>>
      %dma_wait3A_271 = arith.constant 0 : i32
      %dma_wait3A_272 = arith.constant 0 : i32
      %dma_wait3A_273 = tpu.memref_slice %arg8[%run_scoped3A_164, %dma_wait3A_271, %dma_wait3A_272] : memref<3x80x128xf32, #tpu.memory_space<vmem>> -> memref<1x80x128xf32, #tpu.memory_space<vmem>>
      %dma_wait3A_274 = tpu.memref_squeeze %dma_wait3A_273 : memref<1x80x128xf32, #tpu.memory_space<vmem>> -> memref<80x128xf32, #tpu.memory_space<vmem>>
      tpu.wait_dma2 semaphore(%run_scoped3A_250 : memref<!tpu.dma_semaphore, #tpu.memory_space<semaphore_mem>>) src(%dma_wait3A_274 : memref<80x128xf32, #tpu.memory_space<vmem>>) dst(%dma_wait3A_270 : memref<80x128xf32, #tpu.memory_space<vmem_shared>>)
      tpu.yield
    }) : () -> ()
    %add3A_165 = arith.constant 400 : i32
    %add3A_166 = arith.addi %mul3A_150, %add3A_165 : i32
    %run_scoped3A_167 = arith.constant 2 : i32
    "tpu.region"() ({
      %run_scoped3A_250 = tpu.sem_alloc : memref<!tpu.dma_semaphore, #tpu.memory_space<semaphore_mem>>
      %dma_start3A_251 = arith.constant 0 : i32
      %dma_start3A_252 = arith.constant 0 : i32
      %dma_start3A_253 = tpu.memref_slice %arg8[%run_scoped3A_167, %dma_start3A_251, %dma_start3A_252] : memref<3x80x128xf32, #tpu.memory_space<vmem>> -> memref<1x80x128xf32, #tpu.memory_space<vmem>>
      %dma_start3A_254 = tpu.memref_squeeze %dma_start3A_253 : memref<1x80x128xf32, #tpu.memory_space<vmem>> -> memref<80x128xf32, #tpu.memory_space<vmem>>
      %dma_start3A_255 = arith.constant 0 : i32
      %dma_start3A_256 = tpu.memref_slice %arg9[%add3A_166, %dma_start3A_255] : memref<10000x128xf32, #tpu.memory_space<vmem_shared>> -> memref<80x128xf32, #tpu.memory_space<vmem_shared>>
      %dma_start3A_257 = arith.constant 0 : i32
      %dma_start3A_258 = tpu.memref_slice %arg9[%add3A_166, %dma_start3A_257] : memref<10000x128xf32, #tpu.memory_space<vmem_shared>> -> memref<80x128xf32, #tpu.memory_space<vmem_shared>>
      %dma_start3A_259 = arith.constant 0 : i32
      %dma_start3A_260 = arith.constant 0 : i32
      %dma_start3A_261 = tpu.memref_slice %arg8[%run_scoped3A_167, %dma_start3A_259, %dma_start3A_260] : memref<3x80x128xf32, #tpu.memory_space<vmem>> -> memref<1x80x128xf32, #tpu.memory_space<vmem>>
      %dma_start3A_262 = tpu.memref_squeeze %dma_start3A_261 : memref<1x80x128xf32, #tpu.memory_space<vmem>> -> memref<80x128xf32, #tpu.memory_space<vmem>>
      tpu.enqueue_dma source(%dma_start3A_262 : memref<80x128xf32, #tpu.memory_space<vmem>>) target(%dma_start3A_258 : memref<80x128xf32, #tpu.memory_space<vmem_shared>>) target_semaphore(%run_scoped3A_250 : memref<!tpu.dma_semaphore, #tpu.memory_space<semaphore_mem>>)
      %dma_wait3A_263 = arith.constant 0 : i32
      %dma_wait3A_264 = arith.constant 0 : i32
      %dma_wait3A_265 = tpu.memref_slice %arg8[%run_scoped3A_167, %dma_wait3A_263, %dma_wait3A_264] : memref<3x80x128xf32, #tpu.memory_space<vmem>> -> memref<1x80x128xf32, #tpu.memory_space<vmem>>
      %dma_wait3A_266 = tpu.memref_squeeze %dma_wait3A_265 : memref<1x80x128xf32, #tpu.memory_space<vmem>> -> memref<80x128xf32, #tpu.memory_space<vmem>>
      %dma_wait3A_267 = arith.constant 0 : i32
      %dma_wait3A_268 = tpu.memref_slice %arg9[%add3A_166, %dma_wait3A_267] : memref<10000x128xf32, #tpu.memory_space<vmem_shared>> -> memref<80x128xf32, #tpu.memory_space<vmem_shared>>
      %dma_wait3A_269 = arith.constant 0 : i32
      %dma_wait3A_270 = tpu.memref_slice %arg9[%add3A_166, %dma_wait3A_269] : memref<10000x128xf32, #tpu.memory_space<vmem_shared>> -> memref<80x128xf32, #tpu.memory_space<vmem_shared>>
      %dma_wait3A_271 = arith.constant 0 : i32
      %dma_wait3A_272 = arith.constant 0 : i32
      %dma_wait3A_273 = tpu.memref_slice %arg8[%run_scoped3A_167, %dma_wait3A_271, %dma_wait3A_272] : memref<3x80x128xf32, #tpu.memory_space<vmem>> -> memref<1x80x128xf32, #tpu.memory_space<vmem>>
      %dma_wait3A_274 = tpu.memref_squeeze %dma_wait3A_273 : memref<1x80x128xf32, #tpu.memory_space<vmem>> -> memref<80x128xf32, #tpu.memory_space<vmem>>
      tpu.wait_dma2 semaphore(%run_scoped3A_250 : memref<!tpu.dma_semaphore, #tpu.memory_space<semaphore_mem>>) src(%dma_wait3A_274 : memref<80x128xf32, #tpu.memory_space<vmem>>) dst(%dma_wait3A_270 : memref<80x128xf32, #tpu.memory_space<vmem_shared>>)
      tpu.yield
    }) : () -> ()
    %add3A_168 = arith.constant 480 : i32
    %add3A_169 = arith.addi %mul3A_150, %add3A_168 : i32
    %run_scoped3A_170 = arith.constant 2 : i32
    "tpu.region"() ({
      %run_scoped3A_250 = tpu.sem_alloc : memref<!tpu.dma_semaphore, #tpu.memory_space<semaphore_mem>>
      %dma_start3A_251 = arith.constant 0 : i32
      %dma_start3A_252 = arith.constant 0 : i32
      %dma_start3A_253 = tpu.memref_slice %arg8[%run_scoped3A_170, %dma_start3A_251, %dma_start3A_252] : memref<3x80x128xf32, #tpu.memory_space<vmem>> -> memref<1x80x128xf32, #tpu.memory_space<vmem>>
      %dma_start3A_254 = tpu.memref_squeeze %dma_start3A_253 : memref<1x80x128xf32, #tpu.memory_space<vmem>> -> memref<80x128xf32, #tpu.memory_space<vmem>>
      %dma_start3A_255 = arith.constant 0 : i32
      %dma_start3A_256 = tpu.memref_slice %arg9[%add3A_169, %dma_start3A_255] : memref<10000x128xf32, #tpu.memory_space<vmem_shared>> -> memref<80x128xf32, #tpu.memory_space<vmem_shared>>
      %dma_start3A_257 = arith.constant 0 : i32
      %dma_start3A_258 = tpu.memref_slice %arg9[%add3A_169, %dma_start3A_257] : memref<10000x128xf32, #tpu.memory_space<vmem_shared>> -> memref<80x128xf32, #tpu.memory_space<vmem_shared>>
      %dma_start3A_259 = arith.constant 0 : i32
      %dma_start3A_260 = arith.constant 0 : i32
      %dma_start3A_261 = tpu.memref_slice %arg8[%run_scoped3A_170, %dma_start3A_259, %dma_start3A_260] : memref<3x80x128xf32, #tpu.memory_space<vmem>> -> memref<1x80x128xf32, #tpu.memory_space<vmem>>
      %dma_start3A_262 = tpu.memref_squeeze %dma_start3A_261 : memref<1x80x128xf32, #tpu.memory_space<vmem>> -> memref<80x128xf32, #tpu.memory_space<vmem>>
      tpu.enqueue_dma source(%dma_start3A_262 : memref<80x128xf32, #tpu.memory_space<vmem>>) target(%dma_start3A_258 : memref<80x128xf32, #tpu.memory_space<vmem_shared>>) target_semaphore(%run_scoped3A_250 : memref<!tpu.dma_semaphore, #tpu.memory_space<semaphore_mem>>)
      %dma_wait3A_263 = arith.constant 0 : i32
      %dma_wait3A_264 = arith.constant 0 : i32
      %dma_wait3A_265 = tpu.memref_slice %arg8[%run_scoped3A_170, %dma_wait3A_263, %dma_wait3A_264] : memref<3x80x128xf32, #tpu.memory_space<vmem>> -> memref<1x80x128xf32, #tpu.memory_space<vmem>>
      %dma_wait3A_266 = tpu.memref_squeeze %dma_wait3A_265 : memref<1x80x128xf32, #tpu.memory_space<vmem>> -> memref<80x128xf32, #tpu.memory_space<vmem>>
      %dma_wait3A_267 = arith.constant 0 : i32
      %dma_wait3A_268 = tpu.memref_slice %arg9[%add3A_169, %dma_wait3A_267] : memref<10000x128xf32, #tpu.memory_space<vmem_shared>> -> memref<80x128xf32, #tpu.memory_space<vmem_shared>>
      %dma_wait3A_269 = arith.constant 0 : i32
      %dma_wait3A_270 = tpu.memref_slice %arg9[%add3A_169, %dma_wait3A_269] : memref<10000x128xf32, #tpu.memory_space<vmem_shared>> -> memref<80x128xf32, #tpu.memory_space<vmem_shared>>
      %dma_wait3A_271 = arith.constant 0 : i32
      %dma_wait3A_272 = arith.constant 0 : i32
      %dma_wait3A_273 = tpu.memref_slice %arg8[%run_scoped3A_170, %dma_wait3A_271, %dma_wait3A_272] : memref<3x80x128xf32, #tpu.memory_space<vmem>> -> memref<1x80x128xf32, #tpu.memory_space<vmem>>
      %dma_wait3A_274 = tpu.memref_squeeze %dma_wait3A_273 : memref<1x80x128xf32, #tpu.memory_space<vmem>> -> memref<80x128xf32, #tpu.memory_space<vmem>>
      tpu.wait_dma2 semaphore(%run_scoped3A_250 : memref<!tpu.dma_semaphore, #tpu.memory_space<semaphore_mem>>) src(%dma_wait3A_274 : memref<80x128xf32, #tpu.memory_space<vmem>>) dst(%dma_wait3A_270 : memref<80x128xf32, #tpu.memory_space<vmem_shared>>)
      tpu.yield
    }) : () -> ()
    %add3A_171 = arith.constant 560 : i32
    %add3A_172 = arith.addi %mul3A_150, %add3A_171 : i32
    %run_scoped3A_173 = arith.constant 2 : i32
    "tpu.region"() ({
      %run_scoped3A_250 = tpu.sem_alloc : memref<!tpu.dma_semaphore, #tpu.memory_space<semaphore_mem>>
      %dma_start3A_251 = arith.constant 0 : i32
      %dma_start3A_252 = arith.constant 0 : i32
      %dma_start3A_253 = tpu.memref_slice %arg8[%run_scoped3A_173, %dma_start3A_251, %dma_start3A_252] : memref<3x80x128xf32, #tpu.memory_space<vmem>> -> memref<1x80x128xf32, #tpu.memory_space<vmem>>
      %dma_start3A_254 = tpu.memref_squeeze %dma_start3A_253 : memref<1x80x128xf32, #tpu.memory_space<vmem>> -> memref<80x128xf32, #tpu.memory_space<vmem>>
      %dma_start3A_255 = arith.constant 0 : i32
      %dma_start3A_256 = arith.constant 0 : i32
      %dma_start3A_257 = tpu.memref_slice %dma_start3A_254[%dma_start3A_255, %dma_start3A_256] : memref<80x128xf32, #tpu.memory_space<vmem>> -> memref<64x128xf32, #tpu.memory_space<vmem>>
      %dma_start3A_258 = arith.constant 0 : i32
      %dma_start3A_259 = tpu.memref_slice %arg9[%add3A_172, %dma_start3A_258] : memref<10000x128xf32, #tpu.memory_space<vmem_shared>> -> memref<64x128xf32, #tpu.memory_space<vmem_shared>>
      %dma_start3A_260 = arith.constant 0 : i32
      %dma_start3A_261 = tpu.memref_slice %arg9[%add3A_172, %dma_start3A_260] : memref<10000x128xf32, #tpu.memory_space<vmem_shared>> -> memref<64x128xf32, #tpu.memory_space<vmem_shared>>
      %dma_start3A_262 = arith.constant 0 : i32
      %dma_start3A_263 = arith.constant 0 : i32
      %dma_start3A_264 = tpu.memref_slice %arg8[%run_scoped3A_173, %dma_start3A_262, %dma_start3A_263] : memref<3x80x128xf32, #tpu.memory_space<vmem>> -> memref<1x80x128xf32, #tpu.memory_space<vmem>>
      %dma_start3A_265 = tpu.memref_squeeze %dma_start3A_264 : memref<1x80x128xf32, #tpu.memory_space<vmem>> -> memref<80x128xf32, #tpu.memory_space<vmem>>
      %dma_start3A_266 = arith.constant 0 : i32
      %dma_start3A_267 = arith.constant 0 : i32
      %dma_start3A_268 = tpu.memref_slice %dma_start3A_265[%dma_start3A_266, %dma_start3A_267] : memref<80x128xf32, #tpu.memory_space<vmem>> -> memref<64x128xf32, #tpu.memory_space<vmem>>
      tpu.enqueue_dma source(%dma_start3A_268 : memref<64x128xf32, #tpu.memory_space<vmem>>) target(%dma_start3A_261 : memref<64x128xf32, #tpu.memory_space<vmem_shared>>) target_semaphore(%run_scoped3A_250 : memref<!tpu.dma_semaphore, #tpu.memory_space<semaphore_mem>>)
      %dma_wait3A_269 = arith.constant 0 : i32
      %dma_wait3A_270 = arith.constant 0 : i32
      %dma_wait3A_271 = tpu.memref_slice %arg8[%run_scoped3A_173, %dma_wait3A_269, %dma_wait3A_270] : memref<3x80x128xf32, #tpu.memory_space<vmem>> -> memref<1x80x128xf32, #tpu.memory_space<vmem>>
      %dma_wait3A_272 = tpu.memref_squeeze %dma_wait3A_271 : memref<1x80x128xf32, #tpu.memory_space<vmem>> -> memref<80x128xf32, #tpu.memory_space<vmem>>
      %dma_wait3A_273 = arith.constant 0 : i32
      %dma_wait3A_274 = arith.constant 0 : i32
      %dma_wait3A_275 = tpu.memref_slice %dma_wait3A_272[%dma_wait3A_273, %dma_wait3A_274] : memref<80x128xf32, #tpu.memory_space<vmem>> -> memref<64x128xf32, #tpu.memory_space<vmem>>
      %dma_wait3A_276 = arith.constant 0 : i32
      %dma_wait3A_277 = tpu.memref_slice %arg9[%add3A_172, %dma_wait3A_276] : memref<10000x128xf32, #tpu.memory_space<vmem_shared>> -> memref<64x128xf32, #tpu.memory_space<vmem_shared>>
      %dma_wait3A_278 = arith.constant 0 : i32
      %dma_wait3A_279 = tpu.memref_slice %arg9[%add3A_172, %dma_wait3A_278] : memref<10000x128xf32, #tpu.memory_space<vmem_shared>> -> memref<64x128xf32, #tpu.memory_space<vmem_shared>>
      %dma_wait3A_280 = arith.constant 0 : i32
      %dma_wait3A_281 = arith.constant 0 : i32
      %dma_wait3A_282 = tpu.memref_slice %arg8[%run_scoped3A_173, %dma_wait3A_280, %dma_wait3A_281] : memref<3x80x128xf32, #tpu.memory_space<vmem>> -> memref<1x80x128xf32, #tpu.memory_space<vmem>>
      %dma_wait3A_283 = tpu.memref_squeeze %dma_wait3A_282 : memref<1x80x128xf32, #tpu.memory_space<vmem>> -> memref<80x128xf32, #tpu.memory_space<vmem>>
      %dma_wait3A_284 = arith.constant 0 : i32
      %dma_wait3A_285 = arith.constant 0 : i32
      %dma_wait3A_286 = tpu.memref_slice %dma_wait3A_283[%dma_wait3A_284, %dma_wait3A_285] : memref<80x128xf32, #tpu.memory_space<vmem>> -> memref<64x128xf32, #tpu.memory_space<vmem>>
      tpu.wait_dma2 semaphore(%run_scoped3A_250 : memref<!tpu.dma_semaphore, #tpu.memory_space<semaphore_mem>>) src(%dma_wait3A_286 : memref<64x128xf32, #tpu.memory_space<vmem>>) dst(%dma_wait3A_279 : memref<64x128xf32, #tpu.memory_space<vmem_shared>>)
      tpu.yield
    }) : () -> ()
    %eq3A = arith.constant 15 : i32
    %eq3A_174 = arith.cmpi eq, %arg1, %eq3A : i32
    %convert_element_type3A = arith.extui %eq3A_174 : i1 to i32
    %cond3A = arith.constant 2 : i32
    %cond3A_175 = arith.constant 0 : i32
    %cond3A_176 = arith.cmpi ne, %convert_element_type3A, %cond3A_175 : i32
    scf.if %cond3A_176 {
      "tpu.region"() ({
        %run_scoped3A_250 = tpu.sem_alloc : memref<!tpu.dma_semaphore, #tpu.memory_space<semaphore_mem>>
        %dma_start3A_251 = arith.constant 0 : i32
        %dma_start3A_252 = arith.constant 0 : i32
        %dma_start3A_253 = tpu.memref_slice %arg8[%cond3A, %dma_start3A_251, %dma_start3A_252] : memref<3x80x128xf32, #tpu.memory_space<vmem>> -> memref<1x80x128xf32, #tpu.memory_space<vmem>>
        %dma_start3A_254 = tpu.memref_squeeze %dma_start3A_253 : memref<1x80x128xf32, #tpu.memory_space<vmem>> -> memref<80x128xf32, #tpu.memory_space<vmem>>
        %dma_start3A_255 = arith.constant 0 : i32
        %dma_start3A_256 = arith.constant 0 : i32
        %dma_start3A_257 = tpu.memref_slice %dma_start3A_254[%dma_start3A_255, %dma_start3A_256] : memref<80x128xf32, #tpu.memory_space<vmem>> -> memref<16x128xf32, #tpu.memory_space<vmem>>
        %dma_start3A_258 = arith.constant 9984 : i32
        %dma_start3A_259 = arith.constant 0 : i32
        %dma_start3A_260 = tpu.memref_slice %arg9[%dma_start3A_258, %dma_start3A_259] : memref<10000x128xf32, #tpu.memory_space<vmem_shared>> -> memref<16x128xf32, #tpu.memory_space<vmem_shared>>
        %dma_start3A_261 = arith.constant 9984 : i32
        %dma_start3A_262 = arith.constant 0 : i32
        %dma_start3A_263 = tpu.memref_slice %arg9[%dma_start3A_261, %dma_start3A_262] : memref<10000x128xf32, #tpu.memory_space<vmem_shared>> -> memref<16x128xf32, #tpu.memory_space<vmem_shared>>
        %dma_start3A_264 = arith.constant 0 : i32
        %dma_start3A_265 = arith.constant 0 : i32
        %dma_start3A_266 = tpu.memref_slice %arg8[%cond3A, %dma_start3A_264, %dma_start3A_265] : memref<3x80x128xf32, #tpu.memory_space<vmem>> -> memref<1x80x128xf32, #tpu.memory_space<vmem>>
        %dma_start3A_267 = tpu.memref_squeeze %dma_start3A_266 : memref<1x80x128xf32, #tpu.memory_space<vmem>> -> memref<80x128xf32, #tpu.memory_space<vmem>>
        %dma_start3A_268 = arith.constant 0 : i32
        %dma_start3A_269 = arith.constant 0 : i32
        %dma_start3A_270 = tpu.memref_slice %dma_start3A_267[%dma_start3A_268, %dma_start3A_269] : memref<80x128xf32, #tpu.memory_space<vmem>> -> memref<16x128xf32, #tpu.memory_space<vmem>>
        tpu.enqueue_dma source(%dma_start3A_270 : memref<16x128xf32, #tpu.memory_space<vmem>>) target(%dma_start3A_263 : memref<16x128xf32, #tpu.memory_space<vmem_shared>>) target_semaphore(%run_scoped3A_250 : memref<!tpu.dma_semaphore, #tpu.memory_space<semaphore_mem>>)
        %dma_wait3A_271 = arith.constant 0 : i32
        %dma_wait3A_272 = arith.constant 0 : i32
        %dma_wait3A_273 = tpu.memref_slice %arg8[%cond3A, %dma_wait3A_271, %dma_wait3A_272] : memref<3x80x128xf32, #tpu.memory_space<vmem>> -> memref<1x80x128xf32, #tpu.memory_space<vmem>>
        %dma_wait3A_274 = tpu.memref_squeeze %dma_wait3A_273 : memref<1x80x128xf32, #tpu.memory_space<vmem>> -> memref<80x128xf32, #tpu.memory_space<vmem>>
        %dma_wait3A_275 = arith.constant 0 : i32
        %dma_wait3A_276 = arith.constant 0 : i32
        %dma_wait3A_277 = tpu.memref_slice %dma_wait3A_274[%dma_wait3A_275, %dma_wait3A_276] : memref<80x128xf32, #tpu.memory_space<vmem>> -> memref<16x128xf32, #tpu.memory_space<vmem>>
        %dma_wait3A_278 = arith.constant 9984 : i32
        %dma_wait3A_279 = arith.constant 0 : i32
        %dma_wait3A_280 = tpu.memref_slice %arg9[%dma_wait3A_278, %dma_wait3A_279] : memref<10000x128xf32, #tpu.memory_space<vmem_shared>> -> memref<16x128xf32, #tpu.memory_space<vmem_shared>>
        %dma_wait3A_281 = arith.constant 9984 : i32
        %dma_wait3A_282 = arith.constant 0 : i32
        %dma_wait3A_283 = tpu.memref_slice %arg9[%dma_wait3A_281, %dma_wait3A_282] : memref<10000x128xf32, #tpu.memory_space<vmem_shared>> -> memref<16x128xf32, #tpu.memory_space<vmem_shared>>
        %dma_wait3A_284 = arith.constant 0 : i32
        %dma_wait3A_285 = arith.constant 0 : i32
        %dma_wait3A_286 = tpu.memref_slice %arg8[%cond3A, %dma_wait3A_284, %dma_wait3A_285] : memref<3x80x128xf32, #tpu.memory_space<vmem>> -> memref<1x80x128xf32, #tpu.memory_space<vmem>>
        %dma_wait3A_287 = tpu.memref_squeeze %dma_wait3A_286 : memref<1x80x128xf32, #tpu.memory_space<vmem>> -> memref<80x128xf32, #tpu.memory_space<vmem>>
        %dma_wait3A_288 = arith.constant 0 : i32
        %dma_wait3A_289 = arith.constant 0 : i32
        %dma_wait3A_290 = tpu.memref_slice %dma_wait3A_287[%dma_wait3A_288, %dma_wait3A_289] : memref<80x128xf32, #tpu.memory_space<vmem>> -> memref<16x128xf32, #tpu.memory_space<vmem>>
        tpu.wait_dma2 semaphore(%run_scoped3A_250 : memref<!tpu.dma_semaphore, #tpu.memory_space<semaphore_mem>>) src(%dma_wait3A_290 : memref<16x128xf32, #tpu.memory_space<vmem>>) dst(%dma_wait3A_283 : memref<16x128xf32, #tpu.memory_space<vmem_shared>>)
        tpu.yield
      }) : () -> ()
    } else {
    }
    %barrier3A = arith.constant 0 : index
    tpu.barrier barrier_id(%barrier3A)
    %scan3A_177 = arith.constant 0 : i32
    %scan3A_178 = arith.constant 0 : i32
    %scan3A_179 = arith.constant 25 : i32
    %scan3A_180 = arith.addi %scan3A_178, %scan3A_179 : i32
    %scan3A_181 = arith.constant 1 : i32
    %scan3A_182 = scf.for %scan3A_250 = %scan3A_178 to %scan3A_180 step %scan3A_181 iter_args(%scan3A_251 = %scan3A_177) -> (i32)  : i32 {
      %rem3A = arith.constant 3 : i32
      %rem3A_252 = arith.remsi %scan3A_250, %rem3A : i32
      %add3A_253 = arith.constant 1 : i32
      %add3A_254 = arith.addi %scan3A_250, %add3A_253 : i32
      %rem3A_255 = arith.constant 3 : i32
      %rem3A_256 = arith.remsi %add3A_254, %rem3A_255 : i32
      %mul3A_257 = arith.constant 5 : i32
      %mul3A_258 = arith.muli %scan3A_250, %mul3A_257 : i32
      %add3A_259 = arith.constant 0 : i32
      %add3A_260 = arith.addi %mul3A_258, %add3A_259 : i32
      %rem3A_261 = arith.constant 3 : i32
      %rem3A_262 = arith.remsi %add3A_260, %rem3A_261 : i32
      %dma_wait3A_263 = arith.constant 0 : i32
      %dma_wait3A_264 = arith.constant 0 : i32
      %dma_wait3A_265 = arith.constant 0 : i32
      %dma_wait3A_266 = tpu.memref_slice %arg8[%rem3A_262, %dma_wait3A_264, %dma_wait3A_265] : memref<3x80x128xf32, #tpu.memory_space<vmem>> -> memref<1x80x128xf32, #tpu.memory_space<vmem>>
      %dma_wait3A_267 = tpu.memref_squeeze %dma_wait3A_266 : memref<1x80x128xf32, #tpu.memory_space<vmem>> -> memref<80x128xf32, #tpu.memory_space<vmem>>
      %dma_wait3A_268 = arith.constant 0 : i32
      %dma_wait3A_269 = arith.constant 0 : i32
      %dma_wait3A_270 = tpu.memref_slice %arg6[%rem3A_252, %dma_wait3A_268, %dma_wait3A_269] : memref<3x5x80xi32, #tpu.memory_space<vmem>> -> memref<1x5x80xi32, #tpu.memory_space<vmem>>
      %dma_wait3A_271 = tpu.memref_squeeze %dma_wait3A_270 : memref<1x5x80xi32, #tpu.memory_space<vmem>> -> memref<5x80xi32, #tpu.memory_space<vmem>>
      %dma_wait3A_272 = arith.constant 0 : i32
      %dma_wait3A_273 = tpu.memref_slice %dma_wait3A_271[%dma_wait3A_263, %dma_wait3A_272] : memref<5x80xi32, #tpu.memory_space<vmem>> -> memref<1x80xi32, #tpu.memory_space<vmem>>
      %dma_wait3A_274 = tpu.memref_squeeze %dma_wait3A_273 : memref<1x80xi32, #tpu.memory_space<vmem>> -> memref<80xi32, #tpu.memory_space<vmem>>
      %dma_wait3A_275 = arith.constant 0 : i32
      %dma_wait3A_276 = arith.constant 0 : i32
      %dma_wait3A_277 = tpu.memref_slice %arg2[%dma_wait3A_275, %dma_wait3A_276] : memref<10000x128xf32, #tpu.memory_space<hbm>> -> memref<10000x128xf32, #tpu.memory_space<hbm>>
      tpu.wait_indirect_dma semaphore(%arg10 : memref<!tpu.dma_semaphore, #tpu.memory_space<semaphore_mem>>) src(%dma_wait3A_277 : memref<10000x128xf32, #tpu.memory_space<hbm>>) dst(%dma_wait3A_267 : memref<80x128xf32, #tpu.memory_space<vmem>>)
      %dma_start3A_278 = arith.constant 0 : i32
      %dma_start3A_279 = arith.constant 0 : i32
      %dma_start3A_280 = arith.constant 0 : i32
      %dma_start3A_281 = tpu.memref_slice %arg8[%rem3A_262, %dma_start3A_279, %dma_start3A_280] : memref<3x80x128xf32, #tpu.memory_space<vmem>> -> memref<1x80x128xf32, #tpu.memory_space<vmem>>
      %dma_start3A_282 = tpu.memref_squeeze %dma_start3A_281 : memref<1x80x128xf32, #tpu.memory_space<vmem>> -> memref<80x128xf32, #tpu.memory_space<vmem>>
      %dma_start3A_283 = arith.constant 0 : i32
      %dma_start3A_284 = arith.constant 0 : i32
      %dma_start3A_285 = tpu.memref_slice %arg7[%rem3A_252, %dma_start3A_283, %dma_start3A_284] : memref<3x5x80xi32, #tpu.memory_space<vmem>> -> memref<1x5x80xi32, #tpu.memory_space<vmem>>
      %dma_start3A_286 = tpu.memref_squeeze %dma_start3A_285 : memref<1x5x80xi32, #tpu.memory_space<vmem>> -> memref<5x80xi32, #tpu.memory_space<vmem>>
      %dma_start3A_287 = arith.constant 0 : i32
      %dma_start3A_288 = tpu.memref_slice %dma_start3A_286[%dma_start3A_278, %dma_start3A_287] : memref<5x80xi32, #tpu.memory_space<vmem>> -> memref<1x80xi32, #tpu.memory_space<vmem>>
      %dma_start3A_289 = tpu.memref_squeeze %dma_start3A_288 : memref<1x80xi32, #tpu.memory_space<vmem>> -> memref<80xi32, #tpu.memory_space<vmem>>
      %dma_start3A_290 = arith.constant 0 : i32
      %dma_start3A_291 = arith.constant 0 : i32
      %dma_start3A_292 = tpu.memref_slice %arg9[%dma_start3A_290, %dma_start3A_291] : memref<10000x128xf32, #tpu.memory_space<vmem_shared>> -> memref<10000x128xf32, #tpu.memory_space<vmem_shared>>
      %dma_start3A_293 = tpu.memref_slice %arg12[%rem3A_262] : memref<3x!tpu.dma_semaphore, #tpu.memory_space<semaphore_mem>> -> memref<1x!tpu.dma_semaphore, #tpu.memory_space<semaphore_mem>>
      %dma_start3A_294 = tpu.memref_squeeze %dma_start3A_293 : memref<1x!tpu.dma_semaphore, #tpu.memory_space<semaphore_mem>> -> memref<!tpu.dma_semaphore, #tpu.memory_space<semaphore_mem>>
      tpu.enqueue_indirect_dma source(%dma_start3A_282 : memref<80x128xf32, #tpu.memory_space<vmem>>) target(%dma_start3A_292 : memref<10000x128xf32, #tpu.memory_space<vmem_shared>>) offsets(%dma_start3A_289 : memref<80xi32, #tpu.memory_space<vmem>>) semaphore(%dma_start3A_294 : memref<!tpu.dma_semaphore, #tpu.memory_space<semaphore_mem>>) {add = true}
      %add3A_295 = arith.constant 2 : i32
      %add3A_296 = arith.addi %add3A_260, %add3A_295 : i32
      %rem3A_297 = arith.constant 3 : i32
      %rem3A_298 = arith.remsi %add3A_296, %rem3A_297 : i32
      %add3A_299 = arith.constant 2 : i32
      %add3A_300 = arith.addi %add3A_260, %add3A_299 : i32
      %lt3A = arith.constant 125 : i32
      %lt3A_301 = arith.cmpi slt, %add3A_300, %lt3A : i32
      %convert_element_type3A_302 = arith.extui %lt3A_301 : i1 to i32
      %cond3A_303 = arith.constant 0 : i32
      %cond3A_304 = arith.cmpi ne, %convert_element_type3A_302, %cond3A_303 : i32
      scf.if %cond3A_304 {
        %ge3A = arith.constant 1 : i32
        %ge3A_516 = arith.cmpi sge, %add3A_260, %ge3A : i32
        %convert_element_type3A_517 = arith.extui %ge3A_516 : i1 to i32
        %cond3A_518 = arith.constant 0 : i32
        %cond3A_519 = arith.cmpi ne, %convert_element_type3A_517, %cond3A_518 : i32
        scf.if %cond3A_519 {
          %dma_wait3A_535 = arith.constant 0 : i32
          %dma_wait3A_536 = arith.constant 0 : i32
          %dma_wait3A_537 = arith.constant 0 : i32
          %dma_wait3A_538 = tpu.memref_slice %arg8[%rem3A_298, %dma_wait3A_536, %dma_wait3A_537] : memref<3x80x128xf32, #tpu.memory_space<vmem>> -> memref<1x80x128xf32, #tpu.memory_space<vmem>>
          %dma_wait3A_539 = tpu.memref_squeeze %dma_wait3A_538 : memref<1x80x128xf32, #tpu.memory_space<vmem>> -> memref<80x128xf32, #tpu.memory_space<vmem>>
          %dma_wait3A_540 = arith.constant 0 : i32
          %dma_wait3A_541 = arith.constant 0 : i32
          %dma_wait3A_542 = tpu.memref_slice %arg7[%rem3A_252, %dma_wait3A_540, %dma_wait3A_541] : memref<3x5x80xi32, #tpu.memory_space<vmem>> -> memref<1x5x80xi32, #tpu.memory_space<vmem>>
          %dma_wait3A_543 = tpu.memref_squeeze %dma_wait3A_542 : memref<1x5x80xi32, #tpu.memory_space<vmem>> -> memref<5x80xi32, #tpu.memory_space<vmem>>
          %dma_wait3A_544 = arith.constant 0 : i32
          %dma_wait3A_545 = tpu.memref_slice %dma_wait3A_543[%dma_wait3A_535, %dma_wait3A_544] : memref<5x80xi32, #tpu.memory_space<vmem>> -> memref<1x80xi32, #tpu.memory_space<vmem>>
          %dma_wait3A_546 = tpu.memref_squeeze %dma_wait3A_545 : memref<1x80xi32, #tpu.memory_space<vmem>> -> memref<80xi32, #tpu.memory_space<vmem>>
          %dma_wait3A_547 = arith.constant 0 : i32
          %dma_wait3A_548 = arith.constant 0 : i32
          %dma_wait3A_549 = tpu.memref_slice %arg9[%dma_wait3A_547, %dma_wait3A_548] : memref<10000x128xf32, #tpu.memory_space<vmem_shared>> -> memref<10000x128xf32, #tpu.memory_space<vmem_shared>>
          %dma_wait3A_550 = tpu.memref_slice %arg12[%rem3A_298] : memref<3x!tpu.dma_semaphore, #tpu.memory_space<semaphore_mem>> -> memref<1x!tpu.dma_semaphore, #tpu.memory_space<semaphore_mem>>
          %dma_wait3A_551 = tpu.memref_squeeze %dma_wait3A_550 : memref<1x!tpu.dma_semaphore, #tpu.memory_space<semaphore_mem>> -> memref<!tpu.dma_semaphore, #tpu.memory_space<semaphore_mem>>
          tpu.wait_indirect_dma semaphore(%dma_wait3A_551 : memref<!tpu.dma_semaphore, #tpu.memory_space<semaphore_mem>>) src(%dma_wait3A_539 : memref<80x128xf32, #tpu.memory_space<vmem>>) dst(%dma_wait3A_549 : memref<10000x128xf32, #tpu.memory_space<vmem_shared>>)
        } else {
        }
        %dma_start3A_520 = arith.constant 2 : i32
        %dma_start3A_521 = arith.constant 0 : i32
        %dma_start3A_522 = arith.constant 0 : i32
        %dma_start3A_523 = tpu.memref_slice %arg8[%rem3A_298, %dma_start3A_521, %dma_start3A_522] : memref<3x80x128xf32, #tpu.memory_space<vmem>> -> memref<1x80x128xf32, #tpu.memory_space<vmem>>
        %dma_start3A_524 = tpu.memref_squeeze %dma_start3A_523 : memref<1x80x128xf32, #tpu.memory_space<vmem>> -> memref<80x128xf32, #tpu.memory_space<vmem>>
        %dma_start3A_525 = arith.constant 0 : i32
        %dma_start3A_526 = arith.constant 0 : i32
        %dma_start3A_527 = tpu.memref_slice %arg6[%rem3A_252, %dma_start3A_525, %dma_start3A_526] : memref<3x5x80xi32, #tpu.memory_space<vmem>> -> memref<1x5x80xi32, #tpu.memory_space<vmem>>
        %dma_start3A_528 = tpu.memref_squeeze %dma_start3A_527 : memref<1x5x80xi32, #tpu.memory_space<vmem>> -> memref<5x80xi32, #tpu.memory_space<vmem>>
        %dma_start3A_529 = arith.constant 0 : i32
        %dma_start3A_530 = tpu.memref_slice %dma_start3A_528[%dma_start3A_520, %dma_start3A_529] : memref<5x80xi32, #tpu.memory_space<vmem>> -> memref<1x80xi32, #tpu.memory_space<vmem>>
        %dma_start3A_531 = tpu.memref_squeeze %dma_start3A_530 : memref<1x80xi32, #tpu.memory_space<vmem>> -> memref<80xi32, #tpu.memory_space<vmem>>
        %dma_start3A_532 = arith.constant 0 : i32
        %dma_start3A_533 = arith.constant 0 : i32
        %dma_start3A_534 = tpu.memref_slice %arg2[%dma_start3A_532, %dma_start3A_533] : memref<10000x128xf32, #tpu.memory_space<hbm>> -> memref<10000x128xf32, #tpu.memory_space<hbm>>
        tpu.enqueue_indirect_dma source(%dma_start3A_534 : memref<10000x128xf32, #tpu.memory_space<hbm>>) target(%dma_start3A_524 : memref<80x128xf32, #tpu.memory_space<vmem>>) offsets(%dma_start3A_531 : memref<80xi32, #tpu.memory_space<vmem>>) semaphore(%arg10 : memref<!tpu.dma_semaphore, #tpu.memory_space<semaphore_mem>>)
      } else {
      }
      %mul3A_305 = arith.constant 5 : i32
      %mul3A_306 = arith.muli %scan3A_250, %mul3A_305 : i32
      %add3A_307 = arith.constant 1 : i32
      %add3A_308 = arith.addi %mul3A_306, %add3A_307 : i32
      %rem3A_309 = arith.constant 3 : i32
      %rem3A_310 = arith.remsi %add3A_308, %rem3A_309 : i32
      %dma_wait3A_311 = arith.constant 1 : i32
      %dma_wait3A_312 = arith.constant 0 : i32
      %dma_wait3A_313 = arith.constant 0 : i32
      %dma_wait3A_314 = tpu.memref_slice %arg8[%rem3A_310, %dma_wait3A_312, %dma_wait3A_313] : memref<3x80x128xf32, #tpu.memory_space<vmem>> -> memref<1x80x128xf32, #tpu.memory_space<vmem>>
      %dma_wait3A_315 = tpu.memref_squeeze %dma_wait3A_314 : memref<1x80x128xf32, #tpu.memory_space<vmem>> -> memref<80x128xf32, #tpu.memory_space<vmem>>
      %dma_wait3A_316 = arith.constant 0 : i32
      %dma_wait3A_317 = arith.constant 0 : i32
      %dma_wait3A_318 = tpu.memref_slice %arg6[%rem3A_252, %dma_wait3A_316, %dma_wait3A_317] : memref<3x5x80xi32, #tpu.memory_space<vmem>> -> memref<1x5x80xi32, #tpu.memory_space<vmem>>
      %dma_wait3A_319 = tpu.memref_squeeze %dma_wait3A_318 : memref<1x5x80xi32, #tpu.memory_space<vmem>> -> memref<5x80xi32, #tpu.memory_space<vmem>>
      %dma_wait3A_320 = arith.constant 0 : i32
      %dma_wait3A_321 = tpu.memref_slice %dma_wait3A_319[%dma_wait3A_311, %dma_wait3A_320] : memref<5x80xi32, #tpu.memory_space<vmem>> -> memref<1x80xi32, #tpu.memory_space<vmem>>
      %dma_wait3A_322 = tpu.memref_squeeze %dma_wait3A_321 : memref<1x80xi32, #tpu.memory_space<vmem>> -> memref<80xi32, #tpu.memory_space<vmem>>
      %dma_wait3A_323 = arith.constant 0 : i32
      %dma_wait3A_324 = arith.constant 0 : i32
      %dma_wait3A_325 = tpu.memref_slice %arg2[%dma_wait3A_323, %dma_wait3A_324] : memref<10000x128xf32, #tpu.memory_space<hbm>> -> memref<10000x128xf32, #tpu.memory_space<hbm>>
      tpu.wait_indirect_dma semaphore(%arg10 : memref<!tpu.dma_semaphore, #tpu.memory_space<semaphore_mem>>) src(%dma_wait3A_325 : memref<10000x128xf32, #tpu.memory_space<hbm>>) dst(%dma_wait3A_315 : memref<80x128xf32, #tpu.memory_space<vmem>>)
      %dma_start3A_326 = arith.constant 1 : i32
      %dma_start3A_327 = arith.constant 0 : i32
      %dma_start3A_328 = arith.constant 0 : i32
      %dma_start3A_329 = tpu.memref_slice %arg8[%rem3A_310, %dma_start3A_327, %dma_start3A_328] : memref<3x80x128xf32, #tpu.memory_space<vmem>> -> memref<1x80x128xf32, #tpu.memory_space<vmem>>
      %dma_start3A_330 = tpu.memref_squeeze %dma_start3A_329 : memref<1x80x128xf32, #tpu.memory_space<vmem>> -> memref<80x128xf32, #tpu.memory_space<vmem>>
      %dma_start3A_331 = arith.constant 0 : i32
      %dma_start3A_332 = arith.constant 0 : i32
      %dma_start3A_333 = tpu.memref_slice %arg7[%rem3A_252, %dma_start3A_331, %dma_start3A_332] : memref<3x5x80xi32, #tpu.memory_space<vmem>> -> memref<1x5x80xi32, #tpu.memory_space<vmem>>
      %dma_start3A_334 = tpu.memref_squeeze %dma_start3A_333 : memref<1x5x80xi32, #tpu.memory_space<vmem>> -> memref<5x80xi32, #tpu.memory_space<vmem>>
      %dma_start3A_335 = arith.constant 0 : i32
      %dma_start3A_336 = tpu.memref_slice %dma_start3A_334[%dma_start3A_326, %dma_start3A_335] : memref<5x80xi32, #tpu.memory_space<vmem>> -> memref<1x80xi32, #tpu.memory_space<vmem>>
      %dma_start3A_337 = tpu.memref_squeeze %dma_start3A_336 : memref<1x80xi32, #tpu.memory_space<vmem>> -> memref<80xi32, #tpu.memory_space<vmem>>
      %dma_start3A_338 = arith.constant 0 : i32
      %dma_start3A_339 = arith.constant 0 : i32
      %dma_start3A_340 = tpu.memref_slice %arg9[%dma_start3A_338, %dma_start3A_339] : memref<10000x128xf32, #tpu.memory_space<vmem_shared>> -> memref<10000x128xf32, #tpu.memory_space<vmem_shared>>
      %dma_start3A_341 = tpu.memref_slice %arg12[%rem3A_310] : memref<3x!tpu.dma_semaphore, #tpu.memory_space<semaphore_mem>> -> memref<1x!tpu.dma_semaphore, #tpu.memory_space<semaphore_mem>>
      %dma_start3A_342 = tpu.memref_squeeze %dma_start3A_341 : memref<1x!tpu.dma_semaphore, #tpu.memory_space<semaphore_mem>> -> memref<!tpu.dma_semaphore, #tpu.memory_space<semaphore_mem>>
      tpu.enqueue_indirect_dma source(%dma_start3A_330 : memref<80x128xf32, #tpu.memory_space<vmem>>) target(%dma_start3A_340 : memref<10000x128xf32, #tpu.memory_space<vmem_shared>>) offsets(%dma_start3A_337 : memref<80xi32, #tpu.memory_space<vmem>>) semaphore(%dma_start3A_342 : memref<!tpu.dma_semaphore, #tpu.memory_space<semaphore_mem>>) {add = true}
      %add3A_343 = arith.constant 2 : i32
      %add3A_344 = arith.addi %add3A_308, %add3A_343 : i32
      %rem3A_345 = arith.constant 3 : i32
      %rem3A_346 = arith.remsi %add3A_344, %rem3A_345 : i32
      %add3A_347 = arith.constant 2 : i32
      %add3A_348 = arith.addi %add3A_308, %add3A_347 : i32
      %lt3A_349 = arith.constant 125 : i32
      %lt3A_350 = arith.cmpi slt, %add3A_348, %lt3A_349 : i32
      %convert_element_type3A_351 = arith.extui %lt3A_350 : i1 to i32
      %cond3A_352 = arith.constant 0 : i32
      %cond3A_353 = arith.cmpi ne, %convert_element_type3A_351, %cond3A_352 : i32
      scf.if %cond3A_353 {
        %ge3A = arith.constant 1 : i32
        %ge3A_516 = arith.cmpi sge, %add3A_308, %ge3A : i32
        %convert_element_type3A_517 = arith.extui %ge3A_516 : i1 to i32
        %cond3A_518 = arith.constant 0 : i32
        %cond3A_519 = arith.cmpi ne, %convert_element_type3A_517, %cond3A_518 : i32
        scf.if %cond3A_519 {
          %dma_wait3A_535 = arith.constant 1 : i32
          %dma_wait3A_536 = arith.constant 0 : i32
          %dma_wait3A_537 = arith.constant 0 : i32
          %dma_wait3A_538 = tpu.memref_slice %arg8[%rem3A_346, %dma_wait3A_536, %dma_wait3A_537] : memref<3x80x128xf32, #tpu.memory_space<vmem>> -> memref<1x80x128xf32, #tpu.memory_space<vmem>>
          %dma_wait3A_539 = tpu.memref_squeeze %dma_wait3A_538 : memref<1x80x128xf32, #tpu.memory_space<vmem>> -> memref<80x128xf32, #tpu.memory_space<vmem>>
          %dma_wait3A_540 = arith.constant 0 : i32
          %dma_wait3A_541 = arith.constant 0 : i32
          %dma_wait3A_542 = tpu.memref_slice %arg7[%rem3A_252, %dma_wait3A_540, %dma_wait3A_541] : memref<3x5x80xi32, #tpu.memory_space<vmem>> -> memref<1x5x80xi32, #tpu.memory_space<vmem>>
          %dma_wait3A_543 = tpu.memref_squeeze %dma_wait3A_542 : memref<1x5x80xi32, #tpu.memory_space<vmem>> -> memref<5x80xi32, #tpu.memory_space<vmem>>
          %dma_wait3A_544 = arith.constant 0 : i32
          %dma_wait3A_545 = tpu.memref_slice %dma_wait3A_543[%dma_wait3A_535, %dma_wait3A_544] : memref<5x80xi32, #tpu.memory_space<vmem>> -> memref<1x80xi32, #tpu.memory_space<vmem>>
          %dma_wait3A_546 = tpu.memref_squeeze %dma_wait3A_545 : memref<1x80xi32, #tpu.memory_space<vmem>> -> memref<80xi32, #tpu.memory_space<vmem>>
          %dma_wait3A_547 = arith.constant 0 : i32
          %dma_wait3A_548 = arith.constant 0 : i32
          %dma_wait3A_549 = tpu.memref_slice %arg9[%dma_wait3A_547, %dma_wait3A_548] : memref<10000x128xf32, #tpu.memory_space<vmem_shared>> -> memref<10000x128xf32, #tpu.memory_space<vmem_shared>>
          %dma_wait3A_550 = tpu.memref_slice %arg12[%rem3A_346] : memref<3x!tpu.dma_semaphore, #tpu.memory_space<semaphore_mem>> -> memref<1x!tpu.dma_semaphore, #tpu.memory_space<semaphore_mem>>
          %dma_wait3A_551 = tpu.memref_squeeze %dma_wait3A_550 : memref<1x!tpu.dma_semaphore, #tpu.memory_space<semaphore_mem>> -> memref<!tpu.dma_semaphore, #tpu.memory_space<semaphore_mem>>
          tpu.wait_indirect_dma semaphore(%dma_wait3A_551 : memref<!tpu.dma_semaphore, #tpu.memory_space<semaphore_mem>>) src(%dma_wait3A_539 : memref<80x128xf32, #tpu.memory_space<vmem>>) dst(%dma_wait3A_549 : memref<10000x128xf32, #tpu.memory_space<vmem_shared>>)
        } else {
        }
        %dma_start3A_520 = arith.constant 3 : i32
        %dma_start3A_521 = arith.constant 0 : i32
        %dma_start3A_522 = arith.constant 0 : i32
        %dma_start3A_523 = tpu.memref_slice %arg8[%rem3A_346, %dma_start3A_521, %dma_start3A_522] : memref<3x80x128xf32, #tpu.memory_space<vmem>> -> memref<1x80x128xf32, #tpu.memory_space<vmem>>
        %dma_start3A_524 = tpu.memref_squeeze %dma_start3A_523 : memref<1x80x128xf32, #tpu.memory_space<vmem>> -> memref<80x128xf32, #tpu.memory_space<vmem>>
        %dma_start3A_525 = arith.constant 0 : i32
        %dma_start3A_526 = arith.constant 0 : i32
        %dma_start3A_527 = tpu.memref_slice %arg6[%rem3A_252, %dma_start3A_525, %dma_start3A_526] : memref<3x5x80xi32, #tpu.memory_space<vmem>> -> memref<1x5x80xi32, #tpu.memory_space<vmem>>
        %dma_start3A_528 = tpu.memref_squeeze %dma_start3A_527 : memref<1x5x80xi32, #tpu.memory_space<vmem>> -> memref<5x80xi32, #tpu.memory_space<vmem>>
        %dma_start3A_529 = arith.constant 0 : i32
        %dma_start3A_530 = tpu.memref_slice %dma_start3A_528[%dma_start3A_520, %dma_start3A_529] : memref<5x80xi32, #tpu.memory_space<vmem>> -> memref<1x80xi32, #tpu.memory_space<vmem>>
        %dma_start3A_531 = tpu.memref_squeeze %dma_start3A_530 : memref<1x80xi32, #tpu.memory_space<vmem>> -> memref<80xi32, #tpu.memory_space<vmem>>
        %dma_start3A_532 = arith.constant 0 : i32
        %dma_start3A_533 = arith.constant 0 : i32
        %dma_start3A_534 = tpu.memref_slice %arg2[%dma_start3A_532, %dma_start3A_533] : memref<10000x128xf32, #tpu.memory_space<hbm>> -> memref<10000x128xf32, #tpu.memory_space<hbm>>
        tpu.enqueue_indirect_dma source(%dma_start3A_534 : memref<10000x128xf32, #tpu.memory_space<hbm>>) target(%dma_start3A_524 : memref<80x128xf32, #tpu.memory_space<vmem>>) offsets(%dma_start3A_531 : memref<80xi32, #tpu.memory_space<vmem>>) semaphore(%arg10 : memref<!tpu.dma_semaphore, #tpu.memory_space<semaphore_mem>>)
      } else {
      }
      %mul3A_354 = arith.constant 5 : i32
      %mul3A_355 = arith.muli %scan3A_250, %mul3A_354 : i32
      %add3A_356 = arith.constant 2 : i32
      %add3A_357 = arith.addi %mul3A_355, %add3A_356 : i32
      %rem3A_358 = arith.constant 3 : i32
      %rem3A_359 = arith.remsi %add3A_357, %rem3A_358 : i32
      %dma_wait3A_360 = arith.constant 2 : i32
      %dma_wait3A_361 = arith.constant 0 : i32
      %dma_wait3A_362 = arith.constant 0 : i32
      %dma_wait3A_363 = tpu.memref_slice %arg8[%rem3A_359, %dma_wait3A_361, %dma_wait3A_362] : memref<3x80x128xf32, #tpu.memory_space<vmem>> -> memref<1x80x128xf32, #tpu.memory_space<vmem>>
      %dma_wait3A_364 = tpu.memref_squeeze %dma_wait3A_363 : memref<1x80x128xf32, #tpu.memory_space<vmem>> -> memref<80x128xf32, #tpu.memory_space<vmem>>
      %dma_wait3A_365 = arith.constant 0 : i32
      %dma_wait3A_366 = arith.constant 0 : i32
      %dma_wait3A_367 = tpu.memref_slice %arg6[%rem3A_252, %dma_wait3A_365, %dma_wait3A_366] : memref<3x5x80xi32, #tpu.memory_space<vmem>> -> memref<1x5x80xi32, #tpu.memory_space<vmem>>
      %dma_wait3A_368 = tpu.memref_squeeze %dma_wait3A_367 : memref<1x5x80xi32, #tpu.memory_space<vmem>> -> memref<5x80xi32, #tpu.memory_space<vmem>>
      %dma_wait3A_369 = arith.constant 0 : i32
      %dma_wait3A_370 = tpu.memref_slice %dma_wait3A_368[%dma_wait3A_360, %dma_wait3A_369] : memref<5x80xi32, #tpu.memory_space<vmem>> -> memref<1x80xi32, #tpu.memory_space<vmem>>
      %dma_wait3A_371 = tpu.memref_squeeze %dma_wait3A_370 : memref<1x80xi32, #tpu.memory_space<vmem>> -> memref<80xi32, #tpu.memory_space<vmem>>
      %dma_wait3A_372 = arith.constant 0 : i32
      %dma_wait3A_373 = arith.constant 0 : i32
      %dma_wait3A_374 = tpu.memref_slice %arg2[%dma_wait3A_372, %dma_wait3A_373] : memref<10000x128xf32, #tpu.memory_space<hbm>> -> memref<10000x128xf32, #tpu.memory_space<hbm>>
      tpu.wait_indirect_dma semaphore(%arg10 : memref<!tpu.dma_semaphore, #tpu.memory_space<semaphore_mem>>) src(%dma_wait3A_374 : memref<10000x128xf32, #tpu.memory_space<hbm>>) dst(%dma_wait3A_364 : memref<80x128xf32, #tpu.memory_space<vmem>>)
      %dma_start3A_375 = arith.constant 2 : i32
      %dma_start3A_376 = arith.constant 0 : i32
      %dma_start3A_377 = arith.constant 0 : i32
      %dma_start3A_378 = tpu.memref_slice %arg8[%rem3A_359, %dma_start3A_376, %dma_start3A_377] : memref<3x80x128xf32, #tpu.memory_space<vmem>> -> memref<1x80x128xf32, #tpu.memory_space<vmem>>
      %dma_start3A_379 = tpu.memref_squeeze %dma_start3A_378 : memref<1x80x128xf32, #tpu.memory_space<vmem>> -> memref<80x128xf32, #tpu.memory_space<vmem>>
      %dma_start3A_380 = arith.constant 0 : i32
      %dma_start3A_381 = arith.constant 0 : i32
      %dma_start3A_382 = tpu.memref_slice %arg7[%rem3A_252, %dma_start3A_380, %dma_start3A_381] : memref<3x5x80xi32, #tpu.memory_space<vmem>> -> memref<1x5x80xi32, #tpu.memory_space<vmem>>
      %dma_start3A_383 = tpu.memref_squeeze %dma_start3A_382 : memref<1x5x80xi32, #tpu.memory_space<vmem>> -> memref<5x80xi32, #tpu.memory_space<vmem>>
      %dma_start3A_384 = arith.constant 0 : i32
      %dma_start3A_385 = tpu.memref_slice %dma_start3A_383[%dma_start3A_375, %dma_start3A_384] : memref<5x80xi32, #tpu.memory_space<vmem>> -> memref<1x80xi32, #tpu.memory_space<vmem>>
      %dma_start3A_386 = tpu.memref_squeeze %dma_start3A_385 : memref<1x80xi32, #tpu.memory_space<vmem>> -> memref<80xi32, #tpu.memory_space<vmem>>
      %dma_start3A_387 = arith.constant 0 : i32
      %dma_start3A_388 = arith.constant 0 : i32
      %dma_start3A_389 = tpu.memref_slice %arg9[%dma_start3A_387, %dma_start3A_388] : memref<10000x128xf32, #tpu.memory_space<vmem_shared>> -> memref<10000x128xf32, #tpu.memory_space<vmem_shared>>
      %dma_start3A_390 = tpu.memref_slice %arg12[%rem3A_359] : memref<3x!tpu.dma_semaphore, #tpu.memory_space<semaphore_mem>> -> memref<1x!tpu.dma_semaphore, #tpu.memory_space<semaphore_mem>>
      %dma_start3A_391 = tpu.memref_squeeze %dma_start3A_390 : memref<1x!tpu.dma_semaphore, #tpu.memory_space<semaphore_mem>> -> memref<!tpu.dma_semaphore, #tpu.memory_space<semaphore_mem>>
      tpu.enqueue_indirect_dma source(%dma_start3A_379 : memref<80x128xf32, #tpu.memory_space<vmem>>) target(%dma_start3A_389 : memref<10000x128xf32, #tpu.memory_space<vmem_shared>>) offsets(%dma_start3A_386 : memref<80xi32, #tpu.memory_space<vmem>>) semaphore(%dma_start3A_391 : memref<!tpu.dma_semaphore, #tpu.memory_space<semaphore_mem>>) {add = true}
      %add3A_392 = arith.constant 2 : i32
      %add3A_393 = arith.addi %add3A_357, %add3A_392 : i32
      %rem3A_394 = arith.constant 3 : i32
      %rem3A_395 = arith.remsi %add3A_393, %rem3A_394 : i32
      %add3A_396 = arith.constant 2 : i32
      %add3A_397 = arith.addi %add3A_357, %add3A_396 : i32
      %lt3A_398 = arith.constant 125 : i32
      %lt3A_399 = arith.cmpi slt, %add3A_397, %lt3A_398 : i32
      %convert_element_type3A_400 = arith.extui %lt3A_399 : i1 to i32
      %cond3A_401 = arith.constant 0 : i32
      %cond3A_402 = arith.cmpi ne, %convert_element_type3A_400, %cond3A_401 : i32
      scf.if %cond3A_402 {
        %ge3A = arith.constant 1 : i32
        %ge3A_516 = arith.cmpi sge, %add3A_357, %ge3A : i32
        %convert_element_type3A_517 = arith.extui %ge3A_516 : i1 to i32
        %cond3A_518 = arith.constant 0 : i32
        %cond3A_519 = arith.cmpi ne, %convert_element_type3A_517, %cond3A_518 : i32
        scf.if %cond3A_519 {
          %dma_wait3A_535 = arith.constant 2 : i32
          %dma_wait3A_536 = arith.constant 0 : i32
          %dma_wait3A_537 = arith.constant 0 : i32
          %dma_wait3A_538 = tpu.memref_slice %arg8[%rem3A_395, %dma_wait3A_536, %dma_wait3A_537] : memref<3x80x128xf32, #tpu.memory_space<vmem>> -> memref<1x80x128xf32, #tpu.memory_space<vmem>>
          %dma_wait3A_539 = tpu.memref_squeeze %dma_wait3A_538 : memref<1x80x128xf32, #tpu.memory_space<vmem>> -> memref<80x128xf32, #tpu.memory_space<vmem>>
          %dma_wait3A_540 = arith.constant 0 : i32
          %dma_wait3A_541 = arith.constant 0 : i32
          %dma_wait3A_542 = tpu.memref_slice %arg7[%rem3A_252, %dma_wait3A_540, %dma_wait3A_541] : memref<3x5x80xi32, #tpu.memory_space<vmem>> -> memref<1x5x80xi32, #tpu.memory_space<vmem>>
          %dma_wait3A_543 = tpu.memref_squeeze %dma_wait3A_542 : memref<1x5x80xi32, #tpu.memory_space<vmem>> -> memref<5x80xi32, #tpu.memory_space<vmem>>
          %dma_wait3A_544 = arith.constant 0 : i32
          %dma_wait3A_545 = tpu.memref_slice %dma_wait3A_543[%dma_wait3A_535, %dma_wait3A_544] : memref<5x80xi32, #tpu.memory_space<vmem>> -> memref<1x80xi32, #tpu.memory_space<vmem>>
          %dma_wait3A_546 = tpu.memref_squeeze %dma_wait3A_545 : memref<1x80xi32, #tpu.memory_space<vmem>> -> memref<80xi32, #tpu.memory_space<vmem>>
          %dma_wait3A_547 = arith.constant 0 : i32
          %dma_wait3A_548 = arith.constant 0 : i32
          %dma_wait3A_549 = tpu.memref_slice %arg9[%dma_wait3A_547, %dma_wait3A_548] : memref<10000x128xf32, #tpu.memory_space<vmem_shared>> -> memref<10000x128xf32, #tpu.memory_space<vmem_shared>>
          %dma_wait3A_550 = tpu.memref_slice %arg12[%rem3A_395] : memref<3x!tpu.dma_semaphore, #tpu.memory_space<semaphore_mem>> -> memref<1x!tpu.dma_semaphore, #tpu.memory_space<semaphore_mem>>
          %dma_wait3A_551 = tpu.memref_squeeze %dma_wait3A_550 : memref<1x!tpu.dma_semaphore, #tpu.memory_space<semaphore_mem>> -> memref<!tpu.dma_semaphore, #tpu.memory_space<semaphore_mem>>
          tpu.wait_indirect_dma semaphore(%dma_wait3A_551 : memref<!tpu.dma_semaphore, #tpu.memory_space<semaphore_mem>>) src(%dma_wait3A_539 : memref<80x128xf32, #tpu.memory_space<vmem>>) dst(%dma_wait3A_549 : memref<10000x128xf32, #tpu.memory_space<vmem_shared>>)
        } else {
        }
        %dma_start3A_520 = arith.constant 4 : i32
        %dma_start3A_521 = arith.constant 0 : i32
        %dma_start3A_522 = arith.constant 0 : i32
        %dma_start3A_523 = tpu.memref_slice %arg8[%rem3A_395, %dma_start3A_521, %dma_start3A_522] : memref<3x80x128xf32, #tpu.memory_space<vmem>> -> memref<1x80x128xf32, #tpu.memory_space<vmem>>
        %dma_start3A_524 = tpu.memref_squeeze %dma_start3A_523 : memref<1x80x128xf32, #tpu.memory_space<vmem>> -> memref<80x128xf32, #tpu.memory_space<vmem>>
        %dma_start3A_525 = arith.constant 0 : i32
        %dma_start3A_526 = arith.constant 0 : i32
        %dma_start3A_527 = tpu.memref_slice %arg6[%rem3A_252, %dma_start3A_525, %dma_start3A_526] : memref<3x5x80xi32, #tpu.memory_space<vmem>> -> memref<1x5x80xi32, #tpu.memory_space<vmem>>
        %dma_start3A_528 = tpu.memref_squeeze %dma_start3A_527 : memref<1x5x80xi32, #tpu.memory_space<vmem>> -> memref<5x80xi32, #tpu.memory_space<vmem>>
        %dma_start3A_529 = arith.constant 0 : i32
        %dma_start3A_530 = tpu.memref_slice %dma_start3A_528[%dma_start3A_520, %dma_start3A_529] : memref<5x80xi32, #tpu.memory_space<vmem>> -> memref<1x80xi32, #tpu.memory_space<vmem>>
        %dma_start3A_531 = tpu.memref_squeeze %dma_start3A_530 : memref<1x80xi32, #tpu.memory_space<vmem>> -> memref<80xi32, #tpu.memory_space<vmem>>
        %dma_start3A_532 = arith.constant 0 : i32
        %dma_start3A_533 = arith.constant 0 : i32
        %dma_start3A_534 = tpu.memref_slice %arg2[%dma_start3A_532, %dma_start3A_533] : memref<10000x128xf32, #tpu.memory_space<hbm>> -> memref<10000x128xf32, #tpu.memory_space<hbm>>
        tpu.enqueue_indirect_dma source(%dma_start3A_534 : memref<10000x128xf32, #tpu.memory_space<hbm>>) target(%dma_start3A_524 : memref<80x128xf32, #tpu.memory_space<vmem>>) offsets(%dma_start3A_531 : memref<80xi32, #tpu.memory_space<vmem>>) semaphore(%arg10 : memref<!tpu.dma_semaphore, #tpu.memory_space<semaphore_mem>>)
      } else {
      }
      %mul3A_403 = arith.constant 5 : i32
      %mul3A_404 = arith.muli %scan3A_250, %mul3A_403 : i32
      %add3A_405 = arith.constant 3 : i32
      %add3A_406 = arith.addi %mul3A_404, %add3A_405 : i32
      %rem3A_407 = arith.constant 3 : i32
      %rem3A_408 = arith.remsi %add3A_406, %rem3A_407 : i32
      %dma_wait3A_409 = arith.constant 3 : i32
      %dma_wait3A_410 = arith.constant 0 : i32
      %dma_wait3A_411 = arith.constant 0 : i32
      %dma_wait3A_412 = tpu.memref_slice %arg8[%rem3A_408, %dma_wait3A_410, %dma_wait3A_411] : memref<3x80x128xf32, #tpu.memory_space<vmem>> -> memref<1x80x128xf32, #tpu.memory_space<vmem>>
      %dma_wait3A_413 = tpu.memref_squeeze %dma_wait3A_412 : memref<1x80x128xf32, #tpu.memory_space<vmem>> -> memref<80x128xf32, #tpu.memory_space<vmem>>
      %dma_wait3A_414 = arith.constant 0 : i32
      %dma_wait3A_415 = arith.constant 0 : i32
      %dma_wait3A_416 = tpu.memref_slice %arg6[%rem3A_252, %dma_wait3A_414, %dma_wait3A_415] : memref<3x5x80xi32, #tpu.memory_space<vmem>> -> memref<1x5x80xi32, #tpu.memory_space<vmem>>
      %dma_wait3A_417 = tpu.memref_squeeze %dma_wait3A_416 : memref<1x5x80xi32, #tpu.memory_space<vmem>> -> memref<5x80xi32, #tpu.memory_space<vmem>>
      %dma_wait3A_418 = arith.constant 0 : i32
      %dma_wait3A_419 = tpu.memref_slice %dma_wait3A_417[%dma_wait3A_409, %dma_wait3A_418] : memref<5x80xi32, #tpu.memory_space<vmem>> -> memref<1x80xi32, #tpu.memory_space<vmem>>
      %dma_wait3A_420 = tpu.memref_squeeze %dma_wait3A_419 : memref<1x80xi32, #tpu.memory_space<vmem>> -> memref<80xi32, #tpu.memory_space<vmem>>
      %dma_wait3A_421 = arith.constant 0 : i32
      %dma_wait3A_422 = arith.constant 0 : i32
      %dma_wait3A_423 = tpu.memref_slice %arg2[%dma_wait3A_421, %dma_wait3A_422] : memref<10000x128xf32, #tpu.memory_space<hbm>> -> memref<10000x128xf32, #tpu.memory_space<hbm>>
      tpu.wait_indirect_dma semaphore(%arg10 : memref<!tpu.dma_semaphore, #tpu.memory_space<semaphore_mem>>) src(%dma_wait3A_423 : memref<10000x128xf32, #tpu.memory_space<hbm>>) dst(%dma_wait3A_413 : memref<80x128xf32, #tpu.memory_space<vmem>>)
      %dma_start3A_424 = arith.constant 3 : i32
      %dma_start3A_425 = arith.constant 0 : i32
      %dma_start3A_426 = arith.constant 0 : i32
      %dma_start3A_427 = tpu.memref_slice %arg8[%rem3A_408, %dma_start3A_425, %dma_start3A_426] : memref<3x80x128xf32, #tpu.memory_space<vmem>> -> memref<1x80x128xf32, #tpu.memory_space<vmem>>
      %dma_start3A_428 = tpu.memref_squeeze %dma_start3A_427 : memref<1x80x128xf32, #tpu.memory_space<vmem>> -> memref<80x128xf32, #tpu.memory_space<vmem>>
      %dma_start3A_429 = arith.constant 0 : i32
      %dma_start3A_430 = arith.constant 0 : i32
      %dma_start3A_431 = tpu.memref_slice %arg7[%rem3A_252, %dma_start3A_429, %dma_start3A_430] : memref<3x5x80xi32, #tpu.memory_space<vmem>> -> memref<1x5x80xi32, #tpu.memory_space<vmem>>
      %dma_start3A_432 = tpu.memref_squeeze %dma_start3A_431 : memref<1x5x80xi32, #tpu.memory_space<vmem>> -> memref<5x80xi32, #tpu.memory_space<vmem>>
      %dma_start3A_433 = arith.constant 0 : i32
      %dma_start3A_434 = tpu.memref_slice %dma_start3A_432[%dma_start3A_424, %dma_start3A_433] : memref<5x80xi32, #tpu.memory_space<vmem>> -> memref<1x80xi32, #tpu.memory_space<vmem>>
      %dma_start3A_435 = tpu.memref_squeeze %dma_start3A_434 : memref<1x80xi32, #tpu.memory_space<vmem>> -> memref<80xi32, #tpu.memory_space<vmem>>
      %dma_start3A_436 = arith.constant 0 : i32
      %dma_start3A_437 = arith.constant 0 : i32
      %dma_start3A_438 = tpu.memref_slice %arg9[%dma_start3A_436, %dma_start3A_437] : memref<10000x128xf32, #tpu.memory_space<vmem_shared>> -> memref<10000x128xf32, #tpu.memory_space<vmem_shared>>
      %dma_start3A_439 = tpu.memref_slice %arg12[%rem3A_408] : memref<3x!tpu.dma_semaphore, #tpu.memory_space<semaphore_mem>> -> memref<1x!tpu.dma_semaphore, #tpu.memory_space<semaphore_mem>>
      %dma_start3A_440 = tpu.memref_squeeze %dma_start3A_439 : memref<1x!tpu.dma_semaphore, #tpu.memory_space<semaphore_mem>> -> memref<!tpu.dma_semaphore, #tpu.memory_space<semaphore_mem>>
      tpu.enqueue_indirect_dma source(%dma_start3A_428 : memref<80x128xf32, #tpu.memory_space<vmem>>) target(%dma_start3A_438 : memref<10000x128xf32, #tpu.memory_space<vmem_shared>>) offsets(%dma_start3A_435 : memref<80xi32, #tpu.memory_space<vmem>>) semaphore(%dma_start3A_440 : memref<!tpu.dma_semaphore, #tpu.memory_space<semaphore_mem>>) {add = true}
      %add3A_441 = arith.constant 1 : i32
      %add3A_442 = arith.addi %scan3A_250, %add3A_441 : i32
      %lt3A_443 = arith.constant 25 : i32
      %lt3A_444 = arith.cmpi slt, %add3A_442, %lt3A_443 : i32
      %convert_element_type3A_445 = arith.extui %lt3A_444 : i1 to i32
      %cond3A_446 = arith.constant 0 : i32
      %cond3A_447 = arith.cmpi ne, %convert_element_type3A_445, %cond3A_446 : i32
      scf.if %cond3A_447 {
        %add3A_516 = arith.constant 1 : i32
        %add3A_517 = arith.addi %scan3A_250, %add3A_516 : i32
        %dma_wait3A_518 = arith.constant 0 : i32
        %dma_wait3A_519 = arith.constant 0 : i32
        %dma_wait3A_520 = tpu.memref_slice %arg6[%rem3A_256, %dma_wait3A_518, %dma_wait3A_519] : memref<3x5x80xi32, #tpu.memory_space<vmem>> -> memref<1x5x80xi32, #tpu.memory_space<vmem>>
        %dma_wait3A_521 = tpu.memref_squeeze %dma_wait3A_520 : memref<1x5x80xi32, #tpu.memory_space<vmem>> -> memref<5x80xi32, #tpu.memory_space<vmem>>
        %dma_wait3A_522 = arith.constant 0 : i32
        %dma_wait3A_523 = arith.constant 0 : i32
        %dma_wait3A_524 = tpu.memref_slice %arg3[%add3A, %add3A_517, %dma_wait3A_522, %dma_wait3A_523] : memref<32x25x5x80xi32, #tpu.memory_space<hbm>> -> memref<1x1x5x80xi32, #tpu.memory_space<hbm>>
        %dma_wait3A_525 = tpu.memref_squeeze %dma_wait3A_524 : memref<1x1x5x80xi32, #tpu.memory_space<hbm>> -> memref<5x80xi32, #tpu.memory_space<hbm>>
        %dma_wait3A_526 = arith.constant 0 : i32
        %dma_wait3A_527 = arith.constant 0 : i32
        %dma_wait3A_528 = tpu.memref_slice %arg6[%rem3A_256, %dma_wait3A_526, %dma_wait3A_527] : memref<3x5x80xi32, #tpu.memory_space<vmem>> -> memref<1x5x80xi32, #tpu.memory_space<vmem>>
        %dma_wait3A_529 = tpu.memref_squeeze %dma_wait3A_528 : memref<1x5x80xi32, #tpu.memory_space<vmem>> -> memref<5x80xi32, #tpu.memory_space<vmem>>
        %dma_wait3A_530 = arith.constant 0 : i32
        %dma_wait3A_531 = arith.constant 0 : i32
        %dma_wait3A_532 = tpu.memref_slice %arg3[%add3A, %add3A_517, %dma_wait3A_530, %dma_wait3A_531] : memref<32x25x5x80xi32, #tpu.memory_space<hbm>> -> memref<1x1x5x80xi32, #tpu.memory_space<hbm>>
        %dma_wait3A_533 = tpu.memref_squeeze %dma_wait3A_532 : memref<1x1x5x80xi32, #tpu.memory_space<hbm>> -> memref<5x80xi32, #tpu.memory_space<hbm>>
        tpu.wait_dma2 semaphore(%arg11 : memref<!tpu.dma_semaphore, #tpu.memory_space<semaphore_mem>>) src(%dma_wait3A_533 : memref<5x80xi32, #tpu.memory_space<hbm>>) dst(%dma_wait3A_529 : memref<5x80xi32, #tpu.memory_space<vmem>>)
        %dma_wait3A_534 = arith.constant 0 : i32
        %dma_wait3A_535 = arith.constant 0 : i32
        %dma_wait3A_536 = tpu.memref_slice %arg7[%rem3A_256, %dma_wait3A_534, %dma_wait3A_535] : memref<3x5x80xi32, #tpu.memory_space<vmem>> -> memref<1x5x80xi32, #tpu.memory_space<vmem>>
        %dma_wait3A_537 = tpu.memref_squeeze %dma_wait3A_536 : memref<1x5x80xi32, #tpu.memory_space<vmem>> -> memref<5x80xi32, #tpu.memory_space<vmem>>
        %dma_wait3A_538 = arith.constant 0 : i32
        %dma_wait3A_539 = arith.constant 0 : i32
        %dma_wait3A_540 = tpu.memref_slice %arg4[%add3A, %add3A_517, %dma_wait3A_538, %dma_wait3A_539] : memref<32x25x5x80xi32, #tpu.memory_space<hbm>> -> memref<1x1x5x80xi32, #tpu.memory_space<hbm>>
        %dma_wait3A_541 = tpu.memref_squeeze %dma_wait3A_540 : memref<1x1x5x80xi32, #tpu.memory_space<hbm>> -> memref<5x80xi32, #tpu.memory_space<hbm>>
        %dma_wait3A_542 = arith.constant 0 : i32
        %dma_wait3A_543 = arith.constant 0 : i32
        %dma_wait3A_544 = tpu.memref_slice %arg7[%rem3A_256, %dma_wait3A_542, %dma_wait3A_543] : memref<3x5x80xi32, #tpu.memory_space<vmem>> -> memref<1x5x80xi32, #tpu.memory_space<vmem>>
        %dma_wait3A_545 = tpu.memref_squeeze %dma_wait3A_544 : memref<1x5x80xi32, #tpu.memory_space<vmem>> -> memref<5x80xi32, #tpu.memory_space<vmem>>
        %dma_wait3A_546 = arith.constant 0 : i32
        %dma_wait3A_547 = arith.constant 0 : i32
        %dma_wait3A_548 = tpu.memref_slice %arg4[%add3A, %add3A_517, %dma_wait3A_546, %dma_wait3A_547] : memref<32x25x5x80xi32, #tpu.memory_space<hbm>> -> memref<1x1x5x80xi32, #tpu.memory_space<hbm>>
        %dma_wait3A_549 = tpu.memref_squeeze %dma_wait3A_548 : memref<1x1x5x80xi32, #tpu.memory_space<hbm>> -> memref<5x80xi32, #tpu.memory_space<hbm>>
        tpu.wait_dma2 semaphore(%arg11 : memref<!tpu.dma_semaphore, #tpu.memory_space<semaphore_mem>>) src(%dma_wait3A_549 : memref<5x80xi32, #tpu.memory_space<hbm>>) dst(%dma_wait3A_545 : memref<5x80xi32, #tpu.memory_space<vmem>>)
      } else {
      }
      %add3A_448 = arith.constant 2 : i32
      %add3A_449 = arith.addi %add3A_406, %add3A_448 : i32
      %rem3A_450 = arith.constant 3 : i32
      %rem3A_451 = arith.remsi %add3A_449, %rem3A_450 : i32
      %add3A_452 = arith.constant 2 : i32
      %add3A_453 = arith.addi %add3A_406, %add3A_452 : i32
      %lt3A_454 = arith.constant 125 : i32
      %lt3A_455 = arith.cmpi slt, %add3A_453, %lt3A_454 : i32
      %convert_element_type3A_456 = arith.extui %lt3A_455 : i1 to i32
      %cond3A_457 = arith.constant 0 : i32
      %cond3A_458 = arith.cmpi ne, %convert_element_type3A_456, %cond3A_457 : i32
      scf.if %cond3A_458 {
        %ge3A = arith.constant 1 : i32
        %ge3A_516 = arith.cmpi sge, %add3A_406, %ge3A : i32
        %convert_element_type3A_517 = arith.extui %ge3A_516 : i1 to i32
        %cond3A_518 = arith.constant 0 : i32
        %cond3A_519 = arith.cmpi ne, %convert_element_type3A_517, %cond3A_518 : i32
        scf.if %cond3A_519 {
          %dma_wait3A_535 = arith.constant 3 : i32
          %dma_wait3A_536 = arith.constant 0 : i32
          %dma_wait3A_537 = arith.constant 0 : i32
          %dma_wait3A_538 = tpu.memref_slice %arg8[%rem3A_451, %dma_wait3A_536, %dma_wait3A_537] : memref<3x80x128xf32, #tpu.memory_space<vmem>> -> memref<1x80x128xf32, #tpu.memory_space<vmem>>
          %dma_wait3A_539 = tpu.memref_squeeze %dma_wait3A_538 : memref<1x80x128xf32, #tpu.memory_space<vmem>> -> memref<80x128xf32, #tpu.memory_space<vmem>>
          %dma_wait3A_540 = arith.constant 0 : i32
          %dma_wait3A_541 = arith.constant 0 : i32
          %dma_wait3A_542 = tpu.memref_slice %arg7[%rem3A_252, %dma_wait3A_540, %dma_wait3A_541] : memref<3x5x80xi32, #tpu.memory_space<vmem>> -> memref<1x5x80xi32, #tpu.memory_space<vmem>>
          %dma_wait3A_543 = tpu.memref_squeeze %dma_wait3A_542 : memref<1x5x80xi32, #tpu.memory_space<vmem>> -> memref<5x80xi32, #tpu.memory_space<vmem>>
          %dma_wait3A_544 = arith.constant 0 : i32
          %dma_wait3A_545 = tpu.memref_slice %dma_wait3A_543[%dma_wait3A_535, %dma_wait3A_544] : memref<5x80xi32, #tpu.memory_space<vmem>> -> memref<1x80xi32, #tpu.memory_space<vmem>>
          %dma_wait3A_546 = tpu.memref_squeeze %dma_wait3A_545 : memref<1x80xi32, #tpu.memory_space<vmem>> -> memref<80xi32, #tpu.memory_space<vmem>>
          %dma_wait3A_547 = arith.constant 0 : i32
          %dma_wait3A_548 = arith.constant 0 : i32
          %dma_wait3A_549 = tpu.memref_slice %arg9[%dma_wait3A_547, %dma_wait3A_548] : memref<10000x128xf32, #tpu.memory_space<vmem_shared>> -> memref<10000x128xf32, #tpu.memory_space<vmem_shared>>
          %dma_wait3A_550 = tpu.memref_slice %arg12[%rem3A_451] : memref<3x!tpu.dma_semaphore, #tpu.memory_space<semaphore_mem>> -> memref<1x!tpu.dma_semaphore, #tpu.memory_space<semaphore_mem>>
          %dma_wait3A_551 = tpu.memref_squeeze %dma_wait3A_550 : memref<1x!tpu.dma_semaphore, #tpu.memory_space<semaphore_mem>> -> memref<!tpu.dma_semaphore, #tpu.memory_space<semaphore_mem>>
          tpu.wait_indirect_dma semaphore(%dma_wait3A_551 : memref<!tpu.dma_semaphore, #tpu.memory_space<semaphore_mem>>) src(%dma_wait3A_539 : memref<80x128xf32, #tpu.memory_space<vmem>>) dst(%dma_wait3A_549 : memref<10000x128xf32, #tpu.memory_space<vmem_shared>>)
        } else {
        }
        %dma_start3A_520 = arith.constant 0 : i32
        %dma_start3A_521 = arith.constant 0 : i32
        %dma_start3A_522 = arith.constant 0 : i32
        %dma_start3A_523 = tpu.memref_slice %arg8[%rem3A_451, %dma_start3A_521, %dma_start3A_522] : memref<3x80x128xf32, #tpu.memory_space<vmem>> -> memref<1x80x128xf32, #tpu.memory_space<vmem>>
        %dma_start3A_524 = tpu.memref_squeeze %dma_start3A_523 : memref<1x80x128xf32, #tpu.memory_space<vmem>> -> memref<80x128xf32, #tpu.memory_space<vmem>>
        %dma_start3A_525 = arith.constant 0 : i32
        %dma_start3A_526 = arith.constant 0 : i32
        %dma_start3A_527 = tpu.memref_slice %arg6[%rem3A_256, %dma_start3A_525, %dma_start3A_526] : memref<3x5x80xi32, #tpu.memory_space<vmem>> -> memref<1x5x80xi32, #tpu.memory_space<vmem>>
        %dma_start3A_528 = tpu.memref_squeeze %dma_start3A_527 : memref<1x5x80xi32, #tpu.memory_space<vmem>> -> memref<5x80xi32, #tpu.memory_space<vmem>>
        %dma_start3A_529 = arith.constant 0 : i32
        %dma_start3A_530 = tpu.memref_slice %dma_start3A_528[%dma_start3A_520, %dma_start3A_529] : memref<5x80xi32, #tpu.memory_space<vmem>> -> memref<1x80xi32, #tpu.memory_space<vmem>>
        %dma_start3A_531 = tpu.memref_squeeze %dma_start3A_530 : memref<1x80xi32, #tpu.memory_space<vmem>> -> memref<80xi32, #tpu.memory_space<vmem>>
        %dma_start3A_532 = arith.constant 0 : i32
        %dma_start3A_533 = arith.constant 0 : i32
        %dma_start3A_534 = tpu.memref_slice %arg2[%dma_start3A_532, %dma_start3A_533] : memref<10000x128xf32, #tpu.memory_space<hbm>> -> memref<10000x128xf32, #tpu.memory_space<hbm>>
        tpu.enqueue_indirect_dma source(%dma_start3A_534 : memref<10000x128xf32, #tpu.memory_space<hbm>>) target(%dma_start3A_524 : memref<80x128xf32, #tpu.memory_space<vmem>>) offsets(%dma_start3A_531 : memref<80xi32, #tpu.memory_space<vmem>>) semaphore(%arg10 : memref<!tpu.dma_semaphore, #tpu.memory_space<semaphore_mem>>)
      } else {
      }
      %mul3A_459 = arith.constant 5 : i32
      %mul3A_460 = arith.muli %scan3A_250, %mul3A_459 : i32
      %add3A_461 = arith.constant 4 : i32
      %add3A_462 = arith.addi %mul3A_460, %add3A_461 : i32
      %rem3A_463 = arith.constant 3 : i32
      %rem3A_464 = arith.remsi %add3A_462, %rem3A_463 : i32
      %dma_wait3A_465 = arith.constant 4 : i32
      %dma_wait3A_466 = arith.constant 0 : i32
      %dma_wait3A_467 = arith.constant 0 : i32
      %dma_wait3A_468 = tpu.memref_slice %arg8[%rem3A_464, %dma_wait3A_466, %dma_wait3A_467] : memref<3x80x128xf32, #tpu.memory_space<vmem>> -> memref<1x80x128xf32, #tpu.memory_space<vmem>>
      %dma_wait3A_469 = tpu.memref_squeeze %dma_wait3A_468 : memref<1x80x128xf32, #tpu.memory_space<vmem>> -> memref<80x128xf32, #tpu.memory_space<vmem>>
      %dma_wait3A_470 = arith.constant 0 : i32
      %dma_wait3A_471 = arith.constant 0 : i32
      %dma_wait3A_472 = tpu.memref_slice %arg6[%rem3A_252, %dma_wait3A_470, %dma_wait3A_471] : memref<3x5x80xi32, #tpu.memory_space<vmem>> -> memref<1x5x80xi32, #tpu.memory_space<vmem>>
      %dma_wait3A_473 = tpu.memref_squeeze %dma_wait3A_472 : memref<1x5x80xi32, #tpu.memory_space<vmem>> -> memref<5x80xi32, #tpu.memory_space<vmem>>
      %dma_wait3A_474 = arith.constant 0 : i32
      %dma_wait3A_475 = tpu.memref_slice %dma_wait3A_473[%dma_wait3A_465, %dma_wait3A_474] : memref<5x80xi32, #tpu.memory_space<vmem>> -> memref<1x80xi32, #tpu.memory_space<vmem>>
      %dma_wait3A_476 = tpu.memref_squeeze %dma_wait3A_475 : memref<1x80xi32, #tpu.memory_space<vmem>> -> memref<80xi32, #tpu.memory_space<vmem>>
      %dma_wait3A_477 = arith.constant 0 : i32
      %dma_wait3A_478 = arith.constant 0 : i32
      %dma_wait3A_479 = tpu.memref_slice %arg2[%dma_wait3A_477, %dma_wait3A_478] : memref<10000x128xf32, #tpu.memory_space<hbm>> -> memref<10000x128xf32, #tpu.memory_space<hbm>>
      tpu.wait_indirect_dma semaphore(%arg10 : memref<!tpu.dma_semaphore, #tpu.memory_space<semaphore_mem>>) src(%dma_wait3A_479 : memref<10000x128xf32, #tpu.memory_space<hbm>>) dst(%dma_wait3A_469 : memref<80x128xf32, #tpu.memory_space<vmem>>)
      %dma_start3A_480 = arith.constant 4 : i32
      %dma_start3A_481 = arith.constant 0 : i32
      %dma_start3A_482 = arith.constant 0 : i32
      %dma_start3A_483 = tpu.memref_slice %arg8[%rem3A_464, %dma_start3A_481, %dma_start3A_482] : memref<3x80x128xf32, #tpu.memory_space<vmem>> -> memref<1x80x128xf32, #tpu.memory_space<vmem>>
      %dma_start3A_484 = tpu.memref_squeeze %dma_start3A_483 : memref<1x80x128xf32, #tpu.memory_space<vmem>> -> memref<80x128xf32, #tpu.memory_space<vmem>>
      %dma_start3A_485 = arith.constant 0 : i32
      %dma_start3A_486 = arith.constant 0 : i32
      %dma_start3A_487 = tpu.memref_slice %arg7[%rem3A_252, %dma_start3A_485, %dma_start3A_486] : memref<3x5x80xi32, #tpu.memory_space<vmem>> -> memref<1x5x80xi32, #tpu.memory_space<vmem>>
      %dma_start3A_488 = tpu.memref_squeeze %dma_start3A_487 : memref<1x5x80xi32, #tpu.memory_space<vmem>> -> memref<5x80xi32, #tpu.memory_space<vmem>>
      %dma_start3A_489 = arith.constant 0 : i32
      %dma_start3A_490 = tpu.memref_slice %dma_start3A_488[%dma_start3A_480, %dma_start3A_489] : memref<5x80xi32, #tpu.memory_space<vmem>> -> memref<1x80xi32, #tpu.memory_space<vmem>>
      %dma_start3A_491 = tpu.memref_squeeze %dma_start3A_490 : memref<1x80xi32, #tpu.memory_space<vmem>> -> memref<80xi32, #tpu.memory_space<vmem>>
      %dma_start3A_492 = arith.constant 0 : i32
      %dma_start3A_493 = arith.constant 0 : i32
      %dma_start3A_494 = tpu.memref_slice %arg9[%dma_start3A_492, %dma_start3A_493] : memref<10000x128xf32, #tpu.memory_space<vmem_shared>> -> memref<10000x128xf32, #tpu.memory_space<vmem_shared>>
      %dma_start3A_495 = tpu.memref_slice %arg12[%rem3A_464] : memref<3x!tpu.dma_semaphore, #tpu.memory_space<semaphore_mem>> -> memref<1x!tpu.dma_semaphore, #tpu.memory_space<semaphore_mem>>
      %dma_start3A_496 = tpu.memref_squeeze %dma_start3A_495 : memref<1x!tpu.dma_semaphore, #tpu.memory_space<semaphore_mem>> -> memref<!tpu.dma_semaphore, #tpu.memory_space<semaphore_mem>>
      tpu.enqueue_indirect_dma source(%dma_start3A_484 : memref<80x128xf32, #tpu.memory_space<vmem>>) target(%dma_start3A_494 : memref<10000x128xf32, #tpu.memory_space<vmem_shared>>) offsets(%dma_start3A_491 : memref<80xi32, #tpu.memory_space<vmem>>) semaphore(%dma_start3A_496 : memref<!tpu.dma_semaphore, #tpu.memory_space<semaphore_mem>>) {add = true}
      %add3A_497 = arith.constant 2 : i32
      %add3A_498 = arith.addi %add3A_462, %add3A_497 : i32
      %rem3A_499 = arith.constant 3 : i32
      %rem3A_500 = arith.remsi %add3A_498, %rem3A_499 : i32
      %add3A_501 = arith.constant 2 : i32
      %add3A_502 = arith.addi %add3A_462, %add3A_501 : i32
      %lt3A_503 = arith.constant 125 : i32
      %lt3A_504 = arith.cmpi slt, %add3A_502, %lt3A_503 : i32
      %convert_element_type3A_505 = arith.extui %lt3A_504 : i1 to i32
      %cond3A_506 = arith.constant 0 : i32
      %cond3A_507 = arith.cmpi ne, %convert_element_type3A_505, %cond3A_506 : i32
      scf.if %cond3A_507 {
        %ge3A = arith.constant 1 : i32
        %ge3A_516 = arith.cmpi sge, %add3A_462, %ge3A : i32
        %convert_element_type3A_517 = arith.extui %ge3A_516 : i1 to i32
        %cond3A_518 = arith.constant 0 : i32
        %cond3A_519 = arith.cmpi ne, %convert_element_type3A_517, %cond3A_518 : i32
        scf.if %cond3A_519 {
          %dma_wait3A_535 = arith.constant 4 : i32
          %dma_wait3A_536 = arith.constant 0 : i32
          %dma_wait3A_537 = arith.constant 0 : i32
          %dma_wait3A_538 = tpu.memref_slice %arg8[%rem3A_500, %dma_wait3A_536, %dma_wait3A_537] : memref<3x80x128xf32, #tpu.memory_space<vmem>> -> memref<1x80x128xf32, #tpu.memory_space<vmem>>
          %dma_wait3A_539 = tpu.memref_squeeze %dma_wait3A_538 : memref<1x80x128xf32, #tpu.memory_space<vmem>> -> memref<80x128xf32, #tpu.memory_space<vmem>>
          %dma_wait3A_540 = arith.constant 0 : i32
          %dma_wait3A_541 = arith.constant 0 : i32
          %dma_wait3A_542 = tpu.memref_slice %arg7[%rem3A_252, %dma_wait3A_540, %dma_wait3A_541] : memref<3x5x80xi32, #tpu.memory_space<vmem>> -> memref<1x5x80xi32, #tpu.memory_space<vmem>>
          %dma_wait3A_543 = tpu.memref_squeeze %dma_wait3A_542 : memref<1x5x80xi32, #tpu.memory_space<vmem>> -> memref<5x80xi32, #tpu.memory_space<vmem>>
          %dma_wait3A_544 = arith.constant 0 : i32
          %dma_wait3A_545 = tpu.memref_slice %dma_wait3A_543[%dma_wait3A_535, %dma_wait3A_544] : memref<5x80xi32, #tpu.memory_space<vmem>> -> memref<1x80xi32, #tpu.memory_space<vmem>>
          %dma_wait3A_546 = tpu.memref_squeeze %dma_wait3A_545 : memref<1x80xi32, #tpu.memory_space<vmem>> -> memref<80xi32, #tpu.memory_space<vmem>>
          %dma_wait3A_547 = arith.constant 0 : i32
          %dma_wait3A_548 = arith.constant 0 : i32
          %dma_wait3A_549 = tpu.memref_slice %arg9[%dma_wait3A_547, %dma_wait3A_548] : memref<10000x128xf32, #tpu.memory_space<vmem_shared>> -> memref<10000x128xf32, #tpu.memory_space<vmem_shared>>
          %dma_wait3A_550 = tpu.memref_slice %arg12[%rem3A_500] : memref<3x!tpu.dma_semaphore, #tpu.memory_space<semaphore_mem>> -> memref<1x!tpu.dma_semaphore, #tpu.memory_space<semaphore_mem>>
          %dma_wait3A_551 = tpu.memref_squeeze %dma_wait3A_550 : memref<1x!tpu.dma_semaphore, #tpu.memory_space<semaphore_mem>> -> memref<!tpu.dma_semaphore, #tpu.memory_space<semaphore_mem>>
          tpu.wait_indirect_dma semaphore(%dma_wait3A_551 : memref<!tpu.dma_semaphore, #tpu.memory_space<semaphore_mem>>) src(%dma_wait3A_539 : memref<80x128xf32, #tpu.memory_space<vmem>>) dst(%dma_wait3A_549 : memref<10000x128xf32, #tpu.memory_space<vmem_shared>>)
        } else {
        }
        %dma_start3A_520 = arith.constant 1 : i32
        %dma_start3A_521 = arith.constant 0 : i32
        %dma_start3A_522 = arith.constant 0 : i32
        %dma_start3A_523 = tpu.memref_slice %arg8[%rem3A_500, %dma_start3A_521, %dma_start3A_522] : memref<3x80x128xf32, #tpu.memory_space<vmem>> -> memref<1x80x128xf32, #tpu.memory_space<vmem>>
        %dma_start3A_524 = tpu.memref_squeeze %dma_start3A_523 : memref<1x80x128xf32, #tpu.memory_space<vmem>> -> memref<80x128xf32, #tpu.memory_space<vmem>>
        %dma_start3A_525 = arith.constant 0 : i32
        %dma_start3A_526 = arith.constant 0 : i32
        %dma_start3A_527 = tpu.memref_slice %arg6[%rem3A_256, %dma_start3A_525, %dma_start3A_526] : memref<3x5x80xi32, #tpu.memory_space<vmem>> -> memref<1x5x80xi32, #tpu.memory_space<vmem>>
        %dma_start3A_528 = tpu.memref_squeeze %dma_start3A_527 : memref<1x5x80xi32, #tpu.memory_space<vmem>> -> memref<5x80xi32, #tpu.memory_space<vmem>>
        %dma_start3A_529 = arith.constant 0 : i32
        %dma_start3A_530 = tpu.memref_slice %dma_start3A_528[%dma_start3A_520, %dma_start3A_529] : memref<5x80xi32, #tpu.memory_space<vmem>> -> memref<1x80xi32, #tpu.memory_space<vmem>>
        %dma_start3A_531 = tpu.memref_squeeze %dma_start3A_530 : memref<1x80xi32, #tpu.memory_space<vmem>> -> memref<80xi32, #tpu.memory_space<vmem>>
        %dma_start3A_532 = arith.constant 0 : i32
        %dma_start3A_533 = arith.constant 0 : i32
        %dma_start3A_534 = tpu.memref_slice %arg2[%dma_start3A_532, %dma_start3A_533] : memref<10000x128xf32, #tpu.memory_space<hbm>> -> memref<10000x128xf32, #tpu.memory_space<hbm>>
        tpu.enqueue_indirect_dma source(%dma_start3A_534 : memref<10000x128xf32, #tpu.memory_space<hbm>>) target(%dma_start3A_524 : memref<80x128xf32, #tpu.memory_space<vmem>>) offsets(%dma_start3A_531 : memref<80xi32, #tpu.memory_space<vmem>>) semaphore(%arg10 : memref<!tpu.dma_semaphore, #tpu.memory_space<semaphore_mem>>)
      } else {
      }
      %add3A_508 = arith.constant 2 : i32
      %add3A_509 = arith.addi %scan3A_250, %add3A_508 : i32
      %lt3A_510 = arith.constant 25 : i32
      %lt3A_511 = arith.cmpi slt, %add3A_509, %lt3A_510 : i32
      %convert_element_type3A_512 = arith.extui %lt3A_511 : i1 to i32
      %cond3A_513 = arith.constant 0 : i32
      %cond3A_514 = arith.cmpi ne, %convert_element_type3A_512, %cond3A_513 : i32
      scf.if %cond3A_514 {
        %add3A_516 = arith.constant 2 : i32
        %add3A_517 = arith.addi %scan3A_250, %add3A_516 : i32
        %add3A_518 = arith.constant 2 : i32
        %add3A_519 = arith.addi %scan3A_250, %add3A_518 : i32
        %rem3A_520 = arith.constant 3 : i32
        %rem3A_521 = arith.remsi %add3A_519, %rem3A_520 : i32
        %dma_start3A_522 = arith.constant 0 : i32
        %dma_start3A_523 = arith.constant 0 : i32
        %dma_start3A_524 = tpu.memref_slice %arg6[%rem3A_521, %dma_start3A_522, %dma_start3A_523] : memref<3x5x80xi32, #tpu.memory_space<vmem>> -> memref<1x5x80xi32, #tpu.memory_space<vmem>>
        %dma_start3A_525 = tpu.memref_squeeze %dma_start3A_524 : memref<1x5x80xi32, #tpu.memory_space<vmem>> -> memref<5x80xi32, #tpu.memory_space<vmem>>
        %dma_start3A_526 = arith.constant 0 : i32
        %dma_start3A_527 = arith.constant 0 : i32
        %dma_start3A_528 = tpu.memref_slice %arg3[%add3A, %add3A_517, %dma_start3A_526, %dma_start3A_527] : memref<32x25x5x80xi32, #tpu.memory_space<hbm>> -> memref<1x1x5x80xi32, #tpu.memory_space<hbm>>
        %dma_start3A_529 = tpu.memref_squeeze %dma_start3A_528 : memref<1x1x5x80xi32, #tpu.memory_space<hbm>> -> memref<5x80xi32, #tpu.memory_space<hbm>>
        %dma_start3A_530 = arith.constant 0 : i32
        %dma_start3A_531 = arith.constant 0 : i32
        %dma_start3A_532 = tpu.memref_slice %arg6[%rem3A_521, %dma_start3A_530, %dma_start3A_531] : memref<3x5x80xi32, #tpu.memory_space<vmem>> -> memref<1x5x80xi32, #tpu.memory_space<vmem>>
        %dma_start3A_533 = tpu.memref_squeeze %dma_start3A_532 : memref<1x5x80xi32, #tpu.memory_space<vmem>> -> memref<5x80xi32, #tpu.memory_space<vmem>>
        %dma_start3A_534 = arith.constant 0 : i32
        %dma_start3A_535 = arith.constant 0 : i32
        %dma_start3A_536 = tpu.memref_slice %arg3[%add3A, %add3A_517, %dma_start3A_534, %dma_start3A_535] : memref<32x25x5x80xi32, #tpu.memory_space<hbm>> -> memref<1x1x5x80xi32, #tpu.memory_space<hbm>>
        %dma_start3A_537 = tpu.memref_squeeze %dma_start3A_536 : memref<1x1x5x80xi32, #tpu.memory_space<hbm>> -> memref<5x80xi32, #tpu.memory_space<hbm>>
        tpu.enqueue_dma source(%dma_start3A_537 : memref<5x80xi32, #tpu.memory_space<hbm>>) target(%dma_start3A_533 : memref<5x80xi32, #tpu.memory_space<vmem>>) target_semaphore(%arg11 : memref<!tpu.dma_semaphore, #tpu.memory_space<semaphore_mem>>)
        %dma_start3A_538 = arith.constant 0 : i32
        %dma_start3A_539 = arith.constant 0 : i32
        %dma_start3A_540 = tpu.memref_slice %arg7[%rem3A_521, %dma_start3A_538, %dma_start3A_539] : memref<3x5x80xi32, #tpu.memory_space<vmem>> -> memref<1x5x80xi32, #tpu.memory_space<vmem>>
        %dma_start3A_541 = tpu.memref_squeeze %dma_start3A_540 : memref<1x5x80xi32, #tpu.memory_space<vmem>> -> memref<5x80xi32, #tpu.memory_space<vmem>>
        %dma_start3A_542 = arith.constant 0 : i32
        %dma_start3A_543 = arith.constant 0 : i32
        %dma_start3A_544 = tpu.memref_slice %arg4[%add3A, %add3A_517, %dma_start3A_542, %dma_start3A_543] : memref<32x25x5x80xi32, #tpu.memory_space<hbm>> -> memref<1x1x5x80xi32, #tpu.memory_space<hbm>>
        %dma_start3A_545 = tpu.memref_squeeze %dma_start3A_544 : memref<1x1x5x80xi32, #tpu.memory_space<hbm>> -> memref<5x80xi32, #tpu.memory_space<hbm>>
        %dma_start3A_546 = arith.constant 0 : i32
        %dma_start3A_547 = arith.constant 0 : i32
        %dma_start3A_548 = tpu.memref_slice %arg7[%rem3A_521, %dma_start3A_546, %dma_start3A_547] : memref<3x5x80xi32, #tpu.memory_space<vmem>> -> memref<1x5x80xi32, #tpu.memory_space<vmem>>
        %dma_start3A_549 = tpu.memref_squeeze %dma_start3A_548 : memref<1x5x80xi32, #tpu.memory_space<vmem>> -> memref<5x80xi32, #tpu.memory_space<vmem>>
        %dma_start3A_550 = arith.constant 0 : i32
        %dma_start3A_551 = arith.constant 0 : i32
        %dma_start3A_552 = tpu.memref_slice %arg4[%add3A, %add3A_517, %dma_start3A_550, %dma_start3A_551] : memref<32x25x5x80xi32, #tpu.memory_space<hbm>> -> memref<1x1x5x80xi32, #tpu.memory_space<hbm>>
        %dma_start3A_553 = tpu.memref_squeeze %dma_start3A_552 : memref<1x1x5x80xi32, #tpu.memory_space<hbm>> -> memref<5x80xi32, #tpu.memory_space<hbm>>
        tpu.enqueue_dma source(%dma_start3A_553 : memref<5x80xi32, #tpu.memory_space<hbm>>) target(%dma_start3A_549 : memref<5x80xi32, #tpu.memory_space<vmem>>) target_semaphore(%arg11 : memref<!tpu.dma_semaphore, #tpu.memory_space<semaphore_mem>>)
      } else {
      }
      %scan3A_515 = arith.constant 0 : i32
      scf.yield %scan3A_515 : i32
    }
    %scan3A_183 = arith.constant 25 : i32
    %dma_wait3A_184 = arith.constant 0 : i32
    %dma_wait3A_185 = arith.constant 0 : i32
    %dma_wait3A_186 = arith.constant 0 : i32
    %dma_wait3A_187 = arith.constant 0 : i32
    %dma_wait3A_188 = arith.constant 0 : i32
    %dma_wait3A_189 = arith.constant 0 : i32
    %dma_wait3A_190 = tpu.memref_slice %arg8[%dma_wait3A_184, %dma_wait3A_188, %dma_wait3A_189] : memref<3x80x128xf32, #tpu.memory_space<vmem>> -> memref<1x80x128xf32, #tpu.memory_space<vmem>>
    %dma_wait3A_191 = tpu.memref_squeeze %dma_wait3A_190 : memref<1x80x128xf32, #tpu.memory_space<vmem>> -> memref<80x128xf32, #tpu.memory_space<vmem>>
    %dma_wait3A_192 = arith.constant 0 : i32
    %dma_wait3A_193 = arith.constant 0 : i32
    %dma_wait3A_194 = tpu.memref_slice %arg7[%dma_wait3A_185, %dma_wait3A_192, %dma_wait3A_193] : memref<3x5x80xi32, #tpu.memory_space<vmem>> -> memref<1x5x80xi32, #tpu.memory_space<vmem>>
    %dma_wait3A_195 = tpu.memref_squeeze %dma_wait3A_194 : memref<1x5x80xi32, #tpu.memory_space<vmem>> -> memref<5x80xi32, #tpu.memory_space<vmem>>
    %dma_wait3A_196 = arith.constant 0 : i32
    %dma_wait3A_197 = tpu.memref_slice %dma_wait3A_195[%dma_wait3A_186, %dma_wait3A_196] : memref<5x80xi32, #tpu.memory_space<vmem>> -> memref<1x80xi32, #tpu.memory_space<vmem>>
    %dma_wait3A_198 = tpu.memref_squeeze %dma_wait3A_197 : memref<1x80xi32, #tpu.memory_space<vmem>> -> memref<80xi32, #tpu.memory_space<vmem>>
    %dma_wait3A_199 = arith.constant 0 : i32
    %dma_wait3A_200 = arith.constant 0 : i32
    %dma_wait3A_201 = tpu.memref_slice %arg9[%dma_wait3A_199, %dma_wait3A_200] : memref<10000x128xf32, #tpu.memory_space<vmem_shared>> -> memref<10000x128xf32, #tpu.memory_space<vmem_shared>>
    %dma_wait3A_202 = tpu.memref_slice %arg12[%dma_wait3A_187] : memref<3x!tpu.dma_semaphore, #tpu.memory_space<semaphore_mem>> -> memref<1x!tpu.dma_semaphore, #tpu.memory_space<semaphore_mem>>
    %dma_wait3A_203 = tpu.memref_squeeze %dma_wait3A_202 : memref<1x!tpu.dma_semaphore, #tpu.memory_space<semaphore_mem>> -> memref<!tpu.dma_semaphore, #tpu.memory_space<semaphore_mem>>
    tpu.wait_indirect_dma semaphore(%dma_wait3A_203 : memref<!tpu.dma_semaphore, #tpu.memory_space<semaphore_mem>>) src(%dma_wait3A_191 : memref<80x128xf32, #tpu.memory_space<vmem>>) dst(%dma_wait3A_201 : memref<10000x128xf32, #tpu.memory_space<vmem_shared>>)
    %dma_wait3A_204 = arith.constant 1 : i32
    %dma_wait3A_205 = arith.constant 0 : i32
    %dma_wait3A_206 = arith.constant 0 : i32
    %dma_wait3A_207 = arith.constant 1 : i32
    %dma_wait3A_208 = arith.constant 0 : i32
    %dma_wait3A_209 = arith.constant 0 : i32
    %dma_wait3A_210 = tpu.memref_slice %arg8[%dma_wait3A_204, %dma_wait3A_208, %dma_wait3A_209] : memref<3x80x128xf32, #tpu.memory_space<vmem>> -> memref<1x80x128xf32, #tpu.memory_space<vmem>>
    %dma_wait3A_211 = tpu.memref_squeeze %dma_wait3A_210 : memref<1x80x128xf32, #tpu.memory_space<vmem>> -> memref<80x128xf32, #tpu.memory_space<vmem>>
    %dma_wait3A_212 = arith.constant 0 : i32
    %dma_wait3A_213 = arith.constant 0 : i32
    %dma_wait3A_214 = tpu.memref_slice %arg7[%dma_wait3A_205, %dma_wait3A_212, %dma_wait3A_213] : memref<3x5x80xi32, #tpu.memory_space<vmem>> -> memref<1x5x80xi32, #tpu.memory_space<vmem>>
    %dma_wait3A_215 = tpu.memref_squeeze %dma_wait3A_214 : memref<1x5x80xi32, #tpu.memory_space<vmem>> -> memref<5x80xi32, #tpu.memory_space<vmem>>
    %dma_wait3A_216 = arith.constant 0 : i32
    %dma_wait3A_217 = tpu.memref_slice %dma_wait3A_215[%dma_wait3A_206, %dma_wait3A_216] : memref<5x80xi32, #tpu.memory_space<vmem>> -> memref<1x80xi32, #tpu.memory_space<vmem>>
    %dma_wait3A_218 = tpu.memref_squeeze %dma_wait3A_217 : memref<1x80xi32, #tpu.memory_space<vmem>> -> memref<80xi32, #tpu.memory_space<vmem>>
    %dma_wait3A_219 = arith.constant 0 : i32
    %dma_wait3A_220 = arith.constant 0 : i32
    %dma_wait3A_221 = tpu.memref_slice %arg9[%dma_wait3A_219, %dma_wait3A_220] : memref<10000x128xf32, #tpu.memory_space<vmem_shared>> -> memref<10000x128xf32, #tpu.memory_space<vmem_shared>>
    %dma_wait3A_222 = tpu.memref_slice %arg12[%dma_wait3A_207] : memref<3x!tpu.dma_semaphore, #tpu.memory_space<semaphore_mem>> -> memref<1x!tpu.dma_semaphore, #tpu.memory_space<semaphore_mem>>
    %dma_wait3A_223 = tpu.memref_squeeze %dma_wait3A_222 : memref<1x!tpu.dma_semaphore, #tpu.memory_space<semaphore_mem>> -> memref<!tpu.dma_semaphore, #tpu.memory_space<semaphore_mem>>
    tpu.wait_indirect_dma semaphore(%dma_wait3A_223 : memref<!tpu.dma_semaphore, #tpu.memory_space<semaphore_mem>>) src(%dma_wait3A_211 : memref<80x128xf32, #tpu.memory_space<vmem>>) dst(%dma_wait3A_221 : memref<10000x128xf32, #tpu.memory_space<vmem_shared>>)
    %dma_wait3A_224 = arith.constant 2 : i32
    %dma_wait3A_225 = arith.constant 0 : i32
    %dma_wait3A_226 = arith.constant 0 : i32
    %dma_wait3A_227 = arith.constant 2 : i32
    %dma_wait3A_228 = arith.constant 0 : i32
    %dma_wait3A_229 = arith.constant 0 : i32
    %dma_wait3A_230 = tpu.memref_slice %arg8[%dma_wait3A_224, %dma_wait3A_228, %dma_wait3A_229] : memref<3x80x128xf32, #tpu.memory_space<vmem>> -> memref<1x80x128xf32, #tpu.memory_space<vmem>>
    %dma_wait3A_231 = tpu.memref_squeeze %dma_wait3A_230 : memref<1x80x128xf32, #tpu.memory_space<vmem>> -> memref<80x128xf32, #tpu.memory_space<vmem>>
    %dma_wait3A_232 = arith.constant 0 : i32
    %dma_wait3A_233 = arith.constant 0 : i32
    %dma_wait3A_234 = tpu.memref_slice %arg7[%dma_wait3A_225, %dma_wait3A_232, %dma_wait3A_233] : memref<3x5x80xi32, #tpu.memory_space<vmem>> -> memref<1x5x80xi32, #tpu.memory_space<vmem>>
    %dma_wait3A_235 = tpu.memref_squeeze %dma_wait3A_234 : memref<1x5x80xi32, #tpu.memory_space<vmem>> -> memref<5x80xi32, #tpu.memory_space<vmem>>
    %dma_wait3A_236 = arith.constant 0 : i32
    %dma_wait3A_237 = tpu.memref_slice %dma_wait3A_235[%dma_wait3A_226, %dma_wait3A_236] : memref<5x80xi32, #tpu.memory_space<vmem>> -> memref<1x80xi32, #tpu.memory_space<vmem>>
    %dma_wait3A_238 = tpu.memref_squeeze %dma_wait3A_237 : memref<1x80xi32, #tpu.memory_space<vmem>> -> memref<80xi32, #tpu.memory_space<vmem>>
    %dma_wait3A_239 = arith.constant 0 : i32
    %dma_wait3A_240 = arith.constant 0 : i32
    %dma_wait3A_241 = tpu.memref_slice %arg9[%dma_wait3A_239, %dma_wait3A_240] : memref<10000x128xf32, #tpu.memory_space<vmem_shared>> -> memref<10000x128xf32, #tpu.memory_space<vmem_shared>>
    %dma_wait3A_242 = tpu.memref_slice %arg12[%dma_wait3A_227] : memref<3x!tpu.dma_semaphore, #tpu.memory_space<semaphore_mem>> -> memref<1x!tpu.dma_semaphore, #tpu.memory_space<semaphore_mem>>
    %dma_wait3A_243 = tpu.memref_squeeze %dma_wait3A_242 : memref<1x!tpu.dma_semaphore, #tpu.memory_space<semaphore_mem>> -> memref<!tpu.dma_semaphore, #tpu.memory_space<semaphore_mem>>
    tpu.wait_indirect_dma semaphore(%dma_wait3A_243 : memref<!tpu.dma_semaphore, #tpu.memory_space<semaphore_mem>>) src(%dma_wait3A_231 : memref<80x128xf32, #tpu.memory_space<vmem>>) dst(%dma_wait3A_241 : memref<10000x128xf32, #tpu.memory_space<vmem_shared>>)
    %barrier3A_244 = arith.constant 0 : index
    tpu.barrier barrier_id(%barrier3A_244)
    "tpu.region"() ({
      %run_scoped3A_250 = tpu.sem_alloc : memref<!tpu.dma_semaphore, #tpu.memory_space<semaphore_mem>>
      %dma_start3A_251 = arith.constant 0 : i32
      %dma_start3A_252 = tpu.memref_slice %arg5[%arg0, %mul3A_150, %dma_start3A_251] : memref<2x10000x128xf32, #tpu.memory_space<hbm>> -> memref<1x624x128xf32, #tpu.memory_space<hbm>>
      %dma_start3A_253 = tpu.memref_squeeze %dma_start3A_252 : memref<1x624x128xf32, #tpu.memory_space<hbm>> -> memref<624x128xf32, #tpu.memory_space<hbm>>
      %dma_start3A_254 = arith.constant 0 : i32
      %dma_start3A_255 = tpu.memref_slice %arg9[%mul3A_150, %dma_start3A_254] : memref<10000x128xf32, #tpu.memory_space<vmem_shared>> -> memref<624x128xf32, #tpu.memory_space<vmem_shared>>
      tpu.enqueue_dma source(%dma_start3A_255 : memref<624x128xf32, #tpu.memory_space<vmem_shared>>) target(%dma_start3A_253 : memref<624x128xf32, #tpu.memory_space<hbm>>) target_semaphore(%run_scoped3A_250 : memref<!tpu.dma_semaphore, #tpu.memory_space<semaphore_mem>>)
      %dma_wait3A_256 = arith.constant 0 : i32
      %dma_wait3A_257 = tpu.memref_slice %arg5[%arg0, %mul3A_150, %dma_wait3A_256] : memref<2x10000x128xf32, #tpu.memory_space<hbm>> -> memref<1x624x128xf32, #tpu.memory_space<hbm>>
      %dma_wait3A_258 = tpu.memref_squeeze %dma_wait3A_257 : memref<1x624x128xf32, #tpu.memory_space<hbm>> -> memref<624x128xf32, #tpu.memory_space<hbm>>
      %dma_wait3A_259 = arith.constant 0 : i32
      %dma_wait3A_260 = tpu.memref_slice %arg9[%mul3A_150, %dma_wait3A_259] : memref<10000x128xf32, #tpu.memory_space<vmem_shared>> -> memref<624x128xf32, #tpu.memory_space<vmem_shared>>
      tpu.wait_dma2 semaphore(%run_scoped3A_250 : memref<!tpu.dma_semaphore, #tpu.memory_space<semaphore_mem>>) src(%dma_wait3A_260 : memref<624x128xf32, #tpu.memory_space<vmem_shared>>) dst(%dma_wait3A_258 : memref<624x128xf32, #tpu.memory_space<hbm>>)
      tpu.yield
    }) : () -> ()
    %eq3A_245 = arith.constant 15 : i32
    %eq3A_246 = arith.cmpi eq, %arg1, %eq3A_245 : i32
    %convert_element_type3A_247 = arith.extui %eq3A_246 : i1 to i32
    %cond3A_248 = arith.constant 0 : i32
    %cond3A_249 = arith.cmpi ne, %convert_element_type3A_247, %cond3A_248 : i32
    scf.if %cond3A_249 {
      "tpu.region"() ({
        %run_scoped3A_250 = tpu.sem_alloc : memref<!tpu.dma_semaphore, #tpu.memory_space<semaphore_mem>>
        %dma_start3A_251 = arith.constant 9984 : i32
        %dma_start3A_252 = arith.constant 0 : i32
        %dma_start3A_253 = tpu.memref_slice %arg5[%arg0, %dma_start3A_251, %dma_start3A_252] : memref<2x10000x128xf32, #tpu.memory_space<hbm>> -> memref<1x16x128xf32, #tpu.memory_space<hbm>>
        %dma_start3A_254 = tpu.memref_squeeze %dma_start3A_253 : memref<1x16x128xf32, #tpu.memory_space<hbm>> -> memref<16x128xf32, #tpu.memory_space<hbm>>
        %dma_start3A_255 = arith.constant 9984 : i32
        %dma_start3A_256 = arith.constant 0 : i32
        %dma_start3A_257 = tpu.memref_slice %arg9[%dma_start3A_255, %dma_start3A_256] : memref<10000x128xf32, #tpu.memory_space<vmem_shared>> -> memref<16x128xf32, #tpu.memory_space<vmem_shared>>
        tpu.enqueue_dma source(%dma_start3A_257 : memref<16x128xf32, #tpu.memory_space<vmem_shared>>) target(%dma_start3A_254 : memref<16x128xf32, #tpu.memory_space<hbm>>) target_semaphore(%run_scoped3A_250 : memref<!tpu.dma_semaphore, #tpu.memory_space<semaphore_mem>>)
        %dma_wait3A_258 = arith.constant 9984 : i32
        %dma_wait3A_259 = arith.constant 0 : i32
        %dma_wait3A_260 = tpu.memref_slice %arg5[%arg0, %dma_wait3A_258, %dma_wait3A_259] : memref<2x10000x128xf32, #tpu.memory_space<hbm>> -> memref<1x16x128xf32, #tpu.memory_space<hbm>>
        %dma_wait3A_261 = tpu.memref_squeeze %dma_wait3A_260 : memref<1x16x128xf32, #tpu.memory_space<hbm>> -> memref<16x128xf32, #tpu.memory_space<hbm>>
        %dma_wait3A_262 = arith.constant 9984 : i32
        %dma_wait3A_263 = arith.constant 0 : i32
        %dma_wait3A_264 = tpu.memref_slice %arg9[%dma_wait3A_262, %dma_wait3A_263] : memref<10000x128xf32, #tpu.memory_space<vmem_shared>> -> memref<16x128xf32, #tpu.memory_space<vmem_shared>>
        tpu.wait_dma2 semaphore(%run_scoped3A_250 : memref<!tpu.dma_semaphore, #tpu.memory_space<semaphore_mem>>) src(%dma_wait3A_264 : memref<16x128xf32, #tpu.memory_space<vmem_shared>>) dst(%dma_wait3A_261 : memref<16x128xf32, #tpu.memory_space<hbm>>)
        tpu.yield
      }) : () -> ()
    } else {
    }
    return
  }
}

#map = affine_map<(d0, d1) -> (0, 0)>
#map1 = affine_map<(d0, d1) -> (0, 0, 0, 0)>
#map2 = affine_map<(d0, d1) -> (0, 0, 0)>
module attributes {stable_mosaic.version = 14 : i64} {
  func.func @agg_kernel(%arg0: i32, %arg1: i32, %arg2: memref<10000x128xf32, #tpu.memory_space<hbm>>, %arg3: memref<32x25x5x80xi32, #tpu.memory_space<hbm>>, %arg4: memref<32x25x5x80xi32, #tpu.memory_space<hbm>>, %arg5: memref<2x10000x128xf32, #tpu.memory_space<hbm>>, %arg6: memref<3x5x80xi32, #tpu.memory_space<vmem>>, %arg7: memref<3x5x80xi32, #tpu.memory_space<vmem>>, %arg8: memref<3x80x128xf32, #tpu.memory_space<vmem>>, %arg9: memref<10000x128xf32, #tpu.memory_space<vmem_shared>>, %arg10: memref<!tpu.dma_semaphore, #tpu.memory_space<semaphore_mem>>, %arg11: memref<!tpu.dma_semaphore, #tpu.memory_space<semaphore_mem>>, %arg12: memref<3x!tpu.dma_semaphore, #tpu.memory_space<semaphore_mem>>) attributes {dimension_semantics = [#tpu.dimension_semantics<core_parallel>, #tpu.dimension_semantics<subcore_parallel>], iteration_bounds = array<i64: 2, 16>, scalar_prefetch = 0 : i64, scratch_operands = 7 : i64, tpu.core_type = #tpu.core_type<sc_vector_subcore>, window_params = [{transform_indices = #map}, {transform_indices = #map1}, {transform_indices = #map1}, {transform_indices = #map2}]} {
    %mul3A = arith.constant 16 : i32
    %mul3A_0 = arith.muli %arg0, %mul3A : i32
    %add3A = arith.addi %mul3A_0, %arg1 : i32
    %dma_start3A = arith.constant 0 : i32
    %dma_start3A_1 = arith.constant 0 : i32
    %dma_start3A_2 = arith.constant 0 : i32
    %dma_start3A_3 = arith.constant 0 : i32
    %dma_start3A_4 = tpu.memref_slice %arg6[%dma_start3A_1, %dma_start3A_2, %dma_start3A_3] : memref<3x5x80xi32, #tpu.memory_space<vmem>> -> memref<1x5x80xi32, #tpu.memory_space<vmem>>
    %dma_start3A_5 = tpu.memref_squeeze %dma_start3A_4 : memref<1x5x80xi32, #tpu.memory_space<vmem>> -> memref<5x80xi32, #tpu.memory_space<vmem>>
    %dma_start3A_6 = arith.constant 0 : i32
    %dma_start3A_7 = arith.constant 0 : i32
    %dma_start3A_8 = tpu.memref_slice %arg3[%add3A, %dma_start3A, %dma_start3A_6, %dma_start3A_7] : memref<32x25x5x80xi32, #tpu.memory_space<hbm>> -> memref<1x1x5x80xi32, #tpu.memory_space<hbm>>
    %dma_start3A_9 = tpu.memref_squeeze %dma_start3A_8 : memref<1x1x5x80xi32, #tpu.memory_space<hbm>> -> memref<5x80xi32, #tpu.memory_space<hbm>>
    %dma_start3A_10 = arith.constant 0 : i32
    %dma_start3A_11 = arith.constant 0 : i32
    %dma_start3A_12 = tpu.memref_slice %arg6[%dma_start3A_1, %dma_start3A_10, %dma_start3A_11] : memref<3x5x80xi32, #tpu.memory_space<vmem>> -> memref<1x5x80xi32, #tpu.memory_space<vmem>>
    %dma_start3A_13 = tpu.memref_squeeze %dma_start3A_12 : memref<1x5x80xi32, #tpu.memory_space<vmem>> -> memref<5x80xi32, #tpu.memory_space<vmem>>
    %dma_start3A_14 = arith.constant 0 : i32
    %dma_start3A_15 = arith.constant 0 : i32
    %dma_start3A_16 = tpu.memref_slice %arg3[%add3A, %dma_start3A, %dma_start3A_14, %dma_start3A_15] : memref<32x25x5x80xi32, #tpu.memory_space<hbm>> -> memref<1x1x5x80xi32, #tpu.memory_space<hbm>>
    %dma_start3A_17 = tpu.memref_squeeze %dma_start3A_16 : memref<1x1x5x80xi32, #tpu.memory_space<hbm>> -> memref<5x80xi32, #tpu.memory_space<hbm>>
    tpu.enqueue_dma source(%dma_start3A_17 : memref<5x80xi32, #tpu.memory_space<hbm>>) target(%dma_start3A_13 : memref<5x80xi32, #tpu.memory_space<vmem>>) target_semaphore(%arg11 : memref<!tpu.dma_semaphore, #tpu.memory_space<semaphore_mem>>)
    %dma_start3A_18 = arith.constant 0 : i32
    %dma_start3A_19 = arith.constant 0 : i32
    %dma_start3A_20 = arith.constant 0 : i32
    %dma_start3A_21 = arith.constant 0 : i32
    %dma_start3A_22 = tpu.memref_slice %arg7[%dma_start3A_19, %dma_start3A_20, %dma_start3A_21] : memref<3x5x80xi32, #tpu.memory_space<vmem>> -> memref<1x5x80xi32, #tpu.memory_space<vmem>>
    %dma_start3A_23 = tpu.memref_squeeze %dma_start3A_22 : memref<1x5x80xi32, #tpu.memory_space<vmem>> -> memref<5x80xi32, #tpu.memory_space<vmem>>
    %dma_start3A_24 = arith.constant 0 : i32
    %dma_start3A_25 = arith.constant 0 : i32
    %dma_start3A_26 = tpu.memref_slice %arg4[%add3A, %dma_start3A_18, %dma_start3A_24, %dma_start3A_25] : memref<32x25x5x80xi32, #tpu.memory_space<hbm>> -> memref<1x1x5x80xi32, #tpu.memory_space<hbm>>
    %dma_start3A_27 = tpu.memref_squeeze %dma_start3A_26 : memref<1x1x5x80xi32, #tpu.memory_space<hbm>> -> memref<5x80xi32, #tpu.memory_space<hbm>>
    %dma_start3A_28 = arith.constant 0 : i32
    %dma_start3A_29 = arith.constant 0 : i32
    %dma_start3A_30 = tpu.memref_slice %arg7[%dma_start3A_19, %dma_start3A_28, %dma_start3A_29] : memref<3x5x80xi32, #tpu.memory_space<vmem>> -> memref<1x5x80xi32, #tpu.memory_space<vmem>>
    %dma_start3A_31 = tpu.memref_squeeze %dma_start3A_30 : memref<1x5x80xi32, #tpu.memory_space<vmem>> -> memref<5x80xi32, #tpu.memory_space<vmem>>
    %dma_start3A_32 = arith.constant 0 : i32
    %dma_start3A_33 = arith.constant 0 : i32
    %dma_start3A_34 = tpu.memref_slice %arg4[%add3A, %dma_start3A_18, %dma_start3A_32, %dma_start3A_33] : memref<32x25x5x80xi32, #tpu.memory_space<hbm>> -> memref<1x1x5x80xi32, #tpu.memory_space<hbm>>
    %dma_start3A_35 = tpu.memref_squeeze %dma_start3A_34 : memref<1x1x5x80xi32, #tpu.memory_space<hbm>> -> memref<5x80xi32, #tpu.memory_space<hbm>>
    tpu.enqueue_dma source(%dma_start3A_35 : memref<5x80xi32, #tpu.memory_space<hbm>>) target(%dma_start3A_31 : memref<5x80xi32, #tpu.memory_space<vmem>>) target_semaphore(%arg11 : memref<!tpu.dma_semaphore, #tpu.memory_space<semaphore_mem>>)
    %dma_start3A_36 = arith.constant 1 : i32
    %dma_start3A_37 = arith.constant 1 : i32
    %dma_start3A_38 = arith.constant 0 : i32
    %dma_start3A_39 = arith.constant 0 : i32
    %dma_start3A_40 = tpu.memref_slice %arg6[%dma_start3A_37, %dma_start3A_38, %dma_start3A_39] : memref<3x5x80xi32, #tpu.memory_space<vmem>> -> memref<1x5x80xi32, #tpu.memory_space<vmem>>
    %dma_start3A_41 = tpu.memref_squeeze %dma_start3A_40 : memref<1x5x80xi32, #tpu.memory_space<vmem>> -> memref<5x80xi32, #tpu.memory_space<vmem>>
    %dma_start3A_42 = arith.constant 0 : i32
    %dma_start3A_43 = arith.constant 0 : i32
    %dma_start3A_44 = tpu.memref_slice %arg3[%add3A, %dma_start3A_36, %dma_start3A_42, %dma_start3A_43] : memref<32x25x5x80xi32, #tpu.memory_space<hbm>> -> memref<1x1x5x80xi32, #tpu.memory_space<hbm>>
    %dma_start3A_45 = tpu.memref_squeeze %dma_start3A_44 : memref<1x1x5x80xi32, #tpu.memory_space<hbm>> -> memref<5x80xi32, #tpu.memory_space<hbm>>
    %dma_start3A_46 = arith.constant 0 : i32
    %dma_start3A_47 = arith.constant 0 : i32
    %dma_start3A_48 = tpu.memref_slice %arg6[%dma_start3A_37, %dma_start3A_46, %dma_start3A_47] : memref<3x5x80xi32, #tpu.memory_space<vmem>> -> memref<1x5x80xi32, #tpu.memory_space<vmem>>
    %dma_start3A_49 = tpu.memref_squeeze %dma_start3A_48 : memref<1x5x80xi32, #tpu.memory_space<vmem>> -> memref<5x80xi32, #tpu.memory_space<vmem>>
    %dma_start3A_50 = arith.constant 0 : i32
    %dma_start3A_51 = arith.constant 0 : i32
    %dma_start3A_52 = tpu.memref_slice %arg3[%add3A, %dma_start3A_36, %dma_start3A_50, %dma_start3A_51] : memref<32x25x5x80xi32, #tpu.memory_space<hbm>> -> memref<1x1x5x80xi32, #tpu.memory_space<hbm>>
    %dma_start3A_53 = tpu.memref_squeeze %dma_start3A_52 : memref<1x1x5x80xi32, #tpu.memory_space<hbm>> -> memref<5x80xi32, #tpu.memory_space<hbm>>
    tpu.enqueue_dma source(%dma_start3A_53 : memref<5x80xi32, #tpu.memory_space<hbm>>) target(%dma_start3A_49 : memref<5x80xi32, #tpu.memory_space<vmem>>) target_semaphore(%arg11 : memref<!tpu.dma_semaphore, #tpu.memory_space<semaphore_mem>>)
    %dma_start3A_54 = arith.constant 1 : i32
    %dma_start3A_55 = arith.constant 1 : i32
    %dma_start3A_56 = arith.constant 0 : i32
    %dma_start3A_57 = arith.constant 0 : i32
    %dma_start3A_58 = tpu.memref_slice %arg7[%dma_start3A_55, %dma_start3A_56, %dma_start3A_57] : memref<3x5x80xi32, #tpu.memory_space<vmem>> -> memref<1x5x80xi32, #tpu.memory_space<vmem>>
    %dma_start3A_59 = tpu.memref_squeeze %dma_start3A_58 : memref<1x5x80xi32, #tpu.memory_space<vmem>> -> memref<5x80xi32, #tpu.memory_space<vmem>>
    %dma_start3A_60 = arith.constant 0 : i32
    %dma_start3A_61 = arith.constant 0 : i32
    %dma_start3A_62 = tpu.memref_slice %arg4[%add3A, %dma_start3A_54, %dma_start3A_60, %dma_start3A_61] : memref<32x25x5x80xi32, #tpu.memory_space<hbm>> -> memref<1x1x5x80xi32, #tpu.memory_space<hbm>>
    %dma_start3A_63 = tpu.memref_squeeze %dma_start3A_62 : memref<1x1x5x80xi32, #tpu.memory_space<hbm>> -> memref<5x80xi32, #tpu.memory_space<hbm>>
    %dma_start3A_64 = arith.constant 0 : i32
    %dma_start3A_65 = arith.constant 0 : i32
    %dma_start3A_66 = tpu.memref_slice %arg7[%dma_start3A_55, %dma_start3A_64, %dma_start3A_65] : memref<3x5x80xi32, #tpu.memory_space<vmem>> -> memref<1x5x80xi32, #tpu.memory_space<vmem>>
    %dma_start3A_67 = tpu.memref_squeeze %dma_start3A_66 : memref<1x5x80xi32, #tpu.memory_space<vmem>> -> memref<5x80xi32, #tpu.memory_space<vmem>>
    %dma_start3A_68 = arith.constant 0 : i32
    %dma_start3A_69 = arith.constant 0 : i32
    %dma_start3A_70 = tpu.memref_slice %arg4[%add3A, %dma_start3A_54, %dma_start3A_68, %dma_start3A_69] : memref<32x25x5x80xi32, #tpu.memory_space<hbm>> -> memref<1x1x5x80xi32, #tpu.memory_space<hbm>>
    %dma_start3A_71 = tpu.memref_squeeze %dma_start3A_70 : memref<1x1x5x80xi32, #tpu.memory_space<hbm>> -> memref<5x80xi32, #tpu.memory_space<hbm>>
    tpu.enqueue_dma source(%dma_start3A_71 : memref<5x80xi32, #tpu.memory_space<hbm>>) target(%dma_start3A_67 : memref<5x80xi32, #tpu.memory_space<vmem>>) target_semaphore(%arg11 : memref<!tpu.dma_semaphore, #tpu.memory_space<semaphore_mem>>)
    %broadcast_in_dim3A = arith.constant 0.000000e+00 : f32
    %broadcast_in_dim3A_72 = vector.broadcast %broadcast_in_dim3A : f32 to vector<16xf32>
    %scan3A = arith.constant 2 : i32
    %scan3A_73 = arith.constant 0 : i32
    %scan3A_74 = arith.constant 0 : i32
    %scan3A_75 = arith.constant 80 : i32
    %scan3A_76 = arith.addi %scan3A_74, %scan3A_75 : i32
    %scan3A_77 = arith.constant 1 : i32
    %scan3A_78 = scf.for %scan3A_250 = %scan3A_74 to %scan3A_76 step %scan3A_77 iter_args(%scan3A_251 = %scan3A_73) -> (i32)  : i32 {
      %swap3A = arith.constant 0 : i32
      %swap3A_252 = arith.constant 0 : i32
      %swap3A_253 = tpu.memref_slice %arg8[%scan3A, %swap3A, %swap3A_252] : memref<3x80x128xf32, #tpu.memory_space<vmem>> -> memref<1x80x128xf32, #tpu.memory_space<vmem>>
      %swap3A_254 = tpu.memref_squeeze %swap3A_253 : memref<1x80x128xf32, #tpu.memory_space<vmem>> -> memref<80x128xf32, #tpu.memory_space<vmem>>
      %swap3A_255 = arith.index_cast %scan3A_250 : i32 to index
      %swap3A_256 = arith.constant 0 : index
      %swap3A_257 = tpu.vector_load %swap3A_254[%swap3A_255, %swap3A_256] {strides = array<i32>} : memref<80x128xf32, #tpu.memory_space<vmem>>, vector<1x16xf32>,
      %swap3A_258 = vector.shape_cast %swap3A_257 : vector<1x16xf32> to vector<16xf32>
      %swap3A_259 = vector.shape_cast %broadcast_in_dim3A_72 : vector<16xf32> to vector<1x16xf32>
      tpu.vector_store %swap3A_254[%swap3A_255, %swap3A_256], %swap3A_259 {strides = array<i32>} : memref<80x128xf32, #tpu.memory_space<vmem>>, vector<1x16xf32>,
      %swap3A_260 = arith.constant 0 : i32
      %swap3A_261 = arith.constant 0 : i32
      %swap3A_262 = tpu.memref_slice %arg8[%scan3A, %swap3A_260, %swap3A_261] : memref<3x80x128xf32, #tpu.memory_space<vmem>> -> memref<1x80x128xf32, #tpu.memory_space<vmem>>
      %swap3A_263 = tpu.memref_squeeze %swap3A_262 : memref<1x80x128xf32, #tpu.memory_space<vmem>> -> memref<80x128xf32, #tpu.memory_space<vmem>>
      %swap3A_264 = arith.index_cast %scan3A_250 : i32 to index
      %swap3A_265 = arith.constant 16 : index
      %swap3A_266 = tpu.vector_load %swap3A_263[%swap3A_264, %swap3A_265] {strides = array<i32>} : memref<80x128xf32, #tpu.memory_space<vmem>>, vector<1x16xf32>,
      %swap3A_267 = vector.shape_cast %swap3A_266 : vector<1x16xf32> to vector<16xf32>
      %swap3A_268 = vector.shape_cast %broadcast_in_dim3A_72 : vector<16xf32> to vector<1x16xf32>
      tpu.vector_store %swap3A_263[%swap3A_264, %swap3A_265], %swap3A_268 {strides = array<i32>} : memref<80x128xf32, #tpu.memory_space<vmem>>, vector<1x16xf32>,
      %swap3A_269 = arith.constant 0 : i32
      %swap3A_270 = arith.constant 0 : i32
      %swap3A_271 = tpu.memref_slice %arg8[%scan3A, %swap3A_269, %swap3A_270] : memref<3x80x128xf32, #tpu.memory_space<vmem>> -> memref<1x80x128xf32, #tpu.memory_space<vmem>>
      %swap3A_272 = tpu.memref_squeeze %swap3A_271 : memref<1x80x128xf32, #tpu.memory_space<vmem>> -> memref<80x128xf32, #tpu.memory_space<vmem>>
      %swap3A_273 = arith.index_cast %scan3A_250 : i32 to index
      %swap3A_274 = arith.constant 32 : index
      %swap3A_275 = tpu.vector_load %swap3A_272[%swap3A_273, %swap3A_274] {strides = array<i32>} : memref<80x128xf32, #tpu.memory_space<vmem>>, vector<1x16xf32>,
      %swap3A_276 = vector.shape_cast %swap3A_275 : vector<1x16xf32> to vector<16xf32>
      %swap3A_277 = vector.shape_cast %broadcast_in_dim3A_72 : vector<16xf32> to vector<1x16xf32>
      tpu.vector_store %swap3A_272[%swap3A_273, %swap3A_274], %swap3A_277 {strides = array<i32>} : memref<80x128xf32, #tpu.memory_space<vmem>>, vector<1x16xf32>,
      %swap3A_278 = arith.constant 0 : i32
      %swap3A_279 = arith.constant 0 : i32
      %swap3A_280 = tpu.memref_slice %arg8[%scan3A, %swap3A_278, %swap3A_279] : memref<3x80x128xf32, #tpu.memory_space<vmem>> -> memref<1x80x128xf32, #tpu.memory_space<vmem>>
      %swap3A_281 = tpu.memref_squeeze %swap3A_280 : memref<1x80x128xf32, #tpu.memory_space<vmem>> -> memref<80x128xf32, #tpu.memory_space<vmem>>
      %swap3A_282 = arith.index_cast %scan3A_250 : i32 to index
      %swap3A_283 = arith.constant 48 : index
      %swap3A_284 = tpu.vector_load %swap3A_281[%swap3A_282, %swap3A_283] {strides = array<i32>} : memref<80x128xf32, #tpu.memory_space<vmem>>, vector<1x16xf32>,
      %swap3A_285 = vector.shape_cast %swap3A_284 : vector<1x16xf32> to vector<16xf32>
      %swap3A_286 = vector.shape_cast %broadcast_in_dim3A_72 : vector<16xf32> to vector<1x16xf32>
      tpu.vector_store %swap3A_281[%swap3A_282, %swap3A_283], %swap3A_286 {strides = array<i32>} : memref<80x128xf32, #tpu.memory_space<vmem>>, vector<1x16xf32>,
      %swap3A_287 = arith.constant 0 : i32
      %swap3A_288 = arith.constant 0 : i32
      %swap3A_289 = tpu.memref_slice %arg8[%scan3A, %swap3A_287, %swap3A_288] : memref<3x80x128xf32, #tpu.memory_space<vmem>> -> memref<1x80x128xf32, #tpu.memory_space<vmem>>
      %swap3A_290 = tpu.memref_squeeze %swap3A_289 : memref<1x80x128xf32, #tpu.memory_space<vmem>> -> memref<80x128xf32, #tpu.memory_space<vmem>>
      %swap3A_291 = arith.index_cast %scan3A_250 : i32 to index
      %swap3A_292 = arith.constant 64 : index
      %swap3A_293 = tpu.vector_load %swap3A_290[%swap3A_291, %swap3A_292] {strides = array<i32>} : memref<80x128xf32, #tpu.memory_space<vmem>>, vector<1x16xf32>,
      %swap3A_294 = vector.shape_cast %swap3A_293 : vector<1x16xf32> to vector<16xf32>
      %swap3A_295 = vector.shape_cast %broadcast_in_dim3A_72 : vector<16xf32> to vector<1x16xf32>
      tpu.vector_store %swap3A_290[%swap3A_291, %swap3A_292], %swap3A_295 {strides = array<i32>} : memref<80x128xf32, #tpu.memory_space<vmem>>, vector<1x16xf32>,
      %swap3A_296 = arith.constant 0 : i32
      %swap3A_297 = arith.constant 0 : i32
      %swap3A_298 = tpu.memref_slice %arg8[%scan3A, %swap3A_296, %swap3A_297] : memref<3x80x128xf32, #tpu.memory_space<vmem>> -> memref<1x80x128xf32, #tpu.memory_space<vmem>>
      %swap3A_299 = tpu.memref_squeeze %swap3A_298 : memref<1x80x128xf32, #tpu.memory_space<vmem>> -> memref<80x128xf32, #tpu.memory_space<vmem>>
      %swap3A_300 = arith.index_cast %scan3A_250 : i32 to index
      %swap3A_301 = arith.constant 80 : index
      %swap3A_302 = tpu.vector_load %swap3A_299[%swap3A_300, %swap3A_301] {strides = array<i32>} : memref<80x128xf32, #tpu.memory_space<vmem>>, vector<1x16xf32>,
      %swap3A_303 = vector.shape_cast %swap3A_302 : vector<1x16xf32> to vector<16xf32>
      %swap3A_304 = vector.shape_cast %broadcast_in_dim3A_72 : vector<16xf32> to vector<1x16xf32>
      tpu.vector_store %swap3A_299[%swap3A_300, %swap3A_301], %swap3A_304 {strides = array<i32>} : memref<80x128xf32, #tpu.memory_space<vmem>>, vector<1x16xf32>,
      %swap3A_305 = arith.constant 0 : i32
      %swap3A_306 = arith.constant 0 : i32
      %swap3A_307 = tpu.memref_slice %arg8[%scan3A, %swap3A_305, %swap3A_306] : memref<3x80x128xf32, #tpu.memory_space<vmem>> -> memref<1x80x128xf32, #tpu.memory_space<vmem>>
      %swap3A_308 = tpu.memref_squeeze %swap3A_307 : memref<1x80x128xf32, #tpu.memory_space<vmem>> -> memref<80x128xf32, #tpu.memory_space<vmem>>
      %swap3A_309 = arith.index_cast %scan3A_250 : i32 to index
      %swap3A_310 = arith.constant 96 : index
      %swap3A_311 = tpu.vector_load %swap3A_308[%swap3A_309, %swap3A_310] {strides = array<i32>} : memref<80x128xf32, #tpu.memory_space<vmem>>, vector<1x16xf32>,
      %swap3A_312 = vector.shape_cast %swap3A_311 : vector<1x16xf32> to vector<16xf32>
      %swap3A_313 = vector.shape_cast %broadcast_in_dim3A_72 : vector<16xf32> to vector<1x16xf32>
      tpu.vector_store %swap3A_308[%swap3A_309, %swap3A_310], %swap3A_313 {strides = array<i32>} : memref<80x128xf32, #tpu.memory_space<vmem>>, vector<1x16xf32>,
      %swap3A_314 = arith.constant 0 : i32
      %swap3A_315 = arith.constant 0 : i32
      %swap3A_316 = tpu.memref_slice %arg8[%scan3A, %swap3A_314, %swap3A_315] : memref<3x80x128xf32, #tpu.memory_space<vmem>> -> memref<1x80x128xf32, #tpu.memory_space<vmem>>
      %swap3A_317 = tpu.memref_squeeze %swap3A_316 : memref<1x80x128xf32, #tpu.memory_space<vmem>> -> memref<80x128xf32, #tpu.memory_space<vmem>>
      %swap3A_318 = arith.index_cast %scan3A_250 : i32 to index
      %swap3A_319 = arith.constant 112 : index
      %swap3A_320 = tpu.vector_load %swap3A_317[%swap3A_318, %swap3A_319] {strides = array<i32>} : memref<80x128xf32, #tpu.memory_space<vmem>>, vector<1x16xf32>,
      %swap3A_321 = vector.shape_cast %swap3A_320 : vector<1x16xf32> to vector<16xf32>
      %swap3A_322 = vector.shape_cast %broadcast_in_dim3A_72 : vector<16xf32> to vector<1x16xf32>
      tpu.vector_store %swap3A_317[%swap3A_318, %swap3A_319], %swap3A_322 {strides = array<i32>} : memref<80x128xf32, #tpu.memory_space<vmem>>, vector<1x16xf32>,
      %scan3A_323 = arith.constant 0 : i32
      scf.yield %scan3A_323 : i32
    }
    %scan3A_79 = arith.constant 80 : i32
    %dma_wait3A = arith.constant 0 : i32
    %dma_wait3A_80 = arith.constant 0 : i32
    %dma_wait3A_81 = arith.constant 0 : i32
    %dma_wait3A_82 = arith.constant 0 : i32
    %dma_wait3A_83 = tpu.memref_slice %arg6[%dma_wait3A_80, %dma_wait3A_81, %dma_wait3A_82] : memref<3x5x80xi32, #tpu.memory_space<vmem>> -> memref<1x5x80xi32, #tpu.memory_space<vmem>>
    %dma_wait3A_84 = tpu.memref_squeeze %dma_wait3A_83 : memref<1x5x80xi32, #tpu.memory_space<vmem>> -> memref<5x80xi32, #tpu.memory_space<vmem>>
    %dma_wait3A_85 = arith.constant 0 : i32
    %dma_wait3A_86 = arith.constant 0 : i32
    %dma_wait3A_87 = tpu.memref_slice %arg3[%add3A, %dma_wait3A, %dma_wait3A_85, %dma_wait3A_86] : memref<32x25x5x80xi32, #tpu.memory_space<hbm>> -> memref<1x1x5x80xi32, #tpu.memory_space<hbm>>
    %dma_wait3A_88 = tpu.memref_squeeze %dma_wait3A_87 : memref<1x1x5x80xi32, #tpu.memory_space<hbm>> -> memref<5x80xi32, #tpu.memory_space<hbm>>
    %dma_wait3A_89 = arith.constant 0 : i32
    %dma_wait3A_90 = arith.constant 0 : i32
    %dma_wait3A_91 = tpu.memref_slice %arg6[%dma_wait3A_80, %dma_wait3A_89, %dma_wait3A_90] : memref<3x5x80xi32, #tpu.memory_space<vmem>> -> memref<1x5x80xi32, #tpu.memory_space<vmem>>
    %dma_wait3A_92 = tpu.memref_squeeze %dma_wait3A_91 : memref<1x5x80xi32, #tpu.memory_space<vmem>> -> memref<5x80xi32, #tpu.memory_space<vmem>>
    %dma_wait3A_93 = arith.constant 0 : i32
    %dma_wait3A_94 = arith.constant 0 : i32
    %dma_wait3A_95 = tpu.memref_slice %arg3[%add3A, %dma_wait3A, %dma_wait3A_93, %dma_wait3A_94] : memref<32x25x5x80xi32, #tpu.memory_space<hbm>> -> memref<1x1x5x80xi32, #tpu.memory_space<hbm>>
    %dma_wait3A_96 = tpu.memref_squeeze %dma_wait3A_95 : memref<1x1x5x80xi32, #tpu.memory_space<hbm>> -> memref<5x80xi32, #tpu.memory_space<hbm>>
    tpu.wait_dma2 semaphore(%arg11 : memref<!tpu.dma_semaphore, #tpu.memory_space<semaphore_mem>>) src(%dma_wait3A_96 : memref<5x80xi32, #tpu.memory_space<hbm>>) dst(%dma_wait3A_92 : memref<5x80xi32, #tpu.memory_space<vmem>>)
    %dma_wait3A_97 = arith.constant 0 : i32
    %dma_wait3A_98 = arith.constant 0 : i32
    %dma_wait3A_99 = arith.constant 0 : i32
    %dma_wait3A_100 = arith.constant 0 : i32
    %dma_wait3A_101 = tpu.memref_slice %arg7[%dma_wait3A_98, %dma_wait3A_99, %dma_wait3A_100] : memref<3x5x80xi32, #tpu.memory_space<vmem>> -> memref<1x5x80xi32, #tpu.memory_space<vmem>>
    %dma_wait3A_102 = tpu.memref_squeeze %dma_wait3A_101 : memref<1x5x80xi32, #tpu.memory_space<vmem>> -> memref<5x80xi32, #tpu.memory_space<vmem>>
    %dma_wait3A_103 = arith.constant 0 : i32
    %dma_wait3A_104 = arith.constant 0 : i32
    %dma_wait3A_105 = tpu.memref_slice %arg4[%add3A, %dma_wait3A_97, %dma_wait3A_103, %dma_wait3A_104] : memref<32x25x5x80xi32, #tpu.memory_space<hbm>> -> memref<1x1x5x80xi32, #tpu.memory_space<hbm>>
    %dma_wait3A_106 = tpu.memref_squeeze %dma_wait3A_105 : memref<1x1x5x80xi32, #tpu.memory_space<hbm>> -> memref<5x80xi32, #tpu.memory_space<hbm>>
    %dma_wait3A_107 = arith.constant 0 : i32
    %dma_wait3A_108 = arith.constant 0 : i32
    %dma_wait3A_109 = tpu.memref_slice %arg7[%dma_wait3A_98, %dma_wait3A_107, %dma_wait3A_108] : memref<3x5x80xi32, #tpu.memory_space<vmem>> -> memref<1x5x80xi32, #tpu.memory_space<vmem>>
    %dma_wait3A_110 = tpu.memref_squeeze %dma_wait3A_109 : memref<1x5x80xi32, #tpu.memory_space<vmem>> -> memref<5x80xi32, #tpu.memory_space<vmem>>
    %dma_wait3A_111 = arith.constant 0 : i32
    %dma_wait3A_112 = arith.constant 0 : i32
    %dma_wait3A_113 = tpu.memref_slice %arg4[%add3A, %dma_wait3A_97, %dma_wait3A_111, %dma_wait3A_112] : memref<32x25x5x80xi32, #tpu.memory_space<hbm>> -> memref<1x1x5x80xi32, #tpu.memory_space<hbm>>
    %dma_wait3A_114 = tpu.memref_squeeze %dma_wait3A_113 : memref<1x1x5x80xi32, #tpu.memory_space<hbm>> -> memref<5x80xi32, #tpu.memory_space<hbm>>
    tpu.wait_dma2 semaphore(%arg11 : memref<!tpu.dma_semaphore, #tpu.memory_space<semaphore_mem>>) src(%dma_wait3A_114 : memref<5x80xi32, #tpu.memory_space<hbm>>) dst(%dma_wait3A_110 : memref<5x80xi32, #tpu.memory_space<vmem>>)
    %dma_start3A_115 = arith.constant 0 : i32
    %dma_start3A_116 = arith.constant 0 : i32
    %dma_start3A_117 = arith.constant 0 : i32
    %dma_start3A_118 = arith.constant 0 : i32
    %dma_start3A_119 = arith.constant 0 : i32
    %dma_start3A_120 = tpu.memref_slice %arg8[%dma_start3A_117, %dma_start3A_118, %dma_start3A_119] : memref<3x80x128xf32, #tpu.memory_space<vmem>> -> memref<1x80x128xf32, #tpu.memory_space<vmem>>
    %dma_start3A_121 = tpu.memref_squeeze %dma_start3A_120 : memref<1x80x128xf32, #tpu.memory_space<vmem>> -> memref<80x128xf32, #tpu.memory_space<vmem>>
    %dma_start3A_122 = arith.constant 0 : i32
    %dma_start3A_123 = arith.constant 0 : i32
    %dma_start3A_124 = tpu.memref_slice %arg6[%dma_start3A_115, %dma_start3A_122, %dma_start3A_123] : memref<3x5x80xi32, #tpu.memory_space<vmem>> -> memref<1x5x80xi32, #tpu.memory_space<vmem>>
    %dma_start3A_125 = tpu.memref_squeeze %dma_start3A_124 : memref<1x5x80xi32, #tpu.memory_space<vmem>> -> memref<5x80xi32, #tpu.memory_space<vmem>>
    %dma_start3A_126 = arith.constant 0 : i32
    %dma_start3A_127 = tpu.memref_slice %dma_start3A_125[%dma_start3A_116, %dma_start3A_126] : memref<5x80xi32, #tpu.memory_space<vmem>> -> memref<1x80xi32, #tpu.memory_space<vmem>>
    %dma_start3A_128 = tpu.memref_squeeze %dma_start3A_127 : memref<1x80xi32, #tpu.memory_space<vmem>> -> memref<80xi32, #tpu.memory_space<vmem>>
    %dma_start3A_129 = arith.constant 0 : i32
    %dma_start3A_130 = arith.constant 0 : i32
    %dma_start3A_131 = tpu.memref_slice %arg2[%dma_start3A_129, %dma_start3A_130] : memref<10000x128xf32, #tpu.memory_space<hbm>> -> memref<10000x128xf32, #tpu.memory_space<hbm>>
    tpu.enqueue_indirect_dma source(%dma_start3A_131 : memref<10000x128xf32, #tpu.memory_space<hbm>>) target(%dma_start3A_121 : memref<80x128xf32, #tpu.memory_space<vmem>>) offsets(%dma_start3A_128 : memref<80xi32, #tpu.memory_space<vmem>>) semaphore(%arg10 : memref<!tpu.dma_semaphore, #tpu.memory_space<semaphore_mem>>)
    %dma_start3A_132 = arith.constant 0 : i32
    %dma_start3A_133 = arith.constant 1 : i32
    %dma_start3A_134 = arith.constant 1 : i32
    %dma_start3A_135 = arith.constant 0 : i32
    %dma_start3A_136 = arith.constant 0 : i32
    %dma_start3A_137 = tpu.memref_slice %arg8[%dma_start3A_134, %dma_start3A_135, %dma_start3A_136] : memref<3x80x128xf32, #tpu.memory_space<vmem>> -> memref<1x80x128xf32, #tpu.memory_space<vmem>>
    %dma_start3A_138 = tpu.memref_squeeze %dma_start3A_137 : memref<1x80x128xf32, #tpu.memory_space<vmem>> -> memref<80x128xf32, #tpu.memory_space<vmem>>
    %dma_start3A_139 = arith.constant 0 : i32
    %dma_start3A_140 = arith.constant 0 : i32
    %dma_start3A_141 = tpu.memref_slice %arg6[%dma_start3A_132, %dma_start3A_139, %dma_start3A_140] : memref<3x5x80xi32, #tpu.memory_space<vmem>> -> memref<1x5x80xi32, #tpu.memory_space<vmem>>
    %dma_start3A_142 = tpu.memref_squeeze %dma_start3A_141 : memref<1x5x80xi32, #tpu.memory_space<vmem>> -> memref<5x80xi32, #tpu.memory_space<vmem>>
    %dma_start3A_143 = arith.constant 0 : i32
    %dma_start3A_144 = tpu.memref_slice %dma_start3A_142[%dma_start3A_133, %dma_start3A_143] : memref<5x80xi32, #tpu.memory_space<vmem>> -> memref<1x80xi32, #tpu.memory_space<vmem>>
    %dma_start3A_145 = tpu.memref_squeeze %dma_start3A_144 : memref<1x80xi32, #tpu.memory_space<vmem>> -> memref<80xi32, #tpu.memory_space<vmem>>
    %dma_start3A_146 = arith.constant 0 : i32
    %dma_start3A_147 = arith.constant 0 : i32
    %dma_start3A_148 = tpu.memref_slice %arg2[%dma_start3A_146, %dma_start3A_147] : memref<10000x128xf32, #tpu.memory_space<hbm>> -> memref<10000x128xf32, #tpu.memory_space<hbm>>
    tpu.enqueue_indirect_dma source(%dma_start3A_148 : memref<10000x128xf32, #tpu.memory_space<hbm>>) target(%dma_start3A_138 : memref<80x128xf32, #tpu.memory_space<vmem>>) offsets(%dma_start3A_145 : memref<80xi32, #tpu.memory_space<vmem>>) semaphore(%arg10 : memref<!tpu.dma_semaphore, #tpu.memory_space<semaphore_mem>>)
    %mul3A_149 = arith.constant 624 : i32
    %mul3A_150 = arith.muli %arg1, %mul3A_149 : i32
    %add3A_151 = arith.constant 0 : i32
    %add3A_152 = arith.addi %mul3A_150, %add3A_151 : i32
    %run_scoped3A = arith.constant 2 : i32
    "tpu.region"() ({
      %run_scoped3A_250 = tpu.sem_alloc : memref<!tpu.dma_semaphore, #tpu.memory_space<semaphore_mem>>
      %dma_start3A_251 = arith.constant 0 : i32
      %dma_start3A_252 = arith.constant 0 : i32
      %dma_start3A_253 = tpu.memref_slice %arg8[%run_scoped3A, %dma_start3A_251, %dma_start3A_252] : memref<3x80x128xf32, #tpu.memory_space<vmem>> -> memref<1x80x128xf32, #tpu.memory_space<vmem>>
      %dma_start3A_254 = tpu.memref_squeeze %dma_start3A_253 : memref<1x80x128xf32, #tpu.memory_space<vmem>> -> memref<80x128xf32, #tpu.memory_space<vmem>>
      %dma_start3A_255 = arith.constant 0 : i32
      %dma_start3A_256 = tpu.memref_slice %arg9[%add3A_152, %dma_start3A_255] : memref<10000x128xf32, #tpu.memory_space<vmem_shared>> -> memref<80x128xf32, #tpu.memory_space<vmem_shared>>
      %dma_start3A_257 = arith.constant 0 : i32
      %dma_start3A_258 = tpu.memref_slice %arg9[%add3A_152, %dma_start3A_257] : memref<10000x128xf32, #tpu.memory_space<vmem_shared>> -> memref<80x128xf32, #tpu.memory_space<vmem_shared>>
      %dma_start3A_259 = arith.constant 0 : i32
      %dma_start3A_260 = arith.constant 0 : i32
      %dma_start3A_261 = tpu.memref_slice %arg8[%run_scoped3A, %dma_start3A_259, %dma_start3A_260] : memref<3x80x128xf32, #tpu.memory_space<vmem>> -> memref<1x80x128xf32, #tpu.memory_space<vmem>>
      %dma_start3A_262 = tpu.memref_squeeze %dma_start3A_261 : memref<1x80x128xf32, #tpu.memory_space<vmem>> -> memref<80x128xf32, #tpu.memory_space<vmem>>
      tpu.enqueue_dma source(%dma_start3A_262 : memref<80x128xf32, #tpu.memory_space<vmem>>) target(%dma_start3A_258 : memref<80x128xf32, #tpu.memory_space<vmem_shared>>) target_semaphore(%run_scoped3A_250 : memref<!tpu.dma_semaphore, #tpu.memory_space<semaphore_mem>>)
      %dma_wait3A_263 = arith.constant 0 : i32
      %dma_wait3A_264 = arith.constant 0 : i32
      %dma_wait3A_265 = tpu.memref_slice %arg8[%run_scoped3A, %dma_wait3A_263, %dma_wait3A_264] : memref<3x80x128xf32, #tpu.memory_space<vmem>> -> memref<1x80x128xf32, #tpu.memory_space<vmem>>
      %dma_wait3A_266 = tpu.memref_squeeze %dma_wait3A_265 : memref<1x80x128xf32, #tpu.memory_space<vmem>> -> memref<80x128xf32, #tpu.memory_space<vmem>>
      %dma_wait3A_267 = arith.constant 0 : i32
      %dma_wait3A_268 = tpu.memref_slice %arg9[%add3A_152, %dma_wait3A_267] : memref<10000x128xf32, #tpu.memory_space<vmem_shared>> -> memref<80x128xf32, #tpu.memory_space<vmem_shared>>
      %dma_wait3A_269 = arith.constant 0 : i32
      %dma_wait3A_270 = tpu.memref_slice %arg9[%add3A_152, %dma_wait3A_269] : memref<10000x128xf32, #tpu.memory_space<vmem_shared>> -> memref<80x128xf32, #tpu.memory_space<vmem_shared>>
      %dma_wait3A_271 = arith.constant 0 : i32
      %dma_wait3A_272 = arith.constant 0 : i32
      %dma_wait3A_273 = tpu.memref_slice %arg8[%run_scoped3A, %dma_wait3A_271, %dma_wait3A_272] : memref<3x80x128xf32, #tpu.memory_space<vmem>> -> memref<1x80x128xf32, #tpu.memory_space<vmem>>
      %dma_wait3A_274 = tpu.memref_squeeze %dma_wait3A_273 : memref<1x80x128xf32, #tpu.memory_space<vmem>> -> memref<80x128xf32, #tpu.memory_space<vmem>>
      tpu.wait_dma2 semaphore(%run_scoped3A_250 : memref<!tpu.dma_semaphore, #tpu.memory_space<semaphore_mem>>) src(%dma_wait3A_274 : memref<80x128xf32, #tpu.memory_space<vmem>>) dst(%dma_wait3A_270 : memref<80x128xf32, #tpu.memory_space<vmem_shared>>)
      tpu.yield
    }) : () -> ()
    %add3A_153 = arith.constant 80 : i32
    %add3A_154 = arith.addi %mul3A_150, %add3A_153 : i32
    %run_scoped3A_155 = arith.constant 2 : i32
    "tpu.region"() ({
      %run_scoped3A_250 = tpu.sem_alloc : memref<!tpu.dma_semaphore, #tpu.memory_space<semaphore_mem>>
      %dma_start3A_251 = arith.constant 0 : i32
      %dma_start3A_252 = arith.constant 0 : i32
      %dma_start3A_253 = tpu.memref_slice %arg8[%run_scoped3A_155, %dma_start3A_251, %dma_start3A_252] : memref<3x80x128xf32, #tpu.memory_space<vmem>> -> memref<1x80x128xf32, #tpu.memory_space<vmem>>
      %dma_start3A_254 = tpu.memref_squeeze %dma_start3A_253 : memref<1x80x128xf32, #tpu.memory_space<vmem>> -> memref<80x128xf32, #tpu.memory_space<vmem>>
      %dma_start3A_255 = arith.constant 0 : i32
      %dma_start3A_256 = tpu.memref_slice %arg9[%add3A_154, %dma_start3A_255] : memref<10000x128xf32, #tpu.memory_space<vmem_shared>> -> memref<80x128xf32, #tpu.memory_space<vmem_shared>>
      %dma_start3A_257 = arith.constant 0 : i32
      %dma_start3A_258 = tpu.memref_slice %arg9[%add3A_154, %dma_start3A_257] : memref<10000x128xf32, #tpu.memory_space<vmem_shared>> -> memref<80x128xf32, #tpu.memory_space<vmem_shared>>
      %dma_start3A_259 = arith.constant 0 : i32
      %dma_start3A_260 = arith.constant 0 : i32
      %dma_start3A_261 = tpu.memref_slice %arg8[%run_scoped3A_155, %dma_start3A_259, %dma_start3A_260] : memref<3x80x128xf32, #tpu.memory_space<vmem>> -> memref<1x80x128xf32, #tpu.memory_space<vmem>>
      %dma_start3A_262 = tpu.memref_squeeze %dma_start3A_261 : memref<1x80x128xf32, #tpu.memory_space<vmem>> -> memref<80x128xf32, #tpu.memory_space<vmem>>
      tpu.enqueue_dma source(%dma_start3A_262 : memref<80x128xf32, #tpu.memory_space<vmem>>) target(%dma_start3A_258 : memref<80x128xf32, #tpu.memory_space<vmem_shared>>) target_semaphore(%run_scoped3A_250 : memref<!tpu.dma_semaphore, #tpu.memory_space<semaphore_mem>>)
      %dma_wait3A_263 = arith.constant 0 : i32
      %dma_wait3A_264 = arith.constant 0 : i32
      %dma_wait3A_265 = tpu.memref_slice %arg8[%run_scoped3A_155, %dma_wait3A_263, %dma_wait3A_264] : memref<3x80x128xf32, #tpu.memory_space<vmem>> -> memref<1x80x128xf32, #tpu.memory_space<vmem>>
      %dma_wait3A_266 = tpu.memref_squeeze %dma_wait3A_265 : memref<1x80x128xf32, #tpu.memory_space<vmem>> -> memref<80x128xf32, #tpu.memory_space<vmem>>
      %dma_wait3A_267 = arith.constant 0 : i32
      %dma_wait3A_268 = tpu.memref_slice %arg9[%add3A_154, %dma_wait3A_267] : memref<10000x128xf32, #tpu.memory_space<vmem_shared>> -> memref<80x128xf32, #tpu.memory_space<vmem_shared>>
      %dma_wait3A_269 = arith.constant 0 : i32
      %dma_wait3A_270 = tpu.memref_slice %arg9[%add3A_154, %dma_wait3A_269] : memref<10000x128xf32, #tpu.memory_space<vmem_shared>> -> memref<80x128xf32, #tpu.memory_space<vmem_shared>>
      %dma_wait3A_271 = arith.constant 0 : i32
      %dma_wait3A_272 = arith.constant 0 : i32
      %dma_wait3A_273 = tpu.memref_slice %arg8[%run_scoped3A_155, %dma_wait3A_271, %dma_wait3A_272] : memref<3x80x128xf32, #tpu.memory_space<vmem>> -> memref<1x80x128xf32, #tpu.memory_space<vmem>>
      %dma_wait3A_274 = tpu.memref_squeeze %dma_wait3A_273 : memref<1x80x128xf32, #tpu.memory_space<vmem>> -> memref<80x128xf32, #tpu.memory_space<vmem>>
      tpu.wait_dma2 semaphore(%run_scoped3A_250 : memref<!tpu.dma_semaphore, #tpu.memory_space<semaphore_mem>>) src(%dma_wait3A_274 : memref<80x128xf32, #tpu.memory_space<vmem>>) dst(%dma_wait3A_270 : memref<80x128xf32, #tpu.memory_space<vmem_shared>>)
      tpu.yield
    }) : () -> ()
    %add3A_156 = arith.constant 160 : i32
    %add3A_157 = arith.addi %mul3A_150, %add3A_156 : i32
    %run_scoped3A_158 = arith.constant 2 : i32
    "tpu.region"() ({
      %run_scoped3A_250 = tpu.sem_alloc : memref<!tpu.dma_semaphore, #tpu.memory_space<semaphore_mem>>
      %dma_start3A_251 = arith.constant 0 : i32
      %dma_start3A_252 = arith.constant 0 : i32
      %dma_start3A_253 = tpu.memref_slice %arg8[%run_scoped3A_158, %dma_start3A_251, %dma_start3A_252] : memref<3x80x128xf32, #tpu.memory_space<vmem>> -> memref<1x80x128xf32, #tpu.memory_space<vmem>>
      %dma_start3A_254 = tpu.memref_squeeze %dma_start3A_253 : memref<1x80x128xf32, #tpu.memory_space<vmem>> -> memref<80x128xf32, #tpu.memory_space<vmem>>
      %dma_start3A_255 = arith.constant 0 : i32
      %dma_start3A_256 = tpu.memref_slice %arg9[%add3A_157, %dma_start3A_255] : memref<10000x128xf32, #tpu.memory_space<vmem_shared>> -> memref<80x128xf32, #tpu.memory_space<vmem_shared>>
      %dma_start3A_257 = arith.constant 0 : i32
      %dma_start3A_258 = tpu.memref_slice %arg9[%add3A_157, %dma_start3A_257] : memref<10000x128xf32, #tpu.memory_space<vmem_shared>> -> memref<80x128xf32, #tpu.memory_space<vmem_shared>>
      %dma_start3A_259 = arith.constant 0 : i32
      %dma_start3A_260 = arith.constant 0 : i32
      %dma_start3A_261 = tpu.memref_slice %arg8[%run_scoped3A_158, %dma_start3A_259, %dma_start3A_260] : memref<3x80x128xf32, #tpu.memory_space<vmem>> -> memref<1x80x128xf32, #tpu.memory_space<vmem>>
      %dma_start3A_262 = tpu.memref_squeeze %dma_start3A_261 : memref<1x80x128xf32, #tpu.memory_space<vmem>> -> memref<80x128xf32, #tpu.memory_space<vmem>>
      tpu.enqueue_dma source(%dma_start3A_262 : memref<80x128xf32, #tpu.memory_space<vmem>>) target(%dma_start3A_258 : memref<80x128xf32, #tpu.memory_space<vmem_shared>>) target_semaphore(%run_scoped3A_250 : memref<!tpu.dma_semaphore, #tpu.memory_space<semaphore_mem>>)
      %dma_wait3A_263 = arith.constant 0 : i32
      %dma_wait3A_264 = arith.constant 0 : i32
      %dma_wait3A_265 = tpu.memref_slice %arg8[%run_scoped3A_158, %dma_wait3A_263, %dma_wait3A_264] : memref<3x80x128xf32, #tpu.memory_space<vmem>> -> memref<1x80x128xf32, #tpu.memory_space<vmem>>
      %dma_wait3A_266 = tpu.memref_squeeze %dma_wait3A_265 : memref<1x80x128xf32, #tpu.memory_space<vmem>> -> memref<80x128xf32, #tpu.memory_space<vmem>>
      %dma_wait3A_267 = arith.constant 0 : i32
      %dma_wait3A_268 = tpu.memref_slice %arg9[%add3A_157, %dma_wait3A_267] : memref<10000x128xf32, #tpu.memory_space<vmem_shared>> -> memref<80x128xf32, #tpu.memory_space<vmem_shared>>
      %dma_wait3A_269 = arith.constant 0 : i32
      %dma_wait3A_270 = tpu.memref_slice %arg9[%add3A_157, %dma_wait3A_269] : memref<10000x128xf32, #tpu.memory_space<vmem_shared>> -> memref<80x128xf32, #tpu.memory_space<vmem_shared>>
      %dma_wait3A_271 = arith.constant 0 : i32
      %dma_wait3A_272 = arith.constant 0 : i32
      %dma_wait3A_273 = tpu.memref_slice %arg8[%run_scoped3A_158, %dma_wait3A_271, %dma_wait3A_272] : memref<3x80x128xf32, #tpu.memory_space<vmem>> -> memref<1x80x128xf32, #tpu.memory_space<vmem>>
      %dma_wait3A_274 = tpu.memref_squeeze %dma_wait3A_273 : memref<1x80x128xf32, #tpu.memory_space<vmem>> -> memref<80x128xf32, #tpu.memory_space<vmem>>
      tpu.wait_dma2 semaphore(%run_scoped3A_250 : memref<!tpu.dma_semaphore, #tpu.memory_space<semaphore_mem>>) src(%dma_wait3A_274 : memref<80x128xf32, #tpu.memory_space<vmem>>) dst(%dma_wait3A_270 : memref<80x128xf32, #tpu.memory_space<vmem_shared>>)
      tpu.yield
    }) : () -> ()
    %add3A_159 = arith.constant 240 : i32
    %add3A_160 = arith.addi %mul3A_150, %add3A_159 : i32
    %run_scoped3A_161 = arith.constant 2 : i32
    "tpu.region"() ({
      %run_scoped3A_250 = tpu.sem_alloc : memref<!tpu.dma_semaphore, #tpu.memory_space<semaphore_mem>>
      %dma_start3A_251 = arith.constant 0 : i32
      %dma_start3A_252 = arith.constant 0 : i32
      %dma_start3A_253 = tpu.memref_slice %arg8[%run_scoped3A_161, %dma_start3A_251, %dma_start3A_252] : memref<3x80x128xf32, #tpu.memory_space<vmem>> -> memref<1x80x128xf32, #tpu.memory_space<vmem>>
      %dma_start3A_254 = tpu.memref_squeeze %dma_start3A_253 : memref<1x80x128xf32, #tpu.memory_space<vmem>> -> memref<80x128xf32, #tpu.memory_space<vmem>>
      %dma_start3A_255 = arith.constant 0 : i32
      %dma_start3A_256 = tpu.memref_slice %arg9[%add3A_160, %dma_start3A_255] : memref<10000x128xf32, #tpu.memory_space<vmem_shared>> -> memref<80x128xf32, #tpu.memory_space<vmem_shared>>
      %dma_start3A_257 = arith.constant 0 : i32
      %dma_start3A_258 = tpu.memref_slice %arg9[%add3A_160, %dma_start3A_257] : memref<10000x128xf32, #tpu.memory_space<vmem_shared>> -> memref<80x128xf32, #tpu.memory_space<vmem_shared>>
      %dma_start3A_259 = arith.constant 0 : i32
      %dma_start3A_260 = arith.constant 0 : i32
      %dma_start3A_261 = tpu.memref_slice %arg8[%run_scoped3A_161, %dma_start3A_259, %dma_start3A_260] : memref<3x80x128xf32, #tpu.memory_space<vmem>> -> memref<1x80x128xf32, #tpu.memory_space<vmem>>
      %dma_start3A_262 = tpu.memref_squeeze %dma_start3A_261 : memref<1x80x128xf32, #tpu.memory_space<vmem>> -> memref<80x128xf32, #tpu.memory_space<vmem>>
      tpu.enqueue_dma source(%dma_start3A_262 : memref<80x128xf32, #tpu.memory_space<vmem>>) target(%dma_start3A_258 : memref<80x128xf32, #tpu.memory_space<vmem_shared>>) target_semaphore(%run_scoped3A_250 : memref<!tpu.dma_semaphore, #tpu.memory_space<semaphore_mem>>)
      %dma_wait3A_263 = arith.constant 0 : i32
      %dma_wait3A_264 = arith.constant 0 : i32
      %dma_wait3A_265 = tpu.memref_slice %arg8[%run_scoped3A_161, %dma_wait3A_263, %dma_wait3A_264] : memref<3x80x128xf32, #tpu.memory_space<vmem>> -> memref<1x80x128xf32, #tpu.memory_space<vmem>>
      %dma_wait3A_266 = tpu.memref_squeeze %dma_wait3A_265 : memref<1x80x128xf32, #tpu.memory_space<vmem>> -> memref<80x128xf32, #tpu.memory_space<vmem>>
      %dma_wait3A_267 = arith.constant 0 : i32
      %dma_wait3A_268 = tpu.memref_slice %arg9[%add3A_160, %dma_wait3A_267] : memref<10000x128xf32, #tpu.memory_space<vmem_shared>> -> memref<80x128xf32, #tpu.memory_space<vmem_shared>>
      %dma_wait3A_269 = arith.constant 0 : i32
      %dma_wait3A_270 = tpu.memref_slice %arg9[%add3A_160, %dma_wait3A_269] : memref<10000x128xf32, #tpu.memory_space<vmem_shared>> -> memref<80x128xf32, #tpu.memory_space<vmem_shared>>
      %dma_wait3A_271 = arith.constant 0 : i32
      %dma_wait3A_272 = arith.constant 0 : i32
      %dma_wait3A_273 = tpu.memref_slice %arg8[%run_scoped3A_161, %dma_wait3A_271, %dma_wait3A_272] : memref<3x80x128xf32, #tpu.memory_space<vmem>> -> memref<1x80x128xf32, #tpu.memory_space<vmem>>
      %dma_wait3A_274 = tpu.memref_squeeze %dma_wait3A_273 : memref<1x80x128xf32, #tpu.memory_space<vmem>> -> memref<80x128xf32, #tpu.memory_space<vmem>>
      tpu.wait_dma2 semaphore(%run_scoped3A_250 : memref<!tpu.dma_semaphore, #tpu.memory_space<semaphore_mem>>) src(%dma_wait3A_274 : memref<80x128xf32, #tpu.memory_space<vmem>>) dst(%dma_wait3A_270 : memref<80x128xf32, #tpu.memory_space<vmem_shared>>)
      tpu.yield
    }) : () -> ()
    %add3A_162 = arith.constant 320 : i32
    %add3A_163 = arith.addi %mul3A_150, %add3A_162 : i32
    %run_scoped3A_164 = arith.constant 2 : i32
    "tpu.region"() ({
      %run_scoped3A_250 = tpu.sem_alloc : memref<!tpu.dma_semaphore, #tpu.memory_space<semaphore_mem>>
      %dma_start3A_251 = arith.constant 0 : i32
      %dma_start3A_252 = arith.constant 0 : i32
      %dma_start3A_253 = tpu.memref_slice %arg8[%run_scoped3A_164, %dma_start3A_251, %dma_start3A_252] : memref<3x80x128xf32, #tpu.memory_space<vmem>> -> memref<1x80x128xf32, #tpu.memory_space<vmem>>
      %dma_start3A_254 = tpu.memref_squeeze %dma_start3A_253 : memref<1x80x128xf32, #tpu.memory_space<vmem>> -> memref<80x128xf32, #tpu.memory_space<vmem>>
      %dma_start3A_255 = arith.constant 0 : i32
      %dma_start3A_256 = tpu.memref_slice %arg9[%add3A_163, %dma_start3A_255] : memref<10000x128xf32, #tpu.memory_space<vmem_shared>> -> memref<80x128xf32, #tpu.memory_space<vmem_shared>>
      %dma_start3A_257 = arith.constant 0 : i32
      %dma_start3A_258 = tpu.memref_slice %arg9[%add3A_163, %dma_start3A_257] : memref<10000x128xf32, #tpu.memory_space<vmem_shared>> -> memref<80x128xf32, #tpu.memory_space<vmem_shared>>
      %dma_start3A_259 = arith.constant 0 : i32
      %dma_start3A_260 = arith.constant 0 : i32
      %dma_start3A_261 = tpu.memref_slice %arg8[%run_scoped3A_164, %dma_start3A_259, %dma_start3A_260] : memref<3x80x128xf32, #tpu.memory_space<vmem>> -> memref<1x80x128xf32, #tpu.memory_space<vmem>>
      %dma_start3A_262 = tpu.memref_squeeze %dma_start3A_261 : memref<1x80x128xf32, #tpu.memory_space<vmem>> -> memref<80x128xf32, #tpu.memory_space<vmem>>
      tpu.enqueue_dma source(%dma_start3A_262 : memref<80x128xf32, #tpu.memory_space<vmem>>) target(%dma_start3A_258 : memref<80x128xf32, #tpu.memory_space<vmem_shared>>) target_semaphore(%run_scoped3A_250 : memref<!tpu.dma_semaphore, #tpu.memory_space<semaphore_mem>>)
      %dma_wait3A_263 = arith.constant 0 : i32
      %dma_wait3A_264 = arith.constant 0 : i32
      %dma_wait3A_265 = tpu.memref_slice %arg8[%run_scoped3A_164, %dma_wait3A_263, %dma_wait3A_264] : memref<3x80x128xf32, #tpu.memory_space<vmem>> -> memref<1x80x128xf32, #tpu.memory_space<vmem>>
      %dma_wait3A_266 = tpu.memref_squeeze %dma_wait3A_265 : memref<1x80x128xf32, #tpu.memory_space<vmem>> -> memref<80x128xf32, #tpu.memory_space<vmem>>
      %dma_wait3A_267 = arith.constant 0 : i32
      %dma_wait3A_268 = tpu.memref_slice %arg9[%add3A_163, %dma_wait3A_267] : memref<10000x128xf32, #tpu.memory_space<vmem_shared>> -> memref<80x128xf32, #tpu.memory_space<vmem_shared>>
      %dma_wait3A_269 = arith.constant 0 : i32
      %dma_wait3A_270 = tpu.memref_slice %arg9[%add3A_163, %dma_wait3A_269] : memref<10000x128xf32, #tpu.memory_space<vmem_shared>> -> memref<80x128xf32, #tpu.memory_space<vmem_shared>>
      %dma_wait3A_271 = arith.constant 0 : i32
      %dma_wait3A_272 = arith.constant 0 : i32
      %dma_wait3A_273 = tpu.memref_slice %arg8[%run_scoped3A_164, %dma_wait3A_271, %dma_wait3A_272] : memref<3x80x128xf32, #tpu.memory_space<vmem>> -> memref<1x80x128xf32, #tpu.memory_space<vmem>>
      %dma_wait3A_274 = tpu.memref_squeeze %dma_wait3A_273 : memref<1x80x128xf32, #tpu.memory_space<vmem>> -> memref<80x128xf32, #tpu.memory_space<vmem>>
      tpu.wait_dma2 semaphore(%run_scoped3A_250 : memref<!tpu.dma_semaphore, #tpu.memory_space<semaphore_mem>>) src(%dma_wait3A_274 : memref<80x128xf32, #tpu.memory_space<vmem>>) dst(%dma_wait3A_270 : memref<80x128xf32, #tpu.memory_space<vmem_shared>>)
      tpu.yield
    }) : () -> ()
    %add3A_165 = arith.constant 400 : i32
    %add3A_166 = arith.addi %mul3A_150, %add3A_165 : i32
    %run_scoped3A_167 = arith.constant 2 : i32
    "tpu.region"() ({
      %run_scoped3A_250 = tpu.sem_alloc : memref<!tpu.dma_semaphore, #tpu.memory_space<semaphore_mem>>
      %dma_start3A_251 = arith.constant 0 : i32
      %dma_start3A_252 = arith.constant 0 : i32
      %dma_start3A_253 = tpu.memref_slice %arg8[%run_scoped3A_167, %dma_start3A_251, %dma_start3A_252] : memref<3x80x128xf32, #tpu.memory_space<vmem>> -> memref<1x80x128xf32, #tpu.memory_space<vmem>>
      %dma_start3A_254 = tpu.memref_squeeze %dma_start3A_253 : memref<1x80x128xf32, #tpu.memory_space<vmem>> -> memref<80x128xf32, #tpu.memory_space<vmem>>
      %dma_start3A_255 = arith.constant 0 : i32
      %dma_start3A_256 = tpu.memref_slice %arg9[%add3A_166, %dma_start3A_255] : memref<10000x128xf32, #tpu.memory_space<vmem_shared>> -> memref<80x128xf32, #tpu.memory_space<vmem_shared>>
      %dma_start3A_257 = arith.constant 0 : i32
      %dma_start3A_258 = tpu.memref_slice %arg9[%add3A_166, %dma_start3A_257] : memref<10000x128xf32, #tpu.memory_space<vmem_shared>> -> memref<80x128xf32, #tpu.memory_space<vmem_shared>>
      %dma_start3A_259 = arith.constant 0 : i32
      %dma_start3A_260 = arith.constant 0 : i32
      %dma_start3A_261 = tpu.memref_slice %arg8[%run_scoped3A_167, %dma_start3A_259, %dma_start3A_260] : memref<3x80x128xf32, #tpu.memory_space<vmem>> -> memref<1x80x128xf32, #tpu.memory_space<vmem>>
      %dma_start3A_262 = tpu.memref_squeeze %dma_start3A_261 : memref<1x80x128xf32, #tpu.memory_space<vmem>> -> memref<80x128xf32, #tpu.memory_space<vmem>>
      tpu.enqueue_dma source(%dma_start3A_262 : memref<80x128xf32, #tpu.memory_space<vmem>>) target(%dma_start3A_258 : memref<80x128xf32, #tpu.memory_space<vmem_shared>>) target_semaphore(%run_scoped3A_250 : memref<!tpu.dma_semaphore, #tpu.memory_space<semaphore_mem>>)
      %dma_wait3A_263 = arith.constant 0 : i32
      %dma_wait3A_264 = arith.constant 0 : i32
      %dma_wait3A_265 = tpu.memref_slice %arg8[%run_scoped3A_167, %dma_wait3A_263, %dma_wait3A_264] : memref<3x80x128xf32, #tpu.memory_space<vmem>> -> memref<1x80x128xf32, #tpu.memory_space<vmem>>
      %dma_wait3A_266 = tpu.memref_squeeze %dma_wait3A_265 : memref<1x80x128xf32, #tpu.memory_space<vmem>> -> memref<80x128xf32, #tpu.memory_space<vmem>>
      %dma_wait3A_267 = arith.constant 0 : i32
      %dma_wait3A_268 = tpu.memref_slice %arg9[%add3A_166, %dma_wait3A_267] : memref<10000x128xf32, #tpu.memory_space<vmem_shared>> -> memref<80x128xf32, #tpu.memory_space<vmem_shared>>
      %dma_wait3A_269 = arith.constant 0 : i32
      %dma_wait3A_270 = tpu.memref_slice %arg9[%add3A_166, %dma_wait3A_269] : memref<10000x128xf32, #tpu.memory_space<vmem_shared>> -> memref<80x128xf32, #tpu.memory_space<vmem_shared>>
      %dma_wait3A_271 = arith.constant 0 : i32
      %dma_wait3A_272 = arith.constant 0 : i32
      %dma_wait3A_273 = tpu.memref_slice %arg8[%run_scoped3A_167, %dma_wait3A_271, %dma_wait3A_272] : memref<3x80x128xf32, #tpu.memory_space<vmem>> -> memref<1x80x128xf32, #tpu.memory_space<vmem>>
      %dma_wait3A_274 = tpu.memref_squeeze %dma_wait3A_273 : memref<1x80x128xf32, #tpu.memory_space<vmem>> -> memref<80x128xf32, #tpu.memory_space<vmem>>
      tpu.wait_dma2 semaphore(%run_scoped3A_250 : memref<!tpu.dma_semaphore, #tpu.memory_space<semaphore_mem>>) src(%dma_wait3A_274 : memref<80x128xf32, #tpu.memory_space<vmem>>) dst(%dma_wait3A_270 : memref<80x128xf32, #tpu.memory_space<vmem_shared>>)
      tpu.yield
    }) : () -> ()
    %add3A_168 = arith.constant 480 : i32
    %add3A_169 = arith.addi %mul3A_150, %add3A_168 : i32
    %run_scoped3A_170 = arith.constant 2 : i32
    "tpu.region"() ({
      %run_scoped3A_250 = tpu.sem_alloc : memref<!tpu.dma_semaphore, #tpu.memory_space<semaphore_mem>>
      %dma_start3A_251 = arith.constant 0 : i32
      %dma_start3A_252 = arith.constant 0 : i32
      %dma_start3A_253 = tpu.memref_slice %arg8[%run_scoped3A_170, %dma_start3A_251, %dma_start3A_252] : memref<3x80x128xf32, #tpu.memory_space<vmem>> -> memref<1x80x128xf32, #tpu.memory_space<vmem>>
      %dma_start3A_254 = tpu.memref_squeeze %dma_start3A_253 : memref<1x80x128xf32, #tpu.memory_space<vmem>> -> memref<80x128xf32, #tpu.memory_space<vmem>>
      %dma_start3A_255 = arith.constant 0 : i32
      %dma_start3A_256 = tpu.memref_slice %arg9[%add3A_169, %dma_start3A_255] : memref<10000x128xf32, #tpu.memory_space<vmem_shared>> -> memref<80x128xf32, #tpu.memory_space<vmem_shared>>
      %dma_start3A_257 = arith.constant 0 : i32
      %dma_start3A_258 = tpu.memref_slice %arg9[%add3A_169, %dma_start3A_257] : memref<10000x128xf32, #tpu.memory_space<vmem_shared>> -> memref<80x128xf32, #tpu.memory_space<vmem_shared>>
      %dma_start3A_259 = arith.constant 0 : i32
      %dma_start3A_260 = arith.constant 0 : i32
      %dma_start3A_261 = tpu.memref_slice %arg8[%run_scoped3A_170, %dma_start3A_259, %dma_start3A_260] : memref<3x80x128xf32, #tpu.memory_space<vmem>> -> memref<1x80x128xf32, #tpu.memory_space<vmem>>
      %dma_start3A_262 = tpu.memref_squeeze %dma_start3A_261 : memref<1x80x128xf32, #tpu.memory_space<vmem>> -> memref<80x128xf32, #tpu.memory_space<vmem>>
      tpu.enqueue_dma source(%dma_start3A_262 : memref<80x128xf32, #tpu.memory_space<vmem>>) target(%dma_start3A_258 : memref<80x128xf32, #tpu.memory_space<vmem_shared>>) target_semaphore(%run_scoped3A_250 : memref<!tpu.dma_semaphore, #tpu.memory_space<semaphore_mem>>)
      %dma_wait3A_263 = arith.constant 0 : i32
      %dma_wait3A_264 = arith.constant 0 : i32
      %dma_wait3A_265 = tpu.memref_slice %arg8[%run_scoped3A_170, %dma_wait3A_263, %dma_wait3A_264] : memref<3x80x128xf32, #tpu.memory_space<vmem>> -> memref<1x80x128xf32, #tpu.memory_space<vmem>>
      %dma_wait3A_266 = tpu.memref_squeeze %dma_wait3A_265 : memref<1x80x128xf32, #tpu.memory_space<vmem>> -> memref<80x128xf32, #tpu.memory_space<vmem>>
      %dma_wait3A_267 = arith.constant 0 : i32
      %dma_wait3A_268 = tpu.memref_slice %arg9[%add3A_169, %dma_wait3A_267] : memref<10000x128xf32, #tpu.memory_space<vmem_shared>> -> memref<80x128xf32, #tpu.memory_space<vmem_shared>>
      %dma_wait3A_269 = arith.constant 0 : i32
      %dma_wait3A_270 = tpu.memref_slice %arg9[%add3A_169, %dma_wait3A_269] : memref<10000x128xf32, #tpu.memory_space<vmem_shared>> -> memref<80x128xf32, #tpu.memory_space<vmem_shared>>
      %dma_wait3A_271 = arith.constant 0 : i32
      %dma_wait3A_272 = arith.constant 0 : i32
      %dma_wait3A_273 = tpu.memref_slice %arg8[%run_scoped3A_170, %dma_wait3A_271, %dma_wait3A_272] : memref<3x80x128xf32, #tpu.memory_space<vmem>> -> memref<1x80x128xf32, #tpu.memory_space<vmem>>
      %dma_wait3A_274 = tpu.memref_squeeze %dma_wait3A_273 : memref<1x80x128xf32, #tpu.memory_space<vmem>> -> memref<80x128xf32, #tpu.memory_space<vmem>>
      tpu.wait_dma2 semaphore(%run_scoped3A_250 : memref<!tpu.dma_semaphore, #tpu.memory_space<semaphore_mem>>) src(%dma_wait3A_274 : memref<80x128xf32, #tpu.memory_space<vmem>>) dst(%dma_wait3A_270 : memref<80x128xf32, #tpu.memory_space<vmem_shared>>)
      tpu.yield
    }) : () -> ()
    %add3A_171 = arith.constant 560 : i32
    %add3A_172 = arith.addi %mul3A_150, %add3A_171 : i32
    %run_scoped3A_173 = arith.constant 2 : i32
    "tpu.region"() ({
      %run_scoped3A_250 = tpu.sem_alloc : memref<!tpu.dma_semaphore, #tpu.memory_space<semaphore_mem>>
      %dma_start3A_251 = arith.constant 0 : i32
      %dma_start3A_252 = arith.constant 0 : i32
      %dma_start3A_253 = tpu.memref_slice %arg8[%run_scoped3A_173, %dma_start3A_251, %dma_start3A_252] : memref<3x80x128xf32, #tpu.memory_space<vmem>> -> memref<1x80x128xf32, #tpu.memory_space<vmem>>
      %dma_start3A_254 = tpu.memref_squeeze %dma_start3A_253 : memref<1x80x128xf32, #tpu.memory_space<vmem>> -> memref<80x128xf32, #tpu.memory_space<vmem>>
      %dma_start3A_255 = arith.constant 0 : i32
      %dma_start3A_256 = arith.constant 0 : i32
      %dma_start3A_257 = tpu.memref_slice %dma_start3A_254[%dma_start3A_255, %dma_start3A_256] : memref<80x128xf32, #tpu.memory_space<vmem>> -> memref<64x128xf32, #tpu.memory_space<vmem>>
      %dma_start3A_258 = arith.constant 0 : i32
      %dma_start3A_259 = tpu.memref_slice %arg9[%add3A_172, %dma_start3A_258] : memref<10000x128xf32, #tpu.memory_space<vmem_shared>> -> memref<64x128xf32, #tpu.memory_space<vmem_shared>>
      %dma_start3A_260 = arith.constant 0 : i32
      %dma_start3A_261 = tpu.memref_slice %arg9[%add3A_172, %dma_start3A_260] : memref<10000x128xf32, #tpu.memory_space<vmem_shared>> -> memref<64x128xf32, #tpu.memory_space<vmem_shared>>
      %dma_start3A_262 = arith.constant 0 : i32
      %dma_start3A_263 = arith.constant 0 : i32
      %dma_start3A_264 = tpu.memref_slice %arg8[%run_scoped3A_173, %dma_start3A_262, %dma_start3A_263] : memref<3x80x128xf32, #tpu.memory_space<vmem>> -> memref<1x80x128xf32, #tpu.memory_space<vmem>>
      %dma_start3A_265 = tpu.memref_squeeze %dma_start3A_264 : memref<1x80x128xf32, #tpu.memory_space<vmem>> -> memref<80x128xf32, #tpu.memory_space<vmem>>
      %dma_start3A_266 = arith.constant 0 : i32
      %dma_start3A_267 = arith.constant 0 : i32
      %dma_start3A_268 = tpu.memref_slice %dma_start3A_265[%dma_start3A_266, %dma_start3A_267] : memref<80x128xf32, #tpu.memory_space<vmem>> -> memref<64x128xf32, #tpu.memory_space<vmem>>
      tpu.enqueue_dma source(%dma_start3A_268 : memref<64x128xf32, #tpu.memory_space<vmem>>) target(%dma_start3A_261 : memref<64x128xf32, #tpu.memory_space<vmem_shared>>) target_semaphore(%run_scoped3A_250 : memref<!tpu.dma_semaphore, #tpu.memory_space<semaphore_mem>>)
      %dma_wait3A_269 = arith.constant 0 : i32
      %dma_wait3A_270 = arith.constant 0 : i32
      %dma_wait3A_271 = tpu.memref_slice %arg8[%run_scoped3A_173, %dma_wait3A_269, %dma_wait3A_270] : memref<3x80x128xf32, #tpu.memory_space<vmem>> -> memref<1x80x128xf32, #tpu.memory_space<vmem>>
      %dma_wait3A_272 = tpu.memref_squeeze %dma_wait3A_271 : memref<1x80x128xf32, #tpu.memory_space<vmem>> -> memref<80x128xf32, #tpu.memory_space<vmem>>
      %dma_wait3A_273 = arith.constant 0 : i32
      %dma_wait3A_274 = arith.constant 0 : i32
      %dma_wait3A_275 = tpu.memref_slice %dma_wait3A_272[%dma_wait3A_273, %dma_wait3A_274] : memref<80x128xf32, #tpu.memory_space<vmem>> -> memref<64x128xf32, #tpu.memory_space<vmem>>
      %dma_wait3A_276 = arith.constant 0 : i32
      %dma_wait3A_277 = tpu.memref_slice %arg9[%add3A_172, %dma_wait3A_276] : memref<10000x128xf32, #tpu.memory_space<vmem_shared>> -> memref<64x128xf32, #tpu.memory_space<vmem_shared>>
      %dma_wait3A_278 = arith.constant 0 : i32
      %dma_wait3A_279 = tpu.memref_slice %arg9[%add3A_172, %dma_wait3A_278] : memref<10000x128xf32, #tpu.memory_space<vmem_shared>> -> memref<64x128xf32, #tpu.memory_space<vmem_shared>>
      %dma_wait3A_280 = arith.constant 0 : i32
      %dma_wait3A_281 = arith.constant 0 : i32
      %dma_wait3A_282 = tpu.memref_slice %arg8[%run_scoped3A_173, %dma_wait3A_280, %dma_wait3A_281] : memref<3x80x128xf32, #tpu.memory_space<vmem>> -> memref<1x80x128xf32, #tpu.memory_space<vmem>>
      %dma_wait3A_283 = tpu.memref_squeeze %dma_wait3A_282 : memref<1x80x128xf32, #tpu.memory_space<vmem>> -> memref<80x128xf32, #tpu.memory_space<vmem>>
      %dma_wait3A_284 = arith.constant 0 : i32
      %dma_wait3A_285 = arith.constant 0 : i32
      %dma_wait3A_286 = tpu.memref_slice %dma_wait3A_283[%dma_wait3A_284, %dma_wait3A_285] : memref<80x128xf32, #tpu.memory_space<vmem>> -> memref<64x128xf32, #tpu.memory_space<vmem>>
      tpu.wait_dma2 semaphore(%run_scoped3A_250 : memref<!tpu.dma_semaphore, #tpu.memory_space<semaphore_mem>>) src(%dma_wait3A_286 : memref<64x128xf32, #tpu.memory_space<vmem>>) dst(%dma_wait3A_279 : memref<64x128xf32, #tpu.memory_space<vmem_shared>>)
      tpu.yield
    }) : () -> ()
    %eq3A = arith.constant 15 : i32
    %eq3A_174 = arith.cmpi eq, %arg1, %eq3A : i32
    %convert_element_type3A = arith.extui %eq3A_174 : i1 to i32
    %cond3A = arith.constant 2 : i32
    %cond3A_175 = arith.constant 0 : i32
    %cond3A_176 = arith.cmpi ne, %convert_element_type3A, %cond3A_175 : i32
    scf.if %cond3A_176 {
      "tpu.region"() ({
        %run_scoped3A_250 = tpu.sem_alloc : memref<!tpu.dma_semaphore, #tpu.memory_space<semaphore_mem>>
        %dma_start3A_251 = arith.constant 0 : i32
        %dma_start3A_252 = arith.constant 0 : i32
        %dma_start3A_253 = tpu.memref_slice %arg8[%cond3A, %dma_start3A_251, %dma_start3A_252] : memref<3x80x128xf32, #tpu.memory_space<vmem>> -> memref<1x80x128xf32, #tpu.memory_space<vmem>>
        %dma_start3A_254 = tpu.memref_squeeze %dma_start3A_253 : memref<1x80x128xf32, #tpu.memory_space<vmem>> -> memref<80x128xf32, #tpu.memory_space<vmem>>
        %dma_start3A_255 = arith.constant 0 : i32
        %dma_start3A_256 = arith.constant 0 : i32
        %dma_start3A_257 = tpu.memref_slice %dma_start3A_254[%dma_start3A_255, %dma_start3A_256] : memref<80x128xf32, #tpu.memory_space<vmem>> -> memref<16x128xf32, #tpu.memory_space<vmem>>
        %dma_start3A_258 = arith.constant 9984 : i32
        %dma_start3A_259 = arith.constant 0 : i32
        %dma_start3A_260 = tpu.memref_slice %arg9[%dma_start3A_258, %dma_start3A_259] : memref<10000x128xf32, #tpu.memory_space<vmem_shared>> -> memref<16x128xf32, #tpu.memory_space<vmem_shared>>
        %dma_start3A_261 = arith.constant 9984 : i32
        %dma_start3A_262 = arith.constant 0 : i32
        %dma_start3A_263 = tpu.memref_slice %arg9[%dma_start3A_261, %dma_start3A_262] : memref<10000x128xf32, #tpu.memory_space<vmem_shared>> -> memref<16x128xf32, #tpu.memory_space<vmem_shared>>
        %dma_start3A_264 = arith.constant 0 : i32
        %dma_start3A_265 = arith.constant 0 : i32
        %dma_start3A_266 = tpu.memref_slice %arg8[%cond3A, %dma_start3A_264, %dma_start3A_265] : memref<3x80x128xf32, #tpu.memory_space<vmem>> -> memref<1x80x128xf32, #tpu.memory_space<vmem>>
        %dma_start3A_267 = tpu.memref_squeeze %dma_start3A_266 : memref<1x80x128xf32, #tpu.memory_space<vmem>> -> memref<80x128xf32, #tpu.memory_space<vmem>>
        %dma_start3A_268 = arith.constant 0 : i32
        %dma_start3A_269 = arith.constant 0 : i32
        %dma_start3A_270 = tpu.memref_slice %dma_start3A_267[%dma_start3A_268, %dma_start3A_269] : memref<80x128xf32, #tpu.memory_space<vmem>> -> memref<16x128xf32, #tpu.memory_space<vmem>>
        tpu.enqueue_dma source(%dma_start3A_270 : memref<16x128xf32, #tpu.memory_space<vmem>>) target(%dma_start3A_263 : memref<16x128xf32, #tpu.memory_space<vmem_shared>>) target_semaphore(%run_scoped3A_250 : memref<!tpu.dma_semaphore, #tpu.memory_space<semaphore_mem>>)
        %dma_wait3A_271 = arith.constant 0 : i32
        %dma_wait3A_272 = arith.constant 0 : i32
        %dma_wait3A_273 = tpu.memref_slice %arg8[%cond3A, %dma_wait3A_271, %dma_wait3A_272] : memref<3x80x128xf32, #tpu.memory_space<vmem>> -> memref<1x80x128xf32, #tpu.memory_space<vmem>>
        %dma_wait3A_274 = tpu.memref_squeeze %dma_wait3A_273 : memref<1x80x128xf32, #tpu.memory_space<vmem>> -> memref<80x128xf32, #tpu.memory_space<vmem>>
        %dma_wait3A_275 = arith.constant 0 : i32
        %dma_wait3A_276 = arith.constant 0 : i32
        %dma_wait3A_277 = tpu.memref_slice %dma_wait3A_274[%dma_wait3A_275, %dma_wait3A_276] : memref<80x128xf32, #tpu.memory_space<vmem>> -> memref<16x128xf32, #tpu.memory_space<vmem>>
        %dma_wait3A_278 = arith.constant 9984 : i32
        %dma_wait3A_279 = arith.constant 0 : i32
        %dma_wait3A_280 = tpu.memref_slice %arg9[%dma_wait3A_278, %dma_wait3A_279] : memref<10000x128xf32, #tpu.memory_space<vmem_shared>> -> memref<16x128xf32, #tpu.memory_space<vmem_shared>>
        %dma_wait3A_281 = arith.constant 9984 : i32
        %dma_wait3A_282 = arith.constant 0 : i32
        %dma_wait3A_283 = tpu.memref_slice %arg9[%dma_wait3A_281, %dma_wait3A_282] : memref<10000x128xf32, #tpu.memory_space<vmem_shared>> -> memref<16x128xf32, #tpu.memory_space<vmem_shared>>
        %dma_wait3A_284 = arith.constant 0 : i32
        %dma_wait3A_285 = arith.constant 0 : i32
        %dma_wait3A_286 = tpu.memref_slice %arg8[%cond3A, %dma_wait3A_284, %dma_wait3A_285] : memref<3x80x128xf32, #tpu.memory_space<vmem>> -> memref<1x80x128xf32, #tpu.memory_space<vmem>>
        %dma_wait3A_287 = tpu.memref_squeeze %dma_wait3A_286 : memref<1x80x128xf32, #tpu.memory_space<vmem>> -> memref<80x128xf32, #tpu.memory_space<vmem>>
        %dma_wait3A_288 = arith.constant 0 : i32
        %dma_wait3A_289 = arith.constant 0 : i32
        %dma_wait3A_290 = tpu.memref_slice %dma_wait3A_287[%dma_wait3A_288, %dma_wait3A_289] : memref<80x128xf32, #tpu.memory_space<vmem>> -> memref<16x128xf32, #tpu.memory_space<vmem>>
        tpu.wait_dma2 semaphore(%run_scoped3A_250 : memref<!tpu.dma_semaphore, #tpu.memory_space<semaphore_mem>>) src(%dma_wait3A_290 : memref<16x128xf32, #tpu.memory_space<vmem>>) dst(%dma_wait3A_283 : memref<16x128xf32, #tpu.memory_space<vmem_shared>>)
        tpu.yield
      }) : () -> ()
    } else {
    }
    %barrier3A = arith.constant 0 : index
    tpu.barrier barrier_id(%barrier3A)
    %scan3A_177 = arith.constant 0 : i32
    %scan3A_178 = arith.constant 0 : i32
    %scan3A_179 = arith.constant 25 : i32
    %scan3A_180 = arith.addi %scan3A_178, %scan3A_179 : i32
    %scan3A_181 = arith.constant 1 : i32
    %scan3A_182 = scf.for %scan3A_250 = %scan3A_178 to %scan3A_180 step %scan3A_181 iter_args(%scan3A_251 = %scan3A_177) -> (i32)  : i32 {
      %rem3A = arith.constant 3 : i32
      %rem3A_252 = arith.remsi %scan3A_250, %rem3A : i32
      %add3A_253 = arith.constant 1 : i32
      %add3A_254 = arith.addi %scan3A_250, %add3A_253 : i32
      %rem3A_255 = arith.constant 3 : i32
      %rem3A_256 = arith.remsi %add3A_254, %rem3A_255 : i32
      %mul3A_257 = arith.constant 5 : i32
      %mul3A_258 = arith.muli %scan3A_250, %mul3A_257 : i32
      %add3A_259 = arith.constant 0 : i32
      %add3A_260 = arith.addi %mul3A_258, %add3A_259 : i32
      %rem3A_261 = arith.constant 3 : i32
      %rem3A_262 = arith.remsi %add3A_260, %rem3A_261 : i32
      %dma_wait3A_263 = arith.constant 0 : i32
      %dma_wait3A_264 = arith.constant 0 : i32
      %dma_wait3A_265 = arith.constant 0 : i32
      %dma_wait3A_266 = tpu.memref_slice %arg8[%rem3A_262, %dma_wait3A_264, %dma_wait3A_265] : memref<3x80x128xf32, #tpu.memory_space<vmem>> -> memref<1x80x128xf32, #tpu.memory_space<vmem>>
      %dma_wait3A_267 = tpu.memref_squeeze %dma_wait3A_266 : memref<1x80x128xf32, #tpu.memory_space<vmem>> -> memref<80x128xf32, #tpu.memory_space<vmem>>
      %dma_wait3A_268 = arith.constant 0 : i32
      %dma_wait3A_269 = arith.constant 0 : i32
      %dma_wait3A_270 = tpu.memref_slice %arg6[%rem3A_252, %dma_wait3A_268, %dma_wait3A_269] : memref<3x5x80xi32, #tpu.memory_space<vmem>> -> memref<1x5x80xi32, #tpu.memory_space<vmem>>
      %dma_wait3A_271 = tpu.memref_squeeze %dma_wait3A_270 : memref<1x5x80xi32, #tpu.memory_space<vmem>> -> memref<5x80xi32, #tpu.memory_space<vmem>>
      %dma_wait3A_272 = arith.constant 0 : i32
      %dma_wait3A_273 = tpu.memref_slice %dma_wait3A_271[%dma_wait3A_263, %dma_wait3A_272] : memref<5x80xi32, #tpu.memory_space<vmem>> -> memref<1x80xi32, #tpu.memory_space<vmem>>
      %dma_wait3A_274 = tpu.memref_squeeze %dma_wait3A_273 : memref<1x80xi32, #tpu.memory_space<vmem>> -> memref<80xi32, #tpu.memory_space<vmem>>
      %dma_wait3A_275 = arith.constant 0 : i32
      %dma_wait3A_276 = arith.constant 0 : i32
      %dma_wait3A_277 = tpu.memref_slice %arg2[%dma_wait3A_275, %dma_wait3A_276] : memref<10000x128xf32, #tpu.memory_space<hbm>> -> memref<10000x128xf32, #tpu.memory_space<hbm>>
      tpu.wait_indirect_dma semaphore(%arg10 : memref<!tpu.dma_semaphore, #tpu.memory_space<semaphore_mem>>) src(%dma_wait3A_277 : memref<10000x128xf32, #tpu.memory_space<hbm>>) dst(%dma_wait3A_267 : memref<80x128xf32, #tpu.memory_space<vmem>>)
      %dma_start3A_278 = arith.constant 0 : i32
      %dma_start3A_279 = arith.constant 0 : i32
      %dma_start3A_280 = arith.constant 0 : i32
      %dma_start3A_281 = tpu.memref_slice %arg8[%rem3A_262, %dma_start3A_279, %dma_start3A_280] : memref<3x80x128xf32, #tpu.memory_space<vmem>> -> memref<1x80x128xf32, #tpu.memory_space<vmem>>
      %dma_start3A_282 = tpu.memref_squeeze %dma_start3A_281 : memref<1x80x128xf32, #tpu.memory_space<vmem>> -> memref<80x128xf32, #tpu.memory_space<vmem>>
      %dma_start3A_283 = arith.constant 0 : i32
      %dma_start3A_284 = arith.constant 0 : i32
      %dma_start3A_285 = tpu.memref_slice %arg7[%rem3A_252, %dma_start3A_283, %dma_start3A_284] : memref<3x5x80xi32, #tpu.memory_space<vmem>> -> memref<1x5x80xi32, #tpu.memory_space<vmem>>
      %dma_start3A_286 = tpu.memref_squeeze %dma_start3A_285 : memref<1x5x80xi32, #tpu.memory_space<vmem>> -> memref<5x80xi32, #tpu.memory_space<vmem>>
      %dma_start3A_287 = arith.constant 0 : i32
      %dma_start3A_288 = tpu.memref_slice %dma_start3A_286[%dma_start3A_278, %dma_start3A_287] : memref<5x80xi32, #tpu.memory_space<vmem>> -> memref<1x80xi32, #tpu.memory_space<vmem>>
      %dma_start3A_289 = tpu.memref_squeeze %dma_start3A_288 : memref<1x80xi32, #tpu.memory_space<vmem>> -> memref<80xi32, #tpu.memory_space<vmem>>
      %dma_start3A_290 = arith.constant 0 : i32
      %dma_start3A_291 = arith.constant 0 : i32
      %dma_start3A_292 = tpu.memref_slice %arg9[%dma_start3A_290, %dma_start3A_291] : memref<10000x128xf32, #tpu.memory_space<vmem_shared>> -> memref<10000x128xf32, #tpu.memory_space<vmem_shared>>
      %dma_start3A_293 = tpu.memref_slice %arg12[%rem3A_262] : memref<3x!tpu.dma_semaphore, #tpu.memory_space<semaphore_mem>> -> memref<1x!tpu.dma_semaphore, #tpu.memory_space<semaphore_mem>>
      %dma_start3A_294 = tpu.memref_squeeze %dma_start3A_293 : memref<1x!tpu.dma_semaphore, #tpu.memory_space<semaphore_mem>> -> memref<!tpu.dma_semaphore, #tpu.memory_space<semaphore_mem>>
      tpu.enqueue_indirect_dma source(%dma_start3A_282 : memref<80x128xf32, #tpu.memory_space<vmem>>) target(%dma_start3A_292 : memref<10000x128xf32, #tpu.memory_space<vmem_shared>>) offsets(%dma_start3A_289 : memref<80xi32, #tpu.memory_space<vmem>>) semaphore(%dma_start3A_294 : memref<!tpu.dma_semaphore, #tpu.memory_space<semaphore_mem>>) {add = true}
      %add3A_295 = arith.constant 2 : i32
      %add3A_296 = arith.addi %add3A_260, %add3A_295 : i32
      %rem3A_297 = arith.constant 3 : i32
      %rem3A_298 = arith.remsi %add3A_296, %rem3A_297 : i32
      %add3A_299 = arith.constant 2 : i32
      %add3A_300 = arith.addi %add3A_260, %add3A_299 : i32
      %lt3A = arith.constant 125 : i32
      %lt3A_301 = arith.cmpi slt, %add3A_300, %lt3A : i32
      %convert_element_type3A_302 = arith.extui %lt3A_301 : i1 to i32
      %cond3A_303 = arith.constant 0 : i32
      %cond3A_304 = arith.cmpi ne, %convert_element_type3A_302, %cond3A_303 : i32
      scf.if %cond3A_304 {
        %ge3A = arith.constant 1 : i32
        %ge3A_516 = arith.cmpi sge, %add3A_260, %ge3A : i32
        %convert_element_type3A_517 = arith.extui %ge3A_516 : i1 to i32
        %cond3A_518 = arith.constant 0 : i32
        %cond3A_519 = arith.cmpi ne, %convert_element_type3A_517, %cond3A_518 : i32
        scf.if %cond3A_519 {
          %dma_wait3A_535 = arith.constant 0 : i32
          %dma_wait3A_536 = arith.constant 0 : i32
          %dma_wait3A_537 = arith.constant 0 : i32
          %dma_wait3A_538 = tpu.memref_slice %arg8[%rem3A_298, %dma_wait3A_536, %dma_wait3A_537] : memref<3x80x128xf32, #tpu.memory_space<vmem>> -> memref<1x80x128xf32, #tpu.memory_space<vmem>>
          %dma_wait3A_539 = tpu.memref_squeeze %dma_wait3A_538 : memref<1x80x128xf32, #tpu.memory_space<vmem>> -> memref<80x128xf32, #tpu.memory_space<vmem>>
          %dma_wait3A_540 = arith.constant 0 : i32
          %dma_wait3A_541 = arith.constant 0 : i32
          %dma_wait3A_542 = tpu.memref_slice %arg7[%rem3A_252, %dma_wait3A_540, %dma_wait3A_541] : memref<3x5x80xi32, #tpu.memory_space<vmem>> -> memref<1x5x80xi32, #tpu.memory_space<vmem>>
          %dma_wait3A_543 = tpu.memref_squeeze %dma_wait3A_542 : memref<1x5x80xi32, #tpu.memory_space<vmem>> -> memref<5x80xi32, #tpu.memory_space<vmem>>
          %dma_wait3A_544 = arith.constant 0 : i32
          %dma_wait3A_545 = tpu.memref_slice %dma_wait3A_543[%dma_wait3A_535, %dma_wait3A_544] : memref<5x80xi32, #tpu.memory_space<vmem>> -> memref<1x80xi32, #tpu.memory_space<vmem>>
          %dma_wait3A_546 = tpu.memref_squeeze %dma_wait3A_545 : memref<1x80xi32, #tpu.memory_space<vmem>> -> memref<80xi32, #tpu.memory_space<vmem>>
          %dma_wait3A_547 = arith.constant 0 : i32
          %dma_wait3A_548 = arith.constant 0 : i32
          %dma_wait3A_549 = tpu.memref_slice %arg9[%dma_wait3A_547, %dma_wait3A_548] : memref<10000x128xf32, #tpu.memory_space<vmem_shared>> -> memref<10000x128xf32, #tpu.memory_space<vmem_shared>>
          %dma_wait3A_550 = tpu.memref_slice %arg12[%rem3A_298] : memref<3x!tpu.dma_semaphore, #tpu.memory_space<semaphore_mem>> -> memref<1x!tpu.dma_semaphore, #tpu.memory_space<semaphore_mem>>
          %dma_wait3A_551 = tpu.memref_squeeze %dma_wait3A_550 : memref<1x!tpu.dma_semaphore, #tpu.memory_space<semaphore_mem>> -> memref<!tpu.dma_semaphore, #tpu.memory_space<semaphore_mem>>
          tpu.wait_indirect_dma semaphore(%dma_wait3A_551 : memref<!tpu.dma_semaphore, #tpu.memory_space<semaphore_mem>>) src(%dma_wait3A_539 : memref<80x128xf32, #tpu.memory_space<vmem>>) dst(%dma_wait3A_549 : memref<10000x128xf32, #tpu.memory_space<vmem_shared>>)
        } else {
        }
        %dma_start3A_520 = arith.constant 2 : i32
        %dma_start3A_521 = arith.constant 0 : i32
        %dma_start3A_522 = arith.constant 0 : i32
        %dma_start3A_523 = tpu.memref_slice %arg8[%rem3A_298, %dma_start3A_521, %dma_start3A_522] : memref<3x80x128xf32, #tpu.memory_space<vmem>> -> memref<1x80x128xf32, #tpu.memory_space<vmem>>
        %dma_start3A_524 = tpu.memref_squeeze %dma_start3A_523 : memref<1x80x128xf32, #tpu.memory_space<vmem>> -> memref<80x128xf32, #tpu.memory_space<vmem>>
        %dma_start3A_525 = arith.constant 0 : i32
        %dma_start3A_526 = arith.constant 0 : i32
        %dma_start3A_527 = tpu.memref_slice %arg6[%rem3A_252, %dma_start3A_525, %dma_start3A_526] : memref<3x5x80xi32, #tpu.memory_space<vmem>> -> memref<1x5x80xi32, #tpu.memory_space<vmem>>
        %dma_start3A_528 = tpu.memref_squeeze %dma_start3A_527 : memref<1x5x80xi32, #tpu.memory_space<vmem>> -> memref<5x80xi32, #tpu.memory_space<vmem>>
        %dma_start3A_529 = arith.constant 0 : i32
        %dma_start3A_530 = tpu.memref_slice %dma_start3A_528[%dma_start3A_520, %dma_start3A_529] : memref<5x80xi32, #tpu.memory_space<vmem>> -> memref<1x80xi32, #tpu.memory_space<vmem>>
        %dma_start3A_531 = tpu.memref_squeeze %dma_start3A_530 : memref<1x80xi32, #tpu.memory_space<vmem>> -> memref<80xi32, #tpu.memory_space<vmem>>
        %dma_start3A_532 = arith.constant 0 : i32
        %dma_start3A_533 = arith.constant 0 : i32
        %dma_start3A_534 = tpu.memref_slice %arg2[%dma_start3A_532, %dma_start3A_533] : memref<10000x128xf32, #tpu.memory_space<hbm>> -> memref<10000x128xf32, #tpu.memory_space<hbm>>
        tpu.enqueue_indirect_dma source(%dma_start3A_534 : memref<10000x128xf32, #tpu.memory_space<hbm>>) target(%dma_start3A_524 : memref<80x128xf32, #tpu.memory_space<vmem>>) offsets(%dma_start3A_531 : memref<80xi32, #tpu.memory_space<vmem>>) semaphore(%arg10 : memref<!tpu.dma_semaphore, #tpu.memory_space<semaphore_mem>>)
      } else {
      }
      %mul3A_305 = arith.constant 5 : i32
      %mul3A_306 = arith.muli %scan3A_250, %mul3A_305 : i32
      %add3A_307 = arith.constant 1 : i32
      %add3A_308 = arith.addi %mul3A_306, %add3A_307 : i32
      %rem3A_309 = arith.constant 3 : i32
      %rem3A_310 = arith.remsi %add3A_308, %rem3A_309 : i32
      %dma_wait3A_311 = arith.constant 1 : i32
      %dma_wait3A_312 = arith.constant 0 : i32
      %dma_wait3A_313 = arith.constant 0 : i32
      %dma_wait3A_314 = tpu.memref_slice %arg8[%rem3A_310, %dma_wait3A_312, %dma_wait3A_313] : memref<3x80x128xf32, #tpu.memory_space<vmem>> -> memref<1x80x128xf32, #tpu.memory_space<vmem>>
      %dma_wait3A_315 = tpu.memref_squeeze %dma_wait3A_314 : memref<1x80x128xf32, #tpu.memory_space<vmem>> -> memref<80x128xf32, #tpu.memory_space<vmem>>
      %dma_wait3A_316 = arith.constant 0 : i32
      %dma_wait3A_317 = arith.constant 0 : i32
      %dma_wait3A_318 = tpu.memref_slice %arg6[%rem3A_252, %dma_wait3A_316, %dma_wait3A_317] : memref<3x5x80xi32, #tpu.memory_space<vmem>> -> memref<1x5x80xi32, #tpu.memory_space<vmem>>
      %dma_wait3A_319 = tpu.memref_squeeze %dma_wait3A_318 : memref<1x5x80xi32, #tpu.memory_space<vmem>> -> memref<5x80xi32, #tpu.memory_space<vmem>>
      %dma_wait3A_320 = arith.constant 0 : i32
      %dma_wait3A_321 = tpu.memref_slice %dma_wait3A_319[%dma_wait3A_311, %dma_wait3A_320] : memref<5x80xi32, #tpu.memory_space<vmem>> -> memref<1x80xi32, #tpu.memory_space<vmem>>
      %dma_wait3A_322 = tpu.memref_squeeze %dma_wait3A_321 : memref<1x80xi32, #tpu.memory_space<vmem>> -> memref<80xi32, #tpu.memory_space<vmem>>
      %dma_wait3A_323 = arith.constant 0 : i32
      %dma_wait3A_324 = arith.constant 0 : i32
      %dma_wait3A_325 = tpu.memref_slice %arg2[%dma_wait3A_323, %dma_wait3A_324] : memref<10000x128xf32, #tpu.memory_space<hbm>> -> memref<10000x128xf32, #tpu.memory_space<hbm>>
      tpu.wait_indirect_dma semaphore(%arg10 : memref<!tpu.dma_semaphore, #tpu.memory_space<semaphore_mem>>) src(%dma_wait3A_325 : memref<10000x128xf32, #tpu.memory_space<hbm>>) dst(%dma_wait3A_315 : memref<80x128xf32, #tpu.memory_space<vmem>>)
      %dma_start3A_326 = arith.constant 1 : i32
      %dma_start3A_327 = arith.constant 0 : i32
      %dma_start3A_328 = arith.constant 0 : i32
      %dma_start3A_329 = tpu.memref_slice %arg8[%rem3A_310, %dma_start3A_327, %dma_start3A_328] : memref<3x80x128xf32, #tpu.memory_space<vmem>> -> memref<1x80x128xf32, #tpu.memory_space<vmem>>
      %dma_start3A_330 = tpu.memref_squeeze %dma_start3A_329 : memref<1x80x128xf32, #tpu.memory_space<vmem>> -> memref<80x128xf32, #tpu.memory_space<vmem>>
      %dma_start3A_331 = arith.constant 0 : i32
      %dma_start3A_332 = arith.constant 0 : i32
      %dma_start3A_333 = tpu.memref_slice %arg7[%rem3A_252, %dma_start3A_331, %dma_start3A_332] : memref<3x5x80xi32, #tpu.memory_space<vmem>> -> memref<1x5x80xi32, #tpu.memory_space<vmem>>
      %dma_start3A_334 = tpu.memref_squeeze %dma_start3A_333 : memref<1x5x80xi32, #tpu.memory_space<vmem>> -> memref<5x80xi32, #tpu.memory_space<vmem>>
      %dma_start3A_335 = arith.constant 0 : i32
      %dma_start3A_336 = tpu.memref_slice %dma_start3A_334[%dma_start3A_326, %dma_start3A_335] : memref<5x80xi32, #tpu.memory_space<vmem>> -> memref<1x80xi32, #tpu.memory_space<vmem>>
      %dma_start3A_337 = tpu.memref_squeeze %dma_start3A_336 : memref<1x80xi32, #tpu.memory_space<vmem>> -> memref<80xi32, #tpu.memory_space<vmem>>
      %dma_start3A_338 = arith.constant 0 : i32
      %dma_start3A_339 = arith.constant 0 : i32
      %dma_start3A_340 = tpu.memref_slice %arg9[%dma_start3A_338, %dma_start3A_339] : memref<10000x128xf32, #tpu.memory_space<vmem_shared>> -> memref<10000x128xf32, #tpu.memory_space<vmem_shared>>
      %dma_start3A_341 = tpu.memref_slice %arg12[%rem3A_310] : memref<3x!tpu.dma_semaphore, #tpu.memory_space<semaphore_mem>> -> memref<1x!tpu.dma_semaphore, #tpu.memory_space<semaphore_mem>>
      %dma_start3A_342 = tpu.memref_squeeze %dma_start3A_341 : memref<1x!tpu.dma_semaphore, #tpu.memory_space<semaphore_mem>> -> memref<!tpu.dma_semaphore, #tpu.memory_space<semaphore_mem>>
      tpu.enqueue_indirect_dma source(%dma_start3A_330 : memref<80x128xf32, #tpu.memory_space<vmem>>) target(%dma_start3A_340 : memref<10000x128xf32, #tpu.memory_space<vmem_shared>>) offsets(%dma_start3A_337 : memref<80xi32, #tpu.memory_space<vmem>>) semaphore(%dma_start3A_342 : memref<!tpu.dma_semaphore, #tpu.memory_space<semaphore_mem>>) {add = true}
      %add3A_343 = arith.constant 2 : i32
      %add3A_344 = arith.addi %add3A_308, %add3A_343 : i32
      %rem3A_345 = arith.constant 3 : i32
      %rem3A_346 = arith.remsi %add3A_344, %rem3A_345 : i32
      %add3A_347 = arith.constant 2 : i32
      %add3A_348 = arith.addi %add3A_308, %add3A_347 : i32
      %lt3A_349 = arith.constant 125 : i32
      %lt3A_350 = arith.cmpi slt, %add3A_348, %lt3A_349 : i32
      %convert_element_type3A_351 = arith.extui %lt3A_350 : i1 to i32
      %cond3A_352 = arith.constant 0 : i32
      %cond3A_353 = arith.cmpi ne, %convert_element_type3A_351, %cond3A_352 : i32
      scf.if %cond3A_353 {
        %ge3A = arith.constant 1 : i32
        %ge3A_516 = arith.cmpi sge, %add3A_308, %ge3A : i32
        %convert_element_type3A_517 = arith.extui %ge3A_516 : i1 to i32
        %cond3A_518 = arith.constant 0 : i32
        %cond3A_519 = arith.cmpi ne, %convert_element_type3A_517, %cond3A_518 : i32
        scf.if %cond3A_519 {
          %dma_wait3A_535 = arith.constant 1 : i32
          %dma_wait3A_536 = arith.constant 0 : i32
          %dma_wait3A_537 = arith.constant 0 : i32
          %dma_wait3A_538 = tpu.memref_slice %arg8[%rem3A_346, %dma_wait3A_536, %dma_wait3A_537] : memref<3x80x128xf32, #tpu.memory_space<vmem>> -> memref<1x80x128xf32, #tpu.memory_space<vmem>>
          %dma_wait3A_539 = tpu.memref_squeeze %dma_wait3A_538 : memref<1x80x128xf32, #tpu.memory_space<vmem>> -> memref<80x128xf32, #tpu.memory_space<vmem>>
          %dma_wait3A_540 = arith.constant 0 : i32
          %dma_wait3A_541 = arith.constant 0 : i32
          %dma_wait3A_542 = tpu.memref_slice %arg7[%rem3A_252, %dma_wait3A_540, %dma_wait3A_541] : memref<3x5x80xi32, #tpu.memory_space<vmem>> -> memref<1x5x80xi32, #tpu.memory_space<vmem>>
          %dma_wait3A_543 = tpu.memref_squeeze %dma_wait3A_542 : memref<1x5x80xi32, #tpu.memory_space<vmem>> -> memref<5x80xi32, #tpu.memory_space<vmem>>
          %dma_wait3A_544 = arith.constant 0 : i32
          %dma_wait3A_545 = tpu.memref_slice %dma_wait3A_543[%dma_wait3A_535, %dma_wait3A_544] : memref<5x80xi32, #tpu.memory_space<vmem>> -> memref<1x80xi32, #tpu.memory_space<vmem>>
          %dma_wait3A_546 = tpu.memref_squeeze %dma_wait3A_545 : memref<1x80xi32, #tpu.memory_space<vmem>> -> memref<80xi32, #tpu.memory_space<vmem>>
          %dma_wait3A_547 = arith.constant 0 : i32
          %dma_wait3A_548 = arith.constant 0 : i32
          %dma_wait3A_549 = tpu.memref_slice %arg9[%dma_wait3A_547, %dma_wait3A_548] : memref<10000x128xf32, #tpu.memory_space<vmem_shared>> -> memref<10000x128xf32, #tpu.memory_space<vmem_shared>>
          %dma_wait3A_550 = tpu.memref_slice %arg12[%rem3A_346] : memref<3x!tpu.dma_semaphore, #tpu.memory_space<semaphore_mem>> -> memref<1x!tpu.dma_semaphore, #tpu.memory_space<semaphore_mem>>
          %dma_wait3A_551 = tpu.memref_squeeze %dma_wait3A_550 : memref<1x!tpu.dma_semaphore, #tpu.memory_space<semaphore_mem>> -> memref<!tpu.dma_semaphore, #tpu.memory_space<semaphore_mem>>
          tpu.wait_indirect_dma semaphore(%dma_wait3A_551 : memref<!tpu.dma_semaphore, #tpu.memory_space<semaphore_mem>>) src(%dma_wait3A_539 : memref<80x128xf32, #tpu.memory_space<vmem>>) dst(%dma_wait3A_549 : memref<10000x128xf32, #tpu.memory_space<vmem_shared>>)
        } else {
        }
        %dma_start3A_520 = arith.constant 3 : i32
        %dma_start3A_521 = arith.constant 0 : i32
        %dma_start3A_522 = arith.constant 0 : i32
        %dma_start3A_523 = tpu.memref_slice %arg8[%rem3A_346, %dma_start3A_521, %dma_start3A_522] : memref<3x80x128xf32, #tpu.memory_space<vmem>> -> memref<1x80x128xf32, #tpu.memory_space<vmem>>
        %dma_start3A_524 = tpu.memref_squeeze %dma_start3A_523 : memref<1x80x128xf32, #tpu.memory_space<vmem>> -> memref<80x128xf32, #tpu.memory_space<vmem>>
        %dma_start3A_525 = arith.constant 0 : i32
        %dma_start3A_526 = arith.constant 0 : i32
        %dma_start3A_527 = tpu.memref_slice %arg6[%rem3A_252, %dma_start3A_525, %dma_start3A_526] : memref<3x5x80xi32, #tpu.memory_space<vmem>> -> memref<1x5x80xi32, #tpu.memory_space<vmem>>
        %dma_start3A_528 = tpu.memref_squeeze %dma_start3A_527 : memref<1x5x80xi32, #tpu.memory_space<vmem>> -> memref<5x80xi32, #tpu.memory_space<vmem>>
        %dma_start3A_529 = arith.constant 0 : i32
        %dma_start3A_530 = tpu.memref_slice %dma_start3A_528[%dma_start3A_520, %dma_start3A_529] : memref<5x80xi32, #tpu.memory_space<vmem>> -> memref<1x80xi32, #tpu.memory_space<vmem>>
        %dma_start3A_531 = tpu.memref_squeeze %dma_start3A_530 : memref<1x80xi32, #tpu.memory_space<vmem>> -> memref<80xi32, #tpu.memory_space<vmem>>
        %dma_start3A_532 = arith.constant 0 : i32
        %dma_start3A_533 = arith.constant 0 : i32
        %dma_start3A_534 = tpu.memref_slice %arg2[%dma_start3A_532, %dma_start3A_533] : memref<10000x128xf32, #tpu.memory_space<hbm>> -> memref<10000x128xf32, #tpu.memory_space<hbm>>
        tpu.enqueue_indirect_dma source(%dma_start3A_534 : memref<10000x128xf32, #tpu.memory_space<hbm>>) target(%dma_start3A_524 : memref<80x128xf32, #tpu.memory_space<vmem>>) offsets(%dma_start3A_531 : memref<80xi32, #tpu.memory_space<vmem>>) semaphore(%arg10 : memref<!tpu.dma_semaphore, #tpu.memory_space<semaphore_mem>>)
      } else {
      }
      %mul3A_354 = arith.constant 5 : i32
      %mul3A_355 = arith.muli %scan3A_250, %mul3A_354 : i32
      %add3A_356 = arith.constant 2 : i32
      %add3A_357 = arith.addi %mul3A_355, %add3A_356 : i32
      %rem3A_358 = arith.constant 3 : i32
      %rem3A_359 = arith.remsi %add3A_357, %rem3A_358 : i32
      %dma_wait3A_360 = arith.constant 2 : i32
      %dma_wait3A_361 = arith.constant 0 : i32
      %dma_wait3A_362 = arith.constant 0 : i32
      %dma_wait3A_363 = tpu.memref_slice %arg8[%rem3A_359, %dma_wait3A_361, %dma_wait3A_362] : memref<3x80x128xf32, #tpu.memory_space<vmem>> -> memref<1x80x128xf32, #tpu.memory_space<vmem>>
      %dma_wait3A_364 = tpu.memref_squeeze %dma_wait3A_363 : memref<1x80x128xf32, #tpu.memory_space<vmem>> -> memref<80x128xf32, #tpu.memory_space<vmem>>
      %dma_wait3A_365 = arith.constant 0 : i32
      %dma_wait3A_366 = arith.constant 0 : i32
      %dma_wait3A_367 = tpu.memref_slice %arg6[%rem3A_252, %dma_wait3A_365, %dma_wait3A_366] : memref<3x5x80xi32, #tpu.memory_space<vmem>> -> memref<1x5x80xi32, #tpu.memory_space<vmem>>
      %dma_wait3A_368 = tpu.memref_squeeze %dma_wait3A_367 : memref<1x5x80xi32, #tpu.memory_space<vmem>> -> memref<5x80xi32, #tpu.memory_space<vmem>>
      %dma_wait3A_369 = arith.constant 0 : i32
      %dma_wait3A_370 = tpu.memref_slice %dma_wait3A_368[%dma_wait3A_360, %dma_wait3A_369] : memref<5x80xi32, #tpu.memory_space<vmem>> -> memref<1x80xi32, #tpu.memory_space<vmem>>
      %dma_wait3A_371 = tpu.memref_squeeze %dma_wait3A_370 : memref<1x80xi32, #tpu.memory_space<vmem>> -> memref<80xi32, #tpu.memory_space<vmem>>
      %dma_wait3A_372 = arith.constant 0 : i32
      %dma_wait3A_373 = arith.constant 0 : i32
      %dma_wait3A_374 = tpu.memref_slice %arg2[%dma_wait3A_372, %dma_wait3A_373] : memref<10000x128xf32, #tpu.memory_space<hbm>> -> memref<10000x128xf32, #tpu.memory_space<hbm>>
      tpu.wait_indirect_dma semaphore(%arg10 : memref<!tpu.dma_semaphore, #tpu.memory_space<semaphore_mem>>) src(%dma_wait3A_374 : memref<10000x128xf32, #tpu.memory_space<hbm>>) dst(%dma_wait3A_364 : memref<80x128xf32, #tpu.memory_space<vmem>>)
      %dma_start3A_375 = arith.constant 2 : i32
      %dma_start3A_376 = arith.constant 0 : i32
      %dma_start3A_377 = arith.constant 0 : i32
      %dma_start3A_378 = tpu.memref_slice %arg8[%rem3A_359, %dma_start3A_376, %dma_start3A_377] : memref<3x80x128xf32, #tpu.memory_space<vmem>> -> memref<1x80x128xf32, #tpu.memory_space<vmem>>
      %dma_start3A_379 = tpu.memref_squeeze %dma_start3A_378 : memref<1x80x128xf32, #tpu.memory_space<vmem>> -> memref<80x128xf32, #tpu.memory_space<vmem>>
      %dma_start3A_380 = arith.constant 0 : i32
      %dma_start3A_381 = arith.constant 0 : i32
      %dma_start3A_382 = tpu.memref_slice %arg7[%rem3A_252, %dma_start3A_380, %dma_start3A_381] : memref<3x5x80xi32, #tpu.memory_space<vmem>> -> memref<1x5x80xi32, #tpu.memory_space<vmem>>
      %dma_start3A_383 = tpu.memref_squeeze %dma_start3A_382 : memref<1x5x80xi32, #tpu.memory_space<vmem>> -> memref<5x80xi32, #tpu.memory_space<vmem>>
      %dma_start3A_384 = arith.constant 0 : i32
      %dma_start3A_385 = tpu.memref_slice %dma_start3A_383[%dma_start3A_375, %dma_start3A_384] : memref<5x80xi32, #tpu.memory_space<vmem>> -> memref<1x80xi32, #tpu.memory_space<vmem>>
      %dma_start3A_386 = tpu.memref_squeeze %dma_start3A_385 : memref<1x80xi32, #tpu.memory_space<vmem>> -> memref<80xi32, #tpu.memory_space<vmem>>
      %dma_start3A_387 = arith.constant 0 : i32
      %dma_start3A_388 = arith.constant 0 : i32
      %dma_start3A_389 = tpu.memref_slice %arg9[%dma_start3A_387, %dma_start3A_388] : memref<10000x128xf32, #tpu.memory_space<vmem_shared>> -> memref<10000x128xf32, #tpu.memory_space<vmem_shared>>
      %dma_start3A_390 = tpu.memref_slice %arg12[%rem3A_359] : memref<3x!tpu.dma_semaphore, #tpu.memory_space<semaphore_mem>> -> memref<1x!tpu.dma_semaphore, #tpu.memory_space<semaphore_mem>>
      %dma_start3A_391 = tpu.memref_squeeze %dma_start3A_390 : memref<1x!tpu.dma_semaphore, #tpu.memory_space<semaphore_mem>> -> memref<!tpu.dma_semaphore, #tpu.memory_space<semaphore_mem>>
      tpu.enqueue_indirect_dma source(%dma_start3A_379 : memref<80x128xf32, #tpu.memory_space<vmem>>) target(%dma_start3A_389 : memref<10000x128xf32, #tpu.memory_space<vmem_shared>>) offsets(%dma_start3A_386 : memref<80xi32, #tpu.memory_space<vmem>>) semaphore(%dma_start3A_391 : memref<!tpu.dma_semaphore, #tpu.memory_space<semaphore_mem>>) {add = true}
      %add3A_392 = arith.constant 2 : i32
      %add3A_393 = arith.addi %add3A_357, %add3A_392 : i32
      %rem3A_394 = arith.constant 3 : i32
      %rem3A_395 = arith.remsi %add3A_393, %rem3A_394 : i32
      %add3A_396 = arith.constant 2 : i32
      %add3A_397 = arith.addi %add3A_357, %add3A_396 : i32
      %lt3A_398 = arith.constant 125 : i32
      %lt3A_399 = arith.cmpi slt, %add3A_397, %lt3A_398 : i32
      %convert_element_type3A_400 = arith.extui %lt3A_399 : i1 to i32
      %cond3A_401 = arith.constant 0 : i32
      %cond3A_402 = arith.cmpi ne, %convert_element_type3A_400, %cond3A_401 : i32
      scf.if %cond3A_402 {
        %ge3A = arith.constant 1 : i32
        %ge3A_516 = arith.cmpi sge, %add3A_357, %ge3A : i32
        %convert_element_type3A_517 = arith.extui %ge3A_516 : i1 to i32
        %cond3A_518 = arith.constant 0 : i32
        %cond3A_519 = arith.cmpi ne, %convert_element_type3A_517, %cond3A_518 : i32
        scf.if %cond3A_519 {
          %dma_wait3A_535 = arith.constant 2 : i32
          %dma_wait3A_536 = arith.constant 0 : i32
          %dma_wait3A_537 = arith.constant 0 : i32
          %dma_wait3A_538 = tpu.memref_slice %arg8[%rem3A_395, %dma_wait3A_536, %dma_wait3A_537] : memref<3x80x128xf32, #tpu.memory_space<vmem>> -> memref<1x80x128xf32, #tpu.memory_space<vmem>>
          %dma_wait3A_539 = tpu.memref_squeeze %dma_wait3A_538 : memref<1x80x128xf32, #tpu.memory_space<vmem>> -> memref<80x128xf32, #tpu.memory_space<vmem>>
          %dma_wait3A_540 = arith.constant 0 : i32
          %dma_wait3A_541 = arith.constant 0 : i32
          %dma_wait3A_542 = tpu.memref_slice %arg7[%rem3A_252, %dma_wait3A_540, %dma_wait3A_541] : memref<3x5x80xi32, #tpu.memory_space<vmem>> -> memref<1x5x80xi32, #tpu.memory_space<vmem>>
          %dma_wait3A_543 = tpu.memref_squeeze %dma_wait3A_542 : memref<1x5x80xi32, #tpu.memory_space<vmem>> -> memref<5x80xi32, #tpu.memory_space<vmem>>
          %dma_wait3A_544 = arith.constant 0 : i32
          %dma_wait3A_545 = tpu.memref_slice %dma_wait3A_543[%dma_wait3A_535, %dma_wait3A_544] : memref<5x80xi32, #tpu.memory_space<vmem>> -> memref<1x80xi32, #tpu.memory_space<vmem>>
          %dma_wait3A_546 = tpu.memref_squeeze %dma_wait3A_545 : memref<1x80xi32, #tpu.memory_space<vmem>> -> memref<80xi32, #tpu.memory_space<vmem>>
          %dma_wait3A_547 = arith.constant 0 : i32
          %dma_wait3A_548 = arith.constant 0 : i32
          %dma_wait3A_549 = tpu.memref_slice %arg9[%dma_wait3A_547, %dma_wait3A_548] : memref<10000x128xf32, #tpu.memory_space<vmem_shared>> -> memref<10000x128xf32, #tpu.memory_space<vmem_shared>>
          %dma_wait3A_550 = tpu.memref_slice %arg12[%rem3A_395] : memref<3x!tpu.dma_semaphore, #tpu.memory_space<semaphore_mem>> -> memref<1x!tpu.dma_semaphore, #tpu.memory_space<semaphore_mem>>
          %dma_wait3A_551 = tpu.memref_squeeze %dma_wait3A_550 : memref<1x!tpu.dma_semaphore, #tpu.memory_space<semaphore_mem>> -> memref<!tpu.dma_semaphore, #tpu.memory_space<semaphore_mem>>
          tpu.wait_indirect_dma semaphore(%dma_wait3A_551 : memref<!tpu.dma_semaphore, #tpu.memory_space<semaphore_mem>>) src(%dma_wait3A_539 : memref<80x128xf32, #tpu.memory_space<vmem>>) dst(%dma_wait3A_549 : memref<10000x128xf32, #tpu.memory_space<vmem_shared>>)
        } else {
        }
        %dma_start3A_520 = arith.constant 4 : i32
        %dma_start3A_521 = arith.constant 0 : i32
        %dma_start3A_522 = arith.constant 0 : i32
        %dma_start3A_523 = tpu.memref_slice %arg8[%rem3A_395, %dma_start3A_521, %dma_start3A_522] : memref<3x80x128xf32, #tpu.memory_space<vmem>> -> memref<1x80x128xf32, #tpu.memory_space<vmem>>
        %dma_start3A_524 = tpu.memref_squeeze %dma_start3A_523 : memref<1x80x128xf32, #tpu.memory_space<vmem>> -> memref<80x128xf32, #tpu.memory_space<vmem>>
        %dma_start3A_525 = arith.constant 0 : i32
        %dma_start3A_526 = arith.constant 0 : i32
        %dma_start3A_527 = tpu.memref_slice %arg6[%rem3A_252, %dma_start3A_525, %dma_start3A_526] : memref<3x5x80xi32, #tpu.memory_space<vmem>> -> memref<1x5x80xi32, #tpu.memory_space<vmem>>
        %dma_start3A_528 = tpu.memref_squeeze %dma_start3A_527 : memref<1x5x80xi32, #tpu.memory_space<vmem>> -> memref<5x80xi32, #tpu.memory_space<vmem>>
        %dma_start3A_529 = arith.constant 0 : i32
        %dma_start3A_530 = tpu.memref_slice %dma_start3A_528[%dma_start3A_520, %dma_start3A_529] : memref<5x80xi32, #tpu.memory_space<vmem>> -> memref<1x80xi32, #tpu.memory_space<vmem>>
        %dma_start3A_531 = tpu.memref_squeeze %dma_start3A_530 : memref<1x80xi32, #tpu.memory_space<vmem>> -> memref<80xi32, #tpu.memory_space<vmem>>
        %dma_start3A_532 = arith.constant 0 : i32
        %dma_start3A_533 = arith.constant 0 : i32
        %dma_start3A_534 = tpu.memref_slice %arg2[%dma_start3A_532, %dma_start3A_533] : memref<10000x128xf32, #tpu.memory_space<hbm>> -> memref<10000x128xf32, #tpu.memory_space<hbm>>
        tpu.enqueue_indirect_dma source(%dma_start3A_534 : memref<10000x128xf32, #tpu.memory_space<hbm>>) target(%dma_start3A_524 : memref<80x128xf32, #tpu.memory_space<vmem>>) offsets(%dma_start3A_531 : memref<80xi32, #tpu.memory_space<vmem>>) semaphore(%arg10 : memref<!tpu.dma_semaphore, #tpu.memory_space<semaphore_mem>>)
      } else {
      }
      %mul3A_403 = arith.constant 5 : i32
      %mul3A_404 = arith.muli %scan3A_250, %mul3A_403 : i32
      %add3A_405 = arith.constant 3 : i32
      %add3A_406 = arith.addi %mul3A_404, %add3A_405 : i32
      %rem3A_407 = arith.constant 3 : i32
      %rem3A_408 = arith.remsi %add3A_406, %rem3A_407 : i32
      %dma_wait3A_409 = arith.constant 3 : i32
      %dma_wait3A_410 = arith.constant 0 : i32
      %dma_wait3A_411 = arith.constant 0 : i32
      %dma_wait3A_412 = tpu.memref_slice %arg8[%rem3A_408, %dma_wait3A_410, %dma_wait3A_411] : memref<3x80x128xf32, #tpu.memory_space<vmem>> -> memref<1x80x128xf32, #tpu.memory_space<vmem>>
      %dma_wait3A_413 = tpu.memref_squeeze %dma_wait3A_412 : memref<1x80x128xf32, #tpu.memory_space<vmem>> -> memref<80x128xf32, #tpu.memory_space<vmem>>
      %dma_wait3A_414 = arith.constant 0 : i32
      %dma_wait3A_415 = arith.constant 0 : i32
      %dma_wait3A_416 = tpu.memref_slice %arg6[%rem3A_252, %dma_wait3A_414, %dma_wait3A_415] : memref<3x5x80xi32, #tpu.memory_space<vmem>> -> memref<1x5x80xi32, #tpu.memory_space<vmem>>
      %dma_wait3A_417 = tpu.memref_squeeze %dma_wait3A_416 : memref<1x5x80xi32, #tpu.memory_space<vmem>> -> memref<5x80xi32, #tpu.memory_space<vmem>>
      %dma_wait3A_418 = arith.constant 0 : i32
      %dma_wait3A_419 = tpu.memref_slice %dma_wait3A_417[%dma_wait3A_409, %dma_wait3A_418] : memref<5x80xi32, #tpu.memory_space<vmem>> -> memref<1x80xi32, #tpu.memory_space<vmem>>
      %dma_wait3A_420 = tpu.memref_squeeze %dma_wait3A_419 : memref<1x80xi32, #tpu.memory_space<vmem>> -> memref<80xi32, #tpu.memory_space<vmem>>
      %dma_wait3A_421 = arith.constant 0 : i32
      %dma_wait3A_422 = arith.constant 0 : i32
      %dma_wait3A_423 = tpu.memref_slice %arg2[%dma_wait3A_421, %dma_wait3A_422] : memref<10000x128xf32, #tpu.memory_space<hbm>> -> memref<10000x128xf32, #tpu.memory_space<hbm>>
      tpu.wait_indirect_dma semaphore(%arg10 : memref<!tpu.dma_semaphore, #tpu.memory_space<semaphore_mem>>) src(%dma_wait3A_423 : memref<10000x128xf32, #tpu.memory_space<hbm>>) dst(%dma_wait3A_413 : memref<80x128xf32, #tpu.memory_space<vmem>>)
      %dma_start3A_424 = arith.constant 3 : i32
      %dma_start3A_425 = arith.constant 0 : i32
      %dma_start3A_426 = arith.constant 0 : i32
      %dma_start3A_427 = tpu.memref_slice %arg8[%rem3A_408, %dma_start3A_425, %dma_start3A_426] : memref<3x80x128xf32, #tpu.memory_space<vmem>> -> memref<1x80x128xf32, #tpu.memory_space<vmem>>
      %dma_start3A_428 = tpu.memref_squeeze %dma_start3A_427 : memref<1x80x128xf32, #tpu.memory_space<vmem>> -> memref<80x128xf32, #tpu.memory_space<vmem>>
      %dma_start3A_429 = arith.constant 0 : i32
      %dma_start3A_430 = arith.constant 0 : i32
      %dma_start3A_431 = tpu.memref_slice %arg7[%rem3A_252, %dma_start3A_429, %dma_start3A_430] : memref<3x5x80xi32, #tpu.memory_space<vmem>> -> memref<1x5x80xi32, #tpu.memory_space<vmem>>
      %dma_start3A_432 = tpu.memref_squeeze %dma_start3A_431 : memref<1x5x80xi32, #tpu.memory_space<vmem>> -> memref<5x80xi32, #tpu.memory_space<vmem>>
      %dma_start3A_433 = arith.constant 0 : i32
      %dma_start3A_434 = tpu.memref_slice %dma_start3A_432[%dma_start3A_424, %dma_start3A_433] : memref<5x80xi32, #tpu.memory_space<vmem>> -> memref<1x80xi32, #tpu.memory_space<vmem>>
      %dma_start3A_435 = tpu.memref_squeeze %dma_start3A_434 : memref<1x80xi32, #tpu.memory_space<vmem>> -> memref<80xi32, #tpu.memory_space<vmem>>
      %dma_start3A_436 = arith.constant 0 : i32
      %dma_start3A_437 = arith.constant 0 : i32
      %dma_start3A_438 = tpu.memref_slice %arg9[%dma_start3A_436, %dma_start3A_437] : memref<10000x128xf32, #tpu.memory_space<vmem_shared>> -> memref<10000x128xf32, #tpu.memory_space<vmem_shared>>
      %dma_start3A_439 = tpu.memref_slice %arg12[%rem3A_408] : memref<3x!tpu.dma_semaphore, #tpu.memory_space<semaphore_mem>> -> memref<1x!tpu.dma_semaphore, #tpu.memory_space<semaphore_mem>>
      %dma_start3A_440 = tpu.memref_squeeze %dma_start3A_439 : memref<1x!tpu.dma_semaphore, #tpu.memory_space<semaphore_mem>> -> memref<!tpu.dma_semaphore, #tpu.memory_space<semaphore_mem>>
      tpu.enqueue_indirect_dma source(%dma_start3A_428 : memref<80x128xf32, #tpu.memory_space<vmem>>) target(%dma_start3A_438 : memref<10000x128xf32, #tpu.memory_space<vmem_shared>>) offsets(%dma_start3A_435 : memref<80xi32, #tpu.memory_space<vmem>>) semaphore(%dma_start3A_440 : memref<!tpu.dma_semaphore, #tpu.memory_space<semaphore_mem>>) {add = true}
      %add3A_441 = arith.constant 1 : i32
      %add3A_442 = arith.addi %scan3A_250, %add3A_441 : i32
      %lt3A_443 = arith.constant 25 : i32
      %lt3A_444 = arith.cmpi slt, %add3A_442, %lt3A_443 : i32
      %convert_element_type3A_445 = arith.extui %lt3A_444 : i1 to i32
      %cond3A_446 = arith.constant 0 : i32
      %cond3A_447 = arith.cmpi ne, %convert_element_type3A_445, %cond3A_446 : i32
      scf.if %cond3A_447 {
        %add3A_516 = arith.constant 1 : i32
        %add3A_517 = arith.addi %scan3A_250, %add3A_516 : i32
        %dma_wait3A_518 = arith.constant 0 : i32
        %dma_wait3A_519 = arith.constant 0 : i32
        %dma_wait3A_520 = tpu.memref_slice %arg6[%rem3A_256, %dma_wait3A_518, %dma_wait3A_519] : memref<3x5x80xi32, #tpu.memory_space<vmem>> -> memref<1x5x80xi32, #tpu.memory_space<vmem>>
        %dma_wait3A_521 = tpu.memref_squeeze %dma_wait3A_520 : memref<1x5x80xi32, #tpu.memory_space<vmem>> -> memref<5x80xi32, #tpu.memory_space<vmem>>
        %dma_wait3A_522 = arith.constant 0 : i32
        %dma_wait3A_523 = arith.constant 0 : i32
        %dma_wait3A_524 = tpu.memref_slice %arg3[%add3A, %add3A_517, %dma_wait3A_522, %dma_wait3A_523] : memref<32x25x5x80xi32, #tpu.memory_space<hbm>> -> memref<1x1x5x80xi32, #tpu.memory_space<hbm>>
        %dma_wait3A_525 = tpu.memref_squeeze %dma_wait3A_524 : memref<1x1x5x80xi32, #tpu.memory_space<hbm>> -> memref<5x80xi32, #tpu.memory_space<hbm>>
        %dma_wait3A_526 = arith.constant 0 : i32
        %dma_wait3A_527 = arith.constant 0 : i32
        %dma_wait3A_528 = tpu.memref_slice %arg6[%rem3A_256, %dma_wait3A_526, %dma_wait3A_527] : memref<3x5x80xi32, #tpu.memory_space<vmem>> -> memref<1x5x80xi32, #tpu.memory_space<vmem>>
        %dma_wait3A_529 = tpu.memref_squeeze %dma_wait3A_528 : memref<1x5x80xi32, #tpu.memory_space<vmem>> -> memref<5x80xi32, #tpu.memory_space<vmem>>
        %dma_wait3A_530 = arith.constant 0 : i32
        %dma_wait3A_531 = arith.constant 0 : i32
        %dma_wait3A_532 = tpu.memref_slice %arg3[%add3A, %add3A_517, %dma_wait3A_530, %dma_wait3A_531] : memref<32x25x5x80xi32, #tpu.memory_space<hbm>> -> memref<1x1x5x80xi32, #tpu.memory_space<hbm>>
        %dma_wait3A_533 = tpu.memref_squeeze %dma_wait3A_532 : memref<1x1x5x80xi32, #tpu.memory_space<hbm>> -> memref<5x80xi32, #tpu.memory_space<hbm>>
        tpu.wait_dma2 semaphore(%arg11 : memref<!tpu.dma_semaphore, #tpu.memory_space<semaphore_mem>>) src(%dma_wait3A_533 : memref<5x80xi32, #tpu.memory_space<hbm>>) dst(%dma_wait3A_529 : memref<5x80xi32, #tpu.memory_space<vmem>>)
        %dma_wait3A_534 = arith.constant 0 : i32
        %dma_wait3A_535 = arith.constant 0 : i32
        %dma_wait3A_536 = tpu.memref_slice %arg7[%rem3A_256, %dma_wait3A_534, %dma_wait3A_535] : memref<3x5x80xi32, #tpu.memory_space<vmem>> -> memref<1x5x80xi32, #tpu.memory_space<vmem>>
        %dma_wait3A_537 = tpu.memref_squeeze %dma_wait3A_536 : memref<1x5x80xi32, #tpu.memory_space<vmem>> -> memref<5x80xi32, #tpu.memory_space<vmem>>
        %dma_wait3A_538 = arith.constant 0 : i32
        %dma_wait3A_539 = arith.constant 0 : i32
        %dma_wait3A_540 = tpu.memref_slice %arg4[%add3A, %add3A_517, %dma_wait3A_538, %dma_wait3A_539] : memref<32x25x5x80xi32, #tpu.memory_space<hbm>> -> memref<1x1x5x80xi32, #tpu.memory_space<hbm>>
        %dma_wait3A_541 = tpu.memref_squeeze %dma_wait3A_540 : memref<1x1x5x80xi32, #tpu.memory_space<hbm>> -> memref<5x80xi32, #tpu.memory_space<hbm>>
        %dma_wait3A_542 = arith.constant 0 : i32
        %dma_wait3A_543 = arith.constant 0 : i32
        %dma_wait3A_544 = tpu.memref_slice %arg7[%rem3A_256, %dma_wait3A_542, %dma_wait3A_543] : memref<3x5x80xi32, #tpu.memory_space<vmem>> -> memref<1x5x80xi32, #tpu.memory_space<vmem>>
        %dma_wait3A_545 = tpu.memref_squeeze %dma_wait3A_544 : memref<1x5x80xi32, #tpu.memory_space<vmem>> -> memref<5x80xi32, #tpu.memory_space<vmem>>
        %dma_wait3A_546 = arith.constant 0 : i32
        %dma_wait3A_547 = arith.constant 0 : i32
        %dma_wait3A_548 = tpu.memref_slice %arg4[%add3A, %add3A_517, %dma_wait3A_546, %dma_wait3A_547] : memref<32x25x5x80xi32, #tpu.memory_space<hbm>> -> memref<1x1x5x80xi32, #tpu.memory_space<hbm>>
        %dma_wait3A_549 = tpu.memref_squeeze %dma_wait3A_548 : memref<1x1x5x80xi32, #tpu.memory_space<hbm>> -> memref<5x80xi32, #tpu.memory_space<hbm>>
        tpu.wait_dma2 semaphore(%arg11 : memref<!tpu.dma_semaphore, #tpu.memory_space<semaphore_mem>>) src(%dma_wait3A_549 : memref<5x80xi32, #tpu.memory_space<hbm>>) dst(%dma_wait3A_545 : memref<5x80xi32, #tpu.memory_space<vmem>>)
      } else {
      }
      %add3A_448 = arith.constant 2 : i32
      %add3A_449 = arith.addi %add3A_406, %add3A_448 : i32
      %rem3A_450 = arith.constant 3 : i32
      %rem3A_451 = arith.remsi %add3A_449, %rem3A_450 : i32
      %add3A_452 = arith.constant 2 : i32
      %add3A_453 = arith.addi %add3A_406, %add3A_452 : i32
      %lt3A_454 = arith.constant 125 : i32
      %lt3A_455 = arith.cmpi slt, %add3A_453, %lt3A_454 : i32
      %convert_element_type3A_456 = arith.extui %lt3A_455 : i1 to i32
      %cond3A_457 = arith.constant 0 : i32
      %cond3A_458 = arith.cmpi ne, %convert_element_type3A_456, %cond3A_457 : i32
      scf.if %cond3A_458 {
        %ge3A = arith.constant 1 : i32
        %ge3A_516 = arith.cmpi sge, %add3A_406, %ge3A : i32
        %convert_element_type3A_517 = arith.extui %ge3A_516 : i1 to i32
        %cond3A_518 = arith.constant 0 : i32
        %cond3A_519 = arith.cmpi ne, %convert_element_type3A_517, %cond3A_518 : i32
        scf.if %cond3A_519 {
          %dma_wait3A_535 = arith.constant 3 : i32
          %dma_wait3A_536 = arith.constant 0 : i32
          %dma_wait3A_537 = arith.constant 0 : i32
          %dma_wait3A_538 = tpu.memref_slice %arg8[%rem3A_451, %dma_wait3A_536, %dma_wait3A_537] : memref<3x80x128xf32, #tpu.memory_space<vmem>> -> memref<1x80x128xf32, #tpu.memory_space<vmem>>
          %dma_wait3A_539 = tpu.memref_squeeze %dma_wait3A_538 : memref<1x80x128xf32, #tpu.memory_space<vmem>> -> memref<80x128xf32, #tpu.memory_space<vmem>>
          %dma_wait3A_540 = arith.constant 0 : i32
          %dma_wait3A_541 = arith.constant 0 : i32
          %dma_wait3A_542 = tpu.memref_slice %arg7[%rem3A_252, %dma_wait3A_540, %dma_wait3A_541] : memref<3x5x80xi32, #tpu.memory_space<vmem>> -> memref<1x5x80xi32, #tpu.memory_space<vmem>>
          %dma_wait3A_543 = tpu.memref_squeeze %dma_wait3A_542 : memref<1x5x80xi32, #tpu.memory_space<vmem>> -> memref<5x80xi32, #tpu.memory_space<vmem>>
          %dma_wait3A_544 = arith.constant 0 : i32
          %dma_wait3A_545 = tpu.memref_slice %dma_wait3A_543[%dma_wait3A_535, %dma_wait3A_544] : memref<5x80xi32, #tpu.memory_space<vmem>> -> memref<1x80xi32, #tpu.memory_space<vmem>>
          %dma_wait3A_546 = tpu.memref_squeeze %dma_wait3A_545 : memref<1x80xi32, #tpu.memory_space<vmem>> -> memref<80xi32, #tpu.memory_space<vmem>>
          %dma_wait3A_547 = arith.constant 0 : i32
          %dma_wait3A_548 = arith.constant 0 : i32
          %dma_wait3A_549 = tpu.memref_slice %arg9[%dma_wait3A_547, %dma_wait3A_548] : memref<10000x128xf32, #tpu.memory_space<vmem_shared>> -> memref<10000x128xf32, #tpu.memory_space<vmem_shared>>
          %dma_wait3A_550 = tpu.memref_slice %arg12[%rem3A_451] : memref<3x!tpu.dma_semaphore, #tpu.memory_space<semaphore_mem>> -> memref<1x!tpu.dma_semaphore, #tpu.memory_space<semaphore_mem>>
          %dma_wait3A_551 = tpu.memref_squeeze %dma_wait3A_550 : memref<1x!tpu.dma_semaphore, #tpu.memory_space<semaphore_mem>> -> memref<!tpu.dma_semaphore, #tpu.memory_space<semaphore_mem>>
          tpu.wait_indirect_dma semaphore(%dma_wait3A_551 : memref<!tpu.dma_semaphore, #tpu.memory_space<semaphore_mem>>) src(%dma_wait3A_539 : memref<80x128xf32, #tpu.memory_space<vmem>>) dst(%dma_wait3A_549 : memref<10000x128xf32, #tpu.memory_space<vmem_shared>>)
        } else {
        }
        %dma_start3A_520 = arith.constant 0 : i32
        %dma_start3A_521 = arith.constant 0 : i32
        %dma_start3A_522 = arith.constant 0 : i32
        %dma_start3A_523 = tpu.memref_slice %arg8[%rem3A_451, %dma_start3A_521, %dma_start3A_522] : memref<3x80x128xf32, #tpu.memory_space<vmem>> -> memref<1x80x128xf32, #tpu.memory_space<vmem>>
        %dma_start3A_524 = tpu.memref_squeeze %dma_start3A_523 : memref<1x80x128xf32, #tpu.memory_space<vmem>> -> memref<80x128xf32, #tpu.memory_space<vmem>>
        %dma_start3A_525 = arith.constant 0 : i32
        %dma_start3A_526 = arith.constant 0 : i32
        %dma_start3A_527 = tpu.memref_slice %arg6[%rem3A_256, %dma_start3A_525, %dma_start3A_526] : memref<3x5x80xi32, #tpu.memory_space<vmem>> -> memref<1x5x80xi32, #tpu.memory_space<vmem>>
        %dma_start3A_528 = tpu.memref_squeeze %dma_start3A_527 : memref<1x5x80xi32, #tpu.memory_space<vmem>> -> memref<5x80xi32, #tpu.memory_space<vmem>>
        %dma_start3A_529 = arith.constant 0 : i32
        %dma_start3A_530 = tpu.memref_slice %dma_start3A_528[%dma_start3A_520, %dma_start3A_529] : memref<5x80xi32, #tpu.memory_space<vmem>> -> memref<1x80xi32, #tpu.memory_space<vmem>>
        %dma_start3A_531 = tpu.memref_squeeze %dma_start3A_530 : memref<1x80xi32, #tpu.memory_space<vmem>> -> memref<80xi32, #tpu.memory_space<vmem>>
        %dma_start3A_532 = arith.constant 0 : i32
        %dma_start3A_533 = arith.constant 0 : i32
        %dma_start3A_534 = tpu.memref_slice %arg2[%dma_start3A_532, %dma_start3A_533] : memref<10000x128xf32, #tpu.memory_space<hbm>> -> memref<10000x128xf32, #tpu.memory_space<hbm>>
        tpu.enqueue_indirect_dma source(%dma_start3A_534 : memref<10000x128xf32, #tpu.memory_space<hbm>>) target(%dma_start3A_524 : memref<80x128xf32, #tpu.memory_space<vmem>>) offsets(%dma_start3A_531 : memref<80xi32, #tpu.memory_space<vmem>>) semaphore(%arg10 : memref<!tpu.dma_semaphore, #tpu.memory_space<semaphore_mem>>)
      } else {
      }
      %mul3A_459 = arith.constant 5 : i32
      %mul3A_460 = arith.muli %scan3A_250, %mul3A_459 : i32
      %add3A_461 = arith.constant 4 : i32
      %add3A_462 = arith.addi %mul3A_460, %add3A_461 : i32
      %rem3A_463 = arith.constant 3 : i32
      %rem3A_464 = arith.remsi %add3A_462, %rem3A_463 : i32
      %dma_wait3A_465 = arith.constant 4 : i32
      %dma_wait3A_466 = arith.constant 0 : i32
      %dma_wait3A_467 = arith.constant 0 : i32
      %dma_wait3A_468 = tpu.memref_slice %arg8[%rem3A_464, %dma_wait3A_466, %dma_wait3A_467] : memref<3x80x128xf32, #tpu.memory_space<vmem>> -> memref<1x80x128xf32, #tpu.memory_space<vmem>>
      %dma_wait3A_469 = tpu.memref_squeeze %dma_wait3A_468 : memref<1x80x128xf32, #tpu.memory_space<vmem>> -> memref<80x128xf32, #tpu.memory_space<vmem>>
      %dma_wait3A_470 = arith.constant 0 : i32
      %dma_wait3A_471 = arith.constant 0 : i32
      %dma_wait3A_472 = tpu.memref_slice %arg6[%rem3A_252, %dma_wait3A_470, %dma_wait3A_471] : memref<3x5x80xi32, #tpu.memory_space<vmem>> -> memref<1x5x80xi32, #tpu.memory_space<vmem>>
      %dma_wait3A_473 = tpu.memref_squeeze %dma_wait3A_472 : memref<1x5x80xi32, #tpu.memory_space<vmem>> -> memref<5x80xi32, #tpu.memory_space<vmem>>
      %dma_wait3A_474 = arith.constant 0 : i32
      %dma_wait3A_475 = tpu.memref_slice %dma_wait3A_473[%dma_wait3A_465, %dma_wait3A_474] : memref<5x80xi32, #tpu.memory_space<vmem>> -> memref<1x80xi32, #tpu.memory_space<vmem>>
      %dma_wait3A_476 = tpu.memref_squeeze %dma_wait3A_475 : memref<1x80xi32, #tpu.memory_space<vmem>> -> memref<80xi32, #tpu.memory_space<vmem>>
      %dma_wait3A_477 = arith.constant 0 : i32
      %dma_wait3A_478 = arith.constant 0 : i32
      %dma_wait3A_479 = tpu.memref_slice %arg2[%dma_wait3A_477, %dma_wait3A_478] : memref<10000x128xf32, #tpu.memory_space<hbm>> -> memref<10000x128xf32, #tpu.memory_space<hbm>>
      tpu.wait_indirect_dma semaphore(%arg10 : memref<!tpu.dma_semaphore, #tpu.memory_space<semaphore_mem>>) src(%dma_wait3A_479 : memref<10000x128xf32, #tpu.memory_space<hbm>>) dst(%dma_wait3A_469 : memref<80x128xf32, #tpu.memory_space<vmem>>)
      %dma_start3A_480 = arith.constant 4 : i32
      %dma_start3A_481 = arith.constant 0 : i32
      %dma_start3A_482 = arith.constant 0 : i32
      %dma_start3A_483 = tpu.memref_slice %arg8[%rem3A_464, %dma_start3A_481, %dma_start3A_482] : memref<3x80x128xf32, #tpu.memory_space<vmem>> -> memref<1x80x128xf32, #tpu.memory_space<vmem>>
      %dma_start3A_484 = tpu.memref_squeeze %dma_start3A_483 : memref<1x80x128xf32, #tpu.memory_space<vmem>> -> memref<80x128xf32, #tpu.memory_space<vmem>>
      %dma_start3A_485 = arith.constant 0 : i32
      %dma_start3A_486 = arith.constant 0 : i32
      %dma_start3A_487 = tpu.memref_slice %arg7[%rem3A_252, %dma_start3A_485, %dma_start3A_486] : memref<3x5x80xi32, #tpu.memory_space<vmem>> -> memref<1x5x80xi32, #tpu.memory_space<vmem>>
      %dma_start3A_488 = tpu.memref_squeeze %dma_start3A_487 : memref<1x5x80xi32, #tpu.memory_space<vmem>> -> memref<5x80xi32, #tpu.memory_space<vmem>>
      %dma_start3A_489 = arith.constant 0 : i32
      %dma_start3A_490 = tpu.memref_slice %dma_start3A_488[%dma_start3A_480, %dma_start3A_489] : memref<5x80xi32, #tpu.memory_space<vmem>> -> memref<1x80xi32, #tpu.memory_space<vmem>>
      %dma_start3A_491 = tpu.memref_squeeze %dma_start3A_490 : memref<1x80xi32, #tpu.memory_space<vmem>> -> memref<80xi32, #tpu.memory_space<vmem>>
      %dma_start3A_492 = arith.constant 0 : i32
      %dma_start3A_493 = arith.constant 0 : i32
      %dma_start3A_494 = tpu.memref_slice %arg9[%dma_start3A_492, %dma_start3A_493] : memref<10000x128xf32, #tpu.memory_space<vmem_shared>> -> memref<10000x128xf32, #tpu.memory_space<vmem_shared>>
      %dma_start3A_495 = tpu.memref_slice %arg12[%rem3A_464] : memref<3x!tpu.dma_semaphore, #tpu.memory_space<semaphore_mem>> -> memref<1x!tpu.dma_semaphore, #tpu.memory_space<semaphore_mem>>
      %dma_start3A_496 = tpu.memref_squeeze %dma_start3A_495 : memref<1x!tpu.dma_semaphore, #tpu.memory_space<semaphore_mem>> -> memref<!tpu.dma_semaphore, #tpu.memory_space<semaphore_mem>>
      tpu.enqueue_indirect_dma source(%dma_start3A_484 : memref<80x128xf32, #tpu.memory_space<vmem>>) target(%dma_start3A_494 : memref<10000x128xf32, #tpu.memory_space<vmem_shared>>) offsets(%dma_start3A_491 : memref<80xi32, #tpu.memory_space<vmem>>) semaphore(%dma_start3A_496 : memref<!tpu.dma_semaphore, #tpu.memory_space<semaphore_mem>>) {add = true}
      %add3A_497 = arith.constant 2 : i32
      %add3A_498 = arith.addi %add3A_462, %add3A_497 : i32
      %rem3A_499 = arith.constant 3 : i32
      %rem3A_500 = arith.remsi %add3A_498, %rem3A_499 : i32
      %add3A_501 = arith.constant 2 : i32
      %add3A_502 = arith.addi %add3A_462, %add3A_501 : i32
      %lt3A_503 = arith.constant 125 : i32
      %lt3A_504 = arith.cmpi slt, %add3A_502, %lt3A_503 : i32
      %convert_element_type3A_505 = arith.extui %lt3A_504 : i1 to i32
      %cond3A_506 = arith.constant 0 : i32
      %cond3A_507 = arith.cmpi ne, %convert_element_type3A_505, %cond3A_506 : i32
      scf.if %cond3A_507 {
        %ge3A = arith.constant 1 : i32
        %ge3A_516 = arith.cmpi sge, %add3A_462, %ge3A : i32
        %convert_element_type3A_517 = arith.extui %ge3A_516 : i1 to i32
        %cond3A_518 = arith.constant 0 : i32
        %cond3A_519 = arith.cmpi ne, %convert_element_type3A_517, %cond3A_518 : i32
        scf.if %cond3A_519 {
          %dma_wait3A_535 = arith.constant 4 : i32
          %dma_wait3A_536 = arith.constant 0 : i32
          %dma_wait3A_537 = arith.constant 0 : i32
          %dma_wait3A_538 = tpu.memref_slice %arg8[%rem3A_500, %dma_wait3A_536, %dma_wait3A_537] : memref<3x80x128xf32, #tpu.memory_space<vmem>> -> memref<1x80x128xf32, #tpu.memory_space<vmem>>
          %dma_wait3A_539 = tpu.memref_squeeze %dma_wait3A_538 : memref<1x80x128xf32, #tpu.memory_space<vmem>> -> memref<80x128xf32, #tpu.memory_space<vmem>>
          %dma_wait3A_540 = arith.constant 0 : i32
          %dma_wait3A_541 = arith.constant 0 : i32
          %dma_wait3A_542 = tpu.memref_slice %arg7[%rem3A_252, %dma_wait3A_540, %dma_wait3A_541] : memref<3x5x80xi32, #tpu.memory_space<vmem>> -> memref<1x5x80xi32, #tpu.memory_space<vmem>>
          %dma_wait3A_543 = tpu.memref_squeeze %dma_wait3A_542 : memref<1x5x80xi32, #tpu.memory_space<vmem>> -> memref<5x80xi32, #tpu.memory_space<vmem>>
          %dma_wait3A_544 = arith.constant 0 : i32
          %dma_wait3A_545 = tpu.memref_slice %dma_wait3A_543[%dma_wait3A_535, %dma_wait3A_544] : memref<5x80xi32, #tpu.memory_space<vmem>> -> memref<1x80xi32, #tpu.memory_space<vmem>>
          %dma_wait3A_546 = tpu.memref_squeeze %dma_wait3A_545 : memref<1x80xi32, #tpu.memory_space<vmem>> -> memref<80xi32, #tpu.memory_space<vmem>>
          %dma_wait3A_547 = arith.constant 0 : i32
          %dma_wait3A_548 = arith.constant 0 : i32
          %dma_wait3A_549 = tpu.memref_slice %arg9[%dma_wait3A_547, %dma_wait3A_548] : memref<10000x128xf32, #tpu.memory_space<vmem_shared>> -> memref<10000x128xf32, #tpu.memory_space<vmem_shared>>
          %dma_wait3A_550 = tpu.memref_slice %arg12[%rem3A_500] : memref<3x!tpu.dma_semaphore, #tpu.memory_space<semaphore_mem>> -> memref<1x!tpu.dma_semaphore, #tpu.memory_space<semaphore_mem>>
          %dma_wait3A_551 = tpu.memref_squeeze %dma_wait3A_550 : memref<1x!tpu.dma_semaphore, #tpu.memory_space<semaphore_mem>> -> memref<!tpu.dma_semaphore, #tpu.memory_space<semaphore_mem>>
          tpu.wait_indirect_dma semaphore(%dma_wait3A_551 : memref<!tpu.dma_semaphore, #tpu.memory_space<semaphore_mem>>) src(%dma_wait3A_539 : memref<80x128xf32, #tpu.memory_space<vmem>>) dst(%dma_wait3A_549 : memref<10000x128xf32, #tpu.memory_space<vmem_shared>>)
        } else {
        }
        %dma_start3A_520 = arith.constant 1 : i32
        %dma_start3A_521 = arith.constant 0 : i32
        %dma_start3A_522 = arith.constant 0 : i32
        %dma_start3A_523 = tpu.memref_slice %arg8[%rem3A_500, %dma_start3A_521, %dma_start3A_522] : memref<3x80x128xf32, #tpu.memory_space<vmem>> -> memref<1x80x128xf32, #tpu.memory_space<vmem>>
        %dma_start3A_524 = tpu.memref_squeeze %dma_start3A_523 : memref<1x80x128xf32, #tpu.memory_space<vmem>> -> memref<80x128xf32, #tpu.memory_space<vmem>>
        %dma_start3A_525 = arith.constant 0 : i32
        %dma_start3A_526 = arith.constant 0 : i32
        %dma_start3A_527 = tpu.memref_slice %arg6[%rem3A_256, %dma_start3A_525, %dma_start3A_526] : memref<3x5x80xi32, #tpu.memory_space<vmem>> -> memref<1x5x80xi32, #tpu.memory_space<vmem>>
        %dma_start3A_528 = tpu.memref_squeeze %dma_start3A_527 : memref<1x5x80xi32, #tpu.memory_space<vmem>> -> memref<5x80xi32, #tpu.memory_space<vmem>>
        %dma_start3A_529 = arith.constant 0 : i32
        %dma_start3A_530 = tpu.memref_slice %dma_start3A_528[%dma_start3A_520, %dma_start3A_529] : memref<5x80xi32, #tpu.memory_space<vmem>> -> memref<1x80xi32, #tpu.memory_space<vmem>>
        %dma_start3A_531 = tpu.memref_squeeze %dma_start3A_530 : memref<1x80xi32, #tpu.memory_space<vmem>> -> memref<80xi32, #tpu.memory_space<vmem>>
        %dma_start3A_532 = arith.constant 0 : i32
        %dma_start3A_533 = arith.constant 0 : i32
        %dma_start3A_534 = tpu.memref_slice %arg2[%dma_start3A_532, %dma_start3A_533] : memref<10000x128xf32, #tpu.memory_space<hbm>> -> memref<10000x128xf32, #tpu.memory_space<hbm>>
        tpu.enqueue_indirect_dma source(%dma_start3A_534 : memref<10000x128xf32, #tpu.memory_space<hbm>>) target(%dma_start3A_524 : memref<80x128xf32, #tpu.memory_space<vmem>>) offsets(%dma_start3A_531 : memref<80xi32, #tpu.memory_space<vmem>>) semaphore(%arg10 : memref<!tpu.dma_semaphore, #tpu.memory_space<semaphore_mem>>)
      } else {
      }
      %add3A_508 = arith.constant 2 : i32
      %add3A_509 = arith.addi %scan3A_250, %add3A_508 : i32
      %lt3A_510 = arith.constant 25 : i32
      %lt3A_511 = arith.cmpi slt, %add3A_509, %lt3A_510 : i32
      %convert_element_type3A_512 = arith.extui %lt3A_511 : i1 to i32
      %cond3A_513 = arith.constant 0 : i32
      %cond3A_514 = arith.cmpi ne, %convert_element_type3A_512, %cond3A_513 : i32
      scf.if %cond3A_514 {
        %add3A_516 = arith.constant 2 : i32
        %add3A_517 = arith.addi %scan3A_250, %add3A_516 : i32
        %add3A_518 = arith.constant 2 : i32
        %add3A_519 = arith.addi %scan3A_250, %add3A_518 : i32
        %rem3A_520 = arith.constant 3 : i32
        %rem3A_521 = arith.remsi %add3A_519, %rem3A_520 : i32
        %dma_start3A_522 = arith.constant 0 : i32
        %dma_start3A_523 = arith.constant 0 : i32
        %dma_start3A_524 = tpu.memref_slice %arg6[%rem3A_521, %dma_start3A_522, %dma_start3A_523] : memref<3x5x80xi32, #tpu.memory_space<vmem>> -> memref<1x5x80xi32, #tpu.memory_space<vmem>>
        %dma_start3A_525 = tpu.memref_squeeze %dma_start3A_524 : memref<1x5x80xi32, #tpu.memory_space<vmem>> -> memref<5x80xi32, #tpu.memory_space<vmem>>
        %dma_start3A_526 = arith.constant 0 : i32
        %dma_start3A_527 = arith.constant 0 : i32
        %dma_start3A_528 = tpu.memref_slice %arg3[%add3A, %add3A_517, %dma_start3A_526, %dma_start3A_527] : memref<32x25x5x80xi32, #tpu.memory_space<hbm>> -> memref<1x1x5x80xi32, #tpu.memory_space<hbm>>
        %dma_start3A_529 = tpu.memref_squeeze %dma_start3A_528 : memref<1x1x5x80xi32, #tpu.memory_space<hbm>> -> memref<5x80xi32, #tpu.memory_space<hbm>>
        %dma_start3A_530 = arith.constant 0 : i32
        %dma_start3A_531 = arith.constant 0 : i32
        %dma_start3A_532 = tpu.memref_slice %arg6[%rem3A_521, %dma_start3A_530, %dma_start3A_531] : memref<3x5x80xi32, #tpu.memory_space<vmem>> -> memref<1x5x80xi32, #tpu.memory_space<vmem>>
        %dma_start3A_533 = tpu.memref_squeeze %dma_start3A_532 : memref<1x5x80xi32, #tpu.memory_space<vmem>> -> memref<5x80xi32, #tpu.memory_space<vmem>>
        %dma_start3A_534 = arith.constant 0 : i32
        %dma_start3A_535 = arith.constant 0 : i32
        %dma_start3A_536 = tpu.memref_slice %arg3[%add3A, %add3A_517, %dma_start3A_534, %dma_start3A_535] : memref<32x25x5x80xi32, #tpu.memory_space<hbm>> -> memref<1x1x5x80xi32, #tpu.memory_space<hbm>>
        %dma_start3A_537 = tpu.memref_squeeze %dma_start3A_536 : memref<1x1x5x80xi32, #tpu.memory_space<hbm>> -> memref<5x80xi32, #tpu.memory_space<hbm>>
        tpu.enqueue_dma source(%dma_start3A_537 : memref<5x80xi32, #tpu.memory_space<hbm>>) target(%dma_start3A_533 : memref<5x80xi32, #tpu.memory_space<vmem>>) target_semaphore(%arg11 : memref<!tpu.dma_semaphore, #tpu.memory_space<semaphore_mem>>)
        %dma_start3A_538 = arith.constant 0 : i32
        %dma_start3A_539 = arith.constant 0 : i32
        %dma_start3A_540 = tpu.memref_slice %arg7[%rem3A_521, %dma_start3A_538, %dma_start3A_539] : memref<3x5x80xi32, #tpu.memory_space<vmem>> -> memref<1x5x80xi32, #tpu.memory_space<vmem>>
        %dma_start3A_541 = tpu.memref_squeeze %dma_start3A_540 : memref<1x5x80xi32, #tpu.memory_space<vmem>> -> memref<5x80xi32, #tpu.memory_space<vmem>>
        %dma_start3A_542 = arith.constant 0 : i32
        %dma_start3A_543 = arith.constant 0 : i32
        %dma_start3A_544 = tpu.memref_slice %arg4[%add3A, %add3A_517, %dma_start3A_542, %dma_start3A_543] : memref<32x25x5x80xi32, #tpu.memory_space<hbm>> -> memref<1x1x5x80xi32, #tpu.memory_space<hbm>>
        %dma_start3A_545 = tpu.memref_squeeze %dma_start3A_544 : memref<1x1x5x80xi32, #tpu.memory_space<hbm>> -> memref<5x80xi32, #tpu.memory_space<hbm>>
        %dma_start3A_546 = arith.constant 0 : i32
        %dma_start3A_547 = arith.constant 0 : i32
        %dma_start3A_548 = tpu.memref_slice %arg7[%rem3A_521, %dma_start3A_546, %dma_start3A_547] : memref<3x5x80xi32, #tpu.memory_space<vmem>> -> memref<1x5x80xi32, #tpu.memory_space<vmem>>
        %dma_start3A_549 = tpu.memref_squeeze %dma_start3A_548 : memref<1x5x80xi32, #tpu.memory_space<vmem>> -> memref<5x80xi32, #tpu.memory_space<vmem>>
        %dma_start3A_550 = arith.constant 0 : i32
        %dma_start3A_551 = arith.constant 0 : i32
        %dma_start3A_552 = tpu.memref_slice %arg4[%add3A, %add3A_517, %dma_start3A_550, %dma_start3A_551] : memref<32x25x5x80xi32, #tpu.memory_space<hbm>> -> memref<1x1x5x80xi32, #tpu.memory_space<hbm>>
        %dma_start3A_553 = tpu.memref_squeeze %dma_start3A_552 : memref<1x1x5x80xi32, #tpu.memory_space<hbm>> -> memref<5x80xi32, #tpu.memory_space<hbm>>
        tpu.enqueue_dma source(%dma_start3A_553 : memref<5x80xi32, #tpu.memory_space<hbm>>) target(%dma_start3A_549 : memref<5x80xi32, #tpu.memory_space<vmem>>) target_semaphore(%arg11 : memref<!tpu.dma_semaphore, #tpu.memory_space<semaphore_mem>>)
      } else {
      }
      %scan3A_515 = arith.constant 0 : i32
      scf.yield %scan3A_515 : i32
    }
    %scan3A_183 = arith.constant 25 : i32
    %dma_wait3A_184 = arith.constant 0 : i32
    %dma_wait3A_185 = arith.constant 0 : i32
    %dma_wait3A_186 = arith.constant 0 : i32
    %dma_wait3A_187 = arith.constant 0 : i32
    %dma_wait3A_188 = arith.constant 0 : i32
    %dma_wait3A_189 = arith.constant 0 : i32
    %dma_wait3A_190 = tpu.memref_slice %arg8[%dma_wait3A_184, %dma_wait3A_188, %dma_wait3A_189] : memref<3x80x128xf32, #tpu.memory_space<vmem>> -> memref<1x80x128xf32, #tpu.memory_space<vmem>>
    %dma_wait3A_191 = tpu.memref_squeeze %dma_wait3A_190 : memref<1x80x128xf32, #tpu.memory_space<vmem>> -> memref<80x128xf32, #tpu.memory_space<vmem>>
    %dma_wait3A_192 = arith.constant 0 : i32
    %dma_wait3A_193 = arith.constant 0 : i32
    %dma_wait3A_194 = tpu.memref_slice %arg7[%dma_wait3A_185, %dma_wait3A_192, %dma_wait3A_193] : memref<3x5x80xi32, #tpu.memory_space<vmem>> -> memref<1x5x80xi32, #tpu.memory_space<vmem>>
    %dma_wait3A_195 = tpu.memref_squeeze %dma_wait3A_194 : memref<1x5x80xi32, #tpu.memory_space<vmem>> -> memref<5x80xi32, #tpu.memory_space<vmem>>
    %dma_wait3A_196 = arith.constant 0 : i32
    %dma_wait3A_197 = tpu.memref_slice %dma_wait3A_195[%dma_wait3A_186, %dma_wait3A_196] : memref<5x80xi32, #tpu.memory_space<vmem>> -> memref<1x80xi32, #tpu.memory_space<vmem>>
    %dma_wait3A_198 = tpu.memref_squeeze %dma_wait3A_197 : memref<1x80xi32, #tpu.memory_space<vmem>> -> memref<80xi32, #tpu.memory_space<vmem>>
    %dma_wait3A_199 = arith.constant 0 : i32
    %dma_wait3A_200 = arith.constant 0 : i32
    %dma_wait3A_201 = tpu.memref_slice %arg9[%dma_wait3A_199, %dma_wait3A_200] : memref<10000x128xf32, #tpu.memory_space<vmem_shared>> -> memref<10000x128xf32, #tpu.memory_space<vmem_shared>>
    %dma_wait3A_202 = tpu.memref_slice %arg12[%dma_wait3A_187] : memref<3x!tpu.dma_semaphore, #tpu.memory_space<semaphore_mem>> -> memref<1x!tpu.dma_semaphore, #tpu.memory_space<semaphore_mem>>
    %dma_wait3A_203 = tpu.memref_squeeze %dma_wait3A_202 : memref<1x!tpu.dma_semaphore, #tpu.memory_space<semaphore_mem>> -> memref<!tpu.dma_semaphore, #tpu.memory_space<semaphore_mem>>
    tpu.wait_indirect_dma semaphore(%dma_wait3A_203 : memref<!tpu.dma_semaphore, #tpu.memory_space<semaphore_mem>>) src(%dma_wait3A_191 : memref<80x128xf32, #tpu.memory_space<vmem>>) dst(%dma_wait3A_201 : memref<10000x128xf32, #tpu.memory_space<vmem_shared>>)
    %dma_wait3A_204 = arith.constant 1 : i32
    %dma_wait3A_205 = arith.constant 0 : i32
    %dma_wait3A_206 = arith.constant 0 : i32
    %dma_wait3A_207 = arith.constant 1 : i32
    %dma_wait3A_208 = arith.constant 0 : i32
    %dma_wait3A_209 = arith.constant 0 : i32
    %dma_wait3A_210 = tpu.memref_slice %arg8[%dma_wait3A_204, %dma_wait3A_208, %dma_wait3A_209] : memref<3x80x128xf32, #tpu.memory_space<vmem>> -> memref<1x80x128xf32, #tpu.memory_space<vmem>>
    %dma_wait3A_211 = tpu.memref_squeeze %dma_wait3A_210 : memref<1x80x128xf32, #tpu.memory_space<vmem>> -> memref<80x128xf32, #tpu.memory_space<vmem>>
    %dma_wait3A_212 = arith.constant 0 : i32
    %dma_wait3A_213 = arith.constant 0 : i32
    %dma_wait3A_214 = tpu.memref_slice %arg7[%dma_wait3A_205, %dma_wait3A_212, %dma_wait3A_213] : memref<3x5x80xi32, #tpu.memory_space<vmem>> -> memref<1x5x80xi32, #tpu.memory_space<vmem>>
    %dma_wait3A_215 = tpu.memref_squeeze %dma_wait3A_214 : memref<1x5x80xi32, #tpu.memory_space<vmem>> -> memref<5x80xi32, #tpu.memory_space<vmem>>
    %dma_wait3A_216 = arith.constant 0 : i32
    %dma_wait3A_217 = tpu.memref_slice %dma_wait3A_215[%dma_wait3A_206, %dma_wait3A_216] : memref<5x80xi32, #tpu.memory_space<vmem>> -> memref<1x80xi32, #tpu.memory_space<vmem>>
    %dma_wait3A_218 = tpu.memref_squeeze %dma_wait3A_217 : memref<1x80xi32, #tpu.memory_space<vmem>> -> memref<80xi32, #tpu.memory_space<vmem>>
    %dma_wait3A_219 = arith.constant 0 : i32
    %dma_wait3A_220 = arith.constant 0 : i32
    %dma_wait3A_221 = tpu.memref_slice %arg9[%dma_wait3A_219, %dma_wait3A_220] : memref<10000x128xf32, #tpu.memory_space<vmem_shared>> -> memref<10000x128xf32, #tpu.memory_space<vmem_shared>>
    %dma_wait3A_222 = tpu.memref_slice %arg12[%dma_wait3A_207] : memref<3x!tpu.dma_semaphore, #tpu.memory_space<semaphore_mem>> -> memref<1x!tpu.dma_semaphore, #tpu.memory_space<semaphore_mem>>
    %dma_wait3A_223 = tpu.memref_squeeze %dma_wait3A_222 : memref<1x!tpu.dma_semaphore, #tpu.memory_space<semaphore_mem>> -> memref<!tpu.dma_semaphore, #tpu.memory_space<semaphore_mem>>
    tpu.wait_indirect_dma semaphore(%dma_wait3A_223 : memref<!tpu.dma_semaphore, #tpu.memory_space<semaphore_mem>>) src(%dma_wait3A_211 : memref<80x128xf32, #tpu.memory_space<vmem>>) dst(%dma_wait3A_221 : memref<10000x128xf32, #tpu.memory_space<vmem_shared>>)
    %dma_wait3A_224 = arith.constant 2 : i32
    %dma_wait3A_225 = arith.constant 0 : i32
    %dma_wait3A_226 = arith.constant 0 : i32
    %dma_wait3A_227 = arith.constant 2 : i32
    %dma_wait3A_228 = arith.constant 0 : i32
    %dma_wait3A_229 = arith.constant 0 : i32
    %dma_wait3A_230 = tpu.memref_slice %arg8[%dma_wait3A_224, %dma_wait3A_228, %dma_wait3A_229] : memref<3x80x128xf32, #tpu.memory_space<vmem>> -> memref<1x80x128xf32, #tpu.memory_space<vmem>>
    %dma_wait3A_231 = tpu.memref_squeeze %dma_wait3A_230 : memref<1x80x128xf32, #tpu.memory_space<vmem>> -> memref<80x128xf32, #tpu.memory_space<vmem>>
    %dma_wait3A_232 = arith.constant 0 : i32
    %dma_wait3A_233 = arith.constant 0 : i32
    %dma_wait3A_234 = tpu.memref_slice %arg7[%dma_wait3A_225, %dma_wait3A_232, %dma_wait3A_233] : memref<3x5x80xi32, #tpu.memory_space<vmem>> -> memref<1x5x80xi32, #tpu.memory_space<vmem>>
    %dma_wait3A_235 = tpu.memref_squeeze %dma_wait3A_234 : memref<1x5x80xi32, #tpu.memory_space<vmem>> -> memref<5x80xi32, #tpu.memory_space<vmem>>
    %dma_wait3A_236 = arith.constant 0 : i32
    %dma_wait3A_237 = tpu.memref_slice %dma_wait3A_235[%dma_wait3A_226, %dma_wait3A_236] : memref<5x80xi32, #tpu.memory_space<vmem>> -> memref<1x80xi32, #tpu.memory_space<vmem>>
    %dma_wait3A_238 = tpu.memref_squeeze %dma_wait3A_237 : memref<1x80xi32, #tpu.memory_space<vmem>> -> memref<80xi32, #tpu.memory_space<vmem>>
    %dma_wait3A_239 = arith.constant 0 : i32
    %dma_wait3A_240 = arith.constant 0 : i32
    %dma_wait3A_241 = tpu.memref_slice %arg9[%dma_wait3A_239, %dma_wait3A_240] : memref<10000x128xf32, #tpu.memory_space<vmem_shared>> -> memref<10000x128xf32, #tpu.memory_space<vmem_shared>>
    %dma_wait3A_242 = tpu.memref_slice %arg12[%dma_wait3A_227] : memref<3x!tpu.dma_semaphore, #tpu.memory_space<semaphore_mem>> -> memref<1x!tpu.dma_semaphore, #tpu.memory_space<semaphore_mem>>
    %dma_wait3A_243 = tpu.memref_squeeze %dma_wait3A_242 : memref<1x!tpu.dma_semaphore, #tpu.memory_space<semaphore_mem>> -> memref<!tpu.dma_semaphore, #tpu.memory_space<semaphore_mem>>
    tpu.wait_indirect_dma semaphore(%dma_wait3A_243 : memref<!tpu.dma_semaphore, #tpu.memory_space<semaphore_mem>>) src(%dma_wait3A_231 : memref<80x128xf32, #tpu.memory_space<vmem>>) dst(%dma_wait3A_241 : memref<10000x128xf32, #tpu.memory_space<vmem_shared>>)
    %barrier3A_244 = arith.constant 0 : index
    tpu.barrier barrier_id(%barrier3A_244)
    "tpu.region"() ({
      %run_scoped3A_250 = tpu.sem_alloc : memref<!tpu.dma_semaphore, #tpu.memory_space<semaphore_mem>>
      %dma_start3A_251 = arith.constant 0 : i32
      %dma_start3A_252 = tpu.memref_slice %arg5[%arg0, %mul3A_150, %dma_start3A_251] : memref<2x10000x128xf32, #tpu.memory_space<hbm>> -> memref<1x624x128xf32, #tpu.memory_space<hbm>>
      %dma_start3A_253 = tpu.memref_squeeze %dma_start3A_252 : memref<1x624x128xf32, #tpu.memory_space<hbm>> -> memref<624x128xf32, #tpu.memory_space<hbm>>
      %dma_start3A_254 = arith.constant 0 : i32
      %dma_start3A_255 = tpu.memref_slice %arg9[%mul3A_150, %dma_start3A_254] : memref<10000x128xf32, #tpu.memory_space<vmem_shared>> -> memref<624x128xf32, #tpu.memory_space<vmem_shared>>
      tpu.enqueue_dma source(%dma_start3A_255 : memref<624x128xf32, #tpu.memory_space<vmem_shared>>) target(%dma_start3A_253 : memref<624x128xf32, #tpu.memory_space<hbm>>) target_semaphore(%run_scoped3A_250 : memref<!tpu.dma_semaphore, #tpu.memory_space<semaphore_mem>>)
      %dma_wait3A_256 = arith.constant 0 : i32
      %dma_wait3A_257 = tpu.memref_slice %arg5[%arg0, %mul3A_150, %dma_wait3A_256] : memref<2x10000x128xf32, #tpu.memory_space<hbm>> -> memref<1x624x128xf32, #tpu.memory_space<hbm>>
      %dma_wait3A_258 = tpu.memref_squeeze %dma_wait3A_257 : memref<1x624x128xf32, #tpu.memory_space<hbm>> -> memref<624x128xf32, #tpu.memory_space<hbm>>
      %dma_wait3A_259 = arith.constant 0 : i32
      %dma_wait3A_260 = tpu.memref_slice %arg9[%mul3A_150, %dma_wait3A_259] : memref<10000x128xf32, #tpu.memory_space<vmem_shared>> -> memref<624x128xf32, #tpu.memory_space<vmem_shared>>
      tpu.wait_dma2 semaphore(%run_scoped3A_250 : memref<!tpu.dma_semaphore, #tpu.memory_space<semaphore_mem>>) src(%dma_wait3A_260 : memref<624x128xf32, #tpu.memory_space<vmem_shared>>) dst(%dma_wait3A_258 : memref<624x128xf32, #tpu.memory_space<hbm>>)
      tpu.yield
    }) : () -> ()
    %eq3A_245 = arith.constant 15 : i32
    %eq3A_246 = arith.cmpi eq, %arg1, %eq3A_245 : i32
    %convert_element_type3A_247 = arith.extui %eq3A_246 : i1 to i32
    %cond3A_248 = arith.constant 0 : i32
    %cond3A_249 = arith.cmpi ne, %convert_element_type3A_247, %cond3A_248 : i32
    scf.if %cond3A_249 {
      "tpu.region"() ({
        %run_scoped3A_250 = tpu.sem_alloc : memref<!tpu.dma_semaphore, #tpu.memory_space<semaphore_mem>>
        %dma_start3A_251 = arith.constant 9984 : i32
        %dma_start3A_252 = arith.constant 0 : i32
        %dma_start3A_253 = tpu.memref_slice %arg5[%arg0, %dma_start3A_251, %dma_start3A_252] : memref<2x10000x128xf32, #tpu.memory_space<hbm>> -> memref<1x16x128xf32, #tpu.memory_space<hbm>>
        %dma_start3A_254 = tpu.memref_squeeze %dma_start3A_253 : memref<1x16x128xf32, #tpu.memory_space<hbm>> -> memref<16x128xf32, #tpu.memory_space<hbm>>
        %dma_start3A_255 = arith.constant 9984 : i32
        %dma_start3A_256 = arith.constant 0 : i32
        %dma_start3A_257 = tpu.memref_slice %arg9[%dma_start3A_255, %dma_start3A_256] : memref<10000x128xf32, #tpu.memory_space<vmem_shared>> -> memref<16x128xf32, #tpu.memory_space<vmem_shared>>
        tpu.enqueue_dma source(%dma_start3A_257 : memref<16x128xf32, #tpu.memory_space<vmem_shared>>) target(%dma_start3A_254 : memref<16x128xf32, #tpu.memory_space<hbm>>) target_semaphore(%run_scoped3A_250 : memref<!tpu.dma_semaphore, #tpu.memory_space<semaphore_mem>>)
        %dma_wait3A_258 = arith.constant 9984 : i32
        %dma_wait3A_259 = arith.constant 0 : i32
        %dma_wait3A_260 = tpu.memref_slice %arg5[%arg0, %dma_wait3A_258, %dma_wait3A_259] : memref<2x10000x128xf32, #tpu.memory_space<hbm>> -> memref<1x16x128xf32, #tpu.memory_space<hbm>>
        %dma_wait3A_261 = tpu.memref_squeeze %dma_wait3A_260 : memref<1x16x128xf32, #tpu.memory_space<hbm>> -> memref<16x128xf32, #tpu.memory_space<hbm>>
        %dma_wait3A_262 = arith.constant 9984 : i32
        %dma_wait3A_263 = arith.constant 0 : i32
        %dma_wait3A_264 = tpu.memref_slice %arg9[%dma_wait3A_262, %dma_wait3A_263] : memref<10000x128xf32, #tpu.memory_space<vmem_shared>> -> memref<16x128xf32, #tpu.memory_space<vmem_shared>>
        tpu.wait_dma2 semaphore(%run_scoped3A_250 : memref<!tpu.dma_semaphore, #tpu.memory_space<semaphore_mem>>) src(%dma_wait3A_264 : memref<16x128xf32, #tpu.memory_space<vmem_shared>>) dst(%dma_wait3A_261 : memref<16x128xf32, #tpu.memory_space<hbm>>)
        tpu.yield
      }) : () -> ()
    } else {
    }
    return
  }
}

module attributes {stable_mosaic.version = 14 : i64} {
  func.func @mlp_kernel(%arg0: i32, %arg1: memref<5000x128xf32, #tpu.memory_space<vmem>>, %arg2: memref<2x5000x128xf32, #tpu.memory_space<vmem>>, %arg3: memref<128x128xf32, #tpu.memory_space<vmem>>, %arg4: memref<1x128xf32, #tpu.memory_space<vmem>>, %arg5: memref<5000x128xf32, #tpu.memory_space<vmem>>) attributes {dimension_semantics = [#tpu.dimension_semantics<arbitrary>], iteration_bounds = array<i64: 2>, scalar_prefetch = 0 : i64, scratch_operands = 0 : i64, tpu.core_type = #tpu.core_type<tc>, window_params = [{transform_indices = @transform_0, window_bounds = array<i64: 5000, 128>}, {transform_indices = @transform_1, window_bounds = array<i64: 2, 5000, 128>}, {pipeline_mode = #tpu.pipeline_mode<synchronous>, transform_indices = @transform_2, window_bounds = array<i64: 128, 128>}, {pipeline_mode = #tpu.pipeline_mode<synchronous>, transform_indices = @transform_3, window_bounds = array<i64: 1, 128>}, {transform_indices = @transform_4, window_bounds = array<i64: 5000, 128>}]} {
    %get3A = arith.constant 0 : index
    %get3A_0 = arith.constant 0 : index
    %get3A_1 = vector.load %arg1[%get3A, %get3A_0] : memref<5000x128xf32, #tpu.memory_space<vmem>>, vector<5000x128xf32>
    %get3A_2 = arith.constant 0 : index
    %get3A_3 = arith.constant 0 : index
    %get3A_4 = arith.constant 0 : index
    %get3A_5 = vector.load %arg2[%get3A_2, %get3A_3, %get3A_4] : memref<2x5000x128xf32, #tpu.memory_space<vmem>>, vector<1x5000x128xf32>
    %get3A_6 = vector.shape_cast %get3A_5 : vector<1x5000x128xf32> to vector<5000x128xf32>
    %add3A = arith.addf %get3A_1, %get3A_6 : vector<5000x128xf32>
    %get3A_7 = arith.constant 1 : index
    %get3A_8 = arith.constant 0 : index
    %get3A_9 = arith.constant 0 : index
    %get3A_10 = vector.load %arg2[%get3A_7, %get3A_8, %get3A_9] : memref<2x5000x128xf32, #tpu.memory_space<vmem>>, vector<1x5000x128xf32>
    %get3A_11 = vector.shape_cast %get3A_10 : vector<1x5000x128xf32> to vector<5000x128xf32>
    %add3A_12 = arith.addf %add3A, %get3A_11 : vector<5000x128xf32>
    %get3A_13 = arith.constant 0 : index
    %get3A_14 = arith.constant 0 : index
    %get3A_15 = vector.load %arg3[%get3A_13, %get3A_14] : memref<128x128xf32, #tpu.memory_space<vmem>>, vector<128x128xf32>
    %dot_general3A = arith.constant dense<0.000000e+00> : vector<5000x128xf32>
    %dot_general3A_16 = tpu.matmul %add3A_12, %get3A_15, %dot_general3A {dimension_numbers = #tpu.dot_dimension_numbers<[1], [0], [0], [1], [0, 0, 1, 1], [], []>, transpose_lhs_hint = false} : vector<5000x128xf32>, vector<128x128xf32>, vector<5000x128xf32> -> vector<5000x128xf32>
    %get3A_17 = arith.constant 0 : index
    %get3A_18 = arith.constant 0 : index
    %get3A_19 = vector.load %arg4[%get3A_17, %get3A_18] : memref<1x128xf32, #tpu.memory_space<vmem>>, vector<1x128xf32>
    %add3A_20 = vector.broadcast %get3A_19 : vector<1x128xf32> to vector<5000x128xf32>
    %add3A_21 = arith.addf %dot_general3A_16, %add3A_20 : vector<5000x128xf32>
    %max3A = arith.constant 0.000000e+00 : f32
    %max3A_22 = vector.broadcast %max3A : f32 to vector<5000x128xf32>
    %max3A_23 = arith.maximumf %add3A_21, %max3A_22 : vector<5000x128xf32>
    %swap3A = arith.constant 0 : index
    %swap3A_24 = arith.constant 0 : index
    %swap3A_25 = vector.load %arg5[%swap3A, %swap3A_24] : memref<5000x128xf32, #tpu.memory_space<vmem>>, vector<5000x128xf32>
    tpu.vector_store %arg5[%swap3A, %swap3A_24], %max3A_23 {strides = array<i32>} : memref<5000x128xf32, #tpu.memory_space<vmem>>, vector<5000x128xf32>,
    return
  }
  func.func @transform_0(%arg0: i32) -> (i32, i32) {
    %c0_i32 = arith.constant 0 : i32
    %c0_i32_0 = arith.constant 0 : i32
    return %arg0, %c0_i32 : i32, i32
  }
  func.func @transform_1(%arg0: i32) -> (i32, i32, i32) {
    %c0_i32 = arith.constant 0 : i32
    %c0_i32_0 = arith.constant 0 : i32
    %c0_i32_1 = arith.constant 0 : i32
    return %c0_i32, %arg0, %c0_i32_0 : i32, i32, i32
  }
  func.func @transform_2(%arg0: i32) -> (i32, i32) {
    %c0_i32 = arith.constant 0 : i32
    %c0_i32_0 = arith.constant 0 : i32
    %c0_i32_1 = arith.constant 0 : i32
    return %c0_i32, %c0_i32_0 : i32, i32
  }
  func.func @transform_3(%arg0: i32) -> (i32, i32) {
    %c0_i32 = arith.constant 0 : i32
    %c0_i32_0 = arith.constant 0 : i32
    %c0_i32_1 = arith.constant 0 : i32
    return %c0_i32, %c0_i32_0 : i32, i32
  }
  func.func @transform_4(%arg0: i32) -> (i32, i32) {
    %c0_i32 = arith.constant 0 : i32
    %c0_i32_0 = arith.constant 0 : i32
    return %arg0, %c0_i32 : i32, i32
  }
}

module attributes {stable_mosaic.version = 14 : i64} {
  func.func @mlp_kernel(%arg0: i32, %arg1: memref<5000x128xf32, #tpu.memory_space<vmem>>, %arg2: memref<2x5000x128xf32, #tpu.memory_space<vmem>>, %arg3: memref<128x64xf32, #tpu.memory_space<vmem>>, %arg4: memref<1x64xf32, #tpu.memory_space<vmem>>, %arg5: memref<5000x64xf32, #tpu.memory_space<vmem>>) attributes {dimension_semantics = [#tpu.dimension_semantics<arbitrary>], iteration_bounds = array<i64: 2>, scalar_prefetch = 0 : i64, scratch_operands = 0 : i64, tpu.core_type = #tpu.core_type<tc>, window_params = [{transform_indices = @transform_0, window_bounds = array<i64: 5000, 128>}, {transform_indices = @transform_1, window_bounds = array<i64: 2, 5000, 128>}, {pipeline_mode = #tpu.pipeline_mode<synchronous>, transform_indices = @transform_2, window_bounds = array<i64: 128, 64>}, {pipeline_mode = #tpu.pipeline_mode<synchronous>, transform_indices = @transform_3, window_bounds = array<i64: 1, 64>}, {transform_indices = @transform_4, window_bounds = array<i64: 5000, 64>}]} {
    %get3A = arith.constant 0 : index
    %get3A_0 = arith.constant 0 : index
    %get3A_1 = vector.load %arg1[%get3A, %get3A_0] : memref<5000x128xf32, #tpu.memory_space<vmem>>, vector<5000x128xf32>
    %get3A_2 = arith.constant 0 : index
    %get3A_3 = arith.constant 0 : index
    %get3A_4 = arith.constant 0 : index
    %get3A_5 = vector.load %arg2[%get3A_2, %get3A_3, %get3A_4] : memref<2x5000x128xf32, #tpu.memory_space<vmem>>, vector<1x5000x128xf32>
    %get3A_6 = vector.shape_cast %get3A_5 : vector<1x5000x128xf32> to vector<5000x128xf32>
    %add3A = arith.addf %get3A_1, %get3A_6 : vector<5000x128xf32>
    %get3A_7 = arith.constant 1 : index
    %get3A_8 = arith.constant 0 : index
    %get3A_9 = arith.constant 0 : index
    %get3A_10 = vector.load %arg2[%get3A_7, %get3A_8, %get3A_9] : memref<2x5000x128xf32, #tpu.memory_space<vmem>>, vector<1x5000x128xf32>
    %get3A_11 = vector.shape_cast %get3A_10 : vector<1x5000x128xf32> to vector<5000x128xf32>
    %add3A_12 = arith.addf %add3A, %get3A_11 : vector<5000x128xf32>
    %get3A_13 = arith.constant 0 : index
    %get3A_14 = arith.constant 0 : index
    %get3A_15 = vector.load %arg3[%get3A_13, %get3A_14] : memref<128x64xf32, #tpu.memory_space<vmem>>, vector<128x64xf32>
    %dot_general3A = arith.constant dense<0.000000e+00> : vector<5000x64xf32>
    %dot_general3A_16 = tpu.matmul %add3A_12, %get3A_15, %dot_general3A {dimension_numbers = #tpu.dot_dimension_numbers<[1], [0], [0], [1], [0, 0, 1, 1], [], []>, transpose_lhs_hint = false} : vector<5000x128xf32>, vector<128x64xf32>, vector<5000x64xf32> -> vector<5000x64xf32>
    %get3A_17 = arith.constant 0 : index
    %get3A_18 = arith.constant 0 : index
    %get3A_19 = vector.load %arg4[%get3A_17, %get3A_18] : memref<1x64xf32, #tpu.memory_space<vmem>>, vector<1x64xf32>
    %add3A_20 = vector.broadcast %get3A_19 : vector<1x64xf32> to vector<5000x64xf32>
    %add3A_21 = arith.addf %dot_general3A_16, %add3A_20 : vector<5000x64xf32>
    %swap3A = arith.constant 0 : index
    %swap3A_22 = arith.constant 0 : index
    %swap3A_23 = vector.load %arg5[%swap3A, %swap3A_22] : memref<5000x64xf32, #tpu.memory_space<vmem>>, vector<5000x64xf32>
    tpu.vector_store %arg5[%swap3A, %swap3A_22], %add3A_21 {strides = array<i32>} : memref<5000x64xf32, #tpu.memory_space<vmem>>, vector<5000x64xf32>,
    return
  }
  func.func @transform_0(%arg0: i32) -> (i32, i32) {
    %c0_i32 = arith.constant 0 : i32
    %c0_i32_0 = arith.constant 0 : i32
    return %arg0, %c0_i32 : i32, i32
  }
  func.func @transform_1(%arg0: i32) -> (i32, i32, i32) {
    %c0_i32 = arith.constant 0 : i32
    %c0_i32_0 = arith.constant 0 : i32
    %c0_i32_1 = arith.constant 0 : i32
    return %c0_i32, %arg0, %c0_i32_0 : i32, i32, i32
  }
  func.func @transform_2(%arg0: i32) -> (i32, i32) {
    %c0_i32 = arith.constant 0 : i32
    %c0_i32_0 = arith.constant 0 : i32
    %c0_i32_1 = arith.constant 0 : i32
    return %c0_i32, %c0_i32_0 : i32, i32
  }
  func.func @transform_3(%arg0: i32) -> (i32, i32) {
    %c0_i32 = arith.constant 0 : i32
    %c0_i32_0 = arith.constant 0 : i32
    %c0_i32_1 = arith.constant 0 : i32
    return %c0_i32, %c0_i32_0 : i32, i32
  }
  func.func @transform_4(%arg0: i32) -> (i32, i32) {
    %c0_i32 = arith.constant 0 : i32
    %c0_i32_0 = arith.constant 0 : i32
    return %arg0, %c0_i32 : i32, i32
  }
}

</mosaic_0001>

<sc_bundles>
// kernel: kernel.6.cloned.1.call-start
scs
__scs_entry_jumppad:
0x0: {  	(pc) =	sbr.rel $0x88, $3  }
0x1: {  	(tag) =	ssettag $0x0;
	lr =	simm.s32 $0x1  }
0x2: {  	[smem:$0x3F9B] =	sst lr;
	_ =	strace $0xD0000000  }
0x3: {  	_ = 	snop  }
0x4: {  	_ = 	snop  }
0x5: {  	_ = 	snop  }
0x6: {  	_ = 	snop  }
0x7: {  	_ = 	snop  }
__scs_overlays_trampoline_lowered:
0x8: {  	[smem:$0x3FAA] =	sst s0  }
0x9: {  	[smem:$0x3FAB] =	sst s1  }
0xa: {  	[smem:$0x3FAC] =	sst s2  }
0xb: {  	[smem:$0x3FAD] =	sst s3  }
0xc: {  	[smem:$0x3FAE] =	sst s4  }
0xd: {  	[smem:$0x3FAF] =	sst s5  }
0xe: {  	[smem:$0x3FB0] =	sst s6  }
0xf: {  	[smem:$0x3FB1] =	sst s7  }
0x10: {  	[smem:$0x3FB2] =	sst s8  }
0x11: {  	[smem:$0x3FB3] =	sst s9;
	s0 =	simm.s32 @!p0 $0x0  }
0x12: {  	s1 =	sld [smem:$0x3F99];
	s0 =	simm.s32 @p0 $0x1  }
0x13: {  	[smem:$0x3FB4] =	sst s0;
	s0 =	simm.s32 @!p1 $0x0  }
0x14: {  	s2 =	sld [smem:$0x3F98];
	s0 =	simm.s32 @p1 $0x1  }
0x15: {  	[smem:$0x3FB5] =	sst s0;
	s0 =	simm.s32 @!p2 $0x0  }
0x16: {  	s3 =	sld [smem:$0x3FDB];
	s0 =	simm.s32 @p2 $0x1  }
0x17: {  	s4 =	simm.s32 $0x1BF5;
	[smem:$0x3FB7] =	sst s0  }
0x18: {  	s0 =	sld [smem:$0x3F9A];
	_ =	swait.ge [sflag:s4], $0x0  }
0x19: {  	s7 =	sld [smem:$0x3F9B]  }
0x1a: {  	s8 =	sadd.s32 $0xFFFFE003, lr  }
0x1b: {  	s9 =	sadd.s32 $0xFFFFFEF7, lr;
	s5 =	simm.s32 $0xFFFFFFFF;
	p2 =	slt.u32 s8, $0xFFFFF086  }
0x1c: {  	p1 =	slt.u32 s9, $0xF7A;
	s5 =	simm.s32 @!p2 $0x0  }
0x1d: {  	s5 =	simm.s32 @p1 $0x1;
	p0 =	seq.s32 s7, s2  }
0x1e: {  	s7 =	smul.u32 @!p0 $0xF7A, s2;
	p2 =	seq.s32 @!p0 s5, $0x0  }
0x1f: {  	s9 =	smul.u32 $0xF7A, s1;
	s8 =	simm.s32 @!p0 $0x1BF5;
	p2 =	por !p2, p0  }
0x20: {  	[sflag:s8] =	ssyncset.s32 @!p0 $0xFFFFF086;
	s6 =	sadd.s32 @!p0 s3, s7;
	s7 =	simm.s32 @!p0 $0x108  }
0x21: {  	s3 =	sadd.s32 s3, s9;
	s6 =	sadd.s32 @!p0 $0x88, s6;
	s7 =	simm.s32 @p2 $0x1082  }
0x22: {  	[simem:s7], [sflag:s8] =	dma.local @!p0 [hbm:s6], $0xF7A  }
0x23: {  	s9 =	sor.u32 $0xD0000000, s2;
	s6 =	simm.s32 $0x108;
	_ =	swait.ge @!p0 [sflag:s8], $0x0  }
0x24: {  	s3 =	sadd.s32 $0x88, s3;
	s6 =	simm.s32 @!p1 $0x1082;
	[sflag:s4] =	ssyncset.s32 $0xFFFFF086  }
0x25: {  	[simem:s6], [sflag:s4] =	dma.local [hbm:s3], $0xF7A  }
0x26: {  	[smem:$0x3F9B] =	sst s1;
	(tag) =	ssettag s2;
	_ =	strace s9  }
0x27: {  	s1 =	sld [smem:$0x3FAB]  }
0x28: {  	s2 =	sld [smem:$0x3FAC]  }
0x29: {  	s4 =	sld [smem:$0x3FAE]  }
0x2a: {  	p0 =	seq.s32 s5, $0x0;
	s5 =	sld [smem:$0x3FAF]  }
0x2b: {  	s6 =	sld [smem:$0x3FB0]  }
0x2c: {  	s7 =	sld [smem:$0x3FB1]  }
0x2d: {  	s3 =	simm.s32 $0x108;
	s8 =	sld [smem:$0x3FB2]  }
0x2e: {  	s3 =	simm.s32 @!p0 $0x1082;
	s9 =	sld [smem:$0x3FB3]  }
0x2f: {  	lr =	sadd.s32 s0, s3;
	s0 =	sld [smem:$0x3FAA]  }
0x30: {  	s3 =	sld [smem:$0x3FAD]  }
0x31: {  	[smem:$0x3FB6] =	sst s10  }
0x32: {  	s10 =	sld [smem:$0x3FB4];
	_ =	sdelay $0x3  }
0x33: {  	p0 =	seq.s32 s10, $0x1;
	s10 =	sld [smem:$0x3FB6];
	_ =	sdelay $0x3  }
0x34: {  	[smem:$0x3FB6] =	sst s10  }
0x35: {  	s10 =	sld [smem:$0x3FB5];
	_ =	sdelay $0x3  }
0x36: {  	p1 =	seq.s32 s10, $0x1;
	s10 =	sld [smem:$0x3FB6];
	_ =	sdelay $0x3  }
0x37: {  	[smem:$0x3FB6] =	sst s10  }
0x38: {  	s10 =	sld [smem:$0x3FB7]  }
0x39: {  	_ = 	snop;
	(pc) =	sbr.ind lr, $3  }
0x3a: {  	_ = 	snop  }
0x3b: {  	_ = 	snop  }
0x3c: {  	p2 =	seq.s32 s10, $0x1;
	s10 =	sld [smem:$0x3FB6]  }
0x3d: {  	_ =	shalt  }
0x3e: {  	_ =	shalt  }
0x3f: {  	_ =	shalt  }
0x40: {  	_ =	shalt  }
0x41: {  	_ =	shalt  }
0x42: {  	_ =	shalt  }
0x43: {  	_ =	shalt  }
0x44: {  	_ =	shalt  }
0x45: {  	_ =	shalt  }
0x46: {  	_ =	shalt  }
0x47: {  	_ =	shalt  }
0x48: {  	_ =	shalt  }
0x49: {  	_ =	shalt  }
0x4a: {  	_ =	shalt  }
0x4b: {  	_ =	shalt  }
0x4c: {  	_ =	shalt  }
0x4d: {  	_ =	shalt  }
0x4e: {  	_ =	shalt  }
0x4f: {  	_ =	shalt  }
0x50: {  	_ =	shalt  }
0x51: {  	_ =	shalt  }
0x52: {  	_ =	shalt  }
0x53: {  	_ =	shalt  }
0x54: {  	_ =	shalt  }
0x55: {  	_ =	shalt  }
0x56: {  	_ =	shalt  }
0x57: {  	_ =	shalt  }
0x58: {  	_ =	shalt  }
0x59: {  	_ =	shalt  }
0x5a: {  	_ =	shalt  }
0x5b: {  	_ =	shalt  }
0x5c: {  	_ =	shalt  }
0x5d: {  	_ =	shalt  }
0x5e: {  	_ =	shalt  }
0x5f: {  	_ =	shalt  }
0x60: {  	_ =	shalt  }
0x61: {  	_ =	shalt  }
0x62: {  	_ =	shalt  }
0x63: {  	_ =	shalt  }
0x64: {  	_ =	shalt  }
0x65: {  	_ =	shalt  }
0x66: {  	_ =	shalt  }
0x67: {  	_ =	shalt  }
0x68: {  	_ =	shalt  }
0x69: {  	_ =	shalt  }
0x6a: {  	_ =	shalt  }
0x6b: {  	_ =	shalt  }
0x6c: {  	_ =	shalt  }
0x6d: {  	_ =	shalt  }
0x6e: {  	_ =	shalt  }
0x6f: {  	_ =	shalt  }
0x70: {  	_ =	shalt  }
0x71: {  	_ =	shalt  }
0x72: {  	_ =	shalt  }
0x73: {  	_ =	shalt  }
0x74: {  	_ =	shalt  }
0x75: {  	_ =	shalt  }
0x76: {  	_ =	shalt  }
0x77: {  	_ =	shalt  }
0x78: {  	_ =	shalt  }
0x79: {  	_ =	shalt  }
0x7a: {  	_ =	shalt  }
0x7b: {  	_ =	shalt  }
0x7c: {  	_ =	shalt  }
0x7d: {  	_ =	shalt  }
0x7e: {  	_ =	shalt  }
0x7f: {  	_ =	shalt  }
0x80: {  	_ =	shalt  }
0x81: {  	_ =	shalt  }
0x82: {  	_ =	shalt  }
0x83: {  	_ =	shalt  }
0x84: {  	_ =	shalt  }
0x85: {  	_ =	shalt  }
0x86: {  	_ =	shalt  }
0x87: {  	_ =	shalt  }
.Lfunc_end0:
.L_simem_size_0:
called_computation_lowered:
.L_overlay_start_0:
0x88: {  	s2 =	sld [smem:$0x3FD9]  }
0x89: {  	s3 =	sld [smem:$0x3FFE];
	_ =	sdelay $0x1  }
0x8a: {  	s1 =	srdreg.scid  }
0x8b: {  	s0 =	sand.u32 $0x1, s1  }
0x8c: {  	s17 =	sshll.u32 s0, $0xA;
	s2 =	sadd.s32 s3, s2  }
0x8d: {  	s2 =	sadd.s32 s2, s17  }
0x8e: {  	[smem:$0x3FC2] =	sst s2  }
0x8f: {  	_ = 	snop  }
0x90: {  	s2 =	sld [smem:$0x3FC9];
	(tm) =	ssettm $0x1  }
0x91: {  	s18 =	sld [smem:$0x3FFB];
	_ =	sdelay $0x3  }
0x92: {  	_ =	strace s18  }
0x93: {  	s3 =	sld [smem:$0x3FFC];
	_ =	sdelay $0x3  }
0x94: {  	_ =	strace s3  }
0x95: {  	s3 =	sld [smem:$0x3FFD];
	_ =	sdelay $0x3  }
0x96: {  	_ =	strace s3  }
0x97: {  	_ =	strace $0x8FFFFFFF  }
0x98: {  	s19 =	sld [smem:$0x3FDB];
	_ =	sdelay $0x1  }
0x99: {  	s4 =	simm.s32 $_scs_section_size  }
0x9a: {  	s5 =	simm.s32 $_size__tile_overlayer_lowered;
	s6 =	simm.s32 $_tile_overlayer_lowered  }
0x9b: {  	s22 =	simm.s32 $0x1BFF;
	s21 =	sshll.u32 s6, $0x1;
	s3 =	sadd.s32 s4, s19  }
0x9c: {  	s7 =	simm.s32 $0x0;
	s20 =	sshll.u32 s5, $0x1;
	s5 =	sadd.s32 s21, s3  }
0x9d: {  	[timem:s7], [sflag:s22] =	dma.local [hbm:s5], s20  }
0x9e: {  	_ =	swait.ge [sflag:s22], s20  }
0x9f: {  	s4 =	ssub.s32 $0x0, s20;
	[sflag:s22] =	ssyncset.done $0x0  }
0xa0: {  	[sflag:s22] =	ssyncadd.s32 s4;
	_ =	sdelay $0x1  }
0xa1: {  	s23 =	simm.s32 $0x1B8B  }
0xa2: {  	_ =	swait.ge [sflag:s23], $0x1  }
0xa3: {  	[sflag:s23] =	ssyncset.done $0x0  }
0xa4: {  	s25 =	simm.s32 $0x1B8E;
	s24 =	sld [smem:$0x3FFE];
	[sflag:s23] =	ssyncadd.s32 $0xFFFFFFFF  }
0xa5: {  	s26 =	simm.s32 $execute0_lowered;
	[smem:$0x3FD2] =	sst s25  }
0xa6: {  	s5 =	sshll.u32 s26, $0x1;
	_ =	strace $0x80000046;
	[dreg:$0x1] =	wrdreg $0xFFFFFFFF  }
0xa7: {  	s28 =	simm.s32 $_size_execute0_lowered;
	s3 =	sadd.s32 s3, s5;
	[dreg:$0x0] =	wrdreg $0x0  }
0xa8: {  	s5 =	sshll.u32 s28, $0x1;
	[dreg:$0x2] =	wrdreg s3  }
0xa9: {  	[dreg:$0x3] =	wrdreg s5  }
0xaa: {  	[dreg:$0x4] =	wrdreg $0xC0  }
0xab: {  	_ =	task [dreg:s7], $0x5FFFF  }
0xac: {  	[dreg:$0x1] =	wrdreg $0xFFFFFFFF  }
0xad: {  	[dreg:$0x0] =	wrdreg $0x60  }
0xae: {  	[dreg:$0x2] =	wrdreg s2  }
0xaf: {  	[dreg:$0x3] =	wrdreg s24  }
0xb0: {  	[dreg:$0x4] =	wrdreg $0x90000  }
0xb1: {  	[dreg:$0x5] =	wrdreg $0x9  }
0xb2: {  	_ =	task.clear_ibuf [dreg:s7], $0x6FFFF;
	_ =	strace $0x90000046  }
0xb3: {  	s29 =	simm.s32 $0x9;
	_ =	strace $0x80000048  }
0xb4: {  	_ =	swait.ge [sflag:s29], $0x1  }
0xb5: {  	[sflag:s29] =	ssyncadd.s32 $0xFFFFFFFF  }
0xb6: {  	_ =	strace $0x90000048  }
0xb7: {  	_ =	sfence  }
0xb8: {  	s30 =	sld [smem:$0x0];
	_ =	sdelay $0x2  }
0xb9: {  	s31 =	sshll.u32 s1, $0xD;
	s1 =	sshrl.u32 s1, $0x2  }
0xba: {  	s3 =	sand.u32 $0x4000, s31;
	s1 =	sadd.s32 s1, s30  }
0xbb: {  	s0 =	sor.u32 s3, s0;
	s1 =	sshll.u32 s1, $0x11  }
0xbc: {  	s0 =	sor.u32 s1, s0  }
0xbd: {  	s0 =	sadd.s32 $0x8F2B, s0  }
0xbe: {  	[sflag:s0] =	ssyncadd.remote.s32 $0x1  }
0xbf: {  	_ =	sfence.sel $0xFFFF  }
0xc0: {  	[dreg:$0x0] =	wrdreg $0xFFFFFFFF;
	(pc) =	sbr.abs _section_cstart, $3  }
0xc1: {  	[dreg:$0x1] =	wrdreg $0xFFFFFFFF  }
0xc2: {  	_ =	task.clear_ibuf [dreg:s7], $0x2FFFF;
	_ =	strace $0x9FFFFFFF  }
0xc3: {  	(tm) =	ssettm $0x7FFFFFFF  }
tec
execute0_lowered:
.L_overlay_start_1:
0x0: {  	(tag) =	ssettag $0x1  }
0x1: {  	s1 =	rddreg [dreg:$0x0]  }
0x2: {  	s0 =	rddreg [dreg:$0x1]  }
0x3: {  	s2 =	rddreg [dreg:$0x2];
	s3 =	srdreg.scid;
	s4 =	simm.s32 $0x0  }
0x4: {  	s12 =	stileid.u32;
	s28 =	simm.s32 $0x50;
	s29 =	simm.s32 $0x4  }
0x5: {  	s30 =	simm.s32 $0x5;
	s31 =	simm.s32 $0x0;
	s3 =	sand.u32 $0x1, s3  }
0x6: {  	[smem:$0x7FF] =	sst s4;
	s7 =	sadd.s32 $0x1800, s0;
	s10 =	smul.u32 $0x4E000, s12  }
0x7: {  	s6 =	sadd.s32 $0x1A800, s0;
	s0 =	sadd.s32 $0x33800, s0;
	s21 =	smul.u32 $0x13800, s12  }
0x8: {  	s25 =	smul.u32 $0x6400, s12;
	p0 =	sne.s32 s12, $0xF;
	s5 =	sshll.u32 s3, $0x4  }
0x9: {  	_ =	strace $0x80000047;
	s8 =	ssub.s32 $0x2, s3;
	s18 =	smul.u32 $0x138800, s3  }
0xa: {  	s3 =	smul.u32 $0x64000, s3;
	s5 =	sor.u32 s12, s5;
	s9 =	sshrl.u32 s8, $0x1  }
0xb: {  	s17 =	sshrl.u32 s10, $0x2;
	s5 =	smul.u32 $0x6400, s5;
	s10 =	sadd.s32 s21, s18  }
0xc: {  	s8 =	ssub.s32 s8, s9;
	s3 =	sadd.s32 s25, s3;
	s10 =	sshrl.u32 s10, $0x3  }
0xd: {  	s25 =	simm.s32 $0x3;
	s5 =	sshrl.u32 s5, $0x3;
	s10 =	sadd.s32 s0, s10  }
0xe: {  	s3 =	sadd.s32 $0x800, s3;
	s14 =	sadd.s32 s7, s5;
	[dreg:$0xf] =	wrdreg s10  }
0xf: {  	s15 =	sadd.s32 $0x80, s5;
	s5 =	sadd.s32 s6, s5;
	[dreg:$0x4] =	wrdreg s14  }
0x10: {  	s26 =	sshrl.u32 s3, $0x3;
	[dreg:$0x5] =	wrdreg s5;
	s9 =	sadd.s32 s6, s15  }
0x11: {  	s16 =	sadd.s32 s7, s15;
	[dreg:$0x7] =	wrdreg s9;
	s9 =	sadd.s32 s17, s2  }
0x12: {  	s5 =	sshrl.u32 s18, $0x3;
	[dreg:$0x6] =	wrdreg s16;
	s19 =	sadd.s32 $0x2800, s9  }
0x13: {  	s6 =	sadd.s32 s26, s6;
	s20 =	sadd.s32 $0x5000, s9;
	[dreg:$0x8] =	wrdreg s19  }
0x14: {  	s17 =	sadd.s32 $0x138000, s2;
	s11 =	sadd.s32 $0x7800, s9;
	[dreg:$0x9] =	wrdreg s20  }
0x15: {  	s0 =	sadd.s32 s0, s5;
	s22 =	sadd.s32 $0xA000, s9;
	[dreg:$0xa] =	wrdreg s11  }
.Ltmp0:
0x16: {  	s23 =	sadd.s32 $0xC800, s9;
	[dreg:$0xb] =	wrdreg s22;
	(pc) =	sbr.rel .LBB2_1-.Ltmp0, $4  }
0x17: {  	s5 =	sadd.s32 s26, s7;
	s24 =	sadd.s32 $0xF000, s9;
	[dreg:$0xc] =	wrdreg s23  }
0x18: {  	s26 =	simm.s32 $0x2;
	s13 =	sadd.s32 $0x11800, s9;
	[dreg:$0xd] =	wrdreg s24  }
0x19: {  	[dreg:$0xe] =	wrdreg s13;
	s19 =	sadd.s32 $0x27000, s0;
	s20 =	smax.u32 s8, $0x1  }
0x1a: {  	v0 =	vimm.f32 $0.0e+00;
	s0 =	simm.s32 $0x6800;
	s23 =	simm.s32 $0x6;
	s24 =	simm.s32 $0x1  }
.LBB2_8:
0x1b: {  	_ =	swait.ge [sflag:s24], $0x2800  }
0x1c: {  	[sflag:s24] =	ssyncset.done $0x0  }
0x1d: {  	s3 =	sadd.s32 $0xE00, s10;
	[sflag:s24] =	ssyncadd.s32 $0xFFFFD800  }
0x1e: {  	[spmem:s2] =	stream.indirect.scatter.add.f32 [tilespmem:s12], [sflag:s11], $0x80, s3, s28, $0xb8;
	[tilespmem:$0x1C880] =	vst v63  }
.LBB2_6:
0x1f: {  	_ =	swait.ge [sflag:s25], $0x2800  }
0x20: {  	[sflag:s25] =	ssyncset.done $0x0  }
0x21: {  	[sflag:s25] =	ssyncadd.s32 $0xFFFFD800  }
0x22: {  	_ =	swait.ge [sflag:s29], $0x2800  }
0x23: {  	[sflag:s29] =	ssyncset.done $0x0  }
0x24: {  	[sflag:s29] =	ssyncadd.s32 $0xFFFFD800  }
0x25: {  	_ =	swait.ge [sflag:s30], $0x2800  }
0x26: {  	[sflag:s30] =	ssyncset.done $0x0  }
0x27: {  	s3 =	stileid.u32;
	[sflag:s30] =	ssyncadd.s32 $0xFFFFD800  }
0x28: {  	s3 =	sshll.u32 s3, $0x6;
	[bflag:$0x0] =	sbarrier.arrive $0xFFFF  }
0x29: {  	s7 =	sshrl.u32 s9, $0x3;
	s3 =	sor.u32 $0x1C06, s3;
	s8 =	rddreg [dreg:$0xf]  }
0x2a: {  	[hbm:s8], [sflag:s3] =	dma.local [spmem:s7], $0x2700  }
0x2b: {  	_ =	swait.ge [sflag:s23], $0x2700  }
0x2c: {  	s31 =	sadd.s32 $0x1, s31;
	[sflag:s23] =	ssyncset.done $0x0  }
0x2d: {  	p1 =	sne.s32 s31, s20;
	s7 =	sshrl.u32 @!p0 s17, $0x3;
	[sflag:s23] =	ssyncadd.s32 $0xFFFFD900  }
0x2e: {  	[hbm:s19], [sflag:s3] =	dma.local @!p0 [spmem:s7], $0x100  }
.Ltmp1:
0x2f: {  	_ = 	snop;
	(pc) =	sbr.rel @!p1 .LBB2_7-.Ltmp1, $4  }
0x30: {  	s3 =	simm.s32 @!p0 $0x6  }
0x31: {  	_ =	swait.ge @!p0 [sflag:s3], $0x100  }
0x32: {  	[sflag:s3] =	ssyncset.done @!p0 $0x0  }
0x33: {  	[sflag:s3] =	ssyncadd.s32 @!p0 $0xFFFFFF00  }
.LBB2_1:
0x34: {  	s3 =	rddreg [dreg:$0x4]  }
0x35: {  	s15 =	rddreg [dreg:$0x5]  }
0x36: {  	[tilespmem:s4], [sflag:$0x2] =	stream.linear.gather [hbm4b:s3+s4], $0x280, $0x38;
	[tilespmem:$0x1C880] =	vst v63  }
0x37: {  	s7 =	simm.s32 $0xC00;
	s16 =	rddreg [dreg:$0x6]  }
0x38: {  	[tilespmem:s7], [sflag:$0x2] =	stream.linear.gather [hbm4b:s15+s4], $0x280, $0x38;
	[tilespmem:$0x1C880] =	vst v63  }
0x39: {  	s18 =	simm.s32 $0x400;
	s21 =	rddreg [dreg:$0x7]  }
0x3a: {  	[tilespmem:s18], [sflag:$0x2] =	stream.linear.gather [hbm4b:s16+s4], $0x280, $0x38;
	[tilespmem:$0x1C880] =	vst v63  }
0x3b: {  	s22 =	simm.s32 $0x1000;
	s3 =	simm.s32 $0x0;
	s7 =	simm.s32 $0x200  }
0x3c: {  	[tilespmem:s22], [sflag:$0x2] =	stream.linear.gather [hbm4b:s21+s4], $0x280, $0x38;
	[tilespmem:$0x1C880] =	vst v63  }
.LBB2_2:
0x3d: {  	p1 =	sne.s32 s7, $0x9E00;
	[tilespmem:s3+$0x6870] =	vst v0  }
0x3e: {  	[tilespmem:s3+$0x6800] =	vst v0  }
0x3f: {  	[tilespmem:s3+$0x6810] =	vst v0  }
.Ltmp2:
0x40: {  	[tilespmem:s3+$0x6820] =	vst v0;
	(pc) =	sbr.rel @p1 .LBB2_2-.Ltmp2, $4  }
0x41: {  	[tilespmem:s3+$0x6830] =	vst v0  }
0x42: {  	[tilespmem:s3+$0x6840] =	vst v0  }
0x43: {  	[tilespmem:s3+$0x6850] =	vst v0  }
0x44: {  	[tilespmem:s3+$0x6860] =	vst v0;
	s3 =	sshra.s32 s7, $0x2;
	s7 =	sadd.s32 $0x200, s7  }
0x45: {  	[tilespmem:s3+$0x6870] =	vst v0  }
0x46: {  	[tilespmem:s3+$0x6800] =	vst v0  }
0x47: {  	[tilespmem:s3+$0x6810] =	vst v0  }
0x48: {  	[tilespmem:s3+$0x6820] =	vst v0  }
0x49: {  	[tilespmem:s3+$0x6830] =	vst v0  }
0x4a: {  	[tilespmem:s3+$0x6840] =	vst v0  }
0x4b: {  	[tilespmem:s3+$0x6850] =	vst v0  }
0x4c: {  	[tilespmem:s3+$0x6860] =	vst v0  }
0x4d: {  	_ =	swait.ge [sflag:s26], $0x280  }
0x4e: {  	[sflag:s26] =	ssyncset.done $0x0  }
0x4f: {  	[sflag:s26] =	ssyncadd.s32 $0xFFFFFD80  }
0x50: {  	_ =	swait.ge [sflag:s26], $0x280  }
0x51: {  	[sflag:s26] =	ssyncset.done $0x0  }
0x52: {  	s11 =	simm.s32 $0x1800;
	[sflag:s26] =	ssyncadd.s32 $0xFFFFFD80  }
0x53: {  	[tilespmem:s11], [sflag:$0x1] =	stream.indirect.gather [hbm4b:s1+s28], $0x80, s4, s28, $0xb8;
	[tilespmem:$0x1C880] =	vst v63  }
0x54: {  	s12 =	simm.s32 $0x80;
	s7 =	simm.s32 $0x4000  }
0x55: {  	[tilespmem:s7], [sflag:$0x1] =	stream.indirect.gather [hbm4b:s1+s28], $0x80, s12, s28, $0xb8;
	[tilespmem:$0x1C880] =	vst v63  }
0x56: {  	_ = 	snop  }
0x57: {  	[spmem:s9] =	stream.linear.scatter [tilespmem:s0], [sflag:$0x6], $0x2800, $0x38;
	[tilespmem:$0x1C880] =	vst v63  }
0x58: {  	_ =	swait.ge [sflag:s23], $0x2800  }
0x59: {  	[sflag:s23] =	ssyncset.done $0x0  }
0x5a: {  	s13 =	rddreg [dreg:$0x8];
	[sflag:s23] =	ssyncadd.s32 $0xFFFFD800  }
0x5b: {  	[spmem:s13] =	stream.linear.scatter [tilespmem:s0], [sflag:$0x6], $0x2800, $0x38;
	[tilespmem:$0x1C880] =	vst v63  }
0x5c: {  	_ =	swait.ge [sflag:s23], $0x2800  }
0x5d: {  	[sflag:s23] =	ssyncset.done $0x0  }
0x5e: {  	s14 =	rddreg [dreg:$0x9];
	[sflag:s23] =	ssyncadd.s32 $0xFFFFD800  }
0x5f: {  	[spmem:s14] =	stream.linear.scatter [tilespmem:s0], [sflag:$0x6], $0x2800, $0x38;
	[tilespmem:$0x1C880] =	vst v63  }
0x60: {  	_ =	swait.ge [sflag:s23], $0x2800  }
0x61: {  	[sflag:s23] =	ssyncset.done $0x0  }
0x62: {  	s15 =	rddreg [dreg:$0xa];
	[sflag:s23] =	ssyncadd.s32 $0xFFFFD800  }
0x63: {  	[spmem:s15] =	stream.linear.scatter [tilespmem:s0], [sflag:$0x6], $0x2800, $0x38;
	[tilespmem:$0x1C880] =	vst v63  }
0x64: {  	_ =	swait.ge [sflag:s23], $0x2800  }
0x65: {  	[sflag:s23] =	ssyncset.done $0x0  }
0x66: {  	s16 =	rddreg [dreg:$0xb];
	[sflag:s23] =	ssyncadd.s32 $0xFFFFD800  }
0x67: {  	[spmem:s16] =	stream.linear.scatter [tilespmem:s0], [sflag:$0x6], $0x2800, $0x38;
	[tilespmem:$0x1C880] =	vst v63  }
0x68: {  	_ =	swait.ge [sflag:s23], $0x2800  }
0x69: {  	[sflag:s23] =	ssyncset.done $0x0  }
0x6a: {  	s18 =	rddreg [dreg:$0xc];
	[sflag:s23] =	ssyncadd.s32 $0xFFFFD800  }
0x6b: {  	[spmem:s18] =	stream.linear.scatter [tilespmem:s0], [sflag:$0x6], $0x2800, $0x38;
	[tilespmem:$0x1C880] =	vst v63  }
0x6c: {  	_ =	swait.ge [sflag:s23], $0x2800  }
0x6d: {  	[sflag:s23] =	ssyncset.done $0x0  }
0x6e: {  	s21 =	rddreg [dreg:$0xd];
	[sflag:s23] =	ssyncadd.s32 $0xFFFFD800  }
0x6f: {  	[spmem:s21] =	stream.linear.scatter [tilespmem:s0], [sflag:$0x6], $0x2800, $0x38;
	[tilespmem:$0x1C880] =	vst v63  }
0x70: {  	_ =	swait.ge [sflag:s23], $0x2800  }
0x71: {  	[sflag:s23] =	ssyncset.done $0x0  }
0x72: {  	s22 =	rddreg [dreg:$0xe];
	[sflag:s23] =	ssyncadd.s32 $0xFFFFD800  }
0x73: {  	[spmem:s22] =	stream.linear.scatter [tilespmem:s0], [sflag:$0x6], $0x2000, $0x38;
	[tilespmem:$0x1C880] =	vst v63  }
0x74: {  	_ =	swait.ge [sflag:s23], $0x2000  }
0x75: {  	[sflag:s23] =	ssyncset.done $0x0  }
0x76: {  	s3 =	simm.s32 @!p0 $0x6800;
	[sflag:s23] =	ssyncadd.s32 $0xFFFFE000  }
0x77: {  	[spmem:s17] =	stream.linear.scatter @!p0 [tilespmem:s3], [sflag:$0x6], $0x800, $0x38;
	[tilespmem:$0x1C880] =	vst v63  }
0x78: {  	s3 =	simm.s32 @!p0 $0x6  }
0x79: {  	_ =	swait.ge @!p0 [sflag:s3], $0x800  }
0x7a: {  	[sflag:s3] =	ssyncset.done @!p0 $0x0  }
0x7b: {  	s21 =	smov.u32 s6;
	[sflag:s3] =	ssyncadd.s32 @!p0 $0xFFFFF800  }
0x7c: {  	s22 =	smov.u32 s5;
	s3 =	simm.s32 $0x2;
	[bflag:$0x0] =	sbarrier.arrive $0xFFFF  }
.LBB2_4:
0x7d: {  	s7 =	sadd.s32 $0xFFFFFFFE, s3  }
0x7e: {  	s8 =	smul.u32 $0x5, s7;
	_ =	sdelay $0x1  }
0x7f: {  	s10 =	sand.u32 $0xFF, s8  }
0x80: {  	s10 =	smul.u32 $0xAB, s10  }
0x81: {  	s11 =	sand.u32 $0xFF, s7  }
0x82: {  	s11 =	smul.u32 $0xAB, s11;
	s10 =	sshrl.u32 s10, $0x9  }
0x83: {  	s10 =	smul.u32 $0x3, s10;
	_ =	sdelay $0x1  }
0x84: {  	s11 =	sshrl.u32 s11, $0x9;
	s10 =	ssub.s32 s8, s10  }
0x85: {  	s13 =	sadd.s32 $0x2, s8;
	s11 =	smul.u32 $0x3, s11;
	s12 =	sand.u32 $0xFF, s10  }
0x86: {  	_ =	swait.ge [sflag:s24], $0x2800;
	s14 =	sand.u32 $0xFF, s13;
	s10 =	smul.u32 $0xA000, s12  }
0x87: {  	[sflag:s24] =	ssyncset.done $0x0;
	s14 =	smul.u32 $0xAB, s14;
	s11 =	ssub.s32 s7, s11  }
0x88: {  	[sflag:s24] =	ssyncadd.s32 $0xFFFFD800;
	s11 =	sand.u32 $0xFF, s11;
	s10 =	sshrl.u32 s10, $0x2  }
0x89: {  	s16 =	sshrl.u32 s14, $0x9;
	s15 =	sadd.s32 $0x1800, s10;
	s10 =	sshll.u32 s11, $0xA  }
0x8a: {  	s12 =	sadd.s32 $0x3, s12;
	s11 =	smul.u32 $0x3, s16;
	s18 =	sadd.s32 $0xC00, s10  }
0x8b: {  	[spmem:s2] =	stream.indirect.scatter.add.f32 [tilespmem:s15], [sflag:s12], $0x80, s18, s28, $0xb8;
	[tilespmem:$0x1C880] =	vst v63  }
0x8c: {  	s11 =	ssub.s32 s13, s11  }
0x8d: {  	p1 =	seq.s32 s3, $0x2;
	s12 =	sadd.s32 $0x1, s8;
	s11 =	sand.u32 $0xFF, s11  }
0x8e: {  	s18 =	sand.u32 $0xFF, s12;
	s13 =	sadd.s32 @!p1 $0x3, s11;
	s16 =	smul.u32 $0xA000, s11  }
0x8f: {  	s15 =	smul.u32 $0xAB, s18;
	_ =	swait.ge @!p1 [sflag:s13], $0x2800  }
0x90: {  	[sflag:s13] =	ssyncset.done @!p1 $0x0  }
0x91: {  	s14 =	sshrl.u32 s16, $0x2;
	s15 =	sshrl.u32 s15, $0x9;
	s16 =	sadd.s32 $0x100, s10  }
0x92: {  	[sflag:s13] =	ssyncadd.s32 @!p1 $0xFFFFD800;
	s13 =	sadd.s32 $0x1800, s14;
	s14 =	smul.u32 $0x3, s15  }
0x93: {  	[tilespmem:s13], [sflag:$0x1] =	stream.indirect.gather [hbm4b:s1+s28], $0x80, s16, s28, $0xb8;
	[tilespmem:$0x1C880] =	vst v63  }
0x94: {  	s12 =	ssub.s32 s12, s14  }
0x95: {  	s14 =	sadd.s32 $0x3, s8;
	s12 =	sand.u32 $0xFF, s12  }
0x96: {  	_ =	swait.ge [sflag:s24], $0x2800;
	s16 =	sand.u32 $0xFF, s14;
	s18 =	smul.u32 $0xA000, s12  }
0x97: {  	[sflag:s24] =	ssyncset.done $0x0;
	s16 =	smul.u32 $0xAB, s16  }
0x98: {  	[sflag:s24] =	ssyncadd.s32 $0xFFFFD800  }
0x99: {  	s12 =	sadd.s32 $0x3, s12;
	s15 =	sshrl.u32 s18, $0x2;
	s16 =	sshrl.u32 s16, $0x9  }
0x9a: {  	s18 =	sadd.s32 $0xC80, s10;
	s15 =	sadd.s32 $0x1800, s15;
	s16 =	smul.u32 $0x3, s16  }
0x9b: {  	[spmem:s2] =	stream.indirect.scatter.add.f32 [tilespmem:s15], [sflag:s12], $0x80, s18, s28, $0xb8;
	[tilespmem:$0x1C880] =	vst v63  }
0x9c: {  	s15 =	ssub.s32 s14, s16  }
0x9d: {  	s12 =	sand.u32 $0xFF, s15  }
0x9e: {  	s14 =	sadd.s32 $0x3, s12;
	s12 =	smul.u32 $0xA000, s12  }
0x9f: {  	_ =	swait.ge [sflag:s14], $0x2800  }
0xa0: {  	s16 =	sadd.s32 $0x180, s10;
	[sflag:s14] =	ssyncset.done $0x0;
	s12 =	sshrl.u32 s12, $0x2  }
0xa1: {  	[sflag:s14] =	ssyncadd.s32 $0xFFFFD800;
	s15 =	sadd.s32 $0x1800, s12;
	s12 =	sadd.s32 $0x4, s8  }
0xa2: {  	[tilespmem:s15], [sflag:$0x1] =	stream.indirect.gather [hbm4b:s1+s28], $0x80, s16, s28, $0xb8;
	[tilespmem:$0x1C880] =	vst v63  }
0xa3: {  	s18 =	sand.u32 $0xFF, s12  }
0xa4: {  	s16 =	smul.u32 $0xAB, s18  }
0xa5: {  	_ =	swait.ge [sflag:s24], $0x2800  }
0xa6: {  	s11 =	sadd.s32 $0x3, s11;
	[sflag:s24] =	ssyncset.done $0x0;
	s16 =	sshrl.u32 s16, $0x9  }
0xa7: {  	s18 =	sadd.s32 $0xD00, s10;
	[sflag:s24] =	ssyncadd.s32 $0xFFFFD800;
	s16 =	smul.u32 $0x3, s16  }
0xa8: {  	[spmem:s2] =	stream.indirect.scatter.add.f32 [tilespmem:s13], [sflag:s11], $0x80, s18, s28, $0xb8;
	[tilespmem:$0x1C880] =	vst v63  }
0xa9: {  	s13 =	ssub.s32 s12, s16  }
0xaa: {  	s12 =	sand.u32 $0xFF, s13  }
0xab: {  	s11 =	sadd.s32 $0x3, s12;
	s12 =	smul.u32 $0xA000, s12  }
0xac: {  	_ =	swait.ge [sflag:s11], $0x2800  }
0xad: {  	p1 =	seq.s32 s3, $0x1A;
	[sflag:s11] =	ssyncset.done $0x0;
	s12 =	sshrl.u32 s12, $0x2  }
0xae: {  	s16 =	sadd.s32 $0x200, s10;
	[sflag:s11] =	ssyncadd.s32 $0xFFFFD800;
	s12 =	sadd.s32 $0x1800, s12  }
0xaf: {  	[tilespmem:s12], [sflag:$0x1] =	stream.indirect.gather [hbm4b:s1+s28], $0x80, s16, s28, $0xb8;
	[tilespmem:$0x1C880] =	vst v63  }
.Ltmp3:
0xb0: {  	_ = 	snop;
	(pc) =	sbr.rel @p1 .LBB2_8-.Ltmp3, $4  }
0xb1: {  	_ =	swait.ge [sflag:s24], $0x2800  }
0xb2: {  	[sflag:s24] =	ssyncset.done $0x0  }
0xb3: {  	s18 =	sadd.s32 $0xD80, s10;
	[sflag:s24] =	ssyncadd.s32 $0xFFFFD800  }
0xb4: {  	[spmem:s2] =	stream.indirect.scatter.add.f32 [tilespmem:s15], [sflag:s14], $0x80, s18, s28, $0xb8;
	[tilespmem:$0x1C880] =	vst v63  }
0xb5: {  	s13 =	sadd.s32 $0x5, s8  }
0xb6: {  	s14 =	sand.u32 $0xFF, s13  }
0xb7: {  	s15 =	sadd.s32 $0xFFFFFFFF, s3;
	s14 =	smul.u32 $0xAB, s14  }
0xb8: {  	_ =	swait.ge [sflag:s26], $0x280;
	s16 =	smul.u32 $0xAB, s15  }
0xb9: {  	[sflag:s26] =	ssyncset.done $0x0;
	s14 =	sshrl.u32 s14, $0x9  }
0xba: {  	[sflag:s26] =	ssyncadd.s32 $0xFFFFFD80;
	s16 =	sshrl.u32 s16, $0x9;
	s14 =	smul.u32 $0x3, s14  }
0xbb: {  	_ =	swait.ge [sflag:s26], $0x280;
	s16 =	sand.u32 $0x7F, s16  }
0xbc: {  	[sflag:s26] =	ssyncset.done $0x0;
	s16 =	smul.u32 $0x3, s16;
	s13 =	ssub.s32 s13, s14  }
0xbd: {  	[sflag:s26] =	ssyncadd.s32 $0xFFFFFD80;
	s13 =	sand.u32 $0xFF, s13  }
0xbe: {  	s14 =	ssub.s32 s15, s16;
	s18 =	sadd.s32 $0x3, s13;
	s13 =	smul.u32 $0xA000, s13  }
0xbf: {  	s16 =	sadd.s32 $0x6, s8;
	s14 =	sand.u32 $0xFF, s14;
	_ =	swait.ge [sflag:s18], $0x2800  }
0xc0: {  	s14 =	sshll.u32 s14, $0xA;
	[sflag:s18] =	ssyncset.done $0x0;
	s13 =	sshrl.u32 s13, $0x2  }
0xc1: {  	[sflag:s18] =	ssyncadd.s32 $0xFFFFD800;
	s13 =	sadd.s32 $0x1800, s13;
	s18 =	sand.u32 $0xFF, s16  }
0xc2: {  	[tilespmem:s13], [sflag:$0x1] =	stream.indirect.gather [hbm4b:s1+s28], $0x80, s14, s28, $0xb8;
	[tilespmem:$0x1C880] =	vst v63  }
0xc3: {  	s13 =	smul.u32 $0xAB, s18  }
0xc4: {  	_ =	swait.ge [sflag:s24], $0x2800  }
0xc5: {  	[sflag:s24] =	ssyncset.done $0x0;
	s13 =	sshrl.u32 s13, $0x9  }
0xc6: {  	s10 =	sadd.s32 $0xE00, s10;
	[sflag:s24] =	ssyncadd.s32 $0xFFFFD800;
	s13 =	smul.u32 $0x3, s13  }
0xc7: {  	[spmem:s2] =	stream.indirect.scatter.add.f32 [tilespmem:s12], [sflag:s11], $0x80, s10, s28, $0xb8;
	[tilespmem:$0x1C880] =	vst v63  }
0xc8: {  	p1 =	sgt.u32 s7, $0x16;
	s8 =	ssub.s32 s16, s13  }
0xc9: {  	s10 =	smul.u32 @!p1 $0xAB, s3;
	s8 =	sand.u32 $0xFF, s8  }
0xca: {  	s15 =	sadd.s32 $0x3, s8;
	s8 =	smul.u32 $0xA000, s8  }
0xcb: {  	s18 =	sor.u32 $0x80, s14;
	s10 =	sshrl.u32 @!p1 s10, $0x9;
	_ =	swait.ge [sflag:s15], $0x2800  }
0xcc: {  	[sflag:s15] =	ssyncset.done $0x0;
	s16 =	sshrl.u32 s8, $0x2;
	s8 =	sand.u32 @!p1 $0x7F, s10  }
0xcd: {  	[sflag:s15] =	ssyncadd.s32 $0xFFFFD800;
	s7 =	sadd.s32 $0x1800, s16;
	s8 =	smul.u32 @!p1 $0x3, s8  }
0xce: {  	[tilespmem:s7], [sflag:$0x1] =	stream.indirect.gather [hbm4b:s1+s28], $0x80, s18, s28, $0xb8;
	[tilespmem:$0x1C880] =	vst v63  }
0xcf: {  	s7 =	ssub.s32 @!p1 s3, s8  }
0xd0: {  	s7 =	sand.u32 @!p1 $0xFF, s7  }
0xd1: {  	s8 =	simm.s32 @!p1 $0x0;
	s7 =	sshll.u32 @!p1 s7, $0xA  }
0xd2: {  	[tilespmem:s7], [sflag:$0x2] =	stream.linear.gather @!p1 [hbm4b:s22+s8], $0x280, $0x38;
	[tilespmem:$0x1C880] =	vst v63  }
0xd3: {  	s3 =	sadd.s32 $0x1, s3;
	s7 =	sadd.s32 @!p1 $0xC00, s7  }
0xd4: {  	[tilespmem:s7], [sflag:$0x2] =	stream.linear.gather @!p1 [hbm4b:s21+s8], $0x280, $0x38;
	[tilespmem:$0x1C880] =	vst v63  }
0xd5: {  	p1 =	sne.s32 s3, $0x1B  }
.Ltmp4:
0xd6: {  	_ = 	snop;
	(pc) =	sbr.rel @p1 .LBB2_4-.Ltmp4, $4  }
.Ltmp5:
0xd7: {  	_ = 	snop;
	(pc) =	sbr.rel @!p1 .LBB2_6-.Ltmp5, $4  }
0xd8: {  	_ = 	snop  }
0xd9: {  	_ = 	snop  }
0xda: {  	s22 =	sadd.s32 $0x80, s22;
	s21 =	sadd.s32 $0x80, s21  }
0xdb: {  	_ = 	snop  }
.LBB2_7:
0xdc: {  	_ =	sfence.sel $0x180000  }
0xdd: {  	[bflag:$0x0] =	sbarrier.arrive $0xFFFF  }
0xde: {  	_ =	strace $0x90000047  }
0xdf: {  	s0 =	stileid.u32;
	[bflag:$0x2] =	sbarrier.arrive $0xFFFF  }
0xe0: {  	p0 =	sne.s32 s0, $0x0;
	s0 =	rddreg [dreg:$0x3]  }
0xe1: {  	s0 =	sadd.s32 @!p0 $0x100000, s0  }
0xe2: {  	[sflag:s0] =	ssyncadd.tile.s32 @!p0 $0x1;
	_ =	shalt  }
.Lfunc_end2:
_tile_overlayer_lowered:
.L_overlay_start_2:
0xe3: {  	(tag) =	ssettag $0x2  }
0xe4: {  	s0 =	rddreg [dreg:$0x0];
	s2 =	stileid.u32  }
0xe5: {  	s1 =	rddreg [dreg:$0x1];
	p0 =	sne.s32 s2, $0x0  }
0xe6: {  	s3 =	rddreg [dreg:$0x2];
	[bflag:$0x3] =	sbarrier.arrive $0xFFFF;
	s2 =	simm.s32 @!p0 $0x1C06  }
0xe7: {  	[timem:s3], [sflag:s2] =	dma.local @!p0 [hbm:s0], s1  }
0xe8: {  	s0 =	simm.s32 @!p0 $0x6  }
0xe9: {  	_ =	swait.ge @!p0 [sflag:s0], s1  }
0xea: {  	s1 =	ssub.s32 @!p0 $0x0, s1;
	[sflag:s0] =	ssyncset.done @!p0 $0x0  }
0xeb: {  	[sflag:s0] =	ssyncadd.s32 @!p0 s1  }
0xec: {  	[bflag:$0x3] =	sbarrier.arrive $0xFFFF  }
0xed: {  	_ =	shalt  }

// kernel: kernel.9.cloned.1.call-start
scs
__scs_entry_jumppad:
0x0: {  	(pc) =	sbr.rel $0x88, $3  }
0x1: {  	(tag) =	ssettag $0x0;
	lr =	simm.s32 $0x1  }
0x2: {  	[smem:$0x3F9B] =	sst lr;
	_ =	strace $0xD0000000  }
0x3: {  	_ = 	snop  }
0x4: {  	_ = 	snop  }
0x5: {  	_ = 	snop  }
0x6: {  	_ = 	snop  }
0x7: {  	_ = 	snop  }
__scs_overlays_trampoline_lowered:
0x8: {  	[smem:$0x3FAA] =	sst s0  }
0x9: {  	[smem:$0x3FAB] =	sst s1  }
0xa: {  	[smem:$0x3FAC] =	sst s2  }
0xb: {  	[smem:$0x3FAD] =	sst s3  }
0xc: {  	[smem:$0x3FAE] =	sst s4  }
0xd: {  	[smem:$0x3FAF] =	sst s5  }
0xe: {  	[smem:$0x3FB0] =	sst s6  }
0xf: {  	[smem:$0x3FB1] =	sst s7  }
0x10: {  	[smem:$0x3FB2] =	sst s8  }
0x11: {  	[smem:$0x3FB3] =	sst s9;
	s0 =	simm.s32 @!p0 $0x0  }
0x12: {  	s1 =	sld [smem:$0x3F99];
	s0 =	simm.s32 @p0 $0x1  }
0x13: {  	[smem:$0x3FB4] =	sst s0;
	s0 =	simm.s32 @!p1 $0x0  }
0x14: {  	s2 =	sld [smem:$0x3F98];
	s0 =	simm.s32 @p1 $0x1  }
0x15: {  	[smem:$0x3FB5] =	sst s0;
	s0 =	simm.s32 @!p2 $0x0  }
0x16: {  	s3 =	sld [smem:$0x3FDB];
	s0 =	simm.s32 @p2 $0x1  }
0x17: {  	s4 =	simm.s32 $0x1BF5;
	[smem:$0x3FB7] =	sst s0  }
0x18: {  	s0 =	sld [smem:$0x3F9A];
	_ =	swait.ge [sflag:s4], $0x0  }
0x19: {  	s7 =	sld [smem:$0x3F9B]  }
0x1a: {  	s8 =	sadd.s32 $0xFFFFE003, lr  }
0x1b: {  	s9 =	sadd.s32 $0xFFFFFEF7, lr;
	s5 =	simm.s32 $0xFFFFFFFF;
	p2 =	slt.u32 s8, $0xFFFFF086  }
0x1c: {  	p1 =	slt.u32 s9, $0xF7A;
	s5 =	simm.s32 @!p2 $0x0  }
0x1d: {  	s5 =	simm.s32 @p1 $0x1;
	p0 =	seq.s32 s7, s2  }
0x1e: {  	s7 =	smul.u32 @!p0 $0xF7A, s2;
	p2 =	seq.s32 @!p0 s5, $0x0  }
0x1f: {  	s9 =	smul.u32 $0xF7A, s1;
	s8 =	simm.s32 @!p0 $0x1BF5;
	p2 =	por !p2, p0  }
0x20: {  	[sflag:s8] =	ssyncset.s32 @!p0 $0xFFFFF086;
	s6 =	sadd.s32 @!p0 s3, s7;
	s7 =	simm.s32 @!p0 $0x108  }
0x21: {  	s3 =	sadd.s32 s3, s9;
	s6 =	sadd.s32 @!p0 $0x88, s6;
	s7 =	simm.s32 @p2 $0x1082  }
0x22: {  	[simem:s7], [sflag:s8] =	dma.local @!p0 [hbm:s6], $0xF7A  }
0x23: {  	s9 =	sor.u32 $0xD0000000, s2;
	s6 =	simm.s32 $0x108;
	_ =	swait.ge @!p0 [sflag:s8], $0x0  }
0x24: {  	s3 =	sadd.s32 $0x88, s3;
	s6 =	simm.s32 @!p1 $0x1082;
	[sflag:s4] =	ssyncset.s32 $0xFFFFF086  }
0x25: {  	[simem:s6], [sflag:s4] =	dma.local [hbm:s3], $0xF7A  }
0x26: {  	[smem:$0x3F9B] =	sst s1;
	(tag) =	ssettag s2;
	_ =	strace s9  }
0x27: {  	s1 =	sld [smem:$0x3FAB]  }
0x28: {  	s2 =	sld [smem:$0x3FAC]  }
0x29: {  	s4 =	sld [smem:$0x3FAE]  }
0x2a: {  	p0 =	seq.s32 s5, $0x0;
	s5 =	sld [smem:$0x3FAF]  }
0x2b: {  	s6 =	sld [smem:$0x3FB0]  }
0x2c: {  	s7 =	sld [smem:$0x3FB1]  }
0x2d: {  	s3 =	simm.s32 $0x108;
	s8 =	sld [smem:$0x3FB2]  }
0x2e: {  	s3 =	simm.s32 @!p0 $0x1082;
	s9 =	sld [smem:$0x3FB3]  }
0x2f: {  	lr =	sadd.s32 s0, s3;
	s0 =	sld [smem:$0x3FAA]  }
0x30: {  	s3 =	sld [smem:$0x3FAD]  }
0x31: {  	[smem:$0x3FB6] =	sst s10  }
0x32: {  	s10 =	sld [smem:$0x3FB4];
	_ =	sdelay $0x3  }
0x33: {  	p0 =	seq.s32 s10, $0x1;
	s10 =	sld [smem:$0x3FB6];
	_ =	sdelay $0x3  }
0x34: {  	[smem:$0x3FB6] =	sst s10  }
0x35: {  	s10 =	sld [smem:$0x3FB5];
	_ =	sdelay $0x3  }
0x36: {  	p1 =	seq.s32 s10, $0x1;
	s10 =	sld [smem:$0x3FB6];
	_ =	sdelay $0x3  }
0x37: {  	[smem:$0x3FB6] =	sst s10  }
0x38: {  	s10 =	sld [smem:$0x3FB7]  }
0x39: {  	_ = 	snop;
	(pc) =	sbr.ind lr, $3  }
0x3a: {  	_ = 	snop  }
0x3b: {  	_ = 	snop  }
0x3c: {  	p2 =	seq.s32 s10, $0x1;
	s10 =	sld [smem:$0x3FB6]  }
0x3d: {  	_ =	shalt  }
0x3e: {  	_ =	shalt  }
0x3f: {  	_ =	shalt  }
0x40: {  	_ =	shalt  }
0x41: {  	_ =	shalt  }
0x42: {  	_ =	shalt  }
0x43: {  	_ =	shalt  }
0x44: {  	_ =	shalt  }
0x45: {  	_ =	shalt  }
0x46: {  	_ =	shalt  }
0x47: {  	_ =	shalt  }
0x48: {  	_ =	shalt  }
0x49: {  	_ =	shalt  }
0x4a: {  	_ =	shalt  }
0x4b: {  	_ =	shalt  }
0x4c: {  	_ =	shalt  }
0x4d: {  	_ =	shalt  }
0x4e: {  	_ =	shalt  }
0x4f: {  	_ =	shalt  }
0x50: {  	_ =	shalt  }
0x51: {  	_ =	shalt  }
0x52: {  	_ =	shalt  }
0x53: {  	_ =	shalt  }
0x54: {  	_ =	shalt  }
0x55: {  	_ =	shalt  }
0x56: {  	_ =	shalt  }
0x57: {  	_ =	shalt  }
0x58: {  	_ =	shalt  }
0x59: {  	_ =	shalt  }
0x5a: {  	_ =	shalt  }
0x5b: {  	_ =	shalt  }
0x5c: {  	_ =	shalt  }
0x5d: {  	_ =	shalt  }
0x5e: {  	_ =	shalt  }
0x5f: {  	_ =	shalt  }
0x60: {  	_ =	shalt  }
0x61: {  	_ =	shalt  }
0x62: {  	_ =	shalt  }
0x63: {  	_ =	shalt  }
0x64: {  	_ =	shalt  }
0x65: {  	_ =	shalt  }
0x66: {  	_ =	shalt  }
0x67: {  	_ =	shalt  }
0x68: {  	_ =	shalt  }
0x69: {  	_ =	shalt  }
0x6a: {  	_ =	shalt  }
0x6b: {  	_ =	shalt  }
0x6c: {  	_ =	shalt  }
0x6d: {  	_ =	shalt  }
0x6e: {  	_ =	shalt  }
0x6f: {  	_ =	shalt  }
0x70: {  	_ =	shalt  }
0x71: {  	_ =	shalt  }
0x72: {  	_ =	shalt  }
0x73: {  	_ =	shalt  }
0x74: {  	_ =	shalt  }
0x75: {  	_ =	shalt  }
0x76: {  	_ =	shalt  }
0x77: {  	_ =	shalt  }
0x78: {  	_ =	shalt  }
0x79: {  	_ =	shalt  }
0x7a: {  	_ =	shalt  }
0x7b: {  	_ =	shalt  }
0x7c: {  	_ =	shalt  }
0x7d: {  	_ =	shalt  }
0x7e: {  	_ =	shalt  }
0x7f: {  	_ =	shalt  }
0x80: {  	_ =	shalt  }
0x81: {  	_ =	shalt  }
0x82: {  	_ =	shalt  }
0x83: {  	_ =	shalt  }
0x84: {  	_ =	shalt  }
0x85: {  	_ =	shalt  }
0x86: {  	_ =	shalt  }
0x87: {  	_ =	shalt  }
.Lfunc_end0:
.L_simem_size_0:
called_computation.1_lowered:
.L_overlay_start_0:
0x88: {  	s2 =	sld [smem:$0x3FD9]  }
0x89: {  	s3 =	sld [smem:$0x3FFE];
	_ =	sdelay $0x1  }
0x8a: {  	s1 =	srdreg.scid  }
0x8b: {  	s0 =	sand.u32 $0x1, s1  }
0x8c: {  	s16 =	sshll.u32 s0, $0xA;
	s2 =	sadd.s32 s3, s2  }
0x8d: {  	s2 =	sadd.s32 s2, s16  }
0x8e: {  	[smem:$0x3FC2] =	sst s2  }
0x8f: {  	_ = 	snop  }
0x90: {  	(tm) =	ssettm $0x1  }
0x91: {  	s17 =	sld [smem:$0x3FFB];
	_ =	sdelay $0x3  }
0x92: {  	_ =	strace s17  }
0x93: {  	s2 =	sld [smem:$0x3FFC];
	_ =	sdelay $0x3  }
0x94: {  	_ =	strace s2  }
0x95: {  	s2 =	sld [smem:$0x3FFD];
	_ =	sdelay $0x3  }
0x96: {  	_ =	strace s2  }
0x97: {  	_ =	strace $0x8FFFFFFF  }
0x98: {  	s18 =	sld [smem:$0x3FDB];
	_ =	sdelay $0x1  }
0x99: {  	s19 =	simm.s32 $_scs_section_size  }
0x9a: {  	s4 =	simm.s32 $_size__tile_overlayer_lowered;
	s5 =	simm.s32 $_tile_overlayer_lowered  }
0x9b: {  	s22 =	simm.s32 $0x1BFF;
	s21 =	sshll.u32 s5, $0x1;
	s2 =	sadd.s32 s19, s18  }
0x9c: {  	s6 =	simm.s32 $0x0;
	s20 =	sshll.u32 s4, $0x1;
	s4 =	sadd.s32 s21, s2  }
0x9d: {  	[timem:s6], [sflag:s22] =	dma.local [hbm:s4], s20  }
0x9e: {  	_ =	swait.ge [sflag:s22], s20  }
0x9f: {  	s3 =	ssub.s32 $0x0, s20;
	[sflag:s22] =	ssyncset.done $0x0  }
0xa0: {  	[sflag:s22] =	ssyncadd.s32 s3;
	_ =	sdelay $0x1  }
0xa1: {  	s23 =	simm.s32 $0x1B8B  }
0xa2: {  	_ =	swait.ge [sflag:s23], $0x1  }
0xa3: {  	[sflag:s23] =	ssyncset.done $0x0  }
0xa4: {  	s25 =	simm.s32 $0x1B8E;
	s24 =	sld [smem:$0x3FFE];
	[sflag:s23] =	ssyncadd.s32 $0xFFFFFFFF  }
0xa5: {  	s26 =	simm.s32 $execute0_lowered;
	[smem:$0x3FD2] =	sst s25  }
0xa6: {  	s4 =	sshll.u32 s26, $0x1;
	_ =	strace $0x80000049;
	[dreg:$0x1] =	wrdreg $0xFFFFFFFF  }
0xa7: {  	s28 =	simm.s32 $_size_execute0_lowered;
	s2 =	sadd.s32 s2, s4;
	[dreg:$0x0] =	wrdreg $0x0  }
0xa8: {  	s4 =	sshll.u32 s28, $0x1;
	[dreg:$0x2] =	wrdreg s2  }
0xa9: {  	[dreg:$0x3] =	wrdreg s4  }
0xaa: {  	[dreg:$0x4] =	wrdreg $0xC0  }
0xab: {  	_ =	task [dreg:s6], $0x5FFFF  }
0xac: {  	[dreg:$0x1] =	wrdreg $0xFFFFFFFF  }
0xad: {  	[dreg:$0x0] =	wrdreg $0x60  }
0xae: {  	[dreg:$0x2] =	wrdreg s24  }
0xaf: {  	[dreg:$0x3] =	wrdreg $0x90000  }
0xb0: {  	[dreg:$0x4] =	wrdreg $0x9  }
0xb1: {  	_ =	task.clear_ibuf [dreg:s6], $0x5FFFF;
	_ =	strace $0x90000049  }
0xb2: {  	s29 =	simm.s32 $0x9;
	_ =	strace $0x8000004B  }
0xb3: {  	_ =	swait.ge [sflag:s29], $0x1  }
0xb4: {  	[sflag:s29] =	ssyncadd.s32 $0xFFFFFFFF  }
0xb5: {  	_ =	strace $0x9000004B  }
0xb6: {  	_ =	sfence  }
0xb7: {  	s30 =	sld [smem:$0x0];
	_ =	sdelay $0x2  }
0xb8: {  	s31 =	sshll.u32 s1, $0xD;
	s1 =	sshrl.u32 s1, $0x2  }
0xb9: {  	s3 =	sand.u32 $0x4000, s31;
	s1 =	sadd.s32 s1, s30  }
0xba: {  	s0 =	sor.u32 s3, s0;
	s1 =	sshll.u32 s1, $0x11  }
0xbb: {  	s0 =	sor.u32 s1, s0  }
0xbc: {  	s0 =	sadd.s32 $0x8F2B, s0  }
0xbd: {  	[sflag:s0] =	ssyncadd.remote.s32 $0x1  }
0xbe: {  	_ =	sfence.sel $0xFFFF  }
0xbf: {  	[dreg:$0x0] =	wrdreg $0xFFFFFFFF;
	(pc) =	sbr.abs _section_cstart, $3  }
0xc0: {  	[dreg:$0x1] =	wrdreg $0xFFFFFFFF  }
0xc1: {  	_ =	task.clear_ibuf [dreg:s6], $0x2FFFF;
	_ =	strace $0x9FFFFFFF  }
0xc2: {  	(tm) =	ssettm $0x7FFFFFFF  }
0xc3: {  	_ =	shalt  }
tec
execute0_lowered:
.L_overlay_start_1:
0x0: {  	(tag) =	ssettag $0x1  }
0x1: {  	s0 =	rddreg [dreg:$0x0]  }
0x2: {  	s1 =	rddreg [dreg:$0x1]  }
0x3: {  	s2 =	srdreg.scid;
	s3 =	simm.s32 $0x0;
	s12 =	stileid.u32  }
0x4: {  	s28 =	simm.s32 $0x50;
	s29 =	simm.s32 $0x4;
	s30 =	simm.s32 $0x5  }
0x5: {  	s31 =	simm.s32 $0x0;
	s2 =	sand.u32 $0x1, s2;
	s10 =	smul.u32 $0x4E000, s12  }
0x6: {  	[smem:$0x7FF] =	sst s3;
	s7 =	sadd.s32 $0x1800, s0;
	s21 =	smul.u32 $0x13800, s12  }
0x7: {  	s6 =	sadd.s32 $0x1A800, s0;
	s25 =	smul.u32 $0x6400, s12;
	p0 =	sne.s32 s12, $0xF  }
0x8: {  	s4 =	sshll.u32 s2, $0x4;
	_ =	strace $0x8000004A;
	s18 =	smul.u32 $0x138800, s2  }
0x9: {  	s8 =	ssub.s32 $0x2, s2;
	s2 =	smul.u32 $0x64000, s2;
	s5 =	sor.u32 s12, s4  }
0xa: {  	s4 =	sadd.s32 $0x33800, s0;
	s0 =	sadd.s32 $0x5AA00, s0;
	s9 =	sshrl.u32 s8, $0x1  }
0xb: {  	s17 =	sshrl.u32 s10, $0x2;
	s5 =	smul.u32 $0x6400, s5;
	s10 =	sadd.s32 s21, s18  }
0xc: {  	s8 =	ssub.s32 s8, s9;
	s2 =	sadd.s32 s25, s2;
	s10 =	sshrl.u32 s10, $0x3  }
0xd: {  	s25 =	simm.s32 $0x3;
	s5 =	sshrl.u32 s5, $0x3;
	s10 =	sadd.s32 s0, s10  }
0xe: {  	s2 =	sadd.s32 $0x800, s2;
	s14 =	sadd.s32 s7, s5;
	[dreg:$0xe] =	wrdreg s10  }
0xf: {  	s15 =	sadd.s32 $0x80, s5;
	s5 =	sadd.s32 s6, s5;
	[dreg:$0x3] =	wrdreg s14  }
0x10: {  	s26 =	sshrl.u32 s2, $0x3;
	[dreg:$0x4] =	wrdreg s5;
	s9 =	sadd.s32 s6, s15  }
0x11: {  	s16 =	sadd.s32 s7, s15;
	[dreg:$0x6] =	wrdreg s9;
	s9 =	sadd.s32 s17, s1  }
0x12: {  	s5 =	sshrl.u32 s18, $0x3;
	[dreg:$0x5] =	wrdreg s16;
	s19 =	sadd.s32 $0x2800, s9  }
0x13: {  	s6 =	sadd.s32 s26, s6;
	s20 =	sadd.s32 $0x5000, s9;
	[dreg:$0x7] =	wrdreg s19  }
0x14: {  	s17 =	sadd.s32 $0x138000, s1;
	s11 =	sadd.s32 $0x7800, s9;
	[dreg:$0x8] =	wrdreg s20  }
0x15: {  	s0 =	sadd.s32 s0, s5;
	s22 =	sadd.s32 $0xA000, s9;
	[dreg:$0x9] =	wrdreg s11  }
.Ltmp0:
0x16: {  	s23 =	sadd.s32 $0xC800, s9;
	[dreg:$0xa] =	wrdreg s22;
	(pc) =	sbr.rel .LBB2_1-.Ltmp0, $4  }
0x17: {  	s5 =	sadd.s32 s26, s7;
	s24 =	sadd.s32 $0xF000, s9;
	[dreg:$0xb] =	wrdreg s23  }
0x18: {  	s26 =	simm.s32 $0x2;
	s13 =	sadd.s32 $0x11800, s9;
	[dreg:$0xc] =	wrdreg s24  }
0x19: {  	[dreg:$0xd] =	wrdreg s13;
	s19 =	sadd.s32 $0x27000, s0;
	s20 =	smax.u32 s8, $0x1  }
0x1a: {  	v0 =	vimm.f32 $0.0e+00;
	s0 =	simm.s32 $0x6800;
	s23 =	simm.s32 $0x6;
	s24 =	simm.s32 $0x1  }
.LBB2_8:
0x1b: {  	_ =	swait.ge [sflag:s24], $0x2800  }
0x1c: {  	[sflag:s24] =	ssyncset.done $0x0  }
0x1d: {  	s2 =	sadd.s32 $0xE00, s10;
	[sflag:s24] =	ssyncadd.s32 $0xFFFFD800  }
0x1e: {  	[spmem:s1] =	stream.indirect.scatter.add.f32 [tilespmem:s12], [sflag:s11], $0x80, s2, s28, $0xb8;
	[tilespmem:$0x1C880] =	vst v63  }
.LBB2_6:
0x1f: {  	_ =	swait.ge [sflag:s25], $0x2800  }
0x20: {  	[sflag:s25] =	ssyncset.done $0x0  }
0x21: {  	[sflag:s25] =	ssyncadd.s32 $0xFFFFD800  }
0x22: {  	_ =	swait.ge [sflag:s29], $0x2800  }
0x23: {  	[sflag:s29] =	ssyncset.done $0x0  }
0x24: {  	[sflag:s29] =	ssyncadd.s32 $0xFFFFD800  }
0x25: {  	_ =	swait.ge [sflag:s30], $0x2800  }
0x26: {  	[sflag:s30] =	ssyncset.done $0x0  }
0x27: {  	s2 =	stileid.u32;
	[sflag:s30] =	ssyncadd.s32 $0xFFFFD800  }
0x28: {  	s2 =	sshll.u32 s2, $0x6;
	[bflag:$0x0] =	sbarrier.arrive $0xFFFF  }
0x29: {  	s7 =	sshrl.u32 s9, $0x3;
	s2 =	sor.u32 $0x1C06, s2;
	s8 =	rddreg [dreg:$0xe]  }
0x2a: {  	[hbm:s8], [sflag:s2] =	dma.local [spmem:s7], $0x2700  }
0x2b: {  	_ =	swait.ge [sflag:s23], $0x2700  }
0x2c: {  	s31 =	sadd.s32 $0x1, s31;
	[sflag:s23] =	ssyncset.done $0x0  }
0x2d: {  	p1 =	sne.s32 s31, s20;
	s7 =	sshrl.u32 @!p0 s17, $0x3;
	[sflag:s23] =	ssyncadd.s32 $0xFFFFD900  }
0x2e: {  	[hbm:s19], [sflag:s2] =	dma.local @!p0 [spmem:s7], $0x100  }
.Ltmp1:
0x2f: {  	_ = 	snop;
	(pc) =	sbr.rel @!p1 .LBB2_7-.Ltmp1, $4  }
0x30: {  	s2 =	simm.s32 @!p0 $0x6  }
0x31: {  	_ =	swait.ge @!p0 [sflag:s2], $0x100  }
0x32: {  	[sflag:s2] =	ssyncset.done @!p0 $0x0  }
0x33: {  	[sflag:s2] =	ssyncadd.s32 @!p0 $0xFFFFFF00  }
.LBB2_1:
0x34: {  	s2 =	rddreg [dreg:$0x3]  }
0x35: {  	s15 =	rddreg [dreg:$0x4]  }
0x36: {  	[tilespmem:s3], [sflag:$0x2] =	stream.linear.gather [hbm4b:s2+s3], $0x280, $0x38;
	[tilespmem:$0x1C880] =	vst v63  }
0x37: {  	s7 =	simm.s32 $0xC00;
	s16 =	rddreg [dreg:$0x5]  }
0x38: {  	[tilespmem:s7], [sflag:$0x2] =	stream.linear.gather [hbm4b:s15+s3], $0x280, $0x38;
	[tilespmem:$0x1C880] =	vst v63  }
0x39: {  	s18 =	simm.s32 $0x400;
	s21 =	rddreg [dreg:$0x6]  }
0x3a: {  	[tilespmem:s18], [sflag:$0x2] =	stream.linear.gather [hbm4b:s16+s3], $0x280, $0x38;
	[tilespmem:$0x1C880] =	vst v63  }
0x3b: {  	s22 =	simm.s32 $0x1000;
	s2 =	simm.s32 $0x0;
	s7 =	simm.s32 $0x200  }
0x3c: {  	[tilespmem:s22], [sflag:$0x2] =	stream.linear.gather [hbm4b:s21+s3], $0x280, $0x38;
	[tilespmem:$0x1C880] =	vst v63  }
.LBB2_2:
0x3d: {  	p1 =	sne.s32 s7, $0x9E00;
	[tilespmem:s2+$0x6870] =	vst v0  }
0x3e: {  	[tilespmem:s2+$0x6800] =	vst v0  }
0x3f: {  	[tilespmem:s2+$0x6810] =	vst v0  }
.Ltmp2:
0x40: {  	[tilespmem:s2+$0x6820] =	vst v0;
	(pc) =	sbr.rel @p1 .LBB2_2-.Ltmp2, $4  }
0x41: {  	[tilespmem:s2+$0x6830] =	vst v0  }
0x42: {  	[tilespmem:s2+$0x6840] =	vst v0  }
0x43: {  	[tilespmem:s2+$0x6850] =	vst v0  }
0x44: {  	[tilespmem:s2+$0x6860] =	vst v0;
	s2 =	sshra.s32 s7, $0x2;
	s7 =	sadd.s32 $0x200, s7  }
0x45: {  	[tilespmem:s2+$0x6870] =	vst v0  }
0x46: {  	[tilespmem:s2+$0x6800] =	vst v0  }
0x47: {  	[tilespmem:s2+$0x6810] =	vst v0  }
0x48: {  	[tilespmem:s2+$0x6820] =	vst v0  }
0x49: {  	[tilespmem:s2+$0x6830] =	vst v0  }
0x4a: {  	[tilespmem:s2+$0x6840] =	vst v0  }
0x4b: {  	[tilespmem:s2+$0x6850] =	vst v0  }
0x4c: {  	[tilespmem:s2+$0x6860] =	vst v0  }
0x4d: {  	_ =	swait.ge [sflag:s26], $0x280  }
0x4e: {  	[sflag:s26] =	ssyncset.done $0x0  }
0x4f: {  	[sflag:s26] =	ssyncadd.s32 $0xFFFFFD80  }
0x50: {  	_ =	swait.ge [sflag:s26], $0x280  }
0x51: {  	[sflag:s26] =	ssyncset.done $0x0  }
0x52: {  	s11 =	simm.s32 $0x1800;
	[sflag:s26] =	ssyncadd.s32 $0xFFFFFD80  }
0x53: {  	[tilespmem:s11], [sflag:$0x1] =	stream.indirect.gather [hbm4b:s4+s28], $0x80, s3, s28, $0xb8;
	[tilespmem:$0x1C880] =	vst v63  }
0x54: {  	s12 =	simm.s32 $0x80;
	s7 =	simm.s32 $0x4000  }
0x55: {  	[tilespmem:s7], [sflag:$0x1] =	stream.indirect.gather [hbm4b:s4+s28], $0x80, s12, s28, $0xb8;
	[tilespmem:$0x1C880] =	vst v63  }
0x56: {  	_ = 	snop  }
0x57: {  	[spmem:s9] =	stream.linear.scatter [tilespmem:s0], [sflag:$0x6], $0x2800, $0x38;
	[tilespmem:$0x1C880] =	vst v63  }
0x58: {  	_ =	swait.ge [sflag:s23], $0x2800  }
0x59: {  	[sflag:s23] =	ssyncset.done $0x0  }
0x5a: {  	s13 =	rddreg [dreg:$0x7];
	[sflag:s23] =	ssyncadd.s32 $0xFFFFD800  }
0x5b: {  	[spmem:s13] =	stream.linear.scatter [tilespmem:s0], [sflag:$0x6], $0x2800, $0x38;
	[tilespmem:$0x1C880] =	vst v63  }
0x5c: {  	_ =	swait.ge [sflag:s23], $0x2800  }
0x5d: {  	[sflag:s23] =	ssyncset.done $0x0  }
0x5e: {  	s14 =	rddreg [dreg:$0x8];
	[sflag:s23] =	ssyncadd.s32 $0xFFFFD800  }
0x5f: {  	[spmem:s14] =	stream.linear.scatter [tilespmem:s0], [sflag:$0x6], $0x2800, $0x38;
	[tilespmem:$0x1C880] =	vst v63  }
0x60: {  	_ =	swait.ge [sflag:s23], $0x2800  }
0x61: {  	[sflag:s23] =	ssyncset.done $0x0  }
0x62: {  	s15 =	rddreg [dreg:$0x9];
	[sflag:s23] =	ssyncadd.s32 $0xFFFFD800  }
0x63: {  	[spmem:s15] =	stream.linear.scatter [tilespmem:s0], [sflag:$0x6], $0x2800, $0x38;
	[tilespmem:$0x1C880] =	vst v63  }
0x64: {  	_ =	swait.ge [sflag:s23], $0x2800  }
0x65: {  	[sflag:s23] =	ssyncset.done $0x0  }
0x66: {  	s16 =	rddreg [dreg:$0xa];
	[sflag:s23] =	ssyncadd.s32 $0xFFFFD800  }
0x67: {  	[spmem:s16] =	stream.linear.scatter [tilespmem:s0], [sflag:$0x6], $0x2800, $0x38;
	[tilespmem:$0x1C880] =	vst v63  }
0x68: {  	_ =	swait.ge [sflag:s23], $0x2800  }
0x69: {  	[sflag:s23] =	ssyncset.done $0x0  }
0x6a: {  	s18 =	rddreg [dreg:$0xb];
	[sflag:s23] =	ssyncadd.s32 $0xFFFFD800  }
0x6b: {  	[spmem:s18] =	stream.linear.scatter [tilespmem:s0], [sflag:$0x6], $0x2800, $0x38;
	[tilespmem:$0x1C880] =	vst v63  }
0x6c: {  	_ =	swait.ge [sflag:s23], $0x2800  }
0x6d: {  	[sflag:s23] =	ssyncset.done $0x0  }
0x6e: {  	s21 =	rddreg [dreg:$0xc];
	[sflag:s23] =	ssyncadd.s32 $0xFFFFD800  }
0x6f: {  	[spmem:s21] =	stream.linear.scatter [tilespmem:s0], [sflag:$0x6], $0x2800, $0x38;
	[tilespmem:$0x1C880] =	vst v63  }
0x70: {  	_ =	swait.ge [sflag:s23], $0x2800  }
0x71: {  	[sflag:s23] =	ssyncset.done $0x0  }
0x72: {  	s22 =	rddreg [dreg:$0xd];
	[sflag:s23] =	ssyncadd.s32 $0xFFFFD800  }
0x73: {  	[spmem:s22] =	stream.linear.scatter [tilespmem:s0], [sflag:$0x6], $0x2000, $0x38;
	[tilespmem:$0x1C880] =	vst v63  }
0x74: {  	_ =	swait.ge [sflag:s23], $0x2000  }
0x75: {  	[sflag:s23] =	ssyncset.done $0x0  }
0x76: {  	s2 =	simm.s32 @!p0 $0x6800;
	[sflag:s23] =	ssyncadd.s32 $0xFFFFE000  }
0x77: {  	[spmem:s17] =	stream.linear.scatter @!p0 [tilespmem:s2], [sflag:$0x6], $0x800, $0x38;
	[tilespmem:$0x1C880] =	vst v63  }
0x78: {  	s2 =	simm.s32 @!p0 $0x6  }
0x79: {  	_ =	swait.ge @!p0 [sflag:s2], $0x800  }
0x7a: {  	[sflag:s2] =	ssyncset.done @!p0 $0x0  }
0x7b: {  	s21 =	smov.u32 s6;
	[sflag:s2] =	ssyncadd.s32 @!p0 $0xFFFFF800  }
0x7c: {  	s22 =	smov.u32 s5;
	s2 =	simm.s32 $0x2;
	[bflag:$0x0] =	sbarrier.arrive $0xFFFF  }
.LBB2_4:
0x7d: {  	s7 =	sadd.s32 $0xFFFFFFFE, s2  }
0x7e: {  	s8 =	smul.u32 $0x5, s7;
	_ =	sdelay $0x1  }
0x7f: {  	s10 =	sand.u32 $0xFF, s8  }
0x80: {  	s10 =	smul.u32 $0xAB, s10  }
0x81: {  	s11 =	sand.u32 $0xFF, s7  }
0x82: {  	s11 =	smul.u32 $0xAB, s11;
	s10 =	sshrl.u32 s10, $0x9  }
0x83: {  	s10 =	smul.u32 $0x3, s10;
	_ =	sdelay $0x1  }
0x84: {  	s11 =	sshrl.u32 s11, $0x9;
	s10 =	ssub.s32 s8, s10  }
0x85: {  	s13 =	sadd.s32 $0x2, s8;
	s11 =	smul.u32 $0x3, s11;
	s12 =	sand.u32 $0xFF, s10  }
0x86: {  	_ =	swait.ge [sflag:s24], $0x2800;
	s14 =	sand.u32 $0xFF, s13;
	s10 =	smul.u32 $0xA000, s12  }
0x87: {  	[sflag:s24] =	ssyncset.done $0x0;
	s14 =	smul.u32 $0xAB, s14;
	s11 =	ssub.s32 s7, s11  }
0x88: {  	[sflag:s24] =	ssyncadd.s32 $0xFFFFD800;
	s11 =	sand.u32 $0xFF, s11;
	s10 =	sshrl.u32 s10, $0x2  }
0x89: {  	s16 =	sshrl.u32 s14, $0x9;
	s15 =	sadd.s32 $0x1800, s10;
	s10 =	sshll.u32 s11, $0xA  }
0x8a: {  	s12 =	sadd.s32 $0x3, s12;
	s11 =	smul.u32 $0x3, s16;
	s18 =	sadd.s32 $0xC00, s10  }
0x8b: {  	[spmem:s1] =	stream.indirect.scatter.add.f32 [tilespmem:s15], [sflag:s12], $0x80, s18, s28, $0xb8;
	[tilespmem:$0x1C880] =	vst v63  }
0x8c: {  	s11 =	ssub.s32 s13, s11  }
0x8d: {  	p1 =	seq.s32 s2, $0x2;
	s12 =	sadd.s32 $0x1, s8;
	s11 =	sand.u32 $0xFF, s11  }
0x8e: {  	s18 =	sand.u32 $0xFF, s12;
	s13 =	sadd.s32 @!p1 $0x3, s11;
	s16 =	smul.u32 $0xA000, s11  }
0x8f: {  	s15 =	smul.u32 $0xAB, s18;
	_ =	swait.ge @!p1 [sflag:s13], $0x2800  }
0x90: {  	[sflag:s13] =	ssyncset.done @!p1 $0x0  }
0x91: {  	s14 =	sshrl.u32 s16, $0x2;
	s15 =	sshrl.u32 s15, $0x9;
	s16 =	sadd.s32 $0x100, s10  }
0x92: {  	[sflag:s13] =	ssyncadd.s32 @!p1 $0xFFFFD800;
	s13 =	sadd.s32 $0x1800, s14;
	s14 =	smul.u32 $0x3, s15  }
0x93: {  	[tilespmem:s13], [sflag:$0x1] =	stream.indirect.gather [hbm4b:s4+s28], $0x80, s16, s28, $0xb8;
	[tilespmem:$0x1C880] =	vst v63  }
0x94: {  	s12 =	ssub.s32 s12, s14  }
0x95: {  	s14 =	sadd.s32 $0x3, s8;
	s12 =	sand.u32 $0xFF, s12  }
0x96: {  	_ =	swait.ge [sflag:s24], $0x2800;
	s16 =	sand.u32 $0xFF, s14;
	s18 =	smul.u32 $0xA000, s12  }
0x97: {  	[sflag:s24] =	ssyncset.done $0x0;
	s16 =	smul.u32 $0xAB, s16  }
0x98: {  	[sflag:s24] =	ssyncadd.s32 $0xFFFFD800  }
0x99: {  	s12 =	sadd.s32 $0x3, s12;
	s15 =	sshrl.u32 s18, $0x2;
	s16 =	sshrl.u32 s16, $0x9  }
0x9a: {  	s18 =	sadd.s32 $0xC80, s10;
	s15 =	sadd.s32 $0x1800, s15;
	s16 =	smul.u32 $0x3, s16  }
0x9b: {  	[spmem:s1] =	stream.indirect.scatter.add.f32 [tilespmem:s15], [sflag:s12], $0x80, s18, s28, $0xb8;
	[tilespmem:$0x1C880] =	vst v63  }
0x9c: {  	s15 =	ssub.s32 s14, s16  }
0x9d: {  	s12 =	sand.u32 $0xFF, s15  }
0x9e: {  	s14 =	sadd.s32 $0x3, s12;
	s12 =	smul.u32 $0xA000, s12  }
0x9f: {  	_ =	swait.ge [sflag:s14], $0x2800  }
0xa0: {  	s16 =	sadd.s32 $0x180, s10;
	[sflag:s14] =	ssyncset.done $0x0;
	s12 =	sshrl.u32 s12, $0x2  }
0xa1: {  	[sflag:s14] =	ssyncadd.s32 $0xFFFFD800;
	s15 =	sadd.s32 $0x1800, s12;
	s12 =	sadd.s32 $0x4, s8  }
0xa2: {  	[tilespmem:s15], [sflag:$0x1] =	stream.indirect.gather [hbm4b:s4+s28], $0x80, s16, s28, $0xb8;
	[tilespmem:$0x1C880] =	vst v63  }
0xa3: {  	s18 =	sand.u32 $0xFF, s12  }
0xa4: {  	s16 =	smul.u32 $0xAB, s18  }
0xa5: {  	_ =	swait.ge [sflag:s24], $0x2800  }
0xa6: {  	s11 =	sadd.s32 $0x3, s11;
	[sflag:s24] =	ssyncset.done $0x0;
	s16 =	sshrl.u32 s16, $0x9  }
0xa7: {  	s18 =	sadd.s32 $0xD00, s10;
	[sflag:s24] =	ssyncadd.s32 $0xFFFFD800;
	s16 =	smul.u32 $0x3, s16  }
0xa8: {  	[spmem:s1] =	stream.indirect.scatter.add.f32 [tilespmem:s13], [sflag:s11], $0x80, s18, s28, $0xb8;
	[tilespmem:$0x1C880] =	vst v63  }
0xa9: {  	s13 =	ssub.s32 s12, s16  }
0xaa: {  	s12 =	sand.u32 $0xFF, s13  }
0xab: {  	s11 =	sadd.s32 $0x3, s12;
	s12 =	smul.u32 $0xA000, s12  }
0xac: {  	_ =	swait.ge [sflag:s11], $0x2800  }
0xad: {  	p1 =	seq.s32 s2, $0x1A;
	[sflag:s11] =	ssyncset.done $0x0;
	s12 =	sshrl.u32 s12, $0x2  }
0xae: {  	s16 =	sadd.s32 $0x200, s10;
	[sflag:s11] =	ssyncadd.s32 $0xFFFFD800;
	s12 =	sadd.s32 $0x1800, s12  }
0xaf: {  	[tilespmem:s12], [sflag:$0x1] =	stream.indirect.gather [hbm4b:s4+s28], $0x80, s16, s28, $0xb8;
	[tilespmem:$0x1C880] =	vst v63  }
.Ltmp3:
0xb0: {  	_ = 	snop;
	(pc) =	sbr.rel @p1 .LBB2_8-.Ltmp3, $4  }
0xb1: {  	_ =	swait.ge [sflag:s24], $0x2800  }
0xb2: {  	[sflag:s24] =	ssyncset.done $0x0  }
0xb3: {  	s18 =	sadd.s32 $0xD80, s10;
	[sflag:s24] =	ssyncadd.s32 $0xFFFFD800  }
0xb4: {  	[spmem:s1] =	stream.indirect.scatter.add.f32 [tilespmem:s15], [sflag:s14], $0x80, s18, s28, $0xb8;
	[tilespmem:$0x1C880] =	vst v63  }
0xb5: {  	s13 =	sadd.s32 $0x5, s8  }
0xb6: {  	s14 =	sand.u32 $0xFF, s13  }
0xb7: {  	s15 =	sadd.s32 $0xFFFFFFFF, s2;
	s14 =	smul.u32 $0xAB, s14  }
0xb8: {  	_ =	swait.ge [sflag:s26], $0x280;
	s16 =	smul.u32 $0xAB, s15  }
0xb9: {  	[sflag:s26] =	ssyncset.done $0x0;
	s14 =	sshrl.u32 s14, $0x9  }
0xba: {  	[sflag:s26] =	ssyncadd.s32 $0xFFFFFD80;
	s16 =	sshrl.u32 s16, $0x9;
	s14 =	smul.u32 $0x3, s14  }
0xbb: {  	_ =	swait.ge [sflag:s26], $0x280;
	s16 =	sand.u32 $0x7F, s16  }
0xbc: {  	[sflag:s26] =	ssyncset.done $0x0;
	s16 =	smul.u32 $0x3, s16;
	s13 =	ssub.s32 s13, s14  }
0xbd: {  	[sflag:s26] =	ssyncadd.s32 $0xFFFFFD80;
	s13 =	sand.u32 $0xFF, s13  }
0xbe: {  	s14 =	ssub.s32 s15, s16;
	s18 =	sadd.s32 $0x3, s13;
	s13 =	smul.u32 $0xA000, s13  }
0xbf: {  	s16 =	sadd.s32 $0x6, s8;
	s14 =	sand.u32 $0xFF, s14;
	_ =	swait.ge [sflag:s18], $0x2800  }
0xc0: {  	s14 =	sshll.u32 s14, $0xA;
	[sflag:s18] =	ssyncset.done $0x0;
	s13 =	sshrl.u32 s13, $0x2  }
0xc1: {  	[sflag:s18] =	ssyncadd.s32 $0xFFFFD800;
	s13 =	sadd.s32 $0x1800, s13;
	s18 =	sand.u32 $0xFF, s16  }
0xc2: {  	[tilespmem:s13], [sflag:$0x1] =	stream.indirect.gather [hbm4b:s4+s28], $0x80, s14, s28, $0xb8;
	[tilespmem:$0x1C880] =	vst v63  }
0xc3: {  	s13 =	smul.u32 $0xAB, s18  }
0xc4: {  	_ =	swait.ge [sflag:s24], $0x2800  }
0xc5: {  	[sflag:s24] =	ssyncset.done $0x0;
	s13 =	sshrl.u32 s13, $0x9  }
0xc6: {  	s10 =	sadd.s32 $0xE00, s10;
	[sflag:s24] =	ssyncadd.s32 $0xFFFFD800;
	s13 =	smul.u32 $0x3, s13  }
0xc7: {  	[spmem:s1] =	stream.indirect.scatter.add.f32 [tilespmem:s12], [sflag:s11], $0x80, s10, s28, $0xb8;
	[tilespmem:$0x1C880] =	vst v63  }
0xc8: {  	p1 =	sgt.u32 s7, $0x16;
	s8 =	ssub.s32 s16, s13  }
0xc9: {  	s10 =	smul.u32 @!p1 $0xAB, s2;
	s8 =	sand.u32 $0xFF, s8  }
0xca: {  	s15 =	sadd.s32 $0x3, s8;
	s8 =	smul.u32 $0xA000, s8  }
0xcb: {  	s18 =	sor.u32 $0x80, s14;
	s10 =	sshrl.u32 @!p1 s10, $0x9;
	_ =	swait.ge [sflag:s15], $0x2800  }
0xcc: {  	[sflag:s15] =	ssyncset.done $0x0;
	s16 =	sshrl.u32 s8, $0x2;
	s8 =	sand.u32 @!p1 $0x7F, s10  }
0xcd: {  	[sflag:s15] =	ssyncadd.s32 $0xFFFFD800;
	s7 =	sadd.s32 $0x1800, s16;
	s8 =	smul.u32 @!p1 $0x3, s8  }
0xce: {  	[tilespmem:s7], [sflag:$0x1] =	stream.indirect.gather [hbm4b:s4+s28], $0x80, s18, s28, $0xb8;
	[tilespmem:$0x1C880] =	vst v63  }
0xcf: {  	s7 =	ssub.s32 @!p1 s2, s8  }
0xd0: {  	s7 =	sand.u32 @!p1 $0xFF, s7  }
0xd1: {  	s8 =	simm.s32 @!p1 $0x0;
	s7 =	sshll.u32 @!p1 s7, $0xA  }
0xd2: {  	[tilespmem:s7], [sflag:$0x2] =	stream.linear.gather @!p1 [hbm4b:s22+s8], $0x280, $0x38;
	[tilespmem:$0x1C880] =	vst v63  }
0xd3: {  	s2 =	sadd.s32 $0x1, s2;
	s7 =	sadd.s32 @!p1 $0xC00, s7  }
0xd4: {  	[tilespmem:s7], [sflag:$0x2] =	stream.linear.gather @!p1 [hbm4b:s21+s8], $0x280, $0x38;
	[tilespmem:$0x1C880] =	vst v63  }
0xd5: {  	p1 =	sne.s32 s2, $0x1B  }
.Ltmp4:
0xd6: {  	_ = 	snop;
	(pc) =	sbr.rel @p1 .LBB2_4-.Ltmp4, $4  }
.Ltmp5:
0xd7: {  	_ = 	snop;
	(pc) =	sbr.rel @!p1 .LBB2_6-.Ltmp5, $4  }
0xd8: {  	_ = 	snop  }
0xd9: {  	_ = 	snop  }
0xda: {  	s22 =	sadd.s32 $0x80, s22;
	s21 =	sadd.s32 $0x80, s21  }
0xdb: {  	_ = 	snop  }
.LBB2_7:
0xdc: {  	_ =	sfence.sel $0x180000  }
0xdd: {  	[bflag:$0x0] =	sbarrier.arrive $0xFFFF  }
0xde: {  	_ =	strace $0x9000004A  }
0xdf: {  	s0 =	stileid.u32;
	[bflag:$0x2] =	sbarrier.arrive $0xFFFF  }
0xe0: {  	p0 =	sne.s32 s0, $0x0;
	s0 =	rddreg [dreg:$0x2]  }
0xe1: {  	s0 =	sadd.s32 @!p0 $0x100000, s0  }
0xe2: {  	[sflag:s0] =	ssyncadd.tile.s32 @!p0 $0x1;
	_ =	shalt  }
.Lfunc_end2:
_tile_overlayer_lowered:
.L_overlay_start_2:
0xe3: {  	(tag) =	ssettag $0x2  }
0xe4: {  	s0 =	rddreg [dreg:$0x0];
	s2 =	stileid.u32  }
0xe5: {  	s1 =	rddreg [dreg:$0x1];
	p0 =	sne.s32 s2, $0x0  }
0xe6: {  	s3 =	rddreg [dreg:$0x2];
	[bflag:$0x3] =	sbarrier.arrive $0xFFFF;
	s2 =	simm.s32 @!p0 $0x1C06  }
0xe7: {  	[timem:s3], [sflag:s2] =	dma.local @!p0 [hbm:s0], s1  }
0xe8: {  	s0 =	simm.s32 @!p0 $0x6  }
0xe9: {  	_ =	swait.ge @!p0 [sflag:s0], s1  }
0xea: {  	s1 =	ssub.s32 @!p0 $0x0, s1;
	[sflag:s0] =	ssyncset.done @!p0 $0x0  }
0xeb: {  	[sflag:s0] =	ssyncadd.s32 @!p0 s1  }
0xec: {  	[bflag:$0x3] =	sbarrier.arrive $0xFFFF  }
0xed: {  	_ =	shalt  }

</sc_bundles>
